<compile_context>
chip_gen: v7x
topology: tpu7x:2x2x1
jax: 0.10.2.dev20260603
libtpu: 0.0.44.dev20260713+nightly
codegen_flags: <defaults>
</compile_context>

<pallas_src>
import functools

import jax
import jax.numpy as jnp
from jax import lax
from jax.experimental import pallas as pl
from jax.experimental.pallas import tpu as pltpu
from jax.experimental.pallas import tpu_sc as plsc

N = 10000
D = 128
NG = 64
E = 320000

NPAD = 10112
ROWS_PER_TILE = 640
ACC_ROWS = 10240
CHUNK = 128
NC = 2
NS = 16
NW = NC * NS
CHUNKS_PER_W = 80
E_PAD = NW * CHUNKS_PER_W * CHUNK

def _zero_vmem_2d(ref, rows, cols):
    def body(r, _):
        for k in range(cols // 16):
            ref[r, pl.ds(k * 16, 16)] = jnp.zeros((16,), jnp.float32)
        return 0
    lax.fori_loop(0, rows, body, 0)


def _zero_vmem_1d(ref, n):
    def body(j, _):
        ref[pl.ds(j * 16, 16)] = jnp.zeros((16,), jnp.float32)
        return 0
    lax.fori_loop(0, n // 16, body, 0)


NCH = E // CHUNK
CPW_DEG = 80
TAIL_DEG = NCH - 31 * CPW_DEG


@functools.cache
def _make_sc_degree():
    return functools.partial(
        pl.kernel,
        out_type=jax.ShapeDtypeStruct((NC, ACC_ROWS), jnp.float32),
        mesh=plsc.VectorSubcoreMesh(core_axis_name="c", subcore_axis_name="s"),
        scratch_types=[
            pltpu.VMEM((CPW_DEG, CHUNK), jnp.int32),
            pltpu.VMEM((CHUNK,), jnp.float32),
            pltpu.VMEM((ROWS_PER_TILE,), jnp.float32),
            pltpu.VMEM_SHARED((ACC_ROWS,), jnp.float32),
            pltpu.SemaphoreType.DMA,
        ],
    )(_sc_degree_body)


def _sc_degree_body(ei_h, out_h, didx_all, ones_v, zbuf, acc, sem):
    c = lax.axis_index("c")
    s = lax.axis_index("s")
    wid = s * NC + c
    ntr = jnp.where(wid < NW - 1, CPW_DEG, TAIL_DEG)

    @pl.when(wid < NW - 1)
    def _():
        pltpu.sync_copy(ei_h.at[1, pl.ds(wid * CPW_DEG, CPW_DEG)], didx_all)

    @pl.when(wid == NW - 1)
    def _():
        pltpu.sync_copy(ei_h.at[1, pl.ds((NW - 1) * CPW_DEG, TAIL_DEG)],
                        didx_all.at[pl.ds(0, TAIL_DEG)])

    def setone(j, _):
        ones_v[pl.ds(j * 16, 16)] = jnp.ones((16,), jnp.float32)
        return 0
    lax.fori_loop(0, CHUNK // 16, setone, 0)
    _zero_vmem_1d(zbuf, ROWS_PER_TILE)
    pltpu.sync_copy(zbuf, acc.at[pl.ds(s * ROWS_PER_TILE, ROWS_PER_TILE)])
    plsc.subcore_barrier()

    W = 8

    def fire(j, _):
        pltpu.async_copy(ones_v, acc.at[didx_all.at[j]], sem, add=True)

        @pl.when(j >= W)
        def _():
            pltpu.make_async_copy(
                ones_v, acc.at[didx_all.at[j - W]], sem).wait()
        return 0
    lax.fori_loop(0, ntr, fire, 0)

    def drain(j, _):
        pltpu.make_async_copy(
            ones_v, acc.at[didx_all.at[ntr - W + j]], sem).wait()
        return 0
    lax.fori_loop(0, W, drain, 0)
    plsc.subcore_barrier()
    pltpu.sync_copy(acc.at[pl.ds(s * ROWS_PER_TILE, ROWS_PER_TILE)],
                    out_h.at[c, pl.ds(s * ROWS_PER_TILE, ROWS_PER_TILE)])


@functools.cache
def _make_sc_scatter():
    return functools.partial(
        pl.kernel,
        out_type=jax.ShapeDtypeStruct((NC, ACC_ROWS, D), jnp.float32),
        mesh=plsc.VectorSubcoreMesh(core_axis_name="c", subcore_axis_name="s"),
        scratch_types=[
            pltpu.VMEM((CHUNKS_PER_W // 2, CHUNK), jnp.int32),
            pltpu.VMEM((CHUNKS_PER_W // 2, CHUNK), jnp.int32),
            pltpu.VMEM((CHUNK, D), jnp.float32),
            pltpu.VMEM((CHUNK, D), jnp.float32),
            pltpu.VMEM_SHARED((ACC_ROWS, D), jnp.float32),
            pltpu.SemaphoreType.DMA,
            pltpu.SemaphoreType.DMA,
            pltpu.SemaphoreType.DMA,
            pltpu.SemaphoreType.DMA,
        ],
    )(_sc_scatter_body)


def _sc_scatter_body(table_h, idx_h, out_h, sidx, didx, rows0, rows1,
                     acc, g0, g1, s0, s1):
    c = lax.axis_index("c")
    s = lax.axis_index("s")
    wid = s * NC + c
    half = CHUNKS_PER_W // 2
    nt = half // 2
    HC = CHUNK // 2

    def gather2(j, rows, sem):
        pltpu.async_copy(
            table_h.at[sidx.at[j, pl.ds(0, HC)]], rows.at[pl.ds(0, HC)], sem)
        pltpu.async_copy(
            table_h.at[sidx.at[j, pl.ds(HC, HC)]], rows.at[pl.ds(HC, HC)],
            sem)

    def gwait2(j, rows, sem):
        pltpu.make_async_copy(
            table_h.at[sidx.at[j, pl.ds(0, HC)]], rows.at[pl.ds(0, HC)],
            sem).wait()
        pltpu.make_async_copy(
            table_h.at[sidx.at[j, pl.ds(HC, HC)]], rows.at[pl.ds(HC, HC)],
            sem).wait()

    pltpu.sync_copy(idx_h.at[0, wid, pl.ds(0, half)], sidx)
    pltpu.sync_copy(idx_h.at[1, wid, pl.ds(0, half)], didx)
    gather2(0, rows0, g0)
    _zero_vmem_2d(rows1, CHUNK, D)

    def zeroacc(k, _):
        pltpu.sync_copy(
            rows1, acc.at[pl.ds(s * ROWS_PER_TILE + k * CHUNK, CHUNK)])
        return 0
    lax.fori_loop(0, ROWS_PER_TILE // CHUNK, zeroacc, 0)
    plsc.subcore_barrier()

    for phase in range(2):
        if phase:
            pltpu.sync_copy(idx_h.at[0, wid, pl.ds(phase * half, half)], sidx)
            pltpu.sync_copy(idx_h.at[1, wid, pl.ds(phase * half, half)], didx)
            gather2(0, rows0, g0)

        def body(t, _):
            j0 = 2 * t
            gwait2(j0, rows0, g0)
            pltpu.async_copy(rows0, acc.at[didx.at[j0]], s0, add=True)

            @pl.when(t > 0)
            def _():
                pltpu.make_async_copy(
                    rows1, acc.at[didx.at[j0 - 1]], s1).wait()
            gather2(j0 + 1, rows1, g1)
            gwait2(j0 + 1, rows1, g1)
            pltpu.async_copy(rows1, acc.at[didx.at[j0 + 1]], s1, add=True)
            pltpu.make_async_copy(rows0, acc.at[didx.at[j0]], s0).wait()

            @pl.when(t < nt - 1)
            def _():
                gather2(j0 + 2, rows0, g0)
            return 0
        lax.fori_loop(0, nt, body, 0)
        pltpu.make_async_copy(rows1, acc.at[didx.at[half - 1]], s1).wait()
    plsc.subcore_barrier()
    pltpu.sync_copy(acc.at[pl.ds(s * ROWS_PER_TILE, ROWS_PER_TILE)],
                    out_h.at[c, pl.ds(s * ROWS_PER_TILE, ROWS_PER_TILE)])


_BM = 1264


def _project0(x, W1, degp3):
    def body(x_ref, w_ref, d0_ref, d1_ref, h_ref, dinv_ref):
        i = pl.program_id(0)
        deg = d0_ref[0] + d1_ref[0] + 1.0
        row = lax.broadcasted_iota(jnp.int32, (_BM, 1), 0) + i * _BM
        valid = row < N
        dinv = jnp.where(valid, lax.rsqrt(deg), 0.0)
        h = jnp.dot(x_ref[...], w_ref[...], preferred_element_type=jnp.float32)
        h_ref[...] = jnp.where(valid, h * dinv, 0.0)
        dinv_ref[...] = dinv
    return pl.pallas_call(
        body,
        grid=(NPAD // _BM,),
        in_specs=[
            pl.BlockSpec((_BM, D), lambda i: (i, 0)),
            pl.BlockSpec((D, D), lambda i: (0, 0)),
            pl.BlockSpec((1, _BM, 1), lambda i: (0, i, 0)),
            pl.BlockSpec((1, _BM, 1), lambda i: (1, i, 0)),
        ],
        out_specs=[
            pl.BlockSpec((_BM, D), lambda i: (i, 0)),
            pl.BlockSpec((_BM, 1), lambda i: (i, 0)),
        ],
        out_shape=[
            jax.ShapeDtypeStruct((NPAD, D), jnp.float32),
            jax.ShapeDtypeStruct((NPAD, 1), jnp.float32),
        ],
    )(x, W1, degp3, degp3)


def _combine_project(accp, hprev, dinv, b, Wn):
    def body(p0_ref, p1_ref, h_ref, dinv_ref, b_ref, w_ref, o_ref):
        a = p0_ref[0] + p1_ref[0]
        z = dinv_ref[...] * (a + h_ref[...]) + b_ref[...]
        y = jnp.maximum(z, 0.0)
        o_ref[...] = jnp.dot(
            y, w_ref[...], preferred_element_type=jnp.float32) * dinv_ref[...]
    return pl.pallas_call(
        body,
        grid=(NPAD // _BM,),
        in_specs=[
            pl.BlockSpec((1, _BM, D), lambda i: (0, i, 0)),
            pl.BlockSpec((1, _BM, D), lambda i: (1, i, 0)),
            pl.BlockSpec((_BM, D), lambda i: (i, 0)),
            pl.BlockSpec((_BM, 1), lambda i: (i, 0)),
            pl.BlockSpec((1, D), lambda i: (0, 0)),
            pl.BlockSpec((D, D), lambda i: (0, 0)),
        ],
        out_specs=pl.BlockSpec((_BM, D), lambda i: (i, 0)),
        out_shape=jax.ShapeDtypeStruct((NPAD, D), jnp.float32),
    )(accp, accp, hprev, dinv, b.reshape(1, D), Wn)


def _combine_pool_fc(accp, hprev, dinv, b, batch2, fcW, fcb):
    nsteps = NPAD // CHUNK

    def body(p0_ref, p1_ref, h_ref, dinv_ref, b_ref, bt_ref, w_ref, fb_ref,
             o_ref, pool_s, cnt_s):
        i = pl.program_id(0)

        @pl.when(i == 0)
        def _():
            pool_s[...] = jnp.zeros_like(pool_s)
            cnt_s[...] = jnp.zeros_like(cnt_s)

        a = p0_ref[0] + p1_ref[0]
        z = dinv_ref[...] * (a + h_ref[...]) + b_ref[...]
        y = jnp.maximum(z, 0.0)
        gids = lax.broadcasted_iota(jnp.int32, (NG, CHUNK), 0)
        maskf = jnp.where(gids == bt_ref[0], 1.0, 0.0)
        pool_s[...] += jnp.dot(maskf, y, preferred_element_type=jnp.float32)
        cnt_s[...] += jnp.sum(maskf, axis=1, keepdims=True)

        @pl.when(i == nsteps - 1)
        def _():
            g = pool_s[...] / jnp.maximum(cnt_s[...], 1.0)
            o = jnp.dot(g, w_ref[...], preferred_element_type=jnp.float32)
            o_ref[...] = jax.nn.sigmoid(o + fb_ref[...])

    return pl.pallas_call(
        body,
        grid=(nsteps,),
        in_specs=[
            pl.BlockSpec((1, CHUNK, D), lambda i: (0, i, 0)),
            pl.BlockSpec((1, CHUNK, D), lambda i: (1, i, 0)),
            pl.BlockSpec((CHUNK, D), lambda i: (i, 0)),
            pl.BlockSpec((CHUNK, 1), lambda i: (i, 0)),
            pl.BlockSpec((1, D), lambda i: (0, 0)),
            pl.BlockSpec((1, 1, CHUNK), lambda i: (i, 0, 0)),
            pl.BlockSpec((D, 1), lambda i: (0, 0)),
            pl.BlockSpec((1, 1), lambda i: (0, 0)),
        ],
        out_specs=pl.BlockSpec((NG, 1), lambda i: (0, 0)),
        out_shape=jax.ShapeDtypeStruct((NG, 1), jnp.float32),
        scratch_shapes=[
            pltpu.VMEM((NG, D), jnp.float32),
            pltpu.VMEM((NG, 1), jnp.float32),
        ],
    )(accp, accp, hprev, dinv, b.reshape(1, D), batch2, fcW,
      fcb.reshape(1, 1))


def kernel(x, edge_index, batch, W1, b1, W2, b2, W3, b3, fcW, fcb):
    ei = edge_index.astype(jnp.int32)
    pad_idx = N + (jnp.arange(E_PAD - E, dtype=jnp.int32) % (NPAD - N))
    pad2 = jnp.broadcast_to(pad_idx, (2, E_PAD - E))
    idx4 = jnp.concatenate([ei, pad2], axis=1).reshape(
        2, NW, CHUNKS_PER_W, CHUNK)

    degp = _make_sc_degree()(ei.reshape(2, NCH, CHUNK))

    h1, dinv = _project0(x, W1, degp.reshape(NC, ACC_ROWS, 1))

    acc1 = _make_sc_scatter()(h1, idx4)
    h2 = _combine_project(acc1, h1, dinv, b1, W2)
    acc2 = _make_sc_scatter()(h2, idx4)
    h3 = _combine_project(acc2, h2, dinv, b2, W3)
    acc3 = _make_sc_scatter()(h3, idx4)

    batch2 = jnp.pad(batch.astype(jnp.int32), (0, NPAD - N),
                     constant_values=NG).reshape(NPAD // CHUNK, 1, CHUNK)
    return _combine_pool_fc(acc3, h3, dinv, b3, batch2, fcW, fcb)

# --- scband reference (transcript-rebuilt; emitter-appended) ---
"""Pipeline reference for scband-gcn-41618233098634 (READ-ONLY COPY).

The authoritative reference and input builder live on the scoring server;
editing this copy changes nothing except your own understanding.
"""

import jax, jax.numpy as jnp
import numpy as np

N = 10000
E = 320000
D = 128
H = 128
NG = 64


def setup_inputs(seed: int = 0) -> dict:
    key = jax.random.key(seed)
    ks = jax.random.split(key, 12)
    x = jax.random.normal(ks[0], (N, D), dtype=jnp.float32)
    edge_index = jax.random.randint(ks[1], (2, E), 0, N)
    batch = jnp.sort(jax.random.randint(ks[2], (N,), 0, NG))
    s1 = 1.0 / np.sqrt(D)
    s2 = 1.0 / np.sqrt(H)
    W1 = jax.random.normal(ks[3], (D, H), dtype=jnp.float32) * s1
    b1 = jnp.zeros((H,), dtype=jnp.float32)
    W2 = jax.random.normal(ks[4], (H, H), dtype=jnp.float32) * s2
    b2 = jnp.zeros((H,), dtype=jnp.float32)
    W3 = jax.random.normal(ks[5], (H, H), dtype=jnp.float32) * s2
    b3 = jnp.zeros((H,), dtype=jnp.float32)
    fcW = jax.random.normal(ks[6], (H, 1), dtype=jnp.float32) * s2
    fcb = jnp.zeros((1,), dtype=jnp.float32)
    return {"x": x, "edge_index": edge_index, "batch": batch,
            "W1": W1, "b1": b1, "W2": W2, "b2": b2, "W3": W3, "b3": b3,
            "fcW": fcW, "fcb": fcb}


def gcn_conv(x, edge_index, W, b):
    num_nodes = x.shape[0]
    loop = jnp.arange(num_nodes, dtype=edge_index.dtype)
    src = jnp.concatenate([edge_index[0], loop])
    dst = jnp.concatenate([edge_index[1], loop])
    # symmetric normalization D^{-1/2} A_hat D^{-1/2} (PyG GCNConv default)
    deg = jnp.zeros((num_nodes,), dtype=x.dtype).at[dst].add(1.0)
    dinv = jnp.where(deg > 0, 1.0 / jnp.sqrt(deg), 0.0)
    norm = dinv[src] * dinv[dst]
    h = x @ W
    msgs = jnp.take(h, src, axis=0) * norm[:, None]
    out = jnp.zeros((num_nodes, W.shape[1]), dtype=x.dtype).at[dst].add(msgs)
    return out + b


def global_mean_pool(x, batch, num_graphs):
    sums = jax.ops.segment_sum(x, batch, num_segments=num_graphs)
    cnts = jax.ops.segment_sum(jnp.ones((x.shape[0],), dtype=x.dtype), batch, num_segments=num_graphs)
    return sums / jnp.clip(cnts, 1.0)[:, None]


def reference(x, edge_index, batch, W1, b1, W2, b2, W3, b3, fcW, fcb):
    h = jax.nn.relu(gcn_conv(x, edge_index, W1, b1))
    h = jax.nn.relu(gcn_conv(h, edge_index, W2, b2))
    h = jax.nn.relu(gcn_conv(h, edge_index, W3, b3))
    g = global_mean_pool(h, batch, NG)
    out = g @ fcW + fcb
    return jax.nn.sigmoid(out)

if __name__ == "__main__":
    import jax
    _d = setup_inputs()
    print(jax.jit(kernel)(*tuple(_d.values())))

</pallas_src>

<mosaic_0001>
#map = affine_map<(d0, d1) -> (0, 0)>
#map1 = affine_map<(d0, d1) -> (0, 0, 0, 0)>
#map2 = affine_map<(d0, d1) -> (0, 0, 0)>
module attributes {stable_mosaic.version = 14 : i64} {
  func.func @_sc_scatter_body(%arg0: i32, %arg1: i32, %arg2: memref<10112x128xf32, #tpu.memory_space<hbm>>, %arg3: memref<2x32x80x128xi32, #tpu.memory_space<hbm>>, %arg4: memref<2x10240x128xf32, #tpu.memory_space<hbm>>, %arg5: memref<40x128xi32, #tpu.memory_space<vmem>>, %arg6: memref<40x128xi32, #tpu.memory_space<vmem>>, %arg7: memref<128x128xf32, #tpu.memory_space<vmem>>, %arg8: memref<128x128xf32, #tpu.memory_space<vmem>>, %arg9: memref<10240x128xf32, #tpu.memory_space<vmem_shared>>, %arg10: memref<!tpu.dma_semaphore, #tpu.memory_space<semaphore_mem>>, %arg11: memref<!tpu.dma_semaphore, #tpu.memory_space<semaphore_mem>>, %arg12: memref<!tpu.dma_semaphore, #tpu.memory_space<semaphore_mem>>, %arg13: memref<!tpu.dma_semaphore, #tpu.memory_space<semaphore_mem>>) attributes {dimension_semantics = [#tpu.dimension_semantics<core_parallel>, #tpu.dimension_semantics<subcore_parallel>], iteration_bounds = array<i64: 2, 16>, scalar_prefetch = 0 : i64, scratch_operands = 9 : i64, tpu.core_type = #tpu.core_type<sc_vector_subcore>, window_params = [{transform_indices = #map}, {transform_indices = #map1}, {transform_indices = #map2}]} {
    %mul3A = arith.constant 2 : i32
    %mul3A_0 = arith.muli %arg1, %mul3A : i32
    %add3A = arith.addi %mul3A_0, %arg0 : i32
    %run_scoped3A = arith.constant 0 : i32
    "tpu.region"() ({
      %run_scoped3A_88 = tpu.sem_alloc : memref<!tpu.dma_semaphore, #tpu.memory_space<semaphore_mem>>
      %dma_start3A_89 = arith.constant 0 : i32
      %dma_start3A_90 = arith.constant 0 : i32
      %dma_start3A_91 = tpu.memref_slice %arg3[%run_scoped3A, %add3A, %dma_start3A_89, %dma_start3A_90] : memref<2x32x80x128xi32, #tpu.memory_space<hbm>> -> memref<1x1x40x128xi32, #tpu.memory_space<hbm>>
      %dma_start3A_92 = tpu.memref_squeeze %dma_start3A_91 : memref<1x1x40x128xi32, #tpu.memory_space<hbm>> -> memref<40x128xi32, #tpu.memory_space<hbm>>
      %dma_start3A_93 = arith.constant 0 : i32
      %dma_start3A_94 = arith.constant 0 : i32
      %dma_start3A_95 = tpu.memref_slice %arg3[%run_scoped3A, %add3A, %dma_start3A_93, %dma_start3A_94] : memref<2x32x80x128xi32, #tpu.memory_space<hbm>> -> memref<1x1x40x128xi32, #tpu.memory_space<hbm>>
      %dma_start3A_96 = tpu.memref_squeeze %dma_start3A_95 : memref<1x1x40x128xi32, #tpu.memory_space<hbm>> -> memref<40x128xi32, #tpu.memory_space<hbm>>
      tpu.enqueue_dma source(%dma_start3A_96 : memref<40x128xi32, #tpu.memory_space<hbm>>) target(%arg5 : memref<40x128xi32, #tpu.memory_space<vmem>>) target_semaphore(%run_scoped3A_88 : memref<!tpu.dma_semaphore, #tpu.memory_space<semaphore_mem>>)
      %dma_wait3A_97 = arith.constant 0 : i32
      %dma_wait3A_98 = arith.constant 0 : i32
      %dma_wait3A_99 = tpu.memref_slice %arg3[%run_scoped3A, %add3A, %dma_wait3A_97, %dma_wait3A_98] : memref<2x32x80x128xi32, #tpu.memory_space<hbm>> -> memref<1x1x40x128xi32, #tpu.memory_space<hbm>>
      %dma_wait3A_100 = tpu.memref_squeeze %dma_wait3A_99 : memref<1x1x40x128xi32, #tpu.memory_space<hbm>> -> memref<40x128xi32, #tpu.memory_space<hbm>>
      %dma_wait3A_101 = arith.constant 0 : i32
      %dma_wait3A_102 = arith.constant 0 : i32
      %dma_wait3A_103 = tpu.memref_slice %arg3[%run_scoped3A, %add3A, %dma_wait3A_101, %dma_wait3A_102] : memref<2x32x80x128xi32, #tpu.memory_space<hbm>> -> memref<1x1x40x128xi32, #tpu.memory_space<hbm>>
      %dma_wait3A_104 = tpu.memref_squeeze %dma_wait3A_103 : memref<1x1x40x128xi32, #tpu.memory_space<hbm>> -> memref<40x128xi32, #tpu.memory_space<hbm>>
      tpu.wait_dma2 semaphore(%run_scoped3A_88 : memref<!tpu.dma_semaphore, #tpu.memory_space<semaphore_mem>>) src(%dma_wait3A_104 : memref<40x128xi32, #tpu.memory_space<hbm>>) dst(%arg5 : memref<40x128xi32, #tpu.memory_space<vmem>>)
      tpu.yield
    }) : () -> ()
    %run_scoped3A_1 = arith.constant 1 : i32
    "tpu.region"() ({
      %run_scoped3A_88 = tpu.sem_alloc : memref<!tpu.dma_semaphore, #tpu.memory_space<semaphore_mem>>
      %dma_start3A_89 = arith.constant 0 : i32
      %dma_start3A_90 = arith.constant 0 : i32
      %dma_start3A_91 = tpu.memref_slice %arg3[%run_scoped3A_1, %add3A, %dma_start3A_89, %dma_start3A_90] : memref<2x32x80x128xi32, #tpu.memory_space<hbm>> -> memref<1x1x40x128xi32, #tpu.memory_space<hbm>>
      %dma_start3A_92 = tpu.memref_squeeze %dma_start3A_91 : memref<1x1x40x128xi32, #tpu.memory_space<hbm>> -> memref<40x128xi32, #tpu.memory_space<hbm>>
      %dma_start3A_93 = arith.constant 0 : i32
      %dma_start3A_94 = arith.constant 0 : i32
      %dma_start3A_95 = tpu.memref_slice %arg3[%run_scoped3A_1, %add3A, %dma_start3A_93, %dma_start3A_94] : memref<2x32x80x128xi32, #tpu.memory_space<hbm>> -> memref<1x1x40x128xi32, #tpu.memory_space<hbm>>
      %dma_start3A_96 = tpu.memref_squeeze %dma_start3A_95 : memref<1x1x40x128xi32, #tpu.memory_space<hbm>> -> memref<40x128xi32, #tpu.memory_space<hbm>>
      tpu.enqueue_dma source(%dma_start3A_96 : memref<40x128xi32, #tpu.memory_space<hbm>>) target(%arg6 : memref<40x128xi32, #tpu.memory_space<vmem>>) target_semaphore(%run_scoped3A_88 : memref<!tpu.dma_semaphore, #tpu.memory_space<semaphore_mem>>)
      %dma_wait3A_97 = arith.constant 0 : i32
      %dma_wait3A_98 = arith.constant 0 : i32
      %dma_wait3A_99 = tpu.memref_slice %arg3[%run_scoped3A_1, %add3A, %dma_wait3A_97, %dma_wait3A_98] : memref<2x32x80x128xi32, #tpu.memory_space<hbm>> -> memref<1x1x40x128xi32, #tpu.memory_space<hbm>>
      %dma_wait3A_100 = tpu.memref_squeeze %dma_wait3A_99 : memref<1x1x40x128xi32, #tpu.memory_space<hbm>> -> memref<40x128xi32, #tpu.memory_space<hbm>>
      %dma_wait3A_101 = arith.constant 0 : i32
      %dma_wait3A_102 = arith.constant 0 : i32
      %dma_wait3A_103 = tpu.memref_slice %arg3[%run_scoped3A_1, %add3A, %dma_wait3A_101, %dma_wait3A_102] : memref<2x32x80x128xi32, #tpu.memory_space<hbm>> -> memref<1x1x40x128xi32, #tpu.memory_space<hbm>>
      %dma_wait3A_104 = tpu.memref_squeeze %dma_wait3A_103 : memref<1x1x40x128xi32, #tpu.memory_space<hbm>> -> memref<40x128xi32, #tpu.memory_space<hbm>>
      tpu.wait_dma2 semaphore(%run_scoped3A_88 : memref<!tpu.dma_semaphore, #tpu.memory_space<semaphore_mem>>) src(%dma_wait3A_104 : memref<40x128xi32, #tpu.memory_space<hbm>>) dst(%arg6 : memref<40x128xi32, #tpu.memory_space<vmem>>)
      tpu.yield
    }) : () -> ()
    %dma_start3A = arith.constant 0 : i32
    %dma_start3A_2 = arith.constant 0 : i32
    %dma_start3A_3 = arith.constant 0 : i32
    %dma_start3A_4 = tpu.memref_slice %arg7[%dma_start3A_2, %dma_start3A_3] : memref<128x128xf32, #tpu.memory_space<vmem>> -> memref<64x128xf32, #tpu.memory_space<vmem>>
    %dma_start3A_5 = arith.constant 0 : i32
    %dma_start3A_6 = tpu.memref_slice %arg5[%dma_start3A, %dma_start3A_5] : memref<40x128xi32, #tpu.memory_space<vmem>> -> memref<1x64xi32, #tpu.memory_space<vmem>>
    %dma_start3A_7 = tpu.memref_squeeze %dma_start3A_6 : memref<1x64xi32, #tpu.memory_space<vmem>> -> memref<64xi32, #tpu.memory_space<vmem>>
    %dma_start3A_8 = arith.constant 0 : i32
    %dma_start3A_9 = arith.constant 0 : i32
    %dma_start3A_10 = tpu.memref_slice %arg2[%dma_start3A_8, %dma_start3A_9] : memref<10112x128xf32, #tpu.memory_space<hbm>> -> memref<10112x128xf32, #tpu.memory_space<hbm>>
    tpu.enqueue_indirect_dma source(%dma_start3A_10 : memref<10112x128xf32, #tpu.memory_space<hbm>>) target(%dma_start3A_4 : memref<64x128xf32, #tpu.memory_space<vmem>>) offsets(%dma_start3A_7 : memref<64xi32, #tpu.memory_space<vmem>>) semaphore(%arg10 : memref<!tpu.dma_semaphore, #tpu.memory_space<semaphore_mem>>)
    %dma_start3A_11 = arith.constant 0 : i32
    %dma_start3A_12 = arith.constant 64 : i32
    %dma_start3A_13 = arith.constant 0 : i32
    %dma_start3A_14 = tpu.memref_slice %arg7[%dma_start3A_12, %dma_start3A_13] : memref<128x128xf32, #tpu.memory_space<vmem>> -> memref<64x128xf32, #tpu.memory_space<vmem>>
    %dma_start3A_15 = arith.constant 64 : i32
    %dma_start3A_16 = tpu.memref_slice %arg5[%dma_start3A_11, %dma_start3A_15] : memref<40x128xi32, #tpu.memory_space<vmem>> -> memref<1x64xi32, #tpu.memory_space<vmem>>
    %dma_start3A_17 = tpu.memref_squeeze %dma_start3A_16 : memref<1x64xi32, #tpu.memory_space<vmem>> -> memref<64xi32, #tpu.memory_space<vmem>>
    %dma_start3A_18 = arith.constant 0 : i32
    %dma_start3A_19 = arith.constant 0 : i32
    %dma_start3A_20 = tpu.memref_slice %arg2[%dma_start3A_18, %dma_start3A_19] : memref<10112x128xf32, #tpu.memory_space<hbm>> -> memref<10112x128xf32, #tpu.memory_space<hbm>>
    tpu.enqueue_indirect_dma source(%dma_start3A_20 : memref<10112x128xf32, #tpu.memory_space<hbm>>) target(%dma_start3A_14 : memref<64x128xf32, #tpu.memory_space<vmem>>) offsets(%dma_start3A_17 : memref<64xi32, #tpu.memory_space<vmem>>) semaphore(%arg10 : memref<!tpu.dma_semaphore, #tpu.memory_space<semaphore_mem>>)
    %scan3A = arith.constant 0 : i32
    %scan3A_21 = arith.constant 0 : i32
    %scan3A_22 = arith.constant 128 : i32
    %scan3A_23 = arith.addi %scan3A_21, %scan3A_22 : i32
    %scan3A_24 = arith.constant 1 : i32
    %scan3A_25 = scf.for %scan3A_88 = %scan3A_21 to %scan3A_23 step %scan3A_24 iter_args(%scan3A_89 = %scan3A) -> (i32)  : i32 {
      %broadcast_in_dim3A = arith.constant 0.000000e+00 : f32
      %broadcast_in_dim3A_90 = vector.broadcast %broadcast_in_dim3A : f32 to vector<16xf32>
      %swap3A = arith.index_cast %scan3A_88 : i32 to index
      %swap3A_91 = arith.constant 0 : index
      %swap3A_92 = tpu.vector_load %arg8[%swap3A, %swap3A_91] {strides = array<i32>} : memref<128x128xf32, #tpu.memory_space<vmem>>, vector<1x16xf32>,
      %swap3A_93 = vector.shape_cast %swap3A_92 : vector<1x16xf32> to vector<16xf32>
      %swap3A_94 = vector.shape_cast %broadcast_in_dim3A_90 : vector<16xf32> to vector<1x16xf32>
      tpu.vector_store %arg8[%swap3A, %swap3A_91], %swap3A_94 {strides = array<i32>} : memref<128x128xf32, #tpu.memory_space<vmem>>, vector<1x16xf32>,
      %broadcast_in_dim3A_95 = arith.constant 0.000000e+00 : f32
      %broadcast_in_dim3A_96 = vector.broadcast %broadcast_in_dim3A_95 : f32 to vector<16xf32>
      %swap3A_97 = arith.index_cast %scan3A_88 : i32 to index
      %swap3A_98 = arith.constant 16 : index
      %swap3A_99 = tpu.vector_load %arg8[%swap3A_97, %swap3A_98] {strides = array<i32>} : memref<128x128xf32, #tpu.memory_space<vmem>>, vector<1x16xf32>,
      %swap3A_100 = vector.shape_cast %swap3A_99 : vector<1x16xf32> to vector<16xf32>
      %swap3A_101 = vector.shape_cast %broadcast_in_dim3A_96 : vector<16xf32> to vector<1x16xf32>
      tpu.vector_store %arg8[%swap3A_97, %swap3A_98], %swap3A_101 {strides = array<i32>} : memref<128x128xf32, #tpu.memory_space<vmem>>, vector<1x16xf32>,
      %broadcast_in_dim3A_102 = arith.constant 0.000000e+00 : f32
      %broadcast_in_dim3A_103 = vector.broadcast %broadcast_in_dim3A_102 : f32 to vector<16xf32>
      %swap3A_104 = arith.index_cast %scan3A_88 : i32 to index
      %swap3A_105 = arith.constant 32 : index
      %swap3A_106 = tpu.vector_load %arg8[%swap3A_104, %swap3A_105] {strides = array<i32>} : memref<128x128xf32, #tpu.memory_space<vmem>>, vector<1x16xf32>,
      %swap3A_107 = vector.shape_cast %swap3A_106 : vector<1x16xf32> to vector<16xf32>
      %swap3A_108 = vector.shape_cast %broadcast_in_dim3A_103 : vector<16xf32> to vector<1x16xf32>
      tpu.vector_store %arg8[%swap3A_104, %swap3A_105], %swap3A_108 {strides = array<i32>} : memref<128x128xf32, #tpu.memory_space<vmem>>, vector<1x16xf32>,
      %broadcast_in_dim3A_109 = arith.constant 0.000000e+00 : f32
      %broadcast_in_dim3A_110 = vector.broadcast %broadcast_in_dim3A_109 : f32 to vector<16xf32>
      %swap3A_111 = arith.index_cast %scan3A_88 : i32 to index
      %swap3A_112 = arith.constant 48 : index
      %swap3A_113 = tpu.vector_load %arg8[%swap3A_111, %swap3A_112] {strides = array<i32>} : memref<128x128xf32, #tpu.memory_space<vmem>>, vector<1x16xf32>,
      %swap3A_114 = vector.shape_cast %swap3A_113 : vector<1x16xf32> to vector<16xf32>
      %swap3A_115 = vector.shape_cast %broadcast_in_dim3A_110 : vector<16xf32> to vector<1x16xf32>
      tpu.vector_store %arg8[%swap3A_111, %swap3A_112], %swap3A_115 {strides = array<i32>} : memref<128x128xf32, #tpu.memory_space<vmem>>, vector<1x16xf32>,
      %broadcast_in_dim3A_116 = arith.constant 0.000000e+00 : f32
      %broadcast_in_dim3A_117 = vector.broadcast %broadcast_in_dim3A_116 : f32 to vector<16xf32>
      %swap3A_118 = arith.index_cast %scan3A_88 : i32 to index
      %swap3A_119 = arith.constant 64 : index
      %swap3A_120 = tpu.vector_load %arg8[%swap3A_118, %swap3A_119] {strides = array<i32>} : memref<128x128xf32, #tpu.memory_space<vmem>>, vector<1x16xf32>,
      %swap3A_121 = vector.shape_cast %swap3A_120 : vector<1x16xf32> to vector<16xf32>
      %swap3A_122 = vector.shape_cast %broadcast_in_dim3A_117 : vector<16xf32> to vector<1x16xf32>
      tpu.vector_store %arg8[%swap3A_118, %swap3A_119], %swap3A_122 {strides = array<i32>} : memref<128x128xf32, #tpu.memory_space<vmem>>, vector<1x16xf32>,
      %broadcast_in_dim3A_123 = arith.constant 0.000000e+00 : f32
      %broadcast_in_dim3A_124 = vector.broadcast %broadcast_in_dim3A_123 : f32 to vector<16xf32>
      %swap3A_125 = arith.index_cast %scan3A_88 : i32 to index
      %swap3A_126 = arith.constant 80 : index
      %swap3A_127 = tpu.vector_load %arg8[%swap3A_125, %swap3A_126] {strides = array<i32>} : memref<128x128xf32, #tpu.memory_space<vmem>>, vector<1x16xf32>,
      %swap3A_128 = vector.shape_cast %swap3A_127 : vector<1x16xf32> to vector<16xf32>
      %swap3A_129 = vector.shape_cast %broadcast_in_dim3A_124 : vector<16xf32> to vector<1x16xf32>
      tpu.vector_store %arg8[%swap3A_125, %swap3A_126], %swap3A_129 {strides = array<i32>} : memref<128x128xf32, #tpu.memory_space<vmem>>, vector<1x16xf32>,
      %broadcast_in_dim3A_130 = arith.constant 0.000000e+00 : f32
      %broadcast_in_dim3A_131 = vector.broadcast %broadcast_in_dim3A_130 : f32 to vector<16xf32>
      %swap3A_132 = arith.index_cast %scan3A_88 : i32 to index
      %swap3A_133 = arith.constant 96 : index
      %swap3A_134 = tpu.vector_load %arg8[%swap3A_132, %swap3A_133] {strides = array<i32>} : memref<128x128xf32, #tpu.memory_space<vmem>>, vector<1x16xf32>,
      %swap3A_135 = vector.shape_cast %swap3A_134 : vector<1x16xf32> to vector<16xf32>
      %swap3A_136 = vector.shape_cast %broadcast_in_dim3A_131 : vector<16xf32> to vector<1x16xf32>
      tpu.vector_store %arg8[%swap3A_132, %swap3A_133], %swap3A_136 {strides = array<i32>} : memref<128x128xf32, #tpu.memory_space<vmem>>, vector<1x16xf32>,
      %broadcast_in_dim3A_137 = arith.constant 0.000000e+00 : f32
      %broadcast_in_dim3A_138 = vector.broadcast %broadcast_in_dim3A_137 : f32 to vector<16xf32>
      %swap3A_139 = arith.index_cast %scan3A_88 : i32 to index
      %swap3A_140 = arith.constant 112 : index
      %swap3A_141 = tpu.vector_load %arg8[%swap3A_139, %swap3A_140] {strides = array<i32>} : memref<128x128xf32, #tpu.memory_space<vmem>>, vector<1x16xf32>,
      %swap3A_142 = vector.shape_cast %swap3A_141 : vector<1x16xf32> to vector<16xf32>
      %swap3A_143 = vector.shape_cast %broadcast_in_dim3A_138 : vector<16xf32> to vector<1x16xf32>
      tpu.vector_store %arg8[%swap3A_139, %swap3A_140], %swap3A_143 {strides = array<i32>} : memref<128x128xf32, #tpu.memory_space<vmem>>, vector<1x16xf32>,
      %scan3A_144 = arith.constant 0 : i32
      scf.yield %scan3A_144 : i32
    }
    %scan3A_26 = arith.constant 128 : i32
    %scan3A_27 = arith.constant 0 : i32
    %scan3A_28 = arith.constant 0 : i32
    %scan3A_29 = arith.constant 5 : i32
    %scan3A_30 = arith.addi %scan3A_28, %scan3A_29 : i32
    %scan3A_31 = arith.constant 1 : i32
    %scan3A_32 = scf.for %scan3A_88 = %scan3A_28 to %scan3A_30 step %scan3A_31 iter_args(%scan3A_89 = %scan3A_27) -> (i32)  : i32 {
      %mul3A_90 = arith.constant 640 : i32
      %mul3A_91 = arith.muli %arg1, %mul3A_90 : i32
      %mul3A_92 = arith.constant 128 : i32
      %mul3A_93 = arith.muli %scan3A_88, %mul3A_92 : i32
      %add3A_94 = arith.addi %mul3A_91, %mul3A_93 : i32
      "tpu.region"() ({
        %run_scoped3A_96 = tpu.sem_alloc : memref<!tpu.dma_semaphore, #tpu.memory_space<semaphore_mem>>
        %dma_start3A_97 = arith.constant 0 : i32
        %dma_start3A_98 = tpu.memref_slice %arg9[%add3A_94, %dma_start3A_97] : memref<10240x128xf32, #tpu.memory_space<vmem_shared>> -> memref<128x128xf32, #tpu.memory_space<vmem_shared>>
        %dma_start3A_99 = arith.constant 0 : i32
        %dma_start3A_100 = tpu.memref_slice %arg9[%add3A_94, %dma_start3A_99] : memref<10240x128xf32, #tpu.memory_space<vmem_shared>> -> memref<128x128xf32, #tpu.memory_space<vmem_shared>>
        tpu.enqueue_dma source(%arg8 : memref<128x128xf32, #tpu.memory_space<vmem>>) target(%dma_start3A_100 : memref<128x128xf32, #tpu.memory_space<vmem_shared>>) target_semaphore(%run_scoped3A_96 : memref<!tpu.dma_semaphore, #tpu.memory_space<semaphore_mem>>)
        %dma_wait3A_101 = arith.constant 0 : i32
        %dma_wait3A_102 = tpu.memref_slice %arg9[%add3A_94, %dma_wait3A_101] : memref<10240x128xf32, #tpu.memory_space<vmem_shared>> -> memref<128x128xf32, #tpu.memory_space<vmem_shared>>
        %dma_wait3A_103 = arith.constant 0 : i32
        %dma_wait3A_104 = tpu.memref_slice %arg9[%add3A_94, %dma_wait3A_103] : memref<10240x128xf32, #tpu.memory_space<vmem_shared>> -> memref<128x128xf32, #tpu.memory_space<vmem_shared>>
        tpu.wait_dma2 semaphore(%run_scoped3A_96 : memref<!tpu.dma_semaphore, #tpu.memory_space<semaphore_mem>>) src(%arg8 : memref<128x128xf32, #tpu.memory_space<vmem>>) dst(%dma_wait3A_104 : memref<128x128xf32, #tpu.memory_space<vmem_shared>>)
        tpu.yield
      }) : () -> ()
      %scan3A_95 = arith.constant 0 : i32
      scf.yield %scan3A_95 : i32
    }
    %scan3A_33 = arith.constant 5 : i32
    %barrier3A = arith.constant 0 : index
    tpu.barrier barrier_id(%barrier3A)
    %scan3A_34 = arith.constant 0 : i32
    %scan3A_35 = arith.constant 0 : i32
    %scan3A_36 = arith.constant 20 : i32
    %scan3A_37 = arith.addi %scan3A_35, %scan3A_36 : i32
    %scan3A_38 = arith.constant 1 : i32
    %scan3A_39 = scf.for %scan3A_88 = %scan3A_35 to %scan3A_37 step %scan3A_38 iter_args(%scan3A_89 = %scan3A_34) -> (i32)  : i32 {
      %mul3A_90 = arith.constant 2 : i32
      %mul3A_91 = arith.muli %mul3A_90, %scan3A_88 : i32
      %dma_wait3A_92 = arith.constant 0 : i32
      %dma_wait3A_93 = arith.constant 0 : i32
      %dma_wait3A_94 = tpu.memref_slice %arg7[%dma_wait3A_92, %dma_wait3A_93] : memref<128x128xf32, #tpu.memory_space<vmem>> -> memref<64x128xf32, #tpu.memory_space<vmem>>
      %dma_wait3A_95 = arith.constant 0 : i32
      %dma_wait3A_96 = tpu.memref_slice %arg5[%mul3A_91, %dma_wait3A_95] : memref<40x128xi32, #tpu.memory_space<vmem>> -> memref<1x64xi32, #tpu.memory_space<vmem>>
      %dma_wait3A_97 = tpu.memref_squeeze %dma_wait3A_96 : memref<1x64xi32, #tpu.memory_space<vmem>> -> memref<64xi32, #tpu.memory_space<vmem>>
      %dma_wait3A_98 = arith.constant 0 : i32
      %dma_wait3A_99 = arith.constant 0 : i32
      %dma_wait3A_100 = tpu.memref_slice %arg2[%dma_wait3A_98, %dma_wait3A_99] : memref<10112x128xf32, #tpu.memory_space<hbm>> -> memref<10112x128xf32, #tpu.memory_space<hbm>>
      tpu.wait_indirect_dma semaphore(%arg10 : memref<!tpu.dma_semaphore, #tpu.memory_space<semaphore_mem>>) src(%dma_wait3A_100 : memref<10112x128xf32, #tpu.memory_space<hbm>>) dst(%dma_wait3A_94 : memref<64x128xf32, #tpu.memory_space<vmem>>)
      %dma_wait3A_101 = arith.constant 64 : i32
      %dma_wait3A_102 = arith.constant 0 : i32
      %dma_wait3A_103 = tpu.memref_slice %arg7[%dma_wait3A_101, %dma_wait3A_102] : memref<128x128xf32, #tpu.memory_space<vmem>> -> memref<64x128xf32, #tpu.memory_space<vmem>>
      %dma_wait3A_104 = arith.constant 64 : i32
      %dma_wait3A_105 = tpu.memref_slice %arg5[%mul3A_91, %dma_wait3A_104] : memref<40x128xi32, #tpu.memory_space<vmem>> -> memref<1x64xi32, #tpu.memory_space<vmem>>
      %dma_wait3A_106 = tpu.memref_squeeze %dma_wait3A_105 : memref<1x64xi32, #tpu.memory_space<vmem>> -> memref<64xi32, #tpu.memory_space<vmem>>
      %dma_wait3A_107 = arith.constant 0 : i32
      %dma_wait3A_108 = arith.constant 0 : i32
      %dma_wait3A_109 = tpu.memref_slice %arg2[%dma_wait3A_107, %dma_wait3A_108] : memref<10112x128xf32, #tpu.memory_space<hbm>> -> memref<10112x128xf32, #tpu.memory_space<hbm>>
      tpu.wait_indirect_dma semaphore(%arg10 : memref<!tpu.dma_semaphore, #tpu.memory_space<semaphore_mem>>) src(%dma_wait3A_109 : memref<10112x128xf32, #tpu.memory_space<hbm>>) dst(%dma_wait3A_103 : memref<64x128xf32, #tpu.memory_space<vmem>>)
      %dma_start3A_110 = arith.constant 0 : i32
      %dma_start3A_111 = tpu.memref_slice %arg6[%mul3A_91, %dma_start3A_110] : memref<40x128xi32, #tpu.memory_space<vmem>> -> memref<1x128xi32, #tpu.memory_space<vmem>>
      %dma_start3A_112 = tpu.memref_squeeze %dma_start3A_111 : memref<1x128xi32, #tpu.memory_space<vmem>> -> memref<128xi32, #tpu.memory_space<vmem>>
      %dma_start3A_113 = arith.constant 0 : i32
      %dma_start3A_114 = arith.constant 0 : i32
      %dma_start3A_115 = tpu.memref_slice %arg9[%dma_start3A_113, %dma_start3A_114] : memref<10240x128xf32, #tpu.memory_space<vmem_shared>> -> memref<10240x128xf32, #tpu.memory_space<vmem_shared>>
      tpu.enqueue_indirect_dma source(%arg7 : memref<128x128xf32, #tpu.memory_space<vmem>>) target(%dma_start3A_115 : memref<10240x128xf32, #tpu.memory_space<vmem_shared>>) offsets(%dma_start3A_112 : memref<128xi32, #tpu.memory_space<vmem>>) semaphore(%arg12 : memref<!tpu.dma_semaphore, #tpu.memory_space<semaphore_mem>>) {add = true}
      %gt3A = arith.constant 0 : i32
      %gt3A_116 = arith.cmpi sgt, %scan3A_88, %gt3A : i32
      %convert_element_type3A = arith.extui %gt3A_116 : i1 to i32
      %cond3A = arith.constant 0 : i32
      %cond3A_117 = arith.cmpi ne, %convert_element_type3A, %cond3A : i32
      scf.if %cond3A_117 {
        %sub3A = arith.constant 1 : i32
        %sub3A_177 = arith.subi %mul3A_91, %sub3A : i32
        %dma_wait3A_178 = arith.constant 0 : i32
        %dma_wait3A_179 = tpu.memref_slice %arg6[%sub3A_177, %dma_wait3A_178] : memref<40x128xi32, #tpu.memory_space<vmem>> -> memref<1x128xi32, #tpu.memory_space<vmem>>
        %dma_wait3A_180 = tpu.memref_squeeze %dma_wait3A_179 : memref<1x128xi32, #tpu.memory_space<vmem>> -> memref<128xi32, #tpu.memory_space<vmem>>
        %dma_wait3A_181 = arith.constant 0 : i32
        %dma_wait3A_182 = arith.constant 0 : i32
        %dma_wait3A_183 = tpu.memref_slice %arg9[%dma_wait3A_181, %dma_wait3A_182] : memref<10240x128xf32, #tpu.memory_space<vmem_shared>> -> memref<10240x128xf32, #tpu.memory_space<vmem_shared>>
        tpu.wait_indirect_dma semaphore(%arg13 : memref<!tpu.dma_semaphore, #tpu.memory_space<semaphore_mem>>) src(%arg8 : memref<128x128xf32, #tpu.memory_space<vmem>>) dst(%dma_wait3A_183 : memref<10240x128xf32, #tpu.memory_space<vmem_shared>>)
      } else {
      }
      %add3A_118 = arith.constant 1 : i32
      %add3A_119 = arith.addi %mul3A_91, %add3A_118 : i32
      %dma_start3A_120 = arith.constant 0 : i32
      %dma_start3A_121 = arith.constant 0 : i32
      %dma_start3A_122 = tpu.memref_slice %arg8[%dma_start3A_120, %dma_start3A_121] : memref<128x128xf32, #tpu.memory_space<vmem>> -> memref<64x128xf32, #tpu.memory_space<vmem>>
      %dma_start3A_123 = arith.constant 0 : i32
      %dma_start3A_124 = tpu.memref_slice %arg5[%add3A_119, %dma_start3A_123] : memref<40x128xi32, #tpu.memory_space<vmem>> -> memref<1x64xi32, #tpu.memory_space<vmem>>
      %dma_start3A_125 = tpu.memref_squeeze %dma_start3A_124 : memref<1x64xi32, #tpu.memory_space<vmem>> -> memref<64xi32, #tpu.memory_space<vmem>>
      %dma_start3A_126 = arith.constant 0 : i32
      %dma_start3A_127 = arith.constant 0 : i32
      %dma_start3A_128 = tpu.memref_slice %arg2[%dma_start3A_126, %dma_start3A_127] : memref<10112x128xf32, #tpu.memory_space<hbm>> -> memref<10112x128xf32, #tpu.memory_space<hbm>>
      tpu.enqueue_indirect_dma source(%dma_start3A_128 : memref<10112x128xf32, #tpu.memory_space<hbm>>) target(%dma_start3A_122 : memref<64x128xf32, #tpu.memory_space<vmem>>) offsets(%dma_start3A_125 : memref<64xi32, #tpu.memory_space<vmem>>) semaphore(%arg11 : memref<!tpu.dma_semaphore, #tpu.memory_space<semaphore_mem>>)
      %dma_start3A_129 = arith.constant 64 : i32
      %dma_start3A_130 = arith.constant 0 : i32
      %dma_start3A_131 = tpu.memref_slice %arg8[%dma_start3A_129, %dma_start3A_130] : memref<128x128xf32, #tpu.memory_space<vmem>> -> memref<64x128xf32, #tpu.memory_space<vmem>>
      %dma_start3A_132 = arith.constant 64 : i32
      %dma_start3A_133 = tpu.memref_slice %arg5[%add3A_119, %dma_start3A_132] : memref<40x128xi32, #tpu.memory_space<vmem>> -> memref<1x64xi32, #tpu.memory_space<vmem>>
      %dma_start3A_134 = tpu.memref_squeeze %dma_start3A_133 : memref<1x64xi32, #tpu.memory_space<vmem>> -> memref<64xi32, #tpu.memory_space<vmem>>
      %dma_start3A_135 = arith.constant 0 : i32
      %dma_start3A_136 = arith.constant 0 : i32
      %dma_start3A_137 = tpu.memref_slice %arg2[%dma_start3A_135, %dma_start3A_136] : memref<10112x128xf32, #tpu.memory_space<hbm>> -> memref<10112x128xf32, #tpu.memory_space<hbm>>
      tpu.enqueue_indirect_dma source(%dma_start3A_137 : memref<10112x128xf32, #tpu.memory_space<hbm>>) target(%dma_start3A_131 : memref<64x128xf32, #tpu.memory_space<vmem>>) offsets(%dma_start3A_134 : memref<64xi32, #tpu.memory_space<vmem>>) semaphore(%arg11 : memref<!tpu.dma_semaphore, #tpu.memory_space<semaphore_mem>>)
      %add3A_138 = arith.constant 1 : i32
      %add3A_139 = arith.addi %mul3A_91, %add3A_138 : i32
      %dma_wait3A_140 = arith.constant 0 : i32
      %dma_wait3A_141 = arith.constant 0 : i32
      %dma_wait3A_142 = tpu.memref_slice %arg8[%dma_wait3A_140, %dma_wait3A_141] : memref<128x128xf32, #tpu.memory_space<vmem>> -> memref<64x128xf32, #tpu.memory_space<vmem>>
      %dma_wait3A_143 = arith.constant 0 : i32
      %dma_wait3A_144 = tpu.memref_slice %arg5[%add3A_139, %dma_wait3A_143] : memref<40x128xi32, #tpu.memory_space<vmem>> -> memref<1x64xi32, #tpu.memory_space<vmem>>
      %dma_wait3A_145 = tpu.memref_squeeze %dma_wait3A_144 : memref<1x64xi32, #tpu.memory_space<vmem>> -> memref<64xi32, #tpu.memory_space<vmem>>
      %dma_wait3A_146 = arith.constant 0 : i32
      %dma_wait3A_147 = arith.constant 0 : i32
      %dma_wait3A_148 = tpu.memref_slice %arg2[%dma_wait3A_146, %dma_wait3A_147] : memref<10112x128xf32, #tpu.memory_space<hbm>> -> memref<10112x128xf32, #tpu.memory_space<hbm>>
      tpu.wait_indirect_dma semaphore(%arg11 : memref<!tpu.dma_semaphore, #tpu.memory_space<semaphore_mem>>) src(%dma_wait3A_148 : memref<10112x128xf32, #tpu.memory_space<hbm>>) dst(%dma_wait3A_142 : memref<64x128xf32, #tpu.memory_space<vmem>>)
      %dma_wait3A_149 = arith.constant 64 : i32
      %dma_wait3A_150 = arith.constant 0 : i32
      %dma_wait3A_151 = tpu.memref_slice %arg8[%dma_wait3A_149, %dma_wait3A_150] : memref<128x128xf32, #tpu.memory_space<vmem>> -> memref<64x128xf32, #tpu.memory_space<vmem>>
      %dma_wait3A_152 = arith.constant 64 : i32
      %dma_wait3A_153 = tpu.memref_slice %arg5[%add3A_139, %dma_wait3A_152] : memref<40x128xi32, #tpu.memory_space<vmem>> -> memref<1x64xi32, #tpu.memory_space<vmem>>
      %dma_wait3A_154 = tpu.memref_squeeze %dma_wait3A_153 : memref<1x64xi32, #tpu.memory_space<vmem>> -> memref<64xi32, #tpu.memory_space<vmem>>
      %dma_wait3A_155 = arith.constant 0 : i32
      %dma_wait3A_156 = arith.constant 0 : i32
      %dma_wait3A_157 = tpu.memref_slice %arg2[%dma_wait3A_155, %dma_wait3A_156] : memref<10112x128xf32, #tpu.memory_space<hbm>> -> memref<10112x128xf32, #tpu.memory_space<hbm>>
      tpu.wait_indirect_dma semaphore(%arg11 : memref<!tpu.dma_semaphore, #tpu.memory_space<semaphore_mem>>) src(%dma_wait3A_157 : memref<10112x128xf32, #tpu.memory_space<hbm>>) dst(%dma_wait3A_151 : memref<64x128xf32, #tpu.memory_space<vmem>>)
      %add3A_158 = arith.constant 1 : i32
      %add3A_159 = arith.addi %mul3A_91, %add3A_158 : i32
      %dma_start3A_160 = arith.constant 0 : i32
      %dma_start3A_161 = tpu.memref_slice %arg6[%add3A_159, %dma_start3A_160] : memref<40x128xi32, #tpu.memory_space<vmem>> -> memref<1x128xi32, #tpu.memory_space<vmem>>
      %dma_start3A_162 = tpu.memref_squeeze %dma_start3A_161 : memref<1x128xi32, #tpu.memory_space<vmem>> -> memref<128xi32, #tpu.memory_space<vmem>>
      %dma_start3A_163 = arith.constant 0 : i32
      %dma_start3A_164 = arith.constant 0 : i32
      %dma_start3A_165 = tpu.memref_slice %arg9[%dma_start3A_163, %dma_start3A_164] : memref<10240x128xf32, #tpu.memory_space<vmem_shared>> -> memref<10240x128xf32, #tpu.memory_space<vmem_shared>>
      tpu.enqueue_indirect_dma source(%arg8 : memref<128x128xf32, #tpu.memory_space<vmem>>) target(%dma_start3A_165 : memref<10240x128xf32, #tpu.memory_space<vmem_shared>>) offsets(%dma_start3A_162 : memref<128xi32, #tpu.memory_space<vmem>>) semaphore(%arg13 : memref<!tpu.dma_semaphore, #tpu.memory_space<semaphore_mem>>) {add = true}
      %dma_wait3A_166 = arith.constant 0 : i32
      %dma_wait3A_167 = tpu.memref_slice %arg6[%mul3A_91, %dma_wait3A_166] : memref<40x128xi32, #tpu.memory_space<vmem>> -> memref<1x128xi32, #tpu.memory_space<vmem>>
      %dma_wait3A_168 = tpu.memref_squeeze %dma_wait3A_167 : memref<1x128xi32, #tpu.memory_space<vmem>> -> memref<128xi32, #tpu.memory_space<vmem>>
      %dma_wait3A_169 = arith.constant 0 : i32
      %dma_wait3A_170 = arith.constant 0 : i32
      %dma_wait3A_171 = tpu.memref_slice %arg9[%dma_wait3A_169, %dma_wait3A_170] : memref<10240x128xf32, #tpu.memory_space<vmem_shared>> -> memref<10240x128xf32, #tpu.memory_space<vmem_shared>>
      tpu.wait_indirect_dma semaphore(%arg12 : memref<!tpu.dma_semaphore, #tpu.memory_space<semaphore_mem>>) src(%arg7 : memref<128x128xf32, #tpu.memory_space<vmem>>) dst(%dma_wait3A_171 : memref<10240x128xf32, #tpu.memory_space<vmem_shared>>)
      %lt3A = arith.constant 19 : i32
      %lt3A_172 = arith.cmpi slt, %scan3A_88, %lt3A : i32
      %convert_element_type3A_173 = arith.extui %lt3A_172 : i1 to i32
      %cond3A_174 = arith.constant 0 : i32
      %cond3A_175 = arith.cmpi ne, %convert_element_type3A_173, %cond3A_174 : i32
      scf.if %cond3A_175 {
        %add3A_177 = arith.constant 2 : i32
        %add3A_178 = arith.addi %mul3A_91, %add3A_177 : i32
        %dma_start3A_179 = arith.constant 0 : i32
        %dma_start3A_180 = arith.constant 0 : i32
        %dma_start3A_181 = tpu.memref_slice %arg7[%dma_start3A_179, %dma_start3A_180] : memref<128x128xf32, #tpu.memory_space<vmem>> -> memref<64x128xf32, #tpu.memory_space<vmem>>
        %dma_start3A_182 = arith.constant 0 : i32
        %dma_start3A_183 = tpu.memref_slice %arg5[%add3A_178, %dma_start3A_182] : memref<40x128xi32, #tpu.memory_space<vmem>> -> memref<1x64xi32, #tpu.memory_space<vmem>>
        %dma_start3A_184 = tpu.memref_squeeze %dma_start3A_183 : memref<1x64xi32, #tpu.memory_space<vmem>> -> memref<64xi32, #tpu.memory_space<vmem>>
        %dma_start3A_185 = arith.constant 0 : i32
        %dma_start3A_186 = arith.constant 0 : i32
        %dma_start3A_187 = tpu.memref_slice %arg2[%dma_start3A_185, %dma_start3A_186] : memref<10112x128xf32, #tpu.memory_space<hbm>> -> memref<10112x128xf32, #tpu.memory_space<hbm>>
        tpu.enqueue_indirect_dma source(%dma_start3A_187 : memref<10112x128xf32, #tpu.memory_space<hbm>>) target(%dma_start3A_181 : memref<64x128xf32, #tpu.memory_space<vmem>>) offsets(%dma_start3A_184 : memref<64xi32, #tpu.memory_space<vmem>>) semaphore(%arg10 : memref<!tpu.dma_semaphore, #tpu.memory_space<semaphore_mem>>)
        %dma_start3A_188 = arith.constant 64 : i32
        %dma_start3A_189 = arith.constant 0 : i32
        %dma_start3A_190 = tpu.memref_slice %arg7[%dma_start3A_188, %dma_start3A_189] : memref<128x128xf32, #tpu.memory_space<vmem>> -> memref<64x128xf32, #tpu.memory_space<vmem>>
        %dma_start3A_191 = arith.constant 64 : i32
        %dma_start3A_192 = tpu.memref_slice %arg5[%add3A_178, %dma_start3A_191] : memref<40x128xi32, #tpu.memory_space<vmem>> -> memref<1x64xi32, #tpu.memory_space<vmem>>
        %dma_start3A_193 = tpu.memref_squeeze %dma_start3A_192 : memref<1x64xi32, #tpu.memory_space<vmem>> -> memref<64xi32, #tpu.memory_space<vmem>>
        %dma_start3A_194 = arith.constant 0 : i32
        %dma_start3A_195 = arith.constant 0 : i32
        %dma_start3A_196 = tpu.memref_slice %arg2[%dma_start3A_194, %dma_start3A_195] : memref<10112x128xf32, #tpu.memory_space<hbm>> -> memref<10112x128xf32, #tpu.memory_space<hbm>>
        tpu.enqueue_indirect_dma source(%dma_start3A_196 : memref<10112x128xf32, #tpu.memory_space<hbm>>) target(%dma_start3A_190 : memref<64x128xf32, #tpu.memory_space<vmem>>) offsets(%dma_start3A_193 : memref<64xi32, #tpu.memory_space<vmem>>) semaphore(%arg10 : memref<!tpu.dma_semaphore, #tpu.memory_space<semaphore_mem>>)
      } else {
      }
      %scan3A_176 = arith.constant 0 : i32
      scf.yield %scan3A_176 : i32
    }
    %scan3A_40 = arith.constant 20 : i32
    %dma_wait3A = arith.constant 39 : i32
    %dma_wait3A_41 = arith.constant 0 : i32
    %dma_wait3A_42 = tpu.memref_slice %arg6[%dma_wait3A, %dma_wait3A_41] : memref<40x128xi32, #tpu.memory_space<vmem>> -> memref<1x128xi32, #tpu.memory_space<vmem>>
    %dma_wait3A_43 = tpu.memref_squeeze %dma_wait3A_42 : memref<1x128xi32, #tpu.memory_space<vmem>> -> memref<128xi32, #tpu.memory_space<vmem>>
    %dma_wait3A_44 = arith.constant 0 : i32
    %dma_wait3A_45 = arith.constant 0 : i32
    %dma_wait3A_46 = tpu.memref_slice %arg9[%dma_wait3A_44, %dma_wait3A_45] : memref<10240x128xf32, #tpu.memory_space<vmem_shared>> -> memref<10240x128xf32, #tpu.memory_space<vmem_shared>>
    tpu.wait_indirect_dma semaphore(%arg13 : memref<!tpu.dma_semaphore, #tpu.memory_space<semaphore_mem>>) src(%arg8 : memref<128x128xf32, #tpu.memory_space<vmem>>) dst(%dma_wait3A_46 : memref<10240x128xf32, #tpu.memory_space<vmem_shared>>)
    %run_scoped3A_47 = arith.constant 0 : i32
    "tpu.region"() ({
      %run_scoped3A_88 = tpu.sem_alloc : memref<!tpu.dma_semaphore, #tpu.memory_space<semaphore_mem>>
      %dma_start3A_89 = arith.constant 40 : i32
      %dma_start3A_90 = arith.constant 0 : i32
      %dma_start3A_91 = tpu.memref_slice %arg3[%run_scoped3A_47, %add3A, %dma_start3A_89, %dma_start3A_90] : memref<2x32x80x128xi32, #tpu.memory_space<hbm>> -> memref<1x1x40x128xi32, #tpu.memory_space<hbm>>
      %dma_start3A_92 = tpu.memref_squeeze %dma_start3A_91 : memref<1x1x40x128xi32, #tpu.memory_space<hbm>> -> memref<40x128xi32, #tpu.memory_space<hbm>>
      %dma_start3A_93 = arith.constant 40 : i32
      %dma_start3A_94 = arith.constant 0 : i32
      %dma_start3A_95 = tpu.memref_slice %arg3[%run_scoped3A_47, %add3A, %dma_start3A_93, %dma_start3A_94] : memref<2x32x80x128xi32, #tpu.memory_space<hbm>> -> memref<1x1x40x128xi32, #tpu.memory_space<hbm>>
      %dma_start3A_96 = tpu.memref_squeeze %dma_start3A_95 : memref<1x1x40x128xi32, #tpu.memory_space<hbm>> -> memref<40x128xi32, #tpu.memory_space<hbm>>
      tpu.enqueue_dma source(%dma_start3A_96 : memref<40x128xi32, #tpu.memory_space<hbm>>) target(%arg5 : memref<40x128xi32, #tpu.memory_space<vmem>>) target_semaphore(%run_scoped3A_88 : memref<!tpu.dma_semaphore, #tpu.memory_space<semaphore_mem>>)
      %dma_wait3A_97 = arith.constant 40 : i32
      %dma_wait3A_98 = arith.constant 0 : i32
      %dma_wait3A_99 = tpu.memref_slice %arg3[%run_scoped3A_47, %add3A, %dma_wait3A_97, %dma_wait3A_98] : memref<2x32x80x128xi32, #tpu.memory_space<hbm>> -> memref<1x1x40x128xi32, #tpu.memory_space<hbm>>
      %dma_wait3A_100 = tpu.memref_squeeze %dma_wait3A_99 : memref<1x1x40x128xi32, #tpu.memory_space<hbm>> -> memref<40x128xi32, #tpu.memory_space<hbm>>
      %dma_wait3A_101 = arith.constant 40 : i32
      %dma_wait3A_102 = arith.constant 0 : i32
      %dma_wait3A_103 = tpu.memref_slice %arg3[%run_scoped3A_47, %add3A, %dma_wait3A_101, %dma_wait3A_102] : memref<2x32x80x128xi32, #tpu.memory_space<hbm>> -> memref<1x1x40x128xi32, #tpu.memory_space<hbm>>
      %dma_wait3A_104 = tpu.memref_squeeze %dma_wait3A_103 : memref<1x1x40x128xi32, #tpu.memory_space<hbm>> -> memref<40x128xi32, #tpu.memory_space<hbm>>
      tpu.wait_dma2 semaphore(%run_scoped3A_88 : memref<!tpu.dma_semaphore, #tpu.memory_space<semaphore_mem>>) src(%dma_wait3A_104 : memref<40x128xi32, #tpu.memory_space<hbm>>) dst(%arg5 : memref<40x128xi32, #tpu.memory_space<vmem>>)
      tpu.yield
    }) : () -> ()
    %run_scoped3A_48 = arith.constant 1 : i32
    "tpu.region"() ({
      %run_scoped3A_88 = tpu.sem_alloc : memref<!tpu.dma_semaphore, #tpu.memory_space<semaphore_mem>>
      %dma_start3A_89 = arith.constant 40 : i32
      %dma_start3A_90 = arith.constant 0 : i32
      %dma_start3A_91 = tpu.memref_slice %arg3[%run_scoped3A_48, %add3A, %dma_start3A_89, %dma_start3A_90] : memref<2x32x80x128xi32, #tpu.memory_space<hbm>> -> memref<1x1x40x128xi32, #tpu.memory_space<hbm>>
      %dma_start3A_92 = tpu.memref_squeeze %dma_start3A_91 : memref<1x1x40x128xi32, #tpu.memory_space<hbm>> -> memref<40x128xi32, #tpu.memory_space<hbm>>
      %dma_start3A_93 = arith.constant 40 : i32
      %dma_start3A_94 = arith.constant 0 : i32
      %dma_start3A_95 = tpu.memref_slice %arg3[%run_scoped3A_48, %add3A, %dma_start3A_93, %dma_start3A_94] : memref<2x32x80x128xi32, #tpu.memory_space<hbm>> -> memref<1x1x40x128xi32, #tpu.memory_space<hbm>>
      %dma_start3A_96 = tpu.memref_squeeze %dma_start3A_95 : memref<1x1x40x128xi32, #tpu.memory_space<hbm>> -> memref<40x128xi32, #tpu.memory_space<hbm>>
      tpu.enqueue_dma source(%dma_start3A_96 : memref<40x128xi32, #tpu.memory_space<hbm>>) target(%arg6 : memref<40x128xi32, #tpu.memory_space<vmem>>) target_semaphore(%run_scoped3A_88 : memref<!tpu.dma_semaphore, #tpu.memory_space<semaphore_mem>>)
      %dma_wait3A_97 = arith.constant 40 : i32
      %dma_wait3A_98 = arith.constant 0 : i32
      %dma_wait3A_99 = tpu.memref_slice %arg3[%run_scoped3A_48, %add3A, %dma_wait3A_97, %dma_wait3A_98] : memref<2x32x80x128xi32, #tpu.memory_space<hbm>> -> memref<1x1x40x128xi32, #tpu.memory_space<hbm>>
      %dma_wait3A_100 = tpu.memref_squeeze %dma_wait3A_99 : memref<1x1x40x128xi32, #tpu.memory_space<hbm>> -> memref<40x128xi32, #tpu.memory_space<hbm>>
      %dma_wait3A_101 = arith.constant 40 : i32
      %dma_wait3A_102 = arith.constant 0 : i32
      %dma_wait3A_103 = tpu.memref_slice %arg3[%run_scoped3A_48, %add3A, %dma_wait3A_101, %dma_wait3A_102] : memref<2x32x80x128xi32, #tpu.memory_space<hbm>> -> memref<1x1x40x128xi32, #tpu.memory_space<hbm>>
      %dma_wait3A_104 = tpu.memref_squeeze %dma_wait3A_103 : memref<1x1x40x128xi32, #tpu.memory_space<hbm>> -> memref<40x128xi32, #tpu.memory_space<hbm>>
      tpu.wait_dma2 semaphore(%run_scoped3A_88 : memref<!tpu.dma_semaphore, #tpu.memory_space<semaphore_mem>>) src(%dma_wait3A_104 : memref<40x128xi32, #tpu.memory_space<hbm>>) dst(%arg6 : memref<40x128xi32, #tpu.memory_space<vmem>>)
      tpu.yield
    }) : () -> ()
    %dma_start3A_49 = arith.constant 0 : i32
    %dma_start3A_50 = arith.constant 0 : i32
    %dma_start3A_51 = arith.constant 0 : i32
    %dma_start3A_52 = tpu.memref_slice %arg7[%dma_start3A_50, %dma_start3A_51] : memref<128x128xf32, #tpu.memory_space<vmem>> -> memref<64x128xf32, #tpu.memory_space<vmem>>
    %dma_start3A_53 = arith.constant 0 : i32
    %dma_start3A_54 = tpu.memref_slice %arg5[%dma_start3A_49, %dma_start3A_53] : memref<40x128xi32, #tpu.memory_space<vmem>> -> memref<1x64xi32, #tpu.memory_space<vmem>>
    %dma_start3A_55 = tpu.memref_squeeze %dma_start3A_54 : memref<1x64xi32, #tpu.memory_space<vmem>> -> memref<64xi32, #tpu.memory_space<vmem>>
    %dma_start3A_56 = arith.constant 0 : i32
    %dma_start3A_57 = arith.constant 0 : i32
    %dma_start3A_58 = tpu.memref_slice %arg2[%dma_start3A_56, %dma_start3A_57] : memref<10112x128xf32, #tpu.memory_space<hbm>> -> memref<10112x128xf32, #tpu.memory_space<hbm>>
    tpu.enqueue_indirect_dma source(%dma_start3A_58 : memref<10112x128xf32, #tpu.memory_space<hbm>>) target(%dma_start3A_52 : memref<64x128xf32, #tpu.memory_space<vmem>>) offsets(%dma_start3A_55 : memref<64xi32, #tpu.memory_space<vmem>>) semaphore(%arg10 : memref<!tpu.dma_semaphore, #tpu.memory_space<semaphore_mem>>)
    %dma_start3A_59 = arith.constant 0 : i32
    %dma_start3A_60 = arith.constant 64 : i32
    %dma_start3A_61 = arith.constant 0 : i32
    %dma_start3A_62 = tpu.memref_slice %arg7[%dma_start3A_60, %dma_start3A_61] : memref<128x128xf32, #tpu.memory_space<vmem>> -> memref<64x128xf32, #tpu.memory_space<vmem>>
    %dma_start3A_63 = arith.constant 64 : i32
    %dma_start3A_64 = tpu.memref_slice %arg5[%dma_start3A_59, %dma_start3A_63] : memref<40x128xi32, #tpu.memory_space<vmem>> -> memref<1x64xi32, #tpu.memory_space<vmem>>
    %dma_start3A_65 = tpu.memref_squeeze %dma_start3A_64 : memref<1x64xi32, #tpu.memory_space<vmem>> -> memref<64xi32, #tpu.memory_space<vmem>>
    %dma_start3A_66 = arith.constant 0 : i32
    %dma_start3A_67 = arith.constant 0 : i32
    %dma_start3A_68 = tpu.memref_slice %arg2[%dma_start3A_66, %dma_start3A_67] : memref<10112x128xf32, #tpu.memory_space<hbm>> -> memref<10112x128xf32, #tpu.memory_space<hbm>>
    tpu.enqueue_indirect_dma source(%dma_start3A_68 : memref<10112x128xf32, #tpu.memory_space<hbm>>) target(%dma_start3A_62 : memref<64x128xf32, #tpu.memory_space<vmem>>) offsets(%dma_start3A_65 : memref<64xi32, #tpu.memory_space<vmem>>) semaphore(%arg10 : memref<!tpu.dma_semaphore, #tpu.memory_space<semaphore_mem>>)
    %scan3A_69 = arith.constant 0 : i32
    %scan3A_70 = arith.constant 0 : i32
    %scan3A_71 = arith.constant 20 : i32
    %scan3A_72 = arith.addi %scan3A_70, %scan3A_71 : i32
    %scan3A_73 = arith.constant 1 : i32
    %scan3A_74 = scf.for %scan3A_88 = %scan3A_70 to %scan3A_72 step %scan3A_73 iter_args(%scan3A_89 = %scan3A_69) -> (i32)  : i32 {
      %mul3A_90 = arith.constant 2 : i32
      %mul3A_91 = arith.muli %mul3A_90, %scan3A_88 : i32
      %dma_wait3A_92 = arith.constant 0 : i32
      %dma_wait3A_93 = arith.constant 0 : i32
      %dma_wait3A_94 = tpu.memref_slice %arg7[%dma_wait3A_92, %dma_wait3A_93] : memref<128x128xf32, #tpu.memory_space<vmem>> -> memref<64x128xf32, #tpu.memory_space<vmem>>
      %dma_wait3A_95 = arith.constant 0 : i32
      %dma_wait3A_96 = tpu.memref_slice %arg5[%mul3A_91, %dma_wait3A_95] : memref<40x128xi32, #tpu.memory_space<vmem>> -> memref<1x64xi32, #tpu.memory_space<vmem>>
      %dma_wait3A_97 = tpu.memref_squeeze %dma_wait3A_96 : memref<1x64xi32, #tpu.memory_space<vmem>> -> memref<64xi32, #tpu.memory_space<vmem>>
      %dma_wait3A_98 = arith.constant 0 : i32
      %dma_wait3A_99 = arith.constant 0 : i32
      %dma_wait3A_100 = tpu.memref_slice %arg2[%dma_wait3A_98, %dma_wait3A_99] : memref<10112x128xf32, #tpu.memory_space<hbm>> -> memref<10112x128xf32, #tpu.memory_space<hbm>>
      tpu.wait_indirect_dma semaphore(%arg10 : memref<!tpu.dma_semaphore, #tpu.memory_space<semaphore_mem>>) src(%dma_wait3A_100 : memref<10112x128xf32, #tpu.memory_space<hbm>>) dst(%dma_wait3A_94 : memref<64x128xf32, #tpu.memory_space<vmem>>)
      %dma_wait3A_101 = arith.constant 64 : i32
      %dma_wait3A_102 = arith.constant 0 : i32
      %dma_wait3A_103 = tpu.memref_slice %arg7[%dma_wait3A_101, %dma_wait3A_102] : memref<128x128xf32, #tpu.memory_space<vmem>> -> memref<64x128xf32, #tpu.memory_space<vmem>>
      %dma_wait3A_104 = arith.constant 64 : i32
      %dma_wait3A_105 = tpu.memref_slice %arg5[%mul3A_91, %dma_wait3A_104] : memref<40x128xi32, #tpu.memory_space<vmem>> -> memref<1x64xi32, #tpu.memory_space<vmem>>
      %dma_wait3A_106 = tpu.memref_squeeze %dma_wait3A_105 : memref<1x64xi32, #tpu.memory_space<vmem>> -> memref<64xi32, #tpu.memory_space<vmem>>
      %dma_wait3A_107 = arith.constant 0 : i32
      %dma_wait3A_108 = arith.constant 0 : i32
      %dma_wait3A_109 = tpu.memref_slice %arg2[%dma_wait3A_107, %dma_wait3A_108] : memref<10112x128xf32, #tpu.memory_space<hbm>> -> memref<10112x128xf32, #tpu.memory_space<hbm>>
      tpu.wait_indirect_dma semaphore(%arg10 : memref<!tpu.dma_semaphore, #tpu.memory_space<semaphore_mem>>) src(%dma_wait3A_109 : memref<10112x128xf32, #tpu.memory_space<hbm>>) dst(%dma_wait3A_103 : memref<64x128xf32, #tpu.memory_space<vmem>>)
      %dma_start3A_110 = arith.constant 0 : i32
      %dma_start3A_111 = tpu.memref_slice %arg6[%mul3A_91, %dma_start3A_110] : memref<40x128xi32, #tpu.memory_space<vmem>> -> memref<1x128xi32, #tpu.memory_space<vmem>>
      %dma_start3A_112 = tpu.memref_squeeze %dma_start3A_111 : memref<1x128xi32, #tpu.memory_space<vmem>> -> memref<128xi32, #tpu.memory_space<vmem>>
      %dma_start3A_113 = arith.constant 0 : i32
      %dma_start3A_114 = arith.constant 0 : i32
      %dma_start3A_115 = tpu.memref_slice %arg9[%dma_start3A_113, %dma_start3A_114] : memref<10240x128xf32, #tpu.memory_space<vmem_shared>> -> memref<10240x128xf32, #tpu.memory_space<vmem_shared>>
      tpu.enqueue_indirect_dma source(%arg7 : memref<128x128xf32, #tpu.memory_space<vmem>>) target(%dma_start3A_115 : memref<10240x128xf32, #tpu.memory_space<vmem_shared>>) offsets(%dma_start3A_112 : memref<128xi32, #tpu.memory_space<vmem>>) semaphore(%arg12 : memref<!tpu.dma_semaphore, #tpu.memory_space<semaphore_mem>>) {add = true}
      %gt3A = arith.constant 0 : i32
      %gt3A_116 = arith.cmpi sgt, %scan3A_88, %gt3A : i32
      %convert_element_type3A = arith.extui %gt3A_116 : i1 to i32
      %cond3A = arith.constant 0 : i32
      %cond3A_117 = arith.cmpi ne, %convert_element_type3A, %cond3A : i32
      scf.if %cond3A_117 {
        %sub3A = arith.constant 1 : i32
        %sub3A_177 = arith.subi %mul3A_91, %sub3A : i32
        %dma_wait3A_178 = arith.constant 0 : i32
        %dma_wait3A_179 = tpu.memref_slice %arg6[%sub3A_177, %dma_wait3A_178] : memref<40x128xi32, #tpu.memory_space<vmem>> -> memref<1x128xi32, #tpu.memory_space<vmem>>
        %dma_wait3A_180 = tpu.memref_squeeze %dma_wait3A_179 : memref<1x128xi32, #tpu.memory_space<vmem>> -> memref<128xi32, #tpu.memory_space<vmem>>
        %dma_wait3A_181 = arith.constant 0 : i32
        %dma_wait3A_182 = arith.constant 0 : i32
        %dma_wait3A_183 = tpu.memref_slice %arg9[%dma_wait3A_181, %dma_wait3A_182] : memref<10240x128xf32, #tpu.memory_space<vmem_shared>> -> memref<10240x128xf32, #tpu.memory_space<vmem_shared>>
        tpu.wait_indirect_dma semaphore(%arg13 : memref<!tpu.dma_semaphore, #tpu.memory_space<semaphore_mem>>) src(%arg8 : memref<128x128xf32, #tpu.memory_space<vmem>>) dst(%dma_wait3A_183 : memref<10240x128xf32, #tpu.memory_space<vmem_shared>>)
      } else {
      }
      %add3A_118 = arith.constant 1 : i32
      %add3A_119 = arith.addi %mul3A_91, %add3A_118 : i32
      %dma_start3A_120 = arith.constant 0 : i32
      %dma_start3A_121 = arith.constant 0 : i32
      %dma_start3A_122 = tpu.memref_slice %arg8[%dma_start3A_120, %dma_start3A_121] : memref<128x128xf32, #tpu.memory_space<vmem>> -> memref<64x128xf32, #tpu.memory_space<vmem>>
      %dma_start3A_123 = arith.constant 0 : i32
      %dma_start3A_124 = tpu.memref_slice %arg5[%add3A_119, %dma_start3A_123] : memref<40x128xi32, #tpu.memory_space<vmem>> -> memref<1x64xi32, #tpu.memory_space<vmem>>
      %dma_start3A_125 = tpu.memref_squeeze %dma_start3A_124 : memref<1x64xi32, #tpu.memory_space<vmem>> -> memref<64xi32, #tpu.memory_space<vmem>>
      %dma_start3A_126 = arith.constant 0 : i32
      %dma_start3A_127 = arith.constant 0 : i32
      %dma_start3A_128 = tpu.memref_slice %arg2[%dma_start3A_126, %dma_start3A_127] : memref<10112x128xf32, #tpu.memory_space<hbm>> -> memref<10112x128xf32, #tpu.memory_space<hbm>>
      tpu.enqueue_indirect_dma source(%dma_start3A_128 : memref<10112x128xf32, #tpu.memory_space<hbm>>) target(%dma_start3A_122 : memref<64x128xf32, #tpu.memory_space<vmem>>) offsets(%dma_start3A_125 : memref<64xi32, #tpu.memory_space<vmem>>) semaphore(%arg11 : memref<!tpu.dma_semaphore, #tpu.memory_space<semaphore_mem>>)
      %dma_start3A_129 = arith.constant 64 : i32
      %dma_start3A_130 = arith.constant 0 : i32
      %dma_start3A_131 = tpu.memref_slice %arg8[%dma_start3A_129, %dma_start3A_130] : memref<128x128xf32, #tpu.memory_space<vmem>> -> memref<64x128xf32, #tpu.memory_space<vmem>>
      %dma_start3A_132 = arith.constant 64 : i32
      %dma_start3A_133 = tpu.memref_slice %arg5[%add3A_119, %dma_start3A_132] : memref<40x128xi32, #tpu.memory_space<vmem>> -> memref<1x64xi32, #tpu.memory_space<vmem>>
      %dma_start3A_134 = tpu.memref_squeeze %dma_start3A_133 : memref<1x64xi32, #tpu.memory_space<vmem>> -> memref<64xi32, #tpu.memory_space<vmem>>
      %dma_start3A_135 = arith.constant 0 : i32
      %dma_start3A_136 = arith.constant 0 : i32
      %dma_start3A_137 = tpu.memref_slice %arg2[%dma_start3A_135, %dma_start3A_136] : memref<10112x128xf32, #tpu.memory_space<hbm>> -> memref<10112x128xf32, #tpu.memory_space<hbm>>
      tpu.enqueue_indirect_dma source(%dma_start3A_137 : memref<10112x128xf32, #tpu.memory_space<hbm>>) target(%dma_start3A_131 : memref<64x128xf32, #tpu.memory_space<vmem>>) offsets(%dma_start3A_134 : memref<64xi32, #tpu.memory_space<vmem>>) semaphore(%arg11 : memref<!tpu.dma_semaphore, #tpu.memory_space<semaphore_mem>>)
      %add3A_138 = arith.constant 1 : i32
      %add3A_139 = arith.addi %mul3A_91, %add3A_138 : i32
      %dma_wait3A_140 = arith.constant 0 : i32
      %dma_wait3A_141 = arith.constant 0 : i32
      %dma_wait3A_142 = tpu.memref_slice %arg8[%dma_wait3A_140, %dma_wait3A_141] : memref<128x128xf32, #tpu.memory_space<vmem>> -> memref<64x128xf32, #tpu.memory_space<vmem>>
      %dma_wait3A_143 = arith.constant 0 : i32
      %dma_wait3A_144 = tpu.memref_slice %arg5[%add3A_139, %dma_wait3A_143] : memref<40x128xi32, #tpu.memory_space<vmem>> -> memref<1x64xi32, #tpu.memory_space<vmem>>
      %dma_wait3A_145 = tpu.memref_squeeze %dma_wait3A_144 : memref<1x64xi32, #tpu.memory_space<vmem>> -> memref<64xi32, #tpu.memory_space<vmem>>
      %dma_wait3A_146 = arith.constant 0 : i32
      %dma_wait3A_147 = arith.constant 0 : i32
      %dma_wait3A_148 = tpu.memref_slice %arg2[%dma_wait3A_146, %dma_wait3A_147] : memref<10112x128xf32, #tpu.memory_space<hbm>> -> memref<10112x128xf32, #tpu.memory_space<hbm>>
      tpu.wait_indirect_dma semaphore(%arg11 : memref<!tpu.dma_semaphore, #tpu.memory_space<semaphore_mem>>) src(%dma_wait3A_148 : memref<10112x128xf32, #tpu.memory_space<hbm>>) dst(%dma_wait3A_142 : memref<64x128xf32, #tpu.memory_space<vmem>>)
      %dma_wait3A_149 = arith.constant 64 : i32
      %dma_wait3A_150 = arith.constant 0 : i32
      %dma_wait3A_151 = tpu.memref_slice %arg8[%dma_wait3A_149, %dma_wait3A_150] : memref<128x128xf32, #tpu.memory_space<vmem>> -> memref<64x128xf32, #tpu.memory_space<vmem>>
      %dma_wait3A_152 = arith.constant 64 : i32
      %dma_wait3A_153 = tpu.memref_slice %arg5[%add3A_139, %dma_wait3A_152] : memref<40x128xi32, #tpu.memory_space<vmem>> -> memref<1x64xi32, #tpu.memory_space<vmem>>
      %dma_wait3A_154 = tpu.memref_squeeze %dma_wait3A_153 : memref<1x64xi32, #tpu.memory_space<vmem>> -> memref<64xi32, #tpu.memory_space<vmem>>
      %dma_wait3A_155 = arith.constant 0 : i32
      %dma_wait3A_156 = arith.constant 0 : i32
      %dma_wait3A_157 = tpu.memref_slice %arg2[%dma_wait3A_155, %dma_wait3A_156] : memref<10112x128xf32, #tpu.memory_space<hbm>> -> memref<10112x128xf32, #tpu.memory_space<hbm>>
      tpu.wait_indirect_dma semaphore(%arg11 : memref<!tpu.dma_semaphore, #tpu.memory_space<semaphore_mem>>) src(%dma_wait3A_157 : memref<10112x128xf32, #tpu.memory_space<hbm>>) dst(%dma_wait3A_151 : memref<64x128xf32, #tpu.memory_space<vmem>>)
      %add3A_158 = arith.constant 1 : i32
      %add3A_159 = arith.addi %mul3A_91, %add3A_158 : i32
      %dma_start3A_160 = arith.constant 0 : i32
      %dma_start3A_161 = tpu.memref_slice %arg6[%add3A_159, %dma_start3A_160] : memref<40x128xi32, #tpu.memory_space<vmem>> -> memref<1x128xi32, #tpu.memory_space<vmem>>
      %dma_start3A_162 = tpu.memref_squeeze %dma_start3A_161 : memref<1x128xi32, #tpu.memory_space<vmem>> -> memref<128xi32, #tpu.memory_space<vmem>>
      %dma_start3A_163 = arith.constant 0 : i32
      %dma_start3A_164 = arith.constant 0 : i32
      %dma_start3A_165 = tpu.memref_slice %arg9[%dma_start3A_163, %dma_start3A_164] : memref<10240x128xf32, #tpu.memory_space<vmem_shared>> -> memref<10240x128xf32, #tpu.memory_space<vmem_shared>>
      tpu.enqueue_indirect_dma source(%arg8 : memref<128x128xf32, #tpu.memory_space<vmem>>) target(%dma_start3A_165 : memref<10240x128xf32, #tpu.memory_space<vmem_shared>>) offsets(%dma_start3A_162 : memref<128xi32, #tpu.memory_space<vmem>>) semaphore(%arg13 : memref<!tpu.dma_semaphore, #tpu.memory_space<semaphore_mem>>) {add = true}
      %dma_wait3A_166 = arith.constant 0 : i32
      %dma_wait3A_167 = tpu.memref_slice %arg6[%mul3A_91, %dma_wait3A_166] : memref<40x128xi32, #tpu.memory_space<vmem>> -> memref<1x128xi32, #tpu.memory_space<vmem>>
      %dma_wait3A_168 = tpu.memref_squeeze %dma_wait3A_167 : memref<1x128xi32, #tpu.memory_space<vmem>> -> memref<128xi32, #tpu.memory_space<vmem>>
      %dma_wait3A_169 = arith.constant 0 : i32
      %dma_wait3A_170 = arith.constant 0 : i32
      %dma_wait3A_171 = tpu.memref_slice %arg9[%dma_wait3A_169, %dma_wait3A_170] : memref<10240x128xf32, #tpu.memory_space<vmem_shared>> -> memref<10240x128xf32, #tpu.memory_space<vmem_shared>>
      tpu.wait_indirect_dma semaphore(%arg12 : memref<!tpu.dma_semaphore, #tpu.memory_space<semaphore_mem>>) src(%arg7 : memref<128x128xf32, #tpu.memory_space<vmem>>) dst(%dma_wait3A_171 : memref<10240x128xf32, #tpu.memory_space<vmem_shared>>)
      %lt3A = arith.constant 19 : i32
      %lt3A_172 = arith.cmpi slt, %scan3A_88, %lt3A : i32
      %convert_element_type3A_173 = arith.extui %lt3A_172 : i1 to i32
      %cond3A_174 = arith.constant 0 : i32
      %cond3A_175 = arith.cmpi ne, %convert_element_type3A_173, %cond3A_174 : i32
      scf.if %cond3A_175 {
        %add3A_177 = arith.constant 2 : i32
        %add3A_178 = arith.addi %mul3A_91, %add3A_177 : i32
        %dma_start3A_179 = arith.constant 0 : i32
        %dma_start3A_180 = arith.constant 0 : i32
        %dma_start3A_181 = tpu.memref_slice %arg7[%dma_start3A_179, %dma_start3A_180] : memref<128x128xf32, #tpu.memory_space<vmem>> -> memref<64x128xf32, #tpu.memory_space<vmem>>
        %dma_start3A_182 = arith.constant 0 : i32
        %dma_start3A_183 = tpu.memref_slice %arg5[%add3A_178, %dma_start3A_182] : memref<40x128xi32, #tpu.memory_space<vmem>> -> memref<1x64xi32, #tpu.memory_space<vmem>>
        %dma_start3A_184 = tpu.memref_squeeze %dma_start3A_183 : memref<1x64xi32, #tpu.memory_space<vmem>> -> memref<64xi32, #tpu.memory_space<vmem>>
        %dma_start3A_185 = arith.constant 0 : i32
        %dma_start3A_186 = arith.constant 0 : i32
        %dma_start3A_187 = tpu.memref_slice %arg2[%dma_start3A_185, %dma_start3A_186] : memref<10112x128xf32, #tpu.memory_space<hbm>> -> memref<10112x128xf32, #tpu.memory_space<hbm>>
        tpu.enqueue_indirect_dma source(%dma_start3A_187 : memref<10112x128xf32, #tpu.memory_space<hbm>>) target(%dma_start3A_181 : memref<64x128xf32, #tpu.memory_space<vmem>>) offsets(%dma_start3A_184 : memref<64xi32, #tpu.memory_space<vmem>>) semaphore(%arg10 : memref<!tpu.dma_semaphore, #tpu.memory_space<semaphore_mem>>)
        %dma_start3A_188 = arith.constant 64 : i32
        %dma_start3A_189 = arith.constant 0 : i32
        %dma_start3A_190 = tpu.memref_slice %arg7[%dma_start3A_188, %dma_start3A_189] : memref<128x128xf32, #tpu.memory_space<vmem>> -> memref<64x128xf32, #tpu.memory_space<vmem>>
        %dma_start3A_191 = arith.constant 64 : i32
        %dma_start3A_192 = tpu.memref_slice %arg5[%add3A_178, %dma_start3A_191] : memref<40x128xi32, #tpu.memory_space<vmem>> -> memref<1x64xi32, #tpu.memory_space<vmem>>
        %dma_start3A_193 = tpu.memref_squeeze %dma_start3A_192 : memref<1x64xi32, #tpu.memory_space<vmem>> -> memref<64xi32, #tpu.memory_space<vmem>>
        %dma_start3A_194 = arith.constant 0 : i32
        %dma_start3A_195 = arith.constant 0 : i32
        %dma_start3A_196 = tpu.memref_slice %arg2[%dma_start3A_194, %dma_start3A_195] : memref<10112x128xf32, #tpu.memory_space<hbm>> -> memref<10112x128xf32, #tpu.memory_space<hbm>>
        tpu.enqueue_indirect_dma source(%dma_start3A_196 : memref<10112x128xf32, #tpu.memory_space<hbm>>) target(%dma_start3A_190 : memref<64x128xf32, #tpu.memory_space<vmem>>) offsets(%dma_start3A_193 : memref<64xi32, #tpu.memory_space<vmem>>) semaphore(%arg10 : memref<!tpu.dma_semaphore, #tpu.memory_space<semaphore_mem>>)
      } else {
      }
      %scan3A_176 = arith.constant 0 : i32
      scf.yield %scan3A_176 : i32
    }
    %scan3A_75 = arith.constant 20 : i32
    %dma_wait3A_76 = arith.constant 39 : i32
    %dma_wait3A_77 = arith.constant 0 : i32
    %dma_wait3A_78 = tpu.memref_slice %arg6[%dma_wait3A_76, %dma_wait3A_77] : memref<40x128xi32, #tpu.memory_space<vmem>> -> memref<1x128xi32, #tpu.memory_space<vmem>>
    %dma_wait3A_79 = tpu.memref_squeeze %dma_wait3A_78 : memref<1x128xi32, #tpu.memory_space<vmem>> -> memref<128xi32, #tpu.memory_space<vmem>>
    %dma_wait3A_80 = arith.constant 0 : i32
    %dma_wait3A_81 = arith.constant 0 : i32
    %dma_wait3A_82 = tpu.memref_slice %arg9[%dma_wait3A_80, %dma_wait3A_81] : memref<10240x128xf32, #tpu.memory_space<vmem_shared>> -> memref<10240x128xf32, #tpu.memory_space<vmem_shared>>
    tpu.wait_indirect_dma semaphore(%arg13 : memref<!tpu.dma_semaphore, #tpu.memory_space<semaphore_mem>>) src(%arg8 : memref<128x128xf32, #tpu.memory_space<vmem>>) dst(%dma_wait3A_82 : memref<10240x128xf32, #tpu.memory_space<vmem_shared>>)
    %barrier3A_83 = arith.constant 0 : index
    tpu.barrier barrier_id(%barrier3A_83)
    %mul3A_84 = arith.constant 640 : i32
    %mul3A_85 = arith.muli %arg1, %mul3A_84 : i32
    %mul3A_86 = arith.constant 640 : i32
    %mul3A_87 = arith.muli %arg1, %mul3A_86 : i32
    "tpu.region"() ({
      %run_scoped3A_88 = tpu.sem_alloc : memref<!tpu.dma_semaphore, #tpu.memory_space<semaphore_mem>>
      %dma_start3A_89 = arith.constant 0 : i32
      %dma_start3A_90 = tpu.memref_slice %arg4[%arg0, %mul3A_87, %dma_start3A_89] : memref<2x10240x128xf32, #tpu.memory_space<hbm>> -> memref<1x640x128xf32, #tpu.memory_space<hbm>>
      %dma_start3A_91 = tpu.memref_squeeze %dma_start3A_90 : memref<1x640x128xf32, #tpu.memory_space<hbm>> -> memref<640x128xf32, #tpu.memory_space<hbm>>
      %dma_start3A_92 = arith.constant 0 : i32
      %dma_start3A_93 = tpu.memref_slice %arg9[%mul3A_85, %dma_start3A_92] : memref<10240x128xf32, #tpu.memory_space<vmem_shared>> -> memref<640x128xf32, #tpu.memory_space<vmem_shared>>
      tpu.enqueue_dma source(%dma_start3A_93 : memref<640x128xf32, #tpu.memory_space<vmem_shared>>) target(%dma_start3A_91 : memref<640x128xf32, #tpu.memory_space<hbm>>) target_semaphore(%run_scoped3A_88 : memref<!tpu.dma_semaphore, #tpu.memory_space<semaphore_mem>>)
      %dma_wait3A_94 = arith.constant 0 : i32
      %dma_wait3A_95 = tpu.memref_slice %arg4[%arg0, %mul3A_87, %dma_wait3A_94] : memref<2x10240x128xf32, #tpu.memory_space<hbm>> -> memref<1x640x128xf32, #tpu.memory_space<hbm>>
      %dma_wait3A_96 = tpu.memref_squeeze %dma_wait3A_95 : memref<1x640x128xf32, #tpu.memory_space<hbm>> -> memref<640x128xf32, #tpu.memory_space<hbm>>
      %dma_wait3A_97 = arith.constant 0 : i32
      %dma_wait3A_98 = tpu.memref_slice %arg9[%mul3A_85, %dma_wait3A_97] : memref<10240x128xf32, #tpu.memory_space<vmem_shared>> -> memref<640x128xf32, #tpu.memory_space<vmem_shared>>
      tpu.wait_dma2 semaphore(%run_scoped3A_88 : memref<!tpu.dma_semaphore, #tpu.memory_space<semaphore_mem>>) src(%dma_wait3A_98 : memref<640x128xf32, #tpu.memory_space<vmem_shared>>) dst(%dma_wait3A_96 : memref<640x128xf32, #tpu.memory_space<hbm>>)
      tpu.yield
    }) : () -> ()
    return
  }
}

#map = affine_map<(d0, d1) -> (0, 0, 0)>
#map1 = affine_map<(d0, d1) -> (0, 0)>
module attributes {stable_mosaic.version = 14 : i64} {
  func.func @_sc_degree_body(%arg0: i32, %arg1: i32, %arg2: memref<2x2500x128xi32, #tpu.memory_space<hbm>>, %arg3: memref<2x10240xf32, #tpu.memory_space<hbm>>, %arg4: memref<80x128xi32, #tpu.memory_space<vmem>>, %arg5: memref<128xf32, #tpu.memory_space<vmem>>, %arg6: memref<640xf32, #tpu.memory_space<vmem>>, %arg7: memref<10240xf32, #tpu.memory_space<vmem_shared>>, %arg8: memref<!tpu.dma_semaphore, #tpu.memory_space<semaphore_mem>>) attributes {dimension_semantics = [#tpu.dimension_semantics<core_parallel>, #tpu.dimension_semantics<subcore_parallel>], iteration_bounds = array<i64: 2, 16>, scalar_prefetch = 0 : i64, scratch_operands = 5 : i64, tpu.core_type = #tpu.core_type<sc_vector_subcore>, window_params = [{transform_indices = #map}, {transform_indices = #map1}]} {
    %mul3A = arith.constant 2 : i32
    %mul3A_0 = arith.muli %arg1, %mul3A : i32
    %add3A = arith.addi %mul3A_0, %arg0 : i32
    %lt3A = arith.constant 31 : i32
    %lt3A_1 = arith.cmpi slt, %add3A, %lt3A : i32
    %jit3A = arith.constant 80 : i32
    %jit3A_2 = arith.constant 20 : i32
    %select_n3A = arith.select %lt3A_1, %jit3A, %jit3A_2 : i32
    %lt3A_3 = arith.constant 31 : i32
    %lt3A_4 = arith.cmpi slt, %add3A, %lt3A_3 : i32
    %convert_element_type3A = arith.extui %lt3A_4 : i1 to i32
    %cond3A = arith.constant 0 : i32
    %cond3A_5 = arith.cmpi ne, %convert_element_type3A, %cond3A : i32
    scf.if %cond3A_5 {
      %mul3A_48 = arith.constant 80 : i32
      %mul3A_49 = arith.muli %add3A, %mul3A_48 : i32
      %run_scoped3A = arith.constant 1 : i32
      "tpu.region"() ({
        %run_scoped3A_50 = tpu.sem_alloc : memref<!tpu.dma_semaphore, #tpu.memory_space<semaphore_mem>>
        %dma_start3A = arith.constant 0 : i32
        %dma_start3A_51 = tpu.memref_slice %arg2[%run_scoped3A, %mul3A_49, %dma_start3A] : memref<2x2500x128xi32, #tpu.memory_space<hbm>> -> memref<1x80x128xi32, #tpu.memory_space<hbm>>
        %dma_start3A_52 = tpu.memref_squeeze %dma_start3A_51 : memref<1x80x128xi32, #tpu.memory_space<hbm>> -> memref<80x128xi32, #tpu.memory_space<hbm>>
        %dma_start3A_53 = arith.constant 0 : i32
        %dma_start3A_54 = tpu.memref_slice %arg2[%run_scoped3A, %mul3A_49, %dma_start3A_53] : memref<2x2500x128xi32, #tpu.memory_space<hbm>> -> memref<1x80x128xi32, #tpu.memory_space<hbm>>
        %dma_start3A_55 = tpu.memref_squeeze %dma_start3A_54 : memref<1x80x128xi32, #tpu.memory_space<hbm>> -> memref<80x128xi32, #tpu.memory_space<hbm>>
        tpu.enqueue_dma source(%dma_start3A_55 : memref<80x128xi32, #tpu.memory_space<hbm>>) target(%arg4 : memref<80x128xi32, #tpu.memory_space<vmem>>) target_semaphore(%run_scoped3A_50 : memref<!tpu.dma_semaphore, #tpu.memory_space<semaphore_mem>>)
        %dma_wait3A = arith.constant 0 : i32
        %dma_wait3A_56 = tpu.memref_slice %arg2[%run_scoped3A, %mul3A_49, %dma_wait3A] : memref<2x2500x128xi32, #tpu.memory_space<hbm>> -> memref<1x80x128xi32, #tpu.memory_space<hbm>>
        %dma_wait3A_57 = tpu.memref_squeeze %dma_wait3A_56 : memref<1x80x128xi32, #tpu.memory_space<hbm>> -> memref<80x128xi32, #tpu.memory_space<hbm>>
        %dma_wait3A_58 = arith.constant 0 : i32
        %dma_wait3A_59 = tpu.memref_slice %arg2[%run_scoped3A, %mul3A_49, %dma_wait3A_58] : memref<2x2500x128xi32, #tpu.memory_space<hbm>> -> memref<1x80x128xi32, #tpu.memory_space<hbm>>
        %dma_wait3A_60 = tpu.memref_squeeze %dma_wait3A_59 : memref<1x80x128xi32, #tpu.memory_space<hbm>> -> memref<80x128xi32, #tpu.memory_space<hbm>>
        tpu.wait_dma2 semaphore(%run_scoped3A_50 : memref<!tpu.dma_semaphore, #tpu.memory_space<semaphore_mem>>) src(%dma_wait3A_60 : memref<80x128xi32, #tpu.memory_space<hbm>>) dst(%arg4 : memref<80x128xi32, #tpu.memory_space<vmem>>)
        tpu.yield
      }) : () -> ()
    } else {
    }
    %eq3A = arith.constant 31 : i32
    %eq3A_6 = arith.cmpi eq, %add3A, %eq3A : i32
    %convert_element_type3A_7 = arith.extui %eq3A_6 : i1 to i32
    %cond3A_8 = arith.constant 0 : i32
    %cond3A_9 = arith.cmpi ne, %convert_element_type3A_7, %cond3A_8 : i32
    scf.if %cond3A_9 {
      %run_scoped3A = arith.constant 1 : i32
      "tpu.region"() ({
        %run_scoped3A_48 = tpu.sem_alloc : memref<!tpu.dma_semaphore, #tpu.memory_space<semaphore_mem>>
        %dma_start3A = arith.constant 0 : i32
        %dma_start3A_49 = arith.constant 0 : i32
        %dma_start3A_50 = tpu.memref_slice %arg4[%dma_start3A, %dma_start3A_49] : memref<80x128xi32, #tpu.memory_space<vmem>> -> memref<20x128xi32, #tpu.memory_space<vmem>>
        %dma_start3A_51 = arith.constant 2480 : i32
        %dma_start3A_52 = arith.constant 0 : i32
        %dma_start3A_53 = tpu.memref_slice %arg2[%run_scoped3A, %dma_start3A_51, %dma_start3A_52] : memref<2x2500x128xi32, #tpu.memory_space<hbm>> -> memref<1x20x128xi32, #tpu.memory_space<hbm>>
        %dma_start3A_54 = tpu.memref_squeeze %dma_start3A_53 : memref<1x20x128xi32, #tpu.memory_space<hbm>> -> memref<20x128xi32, #tpu.memory_space<hbm>>
        %dma_start3A_55 = arith.constant 0 : i32
        %dma_start3A_56 = arith.constant 0 : i32
        %dma_start3A_57 = tpu.memref_slice %arg4[%dma_start3A_55, %dma_start3A_56] : memref<80x128xi32, #tpu.memory_space<vmem>> -> memref<20x128xi32, #tpu.memory_space<vmem>>
        %dma_start3A_58 = arith.constant 2480 : i32
        %dma_start3A_59 = arith.constant 0 : i32
        %dma_start3A_60 = tpu.memref_slice %arg2[%run_scoped3A, %dma_start3A_58, %dma_start3A_59] : memref<2x2500x128xi32, #tpu.memory_space<hbm>> -> memref<1x20x128xi32, #tpu.memory_space<hbm>>
        %dma_start3A_61 = tpu.memref_squeeze %dma_start3A_60 : memref<1x20x128xi32, #tpu.memory_space<hbm>> -> memref<20x128xi32, #tpu.memory_space<hbm>>
        tpu.enqueue_dma source(%dma_start3A_61 : memref<20x128xi32, #tpu.memory_space<hbm>>) target(%dma_start3A_57 : memref<20x128xi32, #tpu.memory_space<vmem>>) target_semaphore(%run_scoped3A_48 : memref<!tpu.dma_semaphore, #tpu.memory_space<semaphore_mem>>)
        %dma_wait3A = arith.constant 0 : i32
        %dma_wait3A_62 = arith.constant 0 : i32
        %dma_wait3A_63 = tpu.memref_slice %arg4[%dma_wait3A, %dma_wait3A_62] : memref<80x128xi32, #tpu.memory_space<vmem>> -> memref<20x128xi32, #tpu.memory_space<vmem>>
        %dma_wait3A_64 = arith.constant 2480 : i32
        %dma_wait3A_65 = arith.constant 0 : i32
        %dma_wait3A_66 = tpu.memref_slice %arg2[%run_scoped3A, %dma_wait3A_64, %dma_wait3A_65] : memref<2x2500x128xi32, #tpu.memory_space<hbm>> -> memref<1x20x128xi32, #tpu.memory_space<hbm>>
        %dma_wait3A_67 = tpu.memref_squeeze %dma_wait3A_66 : memref<1x20x128xi32, #tpu.memory_space<hbm>> -> memref<20x128xi32, #tpu.memory_space<hbm>>
        %dma_wait3A_68 = arith.constant 0 : i32
        %dma_wait3A_69 = arith.constant 0 : i32
        %dma_wait3A_70 = tpu.memref_slice %arg4[%dma_wait3A_68, %dma_wait3A_69] : memref<80x128xi32, #tpu.memory_space<vmem>> -> memref<20x128xi32, #tpu.memory_space<vmem>>
        %dma_wait3A_71 = arith.constant 2480 : i32
        %dma_wait3A_72 = arith.constant 0 : i32
        %dma_wait3A_73 = tpu.memref_slice %arg2[%run_scoped3A, %dma_wait3A_71, %dma_wait3A_72] : memref<2x2500x128xi32, #tpu.memory_space<hbm>> -> memref<1x20x128xi32, #tpu.memory_space<hbm>>
        %dma_wait3A_74 = tpu.memref_squeeze %dma_wait3A_73 : memref<1x20x128xi32, #tpu.memory_space<hbm>> -> memref<20x128xi32, #tpu.memory_space<hbm>>
        tpu.wait_dma2 semaphore(%run_scoped3A_48 : memref<!tpu.dma_semaphore, #tpu.memory_space<semaphore_mem>>) src(%dma_wait3A_74 : memref<20x128xi32, #tpu.memory_space<hbm>>) dst(%dma_wait3A_70 : memref<20x128xi32, #tpu.memory_space<vmem>>)
        tpu.yield
      }) : () -> ()
    } else {
    }
    %scan3A = arith.constant 0 : i32
    %scan3A_10 = arith.constant 0 : i32
    %scan3A_11 = arith.constant 8 : i32
    %scan3A_12 = arith.addi %scan3A_10, %scan3A_11 : i32
    %scan3A_13 = arith.constant 1 : i32
    %scan3A_14 = scf.for %scan3A_48 = %scan3A_10 to %scan3A_12 step %scan3A_13 iter_args(%scan3A_49 = %scan3A) -> (i32)  : i32 {
      %broadcast_in_dim3A = arith.constant 1.000000e+00 : f32
      %broadcast_in_dim3A_50 = vector.broadcast %broadcast_in_dim3A : f32 to vector<16xf32>
      %mul3A_51 = arith.constant 16 : i32
      %mul3A_52 = arith.muli %scan3A_48, %mul3A_51 : i32
      %swap3A = arith.index_cast %mul3A_52 : i32 to index
      %swap3A_53 = tpu.vector_load %arg5[%swap3A] {strides = array<i32>} : memref<128xf32, #tpu.memory_space<vmem>>, vector<16xf32>,
      %swap3A_54 = vector.shape_cast %swap3A_53 : vector<16xf32> to vector<16xf32>
      %swap3A_55 = vector.shape_cast %broadcast_in_dim3A_50 : vector<16xf32> to vector<16xf32>
      tpu.vector_store %arg5[%swap3A], %swap3A_55 {strides = array<i32>} : memref<128xf32, #tpu.memory_space<vmem>>, vector<16xf32>,
      %scan3A_56 = arith.constant 0 : i32
      scf.yield %scan3A_56 : i32
    }
    %scan3A_15 = arith.constant 8 : i32
    %scan3A_16 = arith.constant 0 : i32
    %scan3A_17 = arith.constant 0 : i32
    %scan3A_18 = arith.constant 40 : i32
    %scan3A_19 = arith.addi %scan3A_17, %scan3A_18 : i32
    %scan3A_20 = arith.constant 1 : i32
    %scan3A_21 = scf.for %scan3A_48 = %scan3A_17 to %scan3A_19 step %scan3A_20 iter_args(%scan3A_49 = %scan3A_16) -> (i32)  : i32 {
      %broadcast_in_dim3A = arith.constant 0.000000e+00 : f32
      %broadcast_in_dim3A_50 = vector.broadcast %broadcast_in_dim3A : f32 to vector<16xf32>
      %mul3A_51 = arith.constant 16 : i32
      %mul3A_52 = arith.muli %scan3A_48, %mul3A_51 : i32
      %swap3A = arith.index_cast %mul3A_52 : i32 to index
      %swap3A_53 = tpu.vector_load %arg6[%swap3A] {strides = array<i32>} : memref<640xf32, #tpu.memory_space<vmem>>, vector<16xf32>,
      %swap3A_54 = vector.shape_cast %swap3A_53 : vector<16xf32> to vector<16xf32>
      %swap3A_55 = vector.shape_cast %broadcast_in_dim3A_50 : vector<16xf32> to vector<16xf32>
      tpu.vector_store %arg6[%swap3A], %swap3A_55 {strides = array<i32>} : memref<640xf32, #tpu.memory_space<vmem>>, vector<16xf32>,
      %scan3A_56 = arith.constant 0 : i32
      scf.yield %scan3A_56 : i32
    }
    %scan3A_22 = arith.constant 40 : i32
    %mul3A_23 = arith.constant 640 : i32
    %mul3A_24 = arith.muli %arg1, %mul3A_23 : i32
    "tpu.region"() ({
      %run_scoped3A = tpu.sem_alloc : memref<!tpu.dma_semaphore, #tpu.memory_space<semaphore_mem>>
      %dma_start3A = tpu.memref_slice %arg7[%mul3A_24] : memref<10240xf32, #tpu.memory_space<vmem_shared>> -> memref<640xf32, #tpu.memory_space<vmem_shared>>
      %dma_start3A_48 = tpu.memref_slice %arg7[%mul3A_24] : memref<10240xf32, #tpu.memory_space<vmem_shared>> -> memref<640xf32, #tpu.memory_space<vmem_shared>>
      tpu.enqueue_dma source(%arg6 : memref<640xf32, #tpu.memory_space<vmem>>) target(%dma_start3A_48 : memref<640xf32, #tpu.memory_space<vmem_shared>>) target_semaphore(%run_scoped3A : memref<!tpu.dma_semaphore, #tpu.memory_space<semaphore_mem>>)
      %dma_wait3A = tpu.memref_slice %arg7[%mul3A_24] : memref<10240xf32, #tpu.memory_space<vmem_shared>> -> memref<640xf32, #tpu.memory_space<vmem_shared>>
      %dma_wait3A_49 = tpu.memref_slice %arg7[%mul3A_24] : memref<10240xf32, #tpu.memory_space<vmem_shared>> -> memref<640xf32, #tpu.memory_space<vmem_shared>>
      tpu.wait_dma2 semaphore(%run_scoped3A : memref<!tpu.dma_semaphore, #tpu.memory_space<semaphore_mem>>) src(%arg6 : memref<640xf32, #tpu.memory_space<vmem>>) dst(%dma_wait3A_49 : memref<640xf32, #tpu.memory_space<vmem_shared>>)
      tpu.yield
    }) : () -> ()
    %barrier3A = arith.constant 0 : index
    tpu.barrier barrier_id(%barrier3A)
    %while3A = arith.constant 0 : i32
    %while3A_25 = arith.constant 0 : i32
    %while3A_26 = arith.subi %select_n3A, %while3A : i32
    %while3A_27 = arith.addi %while3A, %while3A_26 : i32
    %while3A_28 = arith.constant 1 : i32
    %while3A_29 = arith.divsi %while3A_26, %while3A_28 : i32
    %while3A_30 = arith.muli %while3A_29, %while3A_28 : i32
    %while3A_31 = arith.addi %while3A, %while3A_30 : i32
    %while3A_32 = arith.constant 1 : i32
    %while3A_33 = scf.for %while3A_48 = %while3A to %while3A_31 step %while3A_32 iter_args(%while3A_49 = %while3A_25) -> (i32)  : i32 {
      %dma_start3A = arith.constant 0 : i32
      %dma_start3A_50 = tpu.memref_slice %arg4[%while3A_48, %dma_start3A] : memref<80x128xi32, #tpu.memory_space<vmem>> -> memref<1x128xi32, #tpu.memory_space<vmem>>
      %dma_start3A_51 = tpu.memref_squeeze %dma_start3A_50 : memref<1x128xi32, #tpu.memory_space<vmem>> -> memref<128xi32, #tpu.memory_space<vmem>>
      %dma_start3A_52 = arith.constant 0 : i32
      %dma_start3A_53 = tpu.memref_slice %arg7[%dma_start3A_52] : memref<10240xf32, #tpu.memory_space<vmem_shared>> -> memref<10240xf32, #tpu.memory_space<vmem_shared>>
      tpu.enqueue_indirect_dma source(%arg5 : memref<128xf32, #tpu.memory_space<vmem>>) target(%dma_start3A_53 : memref<10240xf32, #tpu.memory_space<vmem_shared>>) offsets(%dma_start3A_51 : memref<128xi32, #tpu.memory_space<vmem>>) semaphore(%arg8 : memref<!tpu.dma_semaphore, #tpu.memory_space<semaphore_mem>>) {add = true}
      %ge3A = arith.constant 8 : i32
      %ge3A_54 = arith.cmpi sge, %while3A_48, %ge3A : i32
      %convert_element_type3A_55 = arith.extui %ge3A_54 : i1 to i32
      %cond3A_56 = arith.constant 0 : i32
      %cond3A_57 = arith.cmpi ne, %convert_element_type3A_55, %cond3A_56 : i32
      scf.if %cond3A_57 {
        %sub3A = arith.constant 8 : i32
        %sub3A_59 = arith.subi %while3A_48, %sub3A : i32
        %dma_wait3A = arith.constant 0 : i32
        %dma_wait3A_60 = tpu.memref_slice %arg4[%sub3A_59, %dma_wait3A] : memref<80x128xi32, #tpu.memory_space<vmem>> -> memref<1x128xi32, #tpu.memory_space<vmem>>
        %dma_wait3A_61 = tpu.memref_squeeze %dma_wait3A_60 : memref<1x128xi32, #tpu.memory_space<vmem>> -> memref<128xi32, #tpu.memory_space<vmem>>
        %dma_wait3A_62 = arith.constant 0 : i32
        %dma_wait3A_63 = tpu.memref_slice %arg7[%dma_wait3A_62] : memref<10240xf32, #tpu.memory_space<vmem_shared>> -> memref<10240xf32, #tpu.memory_space<vmem_shared>>
        tpu.wait_indirect_dma semaphore(%arg8 : memref<!tpu.dma_semaphore, #tpu.memory_space<semaphore_mem>>) src(%arg5 : memref<128xf32, #tpu.memory_space<vmem>>) dst(%dma_wait3A_63 : memref<10240xf32, #tpu.memory_space<vmem_shared>>)
      } else {
      }
      %while3A_58 = arith.constant 0 : i32
      scf.yield %while3A_58 : i32
    }
    %while3A_34 = arith.constant 1 : i32
    %while3A_35 = scf.for %while3A_48 = %while3A_31 to %while3A_27 step %while3A_34 iter_args(%while3A_49 = %while3A_33) -> (i32)  : i32 {
      %dma_start3A = arith.constant 0 : i32
      %dma_start3A_50 = tpu.memref_slice %arg4[%while3A_48, %dma_start3A] : memref<80x128xi32, #tpu.memory_space<vmem>> -> memref<1x128xi32, #tpu.memory_space<vmem>>
      %dma_start3A_51 = tpu.memref_squeeze %dma_start3A_50 : memref<1x128xi32, #tpu.memory_space<vmem>> -> memref<128xi32, #tpu.memory_space<vmem>>
      %dma_start3A_52 = arith.constant 0 : i32
      %dma_start3A_53 = tpu.memref_slice %arg7[%dma_start3A_52] : memref<10240xf32, #tpu.memory_space<vmem_shared>> -> memref<10240xf32, #tpu.memory_space<vmem_shared>>
      tpu.enqueue_indirect_dma source(%arg5 : memref<128xf32, #tpu.memory_space<vmem>>) target(%dma_start3A_53 : memref<10240xf32, #tpu.memory_space<vmem_shared>>) offsets(%dma_start3A_51 : memref<128xi32, #tpu.memory_space<vmem>>) semaphore(%arg8 : memref<!tpu.dma_semaphore, #tpu.memory_space<semaphore_mem>>) {add = true}
      %ge3A = arith.constant 8 : i32
      %ge3A_54 = arith.cmpi sge, %while3A_48, %ge3A : i32
      %convert_element_type3A_55 = arith.extui %ge3A_54 : i1 to i32
      %cond3A_56 = arith.constant 0 : i32
      %cond3A_57 = arith.cmpi ne, %convert_element_type3A_55, %cond3A_56 : i32
      scf.if %cond3A_57 {
        %sub3A = arith.constant 8 : i32
        %sub3A_59 = arith.subi %while3A_48, %sub3A : i32
        %dma_wait3A = arith.constant 0 : i32
        %dma_wait3A_60 = tpu.memref_slice %arg4[%sub3A_59, %dma_wait3A] : memref<80x128xi32, #tpu.memory_space<vmem>> -> memref<1x128xi32, #tpu.memory_space<vmem>>
        %dma_wait3A_61 = tpu.memref_squeeze %dma_wait3A_60 : memref<1x128xi32, #tpu.memory_space<vmem>> -> memref<128xi32, #tpu.memory_space<vmem>>
        %dma_wait3A_62 = arith.constant 0 : i32
        %dma_wait3A_63 = tpu.memref_slice %arg7[%dma_wait3A_62] : memref<10240xf32, #tpu.memory_space<vmem_shared>> -> memref<10240xf32, #tpu.memory_space<vmem_shared>>
        tpu.wait_indirect_dma semaphore(%arg8 : memref<!tpu.dma_semaphore, #tpu.memory_space<semaphore_mem>>) src(%arg5 : memref<128xf32, #tpu.memory_space<vmem>>) dst(%dma_wait3A_63 : memref<10240xf32, #tpu.memory_space<vmem_shared>>)
      } else {
      }
      %while3A_58 = arith.constant 0 : i32
      scf.yield %while3A_58 : i32
    }
    %scan3A_36 = arith.constant 0 : i32
    %scan3A_37 = arith.constant 0 : i32
    %scan3A_38 = arith.constant 8 : i32
    %scan3A_39 = arith.addi %scan3A_37, %scan3A_38 : i32
    %scan3A_40 = arith.constant 1 : i32
    %scan3A_41 = scf.for %scan3A_48 = %scan3A_37 to %scan3A_39 step %scan3A_40 iter_args(%scan3A_49 = %scan3A_36) -> (i32)  : i32 {
      %sub3A = arith.constant 8 : i32
      %sub3A_50 = arith.subi %select_n3A, %sub3A : i32
      %add3A_51 = arith.addi %sub3A_50, %scan3A_48 : i32
      %dma_wait3A = arith.constant 0 : i32
      %dma_wait3A_52 = tpu.memref_slice %arg4[%add3A_51, %dma_wait3A] : memref<80x128xi32, #tpu.memory_space<vmem>> -> memref<1x128xi32, #tpu.memory_space<vmem>>
      %dma_wait3A_53 = tpu.memref_squeeze %dma_wait3A_52 : memref<1x128xi32, #tpu.memory_space<vmem>> -> memref<128xi32, #tpu.memory_space<vmem>>
      %dma_wait3A_54 = arith.constant 0 : i32
      %dma_wait3A_55 = tpu.memref_slice %arg7[%dma_wait3A_54] : memref<10240xf32, #tpu.memory_space<vmem_shared>> -> memref<10240xf32, #tpu.memory_space<vmem_shared>>
      tpu.wait_indirect_dma semaphore(%arg8 : memref<!tpu.dma_semaphore, #tpu.memory_space<semaphore_mem>>) src(%arg5 : memref<128xf32, #tpu.memory_space<vmem>>) dst(%dma_wait3A_55 : memref<10240xf32, #tpu.memory_space<vmem_shared>>)
      %scan3A_56 = arith.constant 0 : i32
      scf.yield %scan3A_56 : i32
    }
    %scan3A_42 = arith.constant 8 : i32
    %barrier3A_43 = arith.constant 0 : index
    tpu.barrier barrier_id(%barrier3A_43)
    %mul3A_44 = arith.constant 640 : i32
    %mul3A_45 = arith.muli %arg1, %mul3A_44 : i32
    %mul3A_46 = arith.constant 640 : i32
    %mul3A_47 = arith.muli %arg1, %mul3A_46 : i32
    "tpu.region"() ({
      %run_scoped3A = tpu.sem_alloc : memref<!tpu.dma_semaphore, #tpu.memory_space<semaphore_mem>>
      %dma_start3A = tpu.memref_slice %arg3[%arg0, %mul3A_47] : memref<2x10240xf32, #tpu.memory_space<hbm>> -> memref<1x640xf32, #tpu.memory_space<hbm>>
      %dma_start3A_48 = tpu.memref_squeeze %dma_start3A : memref<1x640xf32, #tpu.memory_space<hbm>> -> memref<640xf32, #tpu.memory_space<hbm>>
      %dma_start3A_49 = tpu.memref_slice %arg7[%mul3A_45] : memref<10240xf32, #tpu.memory_space<vmem_shared>> -> memref<640xf32, #tpu.memory_space<vmem_shared>>
      tpu.enqueue_dma source(%dma_start3A_49 : memref<640xf32, #tpu.memory_space<vmem_shared>>) target(%dma_start3A_48 : memref<640xf32, #tpu.memory_space<hbm>>) target_semaphore(%run_scoped3A : memref<!tpu.dma_semaphore, #tpu.memory_space<semaphore_mem>>)
      %dma_wait3A = tpu.memref_slice %arg3[%arg0, %mul3A_47] : memref<2x10240xf32, #tpu.memory_space<hbm>> -> memref<1x640xf32, #tpu.memory_space<hbm>>
      %dma_wait3A_50 = tpu.memref_squeeze %dma_wait3A : memref<1x640xf32, #tpu.memory_space<hbm>> -> memref<640xf32, #tpu.memory_space<hbm>>
      %dma_wait3A_51 = tpu.memref_slice %arg7[%mul3A_45] : memref<10240xf32, #tpu.memory_space<vmem_shared>> -> memref<640xf32, #tpu.memory_space<vmem_shared>>
      tpu.wait_dma2 semaphore(%run_scoped3A : memref<!tpu.dma_semaphore, #tpu.memory_space<semaphore_mem>>) src(%dma_wait3A_51 : memref<640xf32, #tpu.memory_space<vmem_shared>>) dst(%dma_wait3A_50 : memref<640xf32, #tpu.memory_space<hbm>>)
      tpu.yield
    }) : () -> ()
    return
  }
}

#map = affine_map<(d0, d1) -> (0, 0)>
#map1 = affine_map<(d0, d1) -> (0, 0, 0, 0)>
#map2 = affine_map<(d0, d1) -> (0, 0, 0)>
module attributes {stable_mosaic.version = 14 : i64} {
  func.func @_sc_scatter_body(%arg0: i32, %arg1: i32, %arg2: memref<10112x128xf32, #tpu.memory_space<hbm>>, %arg3: memref<2x32x80x128xi32, #tpu.memory_space<hbm>>, %arg4: memref<2x10240x128xf32, #tpu.memory_space<hbm>>, %arg5: memref<40x128xi32, #tpu.memory_space<vmem>>, %arg6: memref<40x128xi32, #tpu.memory_space<vmem>>, %arg7: memref<128x128xf32, #tpu.memory_space<vmem>>, %arg8: memref<128x128xf32, #tpu.memory_space<vmem>>, %arg9: memref<10240x128xf32, #tpu.memory_space<vmem_shared>>, %arg10: memref<!tpu.dma_semaphore, #tpu.memory_space<semaphore_mem>>, %arg11: memref<!tpu.dma_semaphore, #tpu.memory_space<semaphore_mem>>, %arg12: memref<!tpu.dma_semaphore, #tpu.memory_space<semaphore_mem>>, %arg13: memref<!tpu.dma_semaphore, #tpu.memory_space<semaphore_mem>>) attributes {dimension_semantics = [#tpu.dimension_semantics<core_parallel>, #tpu.dimension_semantics<subcore_parallel>], iteration_bounds = array<i64: 2, 16>, scalar_prefetch = 0 : i64, scratch_operands = 9 : i64, tpu.core_type = #tpu.core_type<sc_vector_subcore>, window_params = [{transform_indices = #map}, {transform_indices = #map1}, {transform_indices = #map2}]} {
    %mul3A = arith.constant 2 : i32
    %mul3A_0 = arith.muli %arg1, %mul3A : i32
    %add3A = arith.addi %mul3A_0, %arg0 : i32
    %run_scoped3A = arith.constant 0 : i32
    "tpu.region"() ({
      %run_scoped3A_88 = tpu.sem_alloc : memref<!tpu.dma_semaphore, #tpu.memory_space<semaphore_mem>>
      %dma_start3A_89 = arith.constant 0 : i32
      %dma_start3A_90 = arith.constant 0 : i32
      %dma_start3A_91 = tpu.memref_slice %arg3[%run_scoped3A, %add3A, %dma_start3A_89, %dma_start3A_90] : memref<2x32x80x128xi32, #tpu.memory_space<hbm>> -> memref<1x1x40x128xi32, #tpu.memory_space<hbm>>
      %dma_start3A_92 = tpu.memref_squeeze %dma_start3A_91 : memref<1x1x40x128xi32, #tpu.memory_space<hbm>> -> memref<40x128xi32, #tpu.memory_space<hbm>>
      %dma_start3A_93 = arith.constant 0 : i32
      %dma_start3A_94 = arith.constant 0 : i32
      %dma_start3A_95 = tpu.memref_slice %arg3[%run_scoped3A, %add3A, %dma_start3A_93, %dma_start3A_94] : memref<2x32x80x128xi32, #tpu.memory_space<hbm>> -> memref<1x1x40x128xi32, #tpu.memory_space<hbm>>
      %dma_start3A_96 = tpu.memref_squeeze %dma_start3A_95 : memref<1x1x40x128xi32, #tpu.memory_space<hbm>> -> memref<40x128xi32, #tpu.memory_space<hbm>>
      tpu.enqueue_dma source(%dma_start3A_96 : memref<40x128xi32, #tpu.memory_space<hbm>>) target(%arg5 : memref<40x128xi32, #tpu.memory_space<vmem>>) target_semaphore(%run_scoped3A_88 : memref<!tpu.dma_semaphore, #tpu.memory_space<semaphore_mem>>)
      %dma_wait3A_97 = arith.constant 0 : i32
      %dma_wait3A_98 = arith.constant 0 : i32
      %dma_wait3A_99 = tpu.memref_slice %arg3[%run_scoped3A, %add3A, %dma_wait3A_97, %dma_wait3A_98] : memref<2x32x80x128xi32, #tpu.memory_space<hbm>> -> memref<1x1x40x128xi32, #tpu.memory_space<hbm>>
      %dma_wait3A_100 = tpu.memref_squeeze %dma_wait3A_99 : memref<1x1x40x128xi32, #tpu.memory_space<hbm>> -> memref<40x128xi32, #tpu.memory_space<hbm>>
      %dma_wait3A_101 = arith.constant 0 : i32
      %dma_wait3A_102 = arith.constant 0 : i32
      %dma_wait3A_103 = tpu.memref_slice %arg3[%run_scoped3A, %add3A, %dma_wait3A_101, %dma_wait3A_102] : memref<2x32x80x128xi32, #tpu.memory_space<hbm>> -> memref<1x1x40x128xi32, #tpu.memory_space<hbm>>
      %dma_wait3A_104 = tpu.memref_squeeze %dma_wait3A_103 : memref<1x1x40x128xi32, #tpu.memory_space<hbm>> -> memref<40x128xi32, #tpu.memory_space<hbm>>
      tpu.wait_dma2 semaphore(%run_scoped3A_88 : memref<!tpu.dma_semaphore, #tpu.memory_space<semaphore_mem>>) src(%dma_wait3A_104 : memref<40x128xi32, #tpu.memory_space<hbm>>) dst(%arg5 : memref<40x128xi32, #tpu.memory_space<vmem>>)
      tpu.yield
    }) : () -> ()
    %run_scoped3A_1 = arith.constant 1 : i32
    "tpu.region"() ({
      %run_scoped3A_88 = tpu.sem_alloc : memref<!tpu.dma_semaphore, #tpu.memory_space<semaphore_mem>>
      %dma_start3A_89 = arith.constant 0 : i32
      %dma_start3A_90 = arith.constant 0 : i32
      %dma_start3A_91 = tpu.memref_slice %arg3[%run_scoped3A_1, %add3A, %dma_start3A_89, %dma_start3A_90] : memref<2x32x80x128xi32, #tpu.memory_space<hbm>> -> memref<1x1x40x128xi32, #tpu.memory_space<hbm>>
      %dma_start3A_92 = tpu.memref_squeeze %dma_start3A_91 : memref<1x1x40x128xi32, #tpu.memory_space<hbm>> -> memref<40x128xi32, #tpu.memory_space<hbm>>
      %dma_start3A_93 = arith.constant 0 : i32
      %dma_start3A_94 = arith.constant 0 : i32
      %dma_start3A_95 = tpu.memref_slice %arg3[%run_scoped3A_1, %add3A, %dma_start3A_93, %dma_start3A_94] : memref<2x32x80x128xi32, #tpu.memory_space<hbm>> -> memref<1x1x40x128xi32, #tpu.memory_space<hbm>>
      %dma_start3A_96 = tpu.memref_squeeze %dma_start3A_95 : memref<1x1x40x128xi32, #tpu.memory_space<hbm>> -> memref<40x128xi32, #tpu.memory_space<hbm>>
      tpu.enqueue_dma source(%dma_start3A_96 : memref<40x128xi32, #tpu.memory_space<hbm>>) target(%arg6 : memref<40x128xi32, #tpu.memory_space<vmem>>) target_semaphore(%run_scoped3A_88 : memref<!tpu.dma_semaphore, #tpu.memory_space<semaphore_mem>>)
      %dma_wait3A_97 = arith.constant 0 : i32
      %dma_wait3A_98 = arith.constant 0 : i32
      %dma_wait3A_99 = tpu.memref_slice %arg3[%run_scoped3A_1, %add3A, %dma_wait3A_97, %dma_wait3A_98] : memref<2x32x80x128xi32, #tpu.memory_space<hbm>> -> memref<1x1x40x128xi32, #tpu.memory_space<hbm>>
      %dma_wait3A_100 = tpu.memref_squeeze %dma_wait3A_99 : memref<1x1x40x128xi32, #tpu.memory_space<hbm>> -> memref<40x128xi32, #tpu.memory_space<hbm>>
      %dma_wait3A_101 = arith.constant 0 : i32
      %dma_wait3A_102 = arith.constant 0 : i32
      %dma_wait3A_103 = tpu.memref_slice %arg3[%run_scoped3A_1, %add3A, %dma_wait3A_101, %dma_wait3A_102] : memref<2x32x80x128xi32, #tpu.memory_space<hbm>> -> memref<1x1x40x128xi32, #tpu.memory_space<hbm>>
      %dma_wait3A_104 = tpu.memref_squeeze %dma_wait3A_103 : memref<1x1x40x128xi32, #tpu.memory_space<hbm>> -> memref<40x128xi32, #tpu.memory_space<hbm>>
      tpu.wait_dma2 semaphore(%run_scoped3A_88 : memref<!tpu.dma_semaphore, #tpu.memory_space<semaphore_mem>>) src(%dma_wait3A_104 : memref<40x128xi32, #tpu.memory_space<hbm>>) dst(%arg6 : memref<40x128xi32, #tpu.memory_space<vmem>>)
      tpu.yield
    }) : () -> ()
    %dma_start3A = arith.constant 0 : i32
    %dma_start3A_2 = arith.constant 0 : i32
    %dma_start3A_3 = arith.constant 0 : i32
    %dma_start3A_4 = tpu.memref_slice %arg7[%dma_start3A_2, %dma_start3A_3] : memref<128x128xf32, #tpu.memory_space<vmem>> -> memref<64x128xf32, #tpu.memory_space<vmem>>
    %dma_start3A_5 = arith.constant 0 : i32
    %dma_start3A_6 = tpu.memref_slice %arg5[%dma_start3A, %dma_start3A_5] : memref<40x128xi32, #tpu.memory_space<vmem>> -> memref<1x64xi32, #tpu.memory_space<vmem>>
    %dma_start3A_7 = tpu.memref_squeeze %dma_start3A_6 : memref<1x64xi32, #tpu.memory_space<vmem>> -> memref<64xi32, #tpu.memory_space<vmem>>
    %dma_start3A_8 = arith.constant 0 : i32
    %dma_start3A_9 = arith.constant 0 : i32
    %dma_start3A_10 = tpu.memref_slice %arg2[%dma_start3A_8, %dma_start3A_9] : memref<10112x128xf32, #tpu.memory_space<hbm>> -> memref<10112x128xf32, #tpu.memory_space<hbm>>
    tpu.enqueue_indirect_dma source(%dma_start3A_10 : memref<10112x128xf32, #tpu.memory_space<hbm>>) target(%dma_start3A_4 : memref<64x128xf32, #tpu.memory_space<vmem>>) offsets(%dma_start3A_7 : memref<64xi32, #tpu.memory_space<vmem>>) semaphore(%arg10 : memref<!tpu.dma_semaphore, #tpu.memory_space<semaphore_mem>>)
    %dma_start3A_11 = arith.constant 0 : i32
    %dma_start3A_12 = arith.constant 64 : i32
    %dma_start3A_13 = arith.constant 0 : i32
    %dma_start3A_14 = tpu.memref_slice %arg7[%dma_start3A_12, %dma_start3A_13] : memref<128x128xf32, #tpu.memory_space<vmem>> -> memref<64x128xf32, #tpu.memory_space<vmem>>
    %dma_start3A_15 = arith.constant 64 : i32
    %dma_start3A_16 = tpu.memref_slice %arg5[%dma_start3A_11, %dma_start3A_15] : memref<40x128xi32, #tpu.memory_space<vmem>> -> memref<1x64xi32, #tpu.memory_space<vmem>>
    %dma_start3A_17 = tpu.memref_squeeze %dma_start3A_16 : memref<1x64xi32, #tpu.memory_space<vmem>> -> memref<64xi32, #tpu.memory_space<vmem>>
    %dma_start3A_18 = arith.constant 0 : i32
    %dma_start3A_19 = arith.constant 0 : i32
    %dma_start3A_20 = tpu.memref_slice %arg2[%dma_start3A_18, %dma_start3A_19] : memref<10112x128xf32, #tpu.memory_space<hbm>> -> memref<10112x128xf32, #tpu.memory_space<hbm>>
    tpu.enqueue_indirect_dma source(%dma_start3A_20 : memref<10112x128xf32, #tpu.memory_space<hbm>>) target(%dma_start3A_14 : memref<64x128xf32, #tpu.memory_space<vmem>>) offsets(%dma_start3A_17 : memref<64xi32, #tpu.memory_space<vmem>>) semaphore(%arg10 : memref<!tpu.dma_semaphore, #tpu.memory_space<semaphore_mem>>)
    %scan3A = arith.constant 0 : i32
    %scan3A_21 = arith.constant 0 : i32
    %scan3A_22 = arith.constant 128 : i32
    %scan3A_23 = arith.addi %scan3A_21, %scan3A_22 : i32
    %scan3A_24 = arith.constant 1 : i32
    %scan3A_25 = scf.for %scan3A_88 = %scan3A_21 to %scan3A_23 step %scan3A_24 iter_args(%scan3A_89 = %scan3A) -> (i32)  : i32 {
      %broadcast_in_dim3A = arith.constant 0.000000e+00 : f32
      %broadcast_in_dim3A_90 = vector.broadcast %broadcast_in_dim3A : f32 to vector<16xf32>
      %swap3A = arith.index_cast %scan3A_88 : i32 to index
      %swap3A_91 = arith.constant 0 : index
      %swap3A_92 = tpu.vector_load %arg8[%swap3A, %swap3A_91] {strides = array<i32>} : memref<128x128xf32, #tpu.memory_space<vmem>>, vector<1x16xf32>,
      %swap3A_93 = vector.shape_cast %swap3A_92 : vector<1x16xf32> to vector<16xf32>
      %swap3A_94 = vector.shape_cast %broadcast_in_dim3A_90 : vector<16xf32> to vector<1x16xf32>
      tpu.vector_store %arg8[%swap3A, %swap3A_91], %swap3A_94 {strides = array<i32>} : memref<128x128xf32, #tpu.memory_space<vmem>>, vector<1x16xf32>,
      %broadcast_in_dim3A_95 = arith.constant 0.000000e+00 : f32
      %broadcast_in_dim3A_96 = vector.broadcast %broadcast_in_dim3A_95 : f32 to vector<16xf32>
      %swap3A_97 = arith.index_cast %scan3A_88 : i32 to index
      %swap3A_98 = arith.constant 16 : index
      %swap3A_99 = tpu.vector_load %arg8[%swap3A_97, %swap3A_98] {strides = array<i32>} : memref<128x128xf32, #tpu.memory_space<vmem>>, vector<1x16xf32>,
      %swap3A_100 = vector.shape_cast %swap3A_99 : vector<1x16xf32> to vector<16xf32>
      %swap3A_101 = vector.shape_cast %broadcast_in_dim3A_96 : vector<16xf32> to vector<1x16xf32>
      tpu.vector_store %arg8[%swap3A_97, %swap3A_98], %swap3A_101 {strides = array<i32>} : memref<128x128xf32, #tpu.memory_space<vmem>>, vector<1x16xf32>,
      %broadcast_in_dim3A_102 = arith.constant 0.000000e+00 : f32
      %broadcast_in_dim3A_103 = vector.broadcast %broadcast_in_dim3A_102 : f32 to vector<16xf32>
      %swap3A_104 = arith.index_cast %scan3A_88 : i32 to index
      %swap3A_105 = arith.constant 32 : index
      %swap3A_106 = tpu.vector_load %arg8[%swap3A_104, %swap3A_105] {strides = array<i32>} : memref<128x128xf32, #tpu.memory_space<vmem>>, vector<1x16xf32>,
      %swap3A_107 = vector.shape_cast %swap3A_106 : vector<1x16xf32> to vector<16xf32>
      %swap3A_108 = vector.shape_cast %broadcast_in_dim3A_103 : vector<16xf32> to vector<1x16xf32>
      tpu.vector_store %arg8[%swap3A_104, %swap3A_105], %swap3A_108 {strides = array<i32>} : memref<128x128xf32, #tpu.memory_space<vmem>>, vector<1x16xf32>,
      %broadcast_in_dim3A_109 = arith.constant 0.000000e+00 : f32
      %broadcast_in_dim3A_110 = vector.broadcast %broadcast_in_dim3A_109 : f32 to vector<16xf32>
      %swap3A_111 = arith.index_cast %scan3A_88 : i32 to index
      %swap3A_112 = arith.constant 48 : index
      %swap3A_113 = tpu.vector_load %arg8[%swap3A_111, %swap3A_112] {strides = array<i32>} : memref<128x128xf32, #tpu.memory_space<vmem>>, vector<1x16xf32>,
      %swap3A_114 = vector.shape_cast %swap3A_113 : vector<1x16xf32> to vector<16xf32>
      %swap3A_115 = vector.shape_cast %broadcast_in_dim3A_110 : vector<16xf32> to vector<1x16xf32>
      tpu.vector_store %arg8[%swap3A_111, %swap3A_112], %swap3A_115 {strides = array<i32>} : memref<128x128xf32, #tpu.memory_space<vmem>>, vector<1x16xf32>,
      %broadcast_in_dim3A_116 = arith.constant 0.000000e+00 : f32
      %broadcast_in_dim3A_117 = vector.broadcast %broadcast_in_dim3A_116 : f32 to vector<16xf32>
      %swap3A_118 = arith.index_cast %scan3A_88 : i32 to index
      %swap3A_119 = arith.constant 64 : index
      %swap3A_120 = tpu.vector_load %arg8[%swap3A_118, %swap3A_119] {strides = array<i32>} : memref<128x128xf32, #tpu.memory_space<vmem>>, vector<1x16xf32>,
      %swap3A_121 = vector.shape_cast %swap3A_120 : vector<1x16xf32> to vector<16xf32>
      %swap3A_122 = vector.shape_cast %broadcast_in_dim3A_117 : vector<16xf32> to vector<1x16xf32>
      tpu.vector_store %arg8[%swap3A_118, %swap3A_119], %swap3A_122 {strides = array<i32>} : memref<128x128xf32, #tpu.memory_space<vmem>>, vector<1x16xf32>,
      %broadcast_in_dim3A_123 = arith.constant 0.000000e+00 : f32
      %broadcast_in_dim3A_124 = vector.broadcast %broadcast_in_dim3A_123 : f32 to vector<16xf32>
      %swap3A_125 = arith.index_cast %scan3A_88 : i32 to index
      %swap3A_126 = arith.constant 80 : index
      %swap3A_127 = tpu.vector_load %arg8[%swap3A_125, %swap3A_126] {strides = array<i32>} : memref<128x128xf32, #tpu.memory_space<vmem>>, vector<1x16xf32>,
      %swap3A_128 = vector.shape_cast %swap3A_127 : vector<1x16xf32> to vector<16xf32>
      %swap3A_129 = vector.shape_cast %broadcast_in_dim3A_124 : vector<16xf32> to vector<1x16xf32>
      tpu.vector_store %arg8[%swap3A_125, %swap3A_126], %swap3A_129 {strides = array<i32>} : memref<128x128xf32, #tpu.memory_space<vmem>>, vector<1x16xf32>,
      %broadcast_in_dim3A_130 = arith.constant 0.000000e+00 : f32
      %broadcast_in_dim3A_131 = vector.broadcast %broadcast_in_dim3A_130 : f32 to vector<16xf32>
      %swap3A_132 = arith.index_cast %scan3A_88 : i32 to index
      %swap3A_133 = arith.constant 96 : index
      %swap3A_134 = tpu.vector_load %arg8[%swap3A_132, %swap3A_133] {strides = array<i32>} : memref<128x128xf32, #tpu.memory_space<vmem>>, vector<1x16xf32>,
      %swap3A_135 = vector.shape_cast %swap3A_134 : vector<1x16xf32> to vector<16xf32>
      %swap3A_136 = vector.shape_cast %broadcast_in_dim3A_131 : vector<16xf32> to vector<1x16xf32>
      tpu.vector_store %arg8[%swap3A_132, %swap3A_133], %swap3A_136 {strides = array<i32>} : memref<128x128xf32, #tpu.memory_space<vmem>>, vector<1x16xf32>,
      %broadcast_in_dim3A_137 = arith.constant 0.000000e+00 : f32
      %broadcast_in_dim3A_138 = vector.broadcast %broadcast_in_dim3A_137 : f32 to vector<16xf32>
      %swap3A_139 = arith.index_cast %scan3A_88 : i32 to index
      %swap3A_140 = arith.constant 112 : index
      %swap3A_141 = tpu.vector_load %arg8[%swap3A_139, %swap3A_140] {strides = array<i32>} : memref<128x128xf32, #tpu.memory_space<vmem>>, vector<1x16xf32>,
      %swap3A_142 = vector.shape_cast %swap3A_141 : vector<1x16xf32> to vector<16xf32>
      %swap3A_143 = vector.shape_cast %broadcast_in_dim3A_138 : vector<16xf32> to vector<1x16xf32>
      tpu.vector_store %arg8[%swap3A_139, %swap3A_140], %swap3A_143 {strides = array<i32>} : memref<128x128xf32, #tpu.memory_space<vmem>>, vector<1x16xf32>,
      %scan3A_144 = arith.constant 0 : i32
      scf.yield %scan3A_144 : i32
    }
    %scan3A_26 = arith.constant 128 : i32
    %scan3A_27 = arith.constant 0 : i32
    %scan3A_28 = arith.constant 0 : i32
    %scan3A_29 = arith.constant 5 : i32
    %scan3A_30 = arith.addi %scan3A_28, %scan3A_29 : i32
    %scan3A_31 = arith.constant 1 : i32
    %scan3A_32 = scf.for %scan3A_88 = %scan3A_28 to %scan3A_30 step %scan3A_31 iter_args(%scan3A_89 = %scan3A_27) -> (i32)  : i32 {
      %mul3A_90 = arith.constant 640 : i32
      %mul3A_91 = arith.muli %arg1, %mul3A_90 : i32
      %mul3A_92 = arith.constant 128 : i32
      %mul3A_93 = arith.muli %scan3A_88, %mul3A_92 : i32
      %add3A_94 = arith.addi %mul3A_91, %mul3A_93 : i32
      "tpu.region"() ({
        %run_scoped3A_96 = tpu.sem_alloc : memref<!tpu.dma_semaphore, #tpu.memory_space<semaphore_mem>>
        %dma_start3A_97 = arith.constant 0 : i32
        %dma_start3A_98 = tpu.memref_slice %arg9[%add3A_94, %dma_start3A_97] : memref<10240x128xf32, #tpu.memory_space<vmem_shared>> -> memref<128x128xf32, #tpu.memory_space<vmem_shared>>
        %dma_start3A_99 = arith.constant 0 : i32
        %dma_start3A_100 = tpu.memref_slice %arg9[%add3A_94, %dma_start3A_99] : memref<10240x128xf32, #tpu.memory_space<vmem_shared>> -> memref<128x128xf32, #tpu.memory_space<vmem_shared>>
        tpu.enqueue_dma source(%arg8 : memref<128x128xf32, #tpu.memory_space<vmem>>) target(%dma_start3A_100 : memref<128x128xf32, #tpu.memory_space<vmem_shared>>) target_semaphore(%run_scoped3A_96 : memref<!tpu.dma_semaphore, #tpu.memory_space<semaphore_mem>>)
        %dma_wait3A_101 = arith.constant 0 : i32
        %dma_wait3A_102 = tpu.memref_slice %arg9[%add3A_94, %dma_wait3A_101] : memref<10240x128xf32, #tpu.memory_space<vmem_shared>> -> memref<128x128xf32, #tpu.memory_space<vmem_shared>>
        %dma_wait3A_103 = arith.constant 0 : i32
        %dma_wait3A_104 = tpu.memref_slice %arg9[%add3A_94, %dma_wait3A_103] : memref<10240x128xf32, #tpu.memory_space<vmem_shared>> -> memref<128x128xf32, #tpu.memory_space<vmem_shared>>
        tpu.wait_dma2 semaphore(%run_scoped3A_96 : memref<!tpu.dma_semaphore, #tpu.memory_space<semaphore_mem>>) src(%arg8 : memref<128x128xf32, #tpu.memory_space<vmem>>) dst(%dma_wait3A_104 : memref<128x128xf32, #tpu.memory_space<vmem_shared>>)
        tpu.yield
      }) : () -> ()
      %scan3A_95 = arith.constant 0 : i32
      scf.yield %scan3A_95 : i32
    }
    %scan3A_33 = arith.constant 5 : i32
    %barrier3A = arith.constant 0 : index
    tpu.barrier barrier_id(%barrier3A)
    %scan3A_34 = arith.constant 0 : i32
    %scan3A_35 = arith.constant 0 : i32
    %scan3A_36 = arith.constant 20 : i32
    %scan3A_37 = arith.addi %scan3A_35, %scan3A_36 : i32
    %scan3A_38 = arith.constant 1 : i32
    %scan3A_39 = scf.for %scan3A_88 = %scan3A_35 to %scan3A_37 step %scan3A_38 iter_args(%scan3A_89 = %scan3A_34) -> (i32)  : i32 {
      %mul3A_90 = arith.constant 2 : i32
      %mul3A_91 = arith.muli %mul3A_90, %scan3A_88 : i32
      %dma_wait3A_92 = arith.constant 0 : i32
      %dma_wait3A_93 = arith.constant 0 : i32
      %dma_wait3A_94 = tpu.memref_slice %arg7[%dma_wait3A_92, %dma_wait3A_93] : memref<128x128xf32, #tpu.memory_space<vmem>> -> memref<64x128xf32, #tpu.memory_space<vmem>>
      %dma_wait3A_95 = arith.constant 0 : i32
      %dma_wait3A_96 = tpu.memref_slice %arg5[%mul3A_91, %dma_wait3A_95] : memref<40x128xi32, #tpu.memory_space<vmem>> -> memref<1x64xi32, #tpu.memory_space<vmem>>
      %dma_wait3A_97 = tpu.memref_squeeze %dma_wait3A_96 : memref<1x64xi32, #tpu.memory_space<vmem>> -> memref<64xi32, #tpu.memory_space<vmem>>
      %dma_wait3A_98 = arith.constant 0 : i32
      %dma_wait3A_99 = arith.constant 0 : i32
      %dma_wait3A_100 = tpu.memref_slice %arg2[%dma_wait3A_98, %dma_wait3A_99] : memref<10112x128xf32, #tpu.memory_space<hbm>> -> memref<10112x128xf32, #tpu.memory_space<hbm>>
      tpu.wait_indirect_dma semaphore(%arg10 : memref<!tpu.dma_semaphore, #tpu.memory_space<semaphore_mem>>) src(%dma_wait3A_100 : memref<10112x128xf32, #tpu.memory_space<hbm>>) dst(%dma_wait3A_94 : memref<64x128xf32, #tpu.memory_space<vmem>>)
      %dma_wait3A_101 = arith.constant 64 : i32
      %dma_wait3A_102 = arith.constant 0 : i32
      %dma_wait3A_103 = tpu.memref_slice %arg7[%dma_wait3A_101, %dma_wait3A_102] : memref<128x128xf32, #tpu.memory_space<vmem>> -> memref<64x128xf32, #tpu.memory_space<vmem>>
      %dma_wait3A_104 = arith.constant 64 : i32
      %dma_wait3A_105 = tpu.memref_slice %arg5[%mul3A_91, %dma_wait3A_104] : memref<40x128xi32, #tpu.memory_space<vmem>> -> memref<1x64xi32, #tpu.memory_space<vmem>>
      %dma_wait3A_106 = tpu.memref_squeeze %dma_wait3A_105 : memref<1x64xi32, #tpu.memory_space<vmem>> -> memref<64xi32, #tpu.memory_space<vmem>>
      %dma_wait3A_107 = arith.constant 0 : i32
      %dma_wait3A_108 = arith.constant 0 : i32
      %dma_wait3A_109 = tpu.memref_slice %arg2[%dma_wait3A_107, %dma_wait3A_108] : memref<10112x128xf32, #tpu.memory_space<hbm>> -> memref<10112x128xf32, #tpu.memory_space<hbm>>
      tpu.wait_indirect_dma semaphore(%arg10 : memref<!tpu.dma_semaphore, #tpu.memory_space<semaphore_mem>>) src(%dma_wait3A_109 : memref<10112x128xf32, #tpu.memory_space<hbm>>) dst(%dma_wait3A_103 : memref<64x128xf32, #tpu.memory_space<vmem>>)
      %dma_start3A_110 = arith.constant 0 : i32
      %dma_start3A_111 = tpu.memref_slice %arg6[%mul3A_91, %dma_start3A_110] : memref<40x128xi32, #tpu.memory_space<vmem>> -> memref<1x128xi32, #tpu.memory_space<vmem>>
      %dma_start3A_112 = tpu.memref_squeeze %dma_start3A_111 : memref<1x128xi32, #tpu.memory_space<vmem>> -> memref<128xi32, #tpu.memory_space<vmem>>
      %dma_start3A_113 = arith.constant 0 : i32
      %dma_start3A_114 = arith.constant 0 : i32
      %dma_start3A_115 = tpu.memref_slice %arg9[%dma_start3A_113, %dma_start3A_114] : memref<10240x128xf32, #tpu.memory_space<vmem_shared>> -> memref<10240x128xf32, #tpu.memory_space<vmem_shared>>
      tpu.enqueue_indirect_dma source(%arg7 : memref<128x128xf32, #tpu.memory_space<vmem>>) target(%dma_start3A_115 : memref<10240x128xf32, #tpu.memory_space<vmem_shared>>) offsets(%dma_start3A_112 : memref<128xi32, #tpu.memory_space<vmem>>) semaphore(%arg12 : memref<!tpu.dma_semaphore, #tpu.memory_space<semaphore_mem>>) {add = true}
      %gt3A = arith.constant 0 : i32
      %gt3A_116 = arith.cmpi sgt, %scan3A_88, %gt3A : i32
      %convert_element_type3A = arith.extui %gt3A_116 : i1 to i32
      %cond3A = arith.constant 0 : i32
      %cond3A_117 = arith.cmpi ne, %convert_element_type3A, %cond3A : i32
      scf.if %cond3A_117 {
        %sub3A = arith.constant 1 : i32
        %sub3A_177 = arith.subi %mul3A_91, %sub3A : i32
        %dma_wait3A_178 = arith.constant 0 : i32
        %dma_wait3A_179 = tpu.memref_slice %arg6[%sub3A_177, %dma_wait3A_178] : memref<40x128xi32, #tpu.memory_space<vmem>> -> memref<1x128xi32, #tpu.memory_space<vmem>>
        %dma_wait3A_180 = tpu.memref_squeeze %dma_wait3A_179 : memref<1x128xi32, #tpu.memory_space<vmem>> -> memref<128xi32, #tpu.memory_space<vmem>>
        %dma_wait3A_181 = arith.constant 0 : i32
        %dma_wait3A_182 = arith.constant 0 : i32
        %dma_wait3A_183 = tpu.memref_slice %arg9[%dma_wait3A_181, %dma_wait3A_182] : memref<10240x128xf32, #tpu.memory_space<vmem_shared>> -> memref<10240x128xf32, #tpu.memory_space<vmem_shared>>
        tpu.wait_indirect_dma semaphore(%arg13 : memref<!tpu.dma_semaphore, #tpu.memory_space<semaphore_mem>>) src(%arg8 : memref<128x128xf32, #tpu.memory_space<vmem>>) dst(%dma_wait3A_183 : memref<10240x128xf32, #tpu.memory_space<vmem_shared>>)
      } else {
      }
      %add3A_118 = arith.constant 1 : i32
      %add3A_119 = arith.addi %mul3A_91, %add3A_118 : i32
      %dma_start3A_120 = arith.constant 0 : i32
      %dma_start3A_121 = arith.constant 0 : i32
      %dma_start3A_122 = tpu.memref_slice %arg8[%dma_start3A_120, %dma_start3A_121] : memref<128x128xf32, #tpu.memory_space<vmem>> -> memref<64x128xf32, #tpu.memory_space<vmem>>
      %dma_start3A_123 = arith.constant 0 : i32
      %dma_start3A_124 = tpu.memref_slice %arg5[%add3A_119, %dma_start3A_123] : memref<40x128xi32, #tpu.memory_space<vmem>> -> memref<1x64xi32, #tpu.memory_space<vmem>>
      %dma_start3A_125 = tpu.memref_squeeze %dma_start3A_124 : memref<1x64xi32, #tpu.memory_space<vmem>> -> memref<64xi32, #tpu.memory_space<vmem>>
      %dma_start3A_126 = arith.constant 0 : i32
      %dma_start3A_127 = arith.constant 0 : i32
      %dma_start3A_128 = tpu.memref_slice %arg2[%dma_start3A_126, %dma_start3A_127] : memref<10112x128xf32, #tpu.memory_space<hbm>> -> memref<10112x128xf32, #tpu.memory_space<hbm>>
      tpu.enqueue_indirect_dma source(%dma_start3A_128 : memref<10112x128xf32, #tpu.memory_space<hbm>>) target(%dma_start3A_122 : memref<64x128xf32, #tpu.memory_space<vmem>>) offsets(%dma_start3A_125 : memref<64xi32, #tpu.memory_space<vmem>>) semaphore(%arg11 : memref<!tpu.dma_semaphore, #tpu.memory_space<semaphore_mem>>)
      %dma_start3A_129 = arith.constant 64 : i32
      %dma_start3A_130 = arith.constant 0 : i32
      %dma_start3A_131 = tpu.memref_slice %arg8[%dma_start3A_129, %dma_start3A_130] : memref<128x128xf32, #tpu.memory_space<vmem>> -> memref<64x128xf32, #tpu.memory_space<vmem>>
      %dma_start3A_132 = arith.constant 64 : i32
      %dma_start3A_133 = tpu.memref_slice %arg5[%add3A_119, %dma_start3A_132] : memref<40x128xi32, #tpu.memory_space<vmem>> -> memref<1x64xi32, #tpu.memory_space<vmem>>
      %dma_start3A_134 = tpu.memref_squeeze %dma_start3A_133 : memref<1x64xi32, #tpu.memory_space<vmem>> -> memref<64xi32, #tpu.memory_space<vmem>>
      %dma_start3A_135 = arith.constant 0 : i32
      %dma_start3A_136 = arith.constant 0 : i32
      %dma_start3A_137 = tpu.memref_slice %arg2[%dma_start3A_135, %dma_start3A_136] : memref<10112x128xf32, #tpu.memory_space<hbm>> -> memref<10112x128xf32, #tpu.memory_space<hbm>>
      tpu.enqueue_indirect_dma source(%dma_start3A_137 : memref<10112x128xf32, #tpu.memory_space<hbm>>) target(%dma_start3A_131 : memref<64x128xf32, #tpu.memory_space<vmem>>) offsets(%dma_start3A_134 : memref<64xi32, #tpu.memory_space<vmem>>) semaphore(%arg11 : memref<!tpu.dma_semaphore, #tpu.memory_space<semaphore_mem>>)
      %add3A_138 = arith.constant 1 : i32
      %add3A_139 = arith.addi %mul3A_91, %add3A_138 : i32
      %dma_wait3A_140 = arith.constant 0 : i32
      %dma_wait3A_141 = arith.constant 0 : i32
      %dma_wait3A_142 = tpu.memref_slice %arg8[%dma_wait3A_140, %dma_wait3A_141] : memref<128x128xf32, #tpu.memory_space<vmem>> -> memref<64x128xf32, #tpu.memory_space<vmem>>
      %dma_wait3A_143 = arith.constant 0 : i32
      %dma_wait3A_144 = tpu.memref_slice %arg5[%add3A_139, %dma_wait3A_143] : memref<40x128xi32, #tpu.memory_space<vmem>> -> memref<1x64xi32, #tpu.memory_space<vmem>>
      %dma_wait3A_145 = tpu.memref_squeeze %dma_wait3A_144 : memref<1x64xi32, #tpu.memory_space<vmem>> -> memref<64xi32, #tpu.memory_space<vmem>>
      %dma_wait3A_146 = arith.constant 0 : i32
      %dma_wait3A_147 = arith.constant 0 : i32
      %dma_wait3A_148 = tpu.memref_slice %arg2[%dma_wait3A_146, %dma_wait3A_147] : memref<10112x128xf32, #tpu.memory_space<hbm>> -> memref<10112x128xf32, #tpu.memory_space<hbm>>
      tpu.wait_indirect_dma semaphore(%arg11 : memref<!tpu.dma_semaphore, #tpu.memory_space<semaphore_mem>>) src(%dma_wait3A_148 : memref<10112x128xf32, #tpu.memory_space<hbm>>) dst(%dma_wait3A_142 : memref<64x128xf32, #tpu.memory_space<vmem>>)
      %dma_wait3A_149 = arith.constant 64 : i32
      %dma_wait3A_150 = arith.constant 0 : i32
      %dma_wait3A_151 = tpu.memref_slice %arg8[%dma_wait3A_149, %dma_wait3A_150] : memref<128x128xf32, #tpu.memory_space<vmem>> -> memref<64x128xf32, #tpu.memory_space<vmem>>
      %dma_wait3A_152 = arith.constant 64 : i32
      %dma_wait3A_153 = tpu.memref_slice %arg5[%add3A_139, %dma_wait3A_152] : memref<40x128xi32, #tpu.memory_space<vmem>> -> memref<1x64xi32, #tpu.memory_space<vmem>>
      %dma_wait3A_154 = tpu.memref_squeeze %dma_wait3A_153 : memref<1x64xi32, #tpu.memory_space<vmem>> -> memref<64xi32, #tpu.memory_space<vmem>>
      %dma_wait3A_155 = arith.constant 0 : i32
      %dma_wait3A_156 = arith.constant 0 : i32
      %dma_wait3A_157 = tpu.memref_slice %arg2[%dma_wait3A_155, %dma_wait3A_156] : memref<10112x128xf32, #tpu.memory_space<hbm>> -> memref<10112x128xf32, #tpu.memory_space<hbm>>
      tpu.wait_indirect_dma semaphore(%arg11 : memref<!tpu.dma_semaphore, #tpu.memory_space<semaphore_mem>>) src(%dma_wait3A_157 : memref<10112x128xf32, #tpu.memory_space<hbm>>) dst(%dma_wait3A_151 : memref<64x128xf32, #tpu.memory_space<vmem>>)
      %add3A_158 = arith.constant 1 : i32
      %add3A_159 = arith.addi %mul3A_91, %add3A_158 : i32
      %dma_start3A_160 = arith.constant 0 : i32
      %dma_start3A_161 = tpu.memref_slice %arg6[%add3A_159, %dma_start3A_160] : memref<40x128xi32, #tpu.memory_space<vmem>> -> memref<1x128xi32, #tpu.memory_space<vmem>>
      %dma_start3A_162 = tpu.memref_squeeze %dma_start3A_161 : memref<1x128xi32, #tpu.memory_space<vmem>> -> memref<128xi32, #tpu.memory_space<vmem>>
      %dma_start3A_163 = arith.constant 0 : i32
      %dma_start3A_164 = arith.constant 0 : i32
      %dma_start3A_165 = tpu.memref_slice %arg9[%dma_start3A_163, %dma_start3A_164] : memref<10240x128xf32, #tpu.memory_space<vmem_shared>> -> memref<10240x128xf32, #tpu.memory_space<vmem_shared>>
      tpu.enqueue_indirect_dma source(%arg8 : memref<128x128xf32, #tpu.memory_space<vmem>>) target(%dma_start3A_165 : memref<10240x128xf32, #tpu.memory_space<vmem_shared>>) offsets(%dma_start3A_162 : memref<128xi32, #tpu.memory_space<vmem>>) semaphore(%arg13 : memref<!tpu.dma_semaphore, #tpu.memory_space<semaphore_mem>>) {add = true}
      %dma_wait3A_166 = arith.constant 0 : i32
      %dma_wait3A_167 = tpu.memref_slice %arg6[%mul3A_91, %dma_wait3A_166] : memref<40x128xi32, #tpu.memory_space<vmem>> -> memref<1x128xi32, #tpu.memory_space<vmem>>
      %dma_wait3A_168 = tpu.memref_squeeze %dma_wait3A_167 : memref<1x128xi32, #tpu.memory_space<vmem>> -> memref<128xi32, #tpu.memory_space<vmem>>
      %dma_wait3A_169 = arith.constant 0 : i32
      %dma_wait3A_170 = arith.constant 0 : i32
      %dma_wait3A_171 = tpu.memref_slice %arg9[%dma_wait3A_169, %dma_wait3A_170] : memref<10240x128xf32, #tpu.memory_space<vmem_shared>> -> memref<10240x128xf32, #tpu.memory_space<vmem_shared>>
      tpu.wait_indirect_dma semaphore(%arg12 : memref<!tpu.dma_semaphore, #tpu.memory_space<semaphore_mem>>) src(%arg7 : memref<128x128xf32, #tpu.memory_space<vmem>>) dst(%dma_wait3A_171 : memref<10240x128xf32, #tpu.memory_space<vmem_shared>>)
      %lt3A = arith.constant 19 : i32
      %lt3A_172 = arith.cmpi slt, %scan3A_88, %lt3A : i32
      %convert_element_type3A_173 = arith.extui %lt3A_172 : i1 to i32
      %cond3A_174 = arith.constant 0 : i32
      %cond3A_175 = arith.cmpi ne, %convert_element_type3A_173, %cond3A_174 : i32
      scf.if %cond3A_175 {
        %add3A_177 = arith.constant 2 : i32
        %add3A_178 = arith.addi %mul3A_91, %add3A_177 : i32
        %dma_start3A_179 = arith.constant 0 : i32
        %dma_start3A_180 = arith.constant 0 : i32
        %dma_start3A_181 = tpu.memref_slice %arg7[%dma_start3A_179, %dma_start3A_180] : memref<128x128xf32, #tpu.memory_space<vmem>> -> memref<64x128xf32, #tpu.memory_space<vmem>>
        %dma_start3A_182 = arith.constant 0 : i32
        %dma_start3A_183 = tpu.memref_slice %arg5[%add3A_178, %dma_start3A_182] : memref<40x128xi32, #tpu.memory_space<vmem>> -> memref<1x64xi32, #tpu.memory_space<vmem>>
        %dma_start3A_184 = tpu.memref_squeeze %dma_start3A_183 : memref<1x64xi32, #tpu.memory_space<vmem>> -> memref<64xi32, #tpu.memory_space<vmem>>
        %dma_start3A_185 = arith.constant 0 : i32
        %dma_start3A_186 = arith.constant 0 : i32
        %dma_start3A_187 = tpu.memref_slice %arg2[%dma_start3A_185, %dma_start3A_186] : memref<10112x128xf32, #tpu.memory_space<hbm>> -> memref<10112x128xf32, #tpu.memory_space<hbm>>
        tpu.enqueue_indirect_dma source(%dma_start3A_187 : memref<10112x128xf32, #tpu.memory_space<hbm>>) target(%dma_start3A_181 : memref<64x128xf32, #tpu.memory_space<vmem>>) offsets(%dma_start3A_184 : memref<64xi32, #tpu.memory_space<vmem>>) semaphore(%arg10 : memref<!tpu.dma_semaphore, #tpu.memory_space<semaphore_mem>>)
        %dma_start3A_188 = arith.constant 64 : i32
        %dma_start3A_189 = arith.constant 0 : i32
        %dma_start3A_190 = tpu.memref_slice %arg7[%dma_start3A_188, %dma_start3A_189] : memref<128x128xf32, #tpu.memory_space<vmem>> -> memref<64x128xf32, #tpu.memory_space<vmem>>
        %dma_start3A_191 = arith.constant 64 : i32
        %dma_start3A_192 = tpu.memref_slice %arg5[%add3A_178, %dma_start3A_191] : memref<40x128xi32, #tpu.memory_space<vmem>> -> memref<1x64xi32, #tpu.memory_space<vmem>>
        %dma_start3A_193 = tpu.memref_squeeze %dma_start3A_192 : memref<1x64xi32, #tpu.memory_space<vmem>> -> memref<64xi32, #tpu.memory_space<vmem>>
        %dma_start3A_194 = arith.constant 0 : i32
        %dma_start3A_195 = arith.constant 0 : i32
        %dma_start3A_196 = tpu.memref_slice %arg2[%dma_start3A_194, %dma_start3A_195] : memref<10112x128xf32, #tpu.memory_space<hbm>> -> memref<10112x128xf32, #tpu.memory_space<hbm>>
        tpu.enqueue_indirect_dma source(%dma_start3A_196 : memref<10112x128xf32, #tpu.memory_space<hbm>>) target(%dma_start3A_190 : memref<64x128xf32, #tpu.memory_space<vmem>>) offsets(%dma_start3A_193 : memref<64xi32, #tpu.memory_space<vmem>>) semaphore(%arg10 : memref<!tpu.dma_semaphore, #tpu.memory_space<semaphore_mem>>)
      } else {
      }
      %scan3A_176 = arith.constant 0 : i32
      scf.yield %scan3A_176 : i32
    }
    %scan3A_40 = arith.constant 20 : i32
    %dma_wait3A = arith.constant 39 : i32
    %dma_wait3A_41 = arith.constant 0 : i32
    %dma_wait3A_42 = tpu.memref_slice %arg6[%dma_wait3A, %dma_wait3A_41] : memref<40x128xi32, #tpu.memory_space<vmem>> -> memref<1x128xi32, #tpu.memory_space<vmem>>
    %dma_wait3A_43 = tpu.memref_squeeze %dma_wait3A_42 : memref<1x128xi32, #tpu.memory_space<vmem>> -> memref<128xi32, #tpu.memory_space<vmem>>
    %dma_wait3A_44 = arith.constant 0 : i32
    %dma_wait3A_45 = arith.constant 0 : i32
    %dma_wait3A_46 = tpu.memref_slice %arg9[%dma_wait3A_44, %dma_wait3A_45] : memref<10240x128xf32, #tpu.memory_space<vmem_shared>> -> memref<10240x128xf32, #tpu.memory_space<vmem_shared>>
    tpu.wait_indirect_dma semaphore(%arg13 : memref<!tpu.dma_semaphore, #tpu.memory_space<semaphore_mem>>) src(%arg8 : memref<128x128xf32, #tpu.memory_space<vmem>>) dst(%dma_wait3A_46 : memref<10240x128xf32, #tpu.memory_space<vmem_shared>>)
    %run_scoped3A_47 = arith.constant 0 : i32
    "tpu.region"() ({
      %run_scoped3A_88 = tpu.sem_alloc : memref<!tpu.dma_semaphore, #tpu.memory_space<semaphore_mem>>
      %dma_start3A_89 = arith.constant 40 : i32
      %dma_start3A_90 = arith.constant 0 : i32
      %dma_start3A_91 = tpu.memref_slice %arg3[%run_scoped3A_47, %add3A, %dma_start3A_89, %dma_start3A_90] : memref<2x32x80x128xi32, #tpu.memory_space<hbm>> -> memref<1x1x40x128xi32, #tpu.memory_space<hbm>>
      %dma_start3A_92 = tpu.memref_squeeze %dma_start3A_91 : memref<1x1x40x128xi32, #tpu.memory_space<hbm>> -> memref<40x128xi32, #tpu.memory_space<hbm>>
      %dma_start3A_93 = arith.constant 40 : i32
      %dma_start3A_94 = arith.constant 0 : i32
      %dma_start3A_95 = tpu.memref_slice %arg3[%run_scoped3A_47, %add3A, %dma_start3A_93, %dma_start3A_94] : memref<2x32x80x128xi32, #tpu.memory_space<hbm>> -> memref<1x1x40x128xi32, #tpu.memory_space<hbm>>
      %dma_start3A_96 = tpu.memref_squeeze %dma_start3A_95 : memref<1x1x40x128xi32, #tpu.memory_space<hbm>> -> memref<40x128xi32, #tpu.memory_space<hbm>>
      tpu.enqueue_dma source(%dma_start3A_96 : memref<40x128xi32, #tpu.memory_space<hbm>>) target(%arg5 : memref<40x128xi32, #tpu.memory_space<vmem>>) target_semaphore(%run_scoped3A_88 : memref<!tpu.dma_semaphore, #tpu.memory_space<semaphore_mem>>)
      %dma_wait3A_97 = arith.constant 40 : i32
      %dma_wait3A_98 = arith.constant 0 : i32
      %dma_wait3A_99 = tpu.memref_slice %arg3[%run_scoped3A_47, %add3A, %dma_wait3A_97, %dma_wait3A_98] : memref<2x32x80x128xi32, #tpu.memory_space<hbm>> -> memref<1x1x40x128xi32, #tpu.memory_space<hbm>>
      %dma_wait3A_100 = tpu.memref_squeeze %dma_wait3A_99 : memref<1x1x40x128xi32, #tpu.memory_space<hbm>> -> memref<40x128xi32, #tpu.memory_space<hbm>>
      %dma_wait3A_101 = arith.constant 40 : i32
      %dma_wait3A_102 = arith.constant 0 : i32
      %dma_wait3A_103 = tpu.memref_slice %arg3[%run_scoped3A_47, %add3A, %dma_wait3A_101, %dma_wait3A_102] : memref<2x32x80x128xi32, #tpu.memory_space<hbm>> -> memref<1x1x40x128xi32, #tpu.memory_space<hbm>>
      %dma_wait3A_104 = tpu.memref_squeeze %dma_wait3A_103 : memref<1x1x40x128xi32, #tpu.memory_space<hbm>> -> memref<40x128xi32, #tpu.memory_space<hbm>>
      tpu.wait_dma2 semaphore(%run_scoped3A_88 : memref<!tpu.dma_semaphore, #tpu.memory_space<semaphore_mem>>) src(%dma_wait3A_104 : memref<40x128xi32, #tpu.memory_space<hbm>>) dst(%arg5 : memref<40x128xi32, #tpu.memory_space<vmem>>)
      tpu.yield
    }) : () -> ()
    %run_scoped3A_48 = arith.constant 1 : i32
    "tpu.region"() ({
      %run_scoped3A_88 = tpu.sem_alloc : memref<!tpu.dma_semaphore, #tpu.memory_space<semaphore_mem>>
      %dma_start3A_89 = arith.constant 40 : i32
      %dma_start3A_90 = arith.constant 0 : i32
      %dma_start3A_91 = tpu.memref_slice %arg3[%run_scoped3A_48, %add3A, %dma_start3A_89, %dma_start3A_90] : memref<2x32x80x128xi32, #tpu.memory_space<hbm>> -> memref<1x1x40x128xi32, #tpu.memory_space<hbm>>
      %dma_start3A_92 = tpu.memref_squeeze %dma_start3A_91 : memref<1x1x40x128xi32, #tpu.memory_space<hbm>> -> memref<40x128xi32, #tpu.memory_space<hbm>>
      %dma_start3A_93 = arith.constant 40 : i32
      %dma_start3A_94 = arith.constant 0 : i32
      %dma_start3A_95 = tpu.memref_slice %arg3[%run_scoped3A_48, %add3A, %dma_start3A_93, %dma_start3A_94] : memref<2x32x80x128xi32, #tpu.memory_space<hbm>> -> memref<1x1x40x128xi32, #tpu.memory_space<hbm>>
      %dma_start3A_96 = tpu.memref_squeeze %dma_start3A_95 : memref<1x1x40x128xi32, #tpu.memory_space<hbm>> -> memref<40x128xi32, #tpu.memory_space<hbm>>
      tpu.enqueue_dma source(%dma_start3A_96 : memref<40x128xi32, #tpu.memory_space<hbm>>) target(%arg6 : memref<40x128xi32, #tpu.memory_space<vmem>>) target_semaphore(%run_scoped3A_88 : memref<!tpu.dma_semaphore, #tpu.memory_space<semaphore_mem>>)
      %dma_wait3A_97 = arith.constant 40 : i32
      %dma_wait3A_98 = arith.constant 0 : i32
      %dma_wait3A_99 = tpu.memref_slice %arg3[%run_scoped3A_48, %add3A, %dma_wait3A_97, %dma_wait3A_98] : memref<2x32x80x128xi32, #tpu.memory_space<hbm>> -> memref<1x1x40x128xi32, #tpu.memory_space<hbm>>
      %dma_wait3A_100 = tpu.memref_squeeze %dma_wait3A_99 : memref<1x1x40x128xi32, #tpu.memory_space<hbm>> -> memref<40x128xi32, #tpu.memory_space<hbm>>
      %dma_wait3A_101 = arith.constant 40 : i32
      %dma_wait3A_102 = arith.constant 0 : i32
      %dma_wait3A_103 = tpu.memref_slice %arg3[%run_scoped3A_48, %add3A, %dma_wait3A_101, %dma_wait3A_102] : memref<2x32x80x128xi32, #tpu.memory_space<hbm>> -> memref<1x1x40x128xi32, #tpu.memory_space<hbm>>
      %dma_wait3A_104 = tpu.memref_squeeze %dma_wait3A_103 : memref<1x1x40x128xi32, #tpu.memory_space<hbm>> -> memref<40x128xi32, #tpu.memory_space<hbm>>
      tpu.wait_dma2 semaphore(%run_scoped3A_88 : memref<!tpu.dma_semaphore, #tpu.memory_space<semaphore_mem>>) src(%dma_wait3A_104 : memref<40x128xi32, #tpu.memory_space<hbm>>) dst(%arg6 : memref<40x128xi32, #tpu.memory_space<vmem>>)
      tpu.yield
    }) : () -> ()
    %dma_start3A_49 = arith.constant 0 : i32
    %dma_start3A_50 = arith.constant 0 : i32
    %dma_start3A_51 = arith.constant 0 : i32
    %dma_start3A_52 = tpu.memref_slice %arg7[%dma_start3A_50, %dma_start3A_51] : memref<128x128xf32, #tpu.memory_space<vmem>> -> memref<64x128xf32, #tpu.memory_space<vmem>>
    %dma_start3A_53 = arith.constant 0 : i32
    %dma_start3A_54 = tpu.memref_slice %arg5[%dma_start3A_49, %dma_start3A_53] : memref<40x128xi32, #tpu.memory_space<vmem>> -> memref<1x64xi32, #tpu.memory_space<vmem>>
    %dma_start3A_55 = tpu.memref_squeeze %dma_start3A_54 : memref<1x64xi32, #tpu.memory_space<vmem>> -> memref<64xi32, #tpu.memory_space<vmem>>
    %dma_start3A_56 = arith.constant 0 : i32
    %dma_start3A_57 = arith.constant 0 : i32
    %dma_start3A_58 = tpu.memref_slice %arg2[%dma_start3A_56, %dma_start3A_57] : memref<10112x128xf32, #tpu.memory_space<hbm>> -> memref<10112x128xf32, #tpu.memory_space<hbm>>
    tpu.enqueue_indirect_dma source(%dma_start3A_58 : memref<10112x128xf32, #tpu.memory_space<hbm>>) target(%dma_start3A_52 : memref<64x128xf32, #tpu.memory_space<vmem>>) offsets(%dma_start3A_55 : memref<64xi32, #tpu.memory_space<vmem>>) semaphore(%arg10 : memref<!tpu.dma_semaphore, #tpu.memory_space<semaphore_mem>>)
    %dma_start3A_59 = arith.constant 0 : i32
    %dma_start3A_60 = arith.constant 64 : i32
    %dma_start3A_61 = arith.constant 0 : i32
    %dma_start3A_62 = tpu.memref_slice %arg7[%dma_start3A_60, %dma_start3A_61] : memref<128x128xf32, #tpu.memory_space<vmem>> -> memref<64x128xf32, #tpu.memory_space<vmem>>
    %dma_start3A_63 = arith.constant 64 : i32
    %dma_start3A_64 = tpu.memref_slice %arg5[%dma_start3A_59, %dma_start3A_63] : memref<40x128xi32, #tpu.memory_space<vmem>> -> memref<1x64xi32, #tpu.memory_space<vmem>>
    %dma_start3A_65 = tpu.memref_squeeze %dma_start3A_64 : memref<1x64xi32, #tpu.memory_space<vmem>> -> memref<64xi32, #tpu.memory_space<vmem>>
    %dma_start3A_66 = arith.constant 0 : i32
    %dma_start3A_67 = arith.constant 0 : i32
    %dma_start3A_68 = tpu.memref_slice %arg2[%dma_start3A_66, %dma_start3A_67] : memref<10112x128xf32, #tpu.memory_space<hbm>> -> memref<10112x128xf32, #tpu.memory_space<hbm>>
    tpu.enqueue_indirect_dma source(%dma_start3A_68 : memref<10112x128xf32, #tpu.memory_space<hbm>>) target(%dma_start3A_62 : memref<64x128xf32, #tpu.memory_space<vmem>>) offsets(%dma_start3A_65 : memref<64xi32, #tpu.memory_space<vmem>>) semaphore(%arg10 : memref<!tpu.dma_semaphore, #tpu.memory_space<semaphore_mem>>)
    %scan3A_69 = arith.constant 0 : i32
    %scan3A_70 = arith.constant 0 : i32
    %scan3A_71 = arith.constant 20 : i32
    %scan3A_72 = arith.addi %scan3A_70, %scan3A_71 : i32
    %scan3A_73 = arith.constant 1 : i32
    %scan3A_74 = scf.for %scan3A_88 = %scan3A_70 to %scan3A_72 step %scan3A_73 iter_args(%scan3A_89 = %scan3A_69) -> (i32)  : i32 {
      %mul3A_90 = arith.constant 2 : i32
      %mul3A_91 = arith.muli %mul3A_90, %scan3A_88 : i32
      %dma_wait3A_92 = arith.constant 0 : i32
      %dma_wait3A_93 = arith.constant 0 : i32
      %dma_wait3A_94 = tpu.memref_slice %arg7[%dma_wait3A_92, %dma_wait3A_93] : memref<128x128xf32, #tpu.memory_space<vmem>> -> memref<64x128xf32, #tpu.memory_space<vmem>>
      %dma_wait3A_95 = arith.constant 0 : i32
      %dma_wait3A_96 = tpu.memref_slice %arg5[%mul3A_91, %dma_wait3A_95] : memref<40x128xi32, #tpu.memory_space<vmem>> -> memref<1x64xi32, #tpu.memory_space<vmem>>
      %dma_wait3A_97 = tpu.memref_squeeze %dma_wait3A_96 : memref<1x64xi32, #tpu.memory_space<vmem>> -> memref<64xi32, #tpu.memory_space<vmem>>
      %dma_wait3A_98 = arith.constant 0 : i32
      %dma_wait3A_99 = arith.constant 0 : i32
      %dma_wait3A_100 = tpu.memref_slice %arg2[%dma_wait3A_98, %dma_wait3A_99] : memref<10112x128xf32, #tpu.memory_space<hbm>> -> memref<10112x128xf32, #tpu.memory_space<hbm>>
      tpu.wait_indirect_dma semaphore(%arg10 : memref<!tpu.dma_semaphore, #tpu.memory_space<semaphore_mem>>) src(%dma_wait3A_100 : memref<10112x128xf32, #tpu.memory_space<hbm>>) dst(%dma_wait3A_94 : memref<64x128xf32, #tpu.memory_space<vmem>>)
      %dma_wait3A_101 = arith.constant 64 : i32
      %dma_wait3A_102 = arith.constant 0 : i32
      %dma_wait3A_103 = tpu.memref_slice %arg7[%dma_wait3A_101, %dma_wait3A_102] : memref<128x128xf32, #tpu.memory_space<vmem>> -> memref<64x128xf32, #tpu.memory_space<vmem>>
      %dma_wait3A_104 = arith.constant 64 : i32
      %dma_wait3A_105 = tpu.memref_slice %arg5[%mul3A_91, %dma_wait3A_104] : memref<40x128xi32, #tpu.memory_space<vmem>> -> memref<1x64xi32, #tpu.memory_space<vmem>>
      %dma_wait3A_106 = tpu.memref_squeeze %dma_wait3A_105 : memref<1x64xi32, #tpu.memory_space<vmem>> -> memref<64xi32, #tpu.memory_space<vmem>>
      %dma_wait3A_107 = arith.constant 0 : i32
      %dma_wait3A_108 = arith.constant 0 : i32
      %dma_wait3A_109 = tpu.memref_slice %arg2[%dma_wait3A_107, %dma_wait3A_108] : memref<10112x128xf32, #tpu.memory_space<hbm>> -> memref<10112x128xf32, #tpu.memory_space<hbm>>
      tpu.wait_indirect_dma semaphore(%arg10 : memref<!tpu.dma_semaphore, #tpu.memory_space<semaphore_mem>>) src(%dma_wait3A_109 : memref<10112x128xf32, #tpu.memory_space<hbm>>) dst(%dma_wait3A_103 : memref<64x128xf32, #tpu.memory_space<vmem>>)
      %dma_start3A_110 = arith.constant 0 : i32
      %dma_start3A_111 = tpu.memref_slice %arg6[%mul3A_91, %dma_start3A_110] : memref<40x128xi32, #tpu.memory_space<vmem>> -> memref<1x128xi32, #tpu.memory_space<vmem>>
      %dma_start3A_112 = tpu.memref_squeeze %dma_start3A_111 : memref<1x128xi32, #tpu.memory_space<vmem>> -> memref<128xi32, #tpu.memory_space<vmem>>
      %dma_start3A_113 = arith.constant 0 : i32
      %dma_start3A_114 = arith.constant 0 : i32
      %dma_start3A_115 = tpu.memref_slice %arg9[%dma_start3A_113, %dma_start3A_114] : memref<10240x128xf32, #tpu.memory_space<vmem_shared>> -> memref<10240x128xf32, #tpu.memory_space<vmem_shared>>
      tpu.enqueue_indirect_dma source(%arg7 : memref<128x128xf32, #tpu.memory_space<vmem>>) target(%dma_start3A_115 : memref<10240x128xf32, #tpu.memory_space<vmem_shared>>) offsets(%dma_start3A_112 : memref<128xi32, #tpu.memory_space<vmem>>) semaphore(%arg12 : memref<!tpu.dma_semaphore, #tpu.memory_space<semaphore_mem>>) {add = true}
      %gt3A = arith.constant 0 : i32
      %gt3A_116 = arith.cmpi sgt, %scan3A_88, %gt3A : i32
      %convert_element_type3A = arith.extui %gt3A_116 : i1 to i32
      %cond3A = arith.constant 0 : i32
      %cond3A_117 = arith.cmpi ne, %convert_element_type3A, %cond3A : i32
      scf.if %cond3A_117 {
        %sub3A = arith.constant 1 : i32
        %sub3A_177 = arith.subi %mul3A_91, %sub3A : i32
        %dma_wait3A_178 = arith.constant 0 : i32
        %dma_wait3A_179 = tpu.memref_slice %arg6[%sub3A_177, %dma_wait3A_178] : memref<40x128xi32, #tpu.memory_space<vmem>> -> memref<1x128xi32, #tpu.memory_space<vmem>>
        %dma_wait3A_180 = tpu.memref_squeeze %dma_wait3A_179 : memref<1x128xi32, #tpu.memory_space<vmem>> -> memref<128xi32, #tpu.memory_space<vmem>>
        %dma_wait3A_181 = arith.constant 0 : i32
        %dma_wait3A_182 = arith.constant 0 : i32
        %dma_wait3A_183 = tpu.memref_slice %arg9[%dma_wait3A_181, %dma_wait3A_182] : memref<10240x128xf32, #tpu.memory_space<vmem_shared>> -> memref<10240x128xf32, #tpu.memory_space<vmem_shared>>
        tpu.wait_indirect_dma semaphore(%arg13 : memref<!tpu.dma_semaphore, #tpu.memory_space<semaphore_mem>>) src(%arg8 : memref<128x128xf32, #tpu.memory_space<vmem>>) dst(%dma_wait3A_183 : memref<10240x128xf32, #tpu.memory_space<vmem_shared>>)
      } else {
      }
      %add3A_118 = arith.constant 1 : i32
      %add3A_119 = arith.addi %mul3A_91, %add3A_118 : i32
      %dma_start3A_120 = arith.constant 0 : i32
      %dma_start3A_121 = arith.constant 0 : i32
      %dma_start3A_122 = tpu.memref_slice %arg8[%dma_start3A_120, %dma_start3A_121] : memref<128x128xf32, #tpu.memory_space<vmem>> -> memref<64x128xf32, #tpu.memory_space<vmem>>
      %dma_start3A_123 = arith.constant 0 : i32
      %dma_start3A_124 = tpu.memref_slice %arg5[%add3A_119, %dma_start3A_123] : memref<40x128xi32, #tpu.memory_space<vmem>> -> memref<1x64xi32, #tpu.memory_space<vmem>>
      %dma_start3A_125 = tpu.memref_squeeze %dma_start3A_124 : memref<1x64xi32, #tpu.memory_space<vmem>> -> memref<64xi32, #tpu.memory_space<vmem>>
      %dma_start3A_126 = arith.constant 0 : i32
      %dma_start3A_127 = arith.constant 0 : i32
      %dma_start3A_128 = tpu.memref_slice %arg2[%dma_start3A_126, %dma_start3A_127] : memref<10112x128xf32, #tpu.memory_space<hbm>> -> memref<10112x128xf32, #tpu.memory_space<hbm>>
      tpu.enqueue_indirect_dma source(%dma_start3A_128 : memref<10112x128xf32, #tpu.memory_space<hbm>>) target(%dma_start3A_122 : memref<64x128xf32, #tpu.memory_space<vmem>>) offsets(%dma_start3A_125 : memref<64xi32, #tpu.memory_space<vmem>>) semaphore(%arg11 : memref<!tpu.dma_semaphore, #tpu.memory_space<semaphore_mem>>)
      %dma_start3A_129 = arith.constant 64 : i32
      %dma_start3A_130 = arith.constant 0 : i32
      %dma_start3A_131 = tpu.memref_slice %arg8[%dma_start3A_129, %dma_start3A_130] : memref<128x128xf32, #tpu.memory_space<vmem>> -> memref<64x128xf32, #tpu.memory_space<vmem>>
      %dma_start3A_132 = arith.constant 64 : i32
      %dma_start3A_133 = tpu.memref_slice %arg5[%add3A_119, %dma_start3A_132] : memref<40x128xi32, #tpu.memory_space<vmem>> -> memref<1x64xi32, #tpu.memory_space<vmem>>
      %dma_start3A_134 = tpu.memref_squeeze %dma_start3A_133 : memref<1x64xi32, #tpu.memory_space<vmem>> -> memref<64xi32, #tpu.memory_space<vmem>>
      %dma_start3A_135 = arith.constant 0 : i32
      %dma_start3A_136 = arith.constant 0 : i32
      %dma_start3A_137 = tpu.memref_slice %arg2[%dma_start3A_135, %dma_start3A_136] : memref<10112x128xf32, #tpu.memory_space<hbm>> -> memref<10112x128xf32, #tpu.memory_space<hbm>>
      tpu.enqueue_indirect_dma source(%dma_start3A_137 : memref<10112x128xf32, #tpu.memory_space<hbm>>) target(%dma_start3A_131 : memref<64x128xf32, #tpu.memory_space<vmem>>) offsets(%dma_start3A_134 : memref<64xi32, #tpu.memory_space<vmem>>) semaphore(%arg11 : memref<!tpu.dma_semaphore, #tpu.memory_space<semaphore_mem>>)
      %add3A_138 = arith.constant 1 : i32
      %add3A_139 = arith.addi %mul3A_91, %add3A_138 : i32
      %dma_wait3A_140 = arith.constant 0 : i32
      %dma_wait3A_141 = arith.constant 0 : i32
      %dma_wait3A_142 = tpu.memref_slice %arg8[%dma_wait3A_140, %dma_wait3A_141] : memref<128x128xf32, #tpu.memory_space<vmem>> -> memref<64x128xf32, #tpu.memory_space<vmem>>
      %dma_wait3A_143 = arith.constant 0 : i32
      %dma_wait3A_144 = tpu.memref_slice %arg5[%add3A_139, %dma_wait3A_143] : memref<40x128xi32, #tpu.memory_space<vmem>> -> memref<1x64xi32, #tpu.memory_space<vmem>>
      %dma_wait3A_145 = tpu.memref_squeeze %dma_wait3A_144 : memref<1x64xi32, #tpu.memory_space<vmem>> -> memref<64xi32, #tpu.memory_space<vmem>>
      %dma_wait3A_146 = arith.constant 0 : i32
      %dma_wait3A_147 = arith.constant 0 : i32
      %dma_wait3A_148 = tpu.memref_slice %arg2[%dma_wait3A_146, %dma_wait3A_147] : memref<10112x128xf32, #tpu.memory_space<hbm>> -> memref<10112x128xf32, #tpu.memory_space<hbm>>
      tpu.wait_indirect_dma semaphore(%arg11 : memref<!tpu.dma_semaphore, #tpu.memory_space<semaphore_mem>>) src(%dma_wait3A_148 : memref<10112x128xf32, #tpu.memory_space<hbm>>) dst(%dma_wait3A_142 : memref<64x128xf32, #tpu.memory_space<vmem>>)
      %dma_wait3A_149 = arith.constant 64 : i32
      %dma_wait3A_150 = arith.constant 0 : i32
      %dma_wait3A_151 = tpu.memref_slice %arg8[%dma_wait3A_149, %dma_wait3A_150] : memref<128x128xf32, #tpu.memory_space<vmem>> -> memref<64x128xf32, #tpu.memory_space<vmem>>
      %dma_wait3A_152 = arith.constant 64 : i32
      %dma_wait3A_153 = tpu.memref_slice %arg5[%add3A_139, %dma_wait3A_152] : memref<40x128xi32, #tpu.memory_space<vmem>> -> memref<1x64xi32, #tpu.memory_space<vmem>>
      %dma_wait3A_154 = tpu.memref_squeeze %dma_wait3A_153 : memref<1x64xi32, #tpu.memory_space<vmem>> -> memref<64xi32, #tpu.memory_space<vmem>>
      %dma_wait3A_155 = arith.constant 0 : i32
      %dma_wait3A_156 = arith.constant 0 : i32
      %dma_wait3A_157 = tpu.memref_slice %arg2[%dma_wait3A_155, %dma_wait3A_156] : memref<10112x128xf32, #tpu.memory_space<hbm>> -> memref<10112x128xf32, #tpu.memory_space<hbm>>
      tpu.wait_indirect_dma semaphore(%arg11 : memref<!tpu.dma_semaphore, #tpu.memory_space<semaphore_mem>>) src(%dma_wait3A_157 : memref<10112x128xf32, #tpu.memory_space<hbm>>) dst(%dma_wait3A_151 : memref<64x128xf32, #tpu.memory_space<vmem>>)
      %add3A_158 = arith.constant 1 : i32
      %add3A_159 = arith.addi %mul3A_91, %add3A_158 : i32
      %dma_start3A_160 = arith.constant 0 : i32
      %dma_start3A_161 = tpu.memref_slice %arg6[%add3A_159, %dma_start3A_160] : memref<40x128xi32, #tpu.memory_space<vmem>> -> memref<1x128xi32, #tpu.memory_space<vmem>>
      %dma_start3A_162 = tpu.memref_squeeze %dma_start3A_161 : memref<1x128xi32, #tpu.memory_space<vmem>> -> memref<128xi32, #tpu.memory_space<vmem>>
      %dma_start3A_163 = arith.constant 0 : i32
      %dma_start3A_164 = arith.constant 0 : i32
      %dma_start3A_165 = tpu.memref_slice %arg9[%dma_start3A_163, %dma_start3A_164] : memref<10240x128xf32, #tpu.memory_space<vmem_shared>> -> memref<10240x128xf32, #tpu.memory_space<vmem_shared>>
      tpu.enqueue_indirect_dma source(%arg8 : memref<128x128xf32, #tpu.memory_space<vmem>>) target(%dma_start3A_165 : memref<10240x128xf32, #tpu.memory_space<vmem_shared>>) offsets(%dma_start3A_162 : memref<128xi32, #tpu.memory_space<vmem>>) semaphore(%arg13 : memref<!tpu.dma_semaphore, #tpu.memory_space<semaphore_mem>>) {add = true}
      %dma_wait3A_166 = arith.constant 0 : i32
      %dma_wait3A_167 = tpu.memref_slice %arg6[%mul3A_91, %dma_wait3A_166] : memref<40x128xi32, #tpu.memory_space<vmem>> -> memref<1x128xi32, #tpu.memory_space<vmem>>
      %dma_wait3A_168 = tpu.memref_squeeze %dma_wait3A_167 : memref<1x128xi32, #tpu.memory_space<vmem>> -> memref<128xi32, #tpu.memory_space<vmem>>
      %dma_wait3A_169 = arith.constant 0 : i32
      %dma_wait3A_170 = arith.constant 0 : i32
      %dma_wait3A_171 = tpu.memref_slice %arg9[%dma_wait3A_169, %dma_wait3A_170] : memref<10240x128xf32, #tpu.memory_space<vmem_shared>> -> memref<10240x128xf32, #tpu.memory_space<vmem_shared>>
      tpu.wait_indirect_dma semaphore(%arg12 : memref<!tpu.dma_semaphore, #tpu.memory_space<semaphore_mem>>) src(%arg7 : memref<128x128xf32, #tpu.memory_space<vmem>>) dst(%dma_wait3A_171 : memref<10240x128xf32, #tpu.memory_space<vmem_shared>>)
      %lt3A = arith.constant 19 : i32
      %lt3A_172 = arith.cmpi slt, %scan3A_88, %lt3A : i32
      %convert_element_type3A_173 = arith.extui %lt3A_172 : i1 to i32
      %cond3A_174 = arith.constant 0 : i32
      %cond3A_175 = arith.cmpi ne, %convert_element_type3A_173, %cond3A_174 : i32
      scf.if %cond3A_175 {
        %add3A_177 = arith.constant 2 : i32
        %add3A_178 = arith.addi %mul3A_91, %add3A_177 : i32
        %dma_start3A_179 = arith.constant 0 : i32
        %dma_start3A_180 = arith.constant 0 : i32
        %dma_start3A_181 = tpu.memref_slice %arg7[%dma_start3A_179, %dma_start3A_180] : memref<128x128xf32, #tpu.memory_space<vmem>> -> memref<64x128xf32, #tpu.memory_space<vmem>>
        %dma_start3A_182 = arith.constant 0 : i32
        %dma_start3A_183 = tpu.memref_slice %arg5[%add3A_178, %dma_start3A_182] : memref<40x128xi32, #tpu.memory_space<vmem>> -> memref<1x64xi32, #tpu.memory_space<vmem>>
        %dma_start3A_184 = tpu.memref_squeeze %dma_start3A_183 : memref<1x64xi32, #tpu.memory_space<vmem>> -> memref<64xi32, #tpu.memory_space<vmem>>
        %dma_start3A_185 = arith.constant 0 : i32
        %dma_start3A_186 = arith.constant 0 : i32
        %dma_start3A_187 = tpu.memref_slice %arg2[%dma_start3A_185, %dma_start3A_186] : memref<10112x128xf32, #tpu.memory_space<hbm>> -> memref<10112x128xf32, #tpu.memory_space<hbm>>
        tpu.enqueue_indirect_dma source(%dma_start3A_187 : memref<10112x128xf32, #tpu.memory_space<hbm>>) target(%dma_start3A_181 : memref<64x128xf32, #tpu.memory_space<vmem>>) offsets(%dma_start3A_184 : memref<64xi32, #tpu.memory_space<vmem>>) semaphore(%arg10 : memref<!tpu.dma_semaphore, #tpu.memory_space<semaphore_mem>>)
        %dma_start3A_188 = arith.constant 64 : i32
        %dma_start3A_189 = arith.constant 0 : i32
        %dma_start3A_190 = tpu.memref_slice %arg7[%dma_start3A_188, %dma_start3A_189] : memref<128x128xf32, #tpu.memory_space<vmem>> -> memref<64x128xf32, #tpu.memory_space<vmem>>
        %dma_start3A_191 = arith.constant 64 : i32
        %dma_start3A_192 = tpu.memref_slice %arg5[%add3A_178, %dma_start3A_191] : memref<40x128xi32, #tpu.memory_space<vmem>> -> memref<1x64xi32, #tpu.memory_space<vmem>>
        %dma_start3A_193 = tpu.memref_squeeze %dma_start3A_192 : memref<1x64xi32, #tpu.memory_space<vmem>> -> memref<64xi32, #tpu.memory_space<vmem>>
        %dma_start3A_194 = arith.constant 0 : i32
        %dma_start3A_195 = arith.constant 0 : i32
        %dma_start3A_196 = tpu.memref_slice %arg2[%dma_start3A_194, %dma_start3A_195] : memref<10112x128xf32, #tpu.memory_space<hbm>> -> memref<10112x128xf32, #tpu.memory_space<hbm>>
        tpu.enqueue_indirect_dma source(%dma_start3A_196 : memref<10112x128xf32, #tpu.memory_space<hbm>>) target(%dma_start3A_190 : memref<64x128xf32, #tpu.memory_space<vmem>>) offsets(%dma_start3A_193 : memref<64xi32, #tpu.memory_space<vmem>>) semaphore(%arg10 : memref<!tpu.dma_semaphore, #tpu.memory_space<semaphore_mem>>)
      } else {
      }
      %scan3A_176 = arith.constant 0 : i32
      scf.yield %scan3A_176 : i32
    }
    %scan3A_75 = arith.constant 20 : i32
    %dma_wait3A_76 = arith.constant 39 : i32
    %dma_wait3A_77 = arith.constant 0 : i32
    %dma_wait3A_78 = tpu.memref_slice %arg6[%dma_wait3A_76, %dma_wait3A_77] : memref<40x128xi32, #tpu.memory_space<vmem>> -> memref<1x128xi32, #tpu.memory_space<vmem>>
    %dma_wait3A_79 = tpu.memref_squeeze %dma_wait3A_78 : memref<1x128xi32, #tpu.memory_space<vmem>> -> memref<128xi32, #tpu.memory_space<vmem>>
    %dma_wait3A_80 = arith.constant 0 : i32
    %dma_wait3A_81 = arith.constant 0 : i32
    %dma_wait3A_82 = tpu.memref_slice %arg9[%dma_wait3A_80, %dma_wait3A_81] : memref<10240x128xf32, #tpu.memory_space<vmem_shared>> -> memref<10240x128xf32, #tpu.memory_space<vmem_shared>>
    tpu.wait_indirect_dma semaphore(%arg13 : memref<!tpu.dma_semaphore, #tpu.memory_space<semaphore_mem>>) src(%arg8 : memref<128x128xf32, #tpu.memory_space<vmem>>) dst(%dma_wait3A_82 : memref<10240x128xf32, #tpu.memory_space<vmem_shared>>)
    %barrier3A_83 = arith.constant 0 : index
    tpu.barrier barrier_id(%barrier3A_83)
    %mul3A_84 = arith.constant 640 : i32
    %mul3A_85 = arith.muli %arg1, %mul3A_84 : i32
    %mul3A_86 = arith.constant 640 : i32
    %mul3A_87 = arith.muli %arg1, %mul3A_86 : i32
    "tpu.region"() ({
      %run_scoped3A_88 = tpu.sem_alloc : memref<!tpu.dma_semaphore, #tpu.memory_space<semaphore_mem>>
      %dma_start3A_89 = arith.constant 0 : i32
      %dma_start3A_90 = tpu.memref_slice %arg4[%arg0, %mul3A_87, %dma_start3A_89] : memref<2x10240x128xf32, #tpu.memory_space<hbm>> -> memref<1x640x128xf32, #tpu.memory_space<hbm>>
      %dma_start3A_91 = tpu.memref_squeeze %dma_start3A_90 : memref<1x640x128xf32, #tpu.memory_space<hbm>> -> memref<640x128xf32, #tpu.memory_space<hbm>>
      %dma_start3A_92 = arith.constant 0 : i32
      %dma_start3A_93 = tpu.memref_slice %arg9[%mul3A_85, %dma_start3A_92] : memref<10240x128xf32, #tpu.memory_space<vmem_shared>> -> memref<640x128xf32, #tpu.memory_space<vmem_shared>>
      tpu.enqueue_dma source(%dma_start3A_93 : memref<640x128xf32, #tpu.memory_space<vmem_shared>>) target(%dma_start3A_91 : memref<640x128xf32, #tpu.memory_space<hbm>>) target_semaphore(%run_scoped3A_88 : memref<!tpu.dma_semaphore, #tpu.memory_space<semaphore_mem>>)
      %dma_wait3A_94 = arith.constant 0 : i32
      %dma_wait3A_95 = tpu.memref_slice %arg4[%arg0, %mul3A_87, %dma_wait3A_94] : memref<2x10240x128xf32, #tpu.memory_space<hbm>> -> memref<1x640x128xf32, #tpu.memory_space<hbm>>
      %dma_wait3A_96 = tpu.memref_squeeze %dma_wait3A_95 : memref<1x640x128xf32, #tpu.memory_space<hbm>> -> memref<640x128xf32, #tpu.memory_space<hbm>>
      %dma_wait3A_97 = arith.constant 0 : i32
      %dma_wait3A_98 = tpu.memref_slice %arg9[%mul3A_85, %dma_wait3A_97] : memref<10240x128xf32, #tpu.memory_space<vmem_shared>> -> memref<640x128xf32, #tpu.memory_space<vmem_shared>>
      tpu.wait_dma2 semaphore(%run_scoped3A_88 : memref<!tpu.dma_semaphore, #tpu.memory_space<semaphore_mem>>) src(%dma_wait3A_98 : memref<640x128xf32, #tpu.memory_space<vmem_shared>>) dst(%dma_wait3A_96 : memref<640x128xf32, #tpu.memory_space<hbm>>)
      tpu.yield
    }) : () -> ()
    return
  }
}

#map = affine_map<(d0, d1) -> (0, 0)>
#map1 = affine_map<(d0, d1) -> (0, 0, 0, 0)>
#map2 = affine_map<(d0, d1) -> (0, 0, 0)>
module attributes {stable_mosaic.version = 14 : i64} {
  func.func @_sc_scatter_body(%arg0: i32, %arg1: i32, %arg2: memref<10112x128xf32, #tpu.memory_space<hbm>>, %arg3: memref<2x32x80x128xi32, #tpu.memory_space<hbm>>, %arg4: memref<2x10240x128xf32, #tpu.memory_space<hbm>>, %arg5: memref<40x128xi32, #tpu.memory_space<vmem>>, %arg6: memref<40x128xi32, #tpu.memory_space<vmem>>, %arg7: memref<128x128xf32, #tpu.memory_space<vmem>>, %arg8: memref<128x128xf32, #tpu.memory_space<vmem>>, %arg9: memref<10240x128xf32, #tpu.memory_space<vmem_shared>>, %arg10: memref<!tpu.dma_semaphore, #tpu.memory_space<semaphore_mem>>, %arg11: memref<!tpu.dma_semaphore, #tpu.memory_space<semaphore_mem>>, %arg12: memref<!tpu.dma_semaphore, #tpu.memory_space<semaphore_mem>>, %arg13: memref<!tpu.dma_semaphore, #tpu.memory_space<semaphore_mem>>) attributes {dimension_semantics = [#tpu.dimension_semantics<core_parallel>, #tpu.dimension_semantics<subcore_parallel>], iteration_bounds = array<i64: 2, 16>, scalar_prefetch = 0 : i64, scratch_operands = 9 : i64, tpu.core_type = #tpu.core_type<sc_vector_subcore>, window_params = [{transform_indices = #map}, {transform_indices = #map1}, {transform_indices = #map2}]} {
    %mul3A = arith.constant 2 : i32
    %mul3A_0 = arith.muli %arg1, %mul3A : i32
    %add3A = arith.addi %mul3A_0, %arg0 : i32
    %run_scoped3A = arith.constant 0 : i32
    "tpu.region"() ({
      %run_scoped3A_88 = tpu.sem_alloc : memref<!tpu.dma_semaphore, #tpu.memory_space<semaphore_mem>>
      %dma_start3A_89 = arith.constant 0 : i32
      %dma_start3A_90 = arith.constant 0 : i32
      %dma_start3A_91 = tpu.memref_slice %arg3[%run_scoped3A, %add3A, %dma_start3A_89, %dma_start3A_90] : memref<2x32x80x128xi32, #tpu.memory_space<hbm>> -> memref<1x1x40x128xi32, #tpu.memory_space<hbm>>
      %dma_start3A_92 = tpu.memref_squeeze %dma_start3A_91 : memref<1x1x40x128xi32, #tpu.memory_space<hbm>> -> memref<40x128xi32, #tpu.memory_space<hbm>>
      %dma_start3A_93 = arith.constant 0 : i32
      %dma_start3A_94 = arith.constant 0 : i32
      %dma_start3A_95 = tpu.memref_slice %arg3[%run_scoped3A, %add3A, %dma_start3A_93, %dma_start3A_94] : memref<2x32x80x128xi32, #tpu.memory_space<hbm>> -> memref<1x1x40x128xi32, #tpu.memory_space<hbm>>
      %dma_start3A_96 = tpu.memref_squeeze %dma_start3A_95 : memref<1x1x40x128xi32, #tpu.memory_space<hbm>> -> memref<40x128xi32, #tpu.memory_space<hbm>>
      tpu.enqueue_dma source(%dma_start3A_96 : memref<40x128xi32, #tpu.memory_space<hbm>>) target(%arg5 : memref<40x128xi32, #tpu.memory_space<vmem>>) target_semaphore(%run_scoped3A_88 : memref<!tpu.dma_semaphore, #tpu.memory_space<semaphore_mem>>)
      %dma_wait3A_97 = arith.constant 0 : i32
      %dma_wait3A_98 = arith.constant 0 : i32
      %dma_wait3A_99 = tpu.memref_slice %arg3[%run_scoped3A, %add3A, %dma_wait3A_97, %dma_wait3A_98] : memref<2x32x80x128xi32, #tpu.memory_space<hbm>> -> memref<1x1x40x128xi32, #tpu.memory_space<hbm>>
      %dma_wait3A_100 = tpu.memref_squeeze %dma_wait3A_99 : memref<1x1x40x128xi32, #tpu.memory_space<hbm>> -> memref<40x128xi32, #tpu.memory_space<hbm>>
      %dma_wait3A_101 = arith.constant 0 : i32
      %dma_wait3A_102 = arith.constant 0 : i32
      %dma_wait3A_103 = tpu.memref_slice %arg3[%run_scoped3A, %add3A, %dma_wait3A_101, %dma_wait3A_102] : memref<2x32x80x128xi32, #tpu.memory_space<hbm>> -> memref<1x1x40x128xi32, #tpu.memory_space<hbm>>
      %dma_wait3A_104 = tpu.memref_squeeze %dma_wait3A_103 : memref<1x1x40x128xi32, #tpu.memory_space<hbm>> -> memref<40x128xi32, #tpu.memory_space<hbm>>
      tpu.wait_dma2 semaphore(%run_scoped3A_88 : memref<!tpu.dma_semaphore, #tpu.memory_space<semaphore_mem>>) src(%dma_wait3A_104 : memref<40x128xi32, #tpu.memory_space<hbm>>) dst(%arg5 : memref<40x128xi32, #tpu.memory_space<vmem>>)
      tpu.yield
    }) : () -> ()
    %run_scoped3A_1 = arith.constant 1 : i32
    "tpu.region"() ({
      %run_scoped3A_88 = tpu.sem_alloc : memref<!tpu.dma_semaphore, #tpu.memory_space<semaphore_mem>>
      %dma_start3A_89 = arith.constant 0 : i32
      %dma_start3A_90 = arith.constant 0 : i32
      %dma_start3A_91 = tpu.memref_slice %arg3[%run_scoped3A_1, %add3A, %dma_start3A_89, %dma_start3A_90] : memref<2x32x80x128xi32, #tpu.memory_space<hbm>> -> memref<1x1x40x128xi32, #tpu.memory_space<hbm>>
      %dma_start3A_92 = tpu.memref_squeeze %dma_start3A_91 : memref<1x1x40x128xi32, #tpu.memory_space<hbm>> -> memref<40x128xi32, #tpu.memory_space<hbm>>
      %dma_start3A_93 = arith.constant 0 : i32
      %dma_start3A_94 = arith.constant 0 : i32
      %dma_start3A_95 = tpu.memref_slice %arg3[%run_scoped3A_1, %add3A, %dma_start3A_93, %dma_start3A_94] : memref<2x32x80x128xi32, #tpu.memory_space<hbm>> -> memref<1x1x40x128xi32, #tpu.memory_space<hbm>>
      %dma_start3A_96 = tpu.memref_squeeze %dma_start3A_95 : memref<1x1x40x128xi32, #tpu.memory_space<hbm>> -> memref<40x128xi32, #tpu.memory_space<hbm>>
      tpu.enqueue_dma source(%dma_start3A_96 : memref<40x128xi32, #tpu.memory_space<hbm>>) target(%arg6 : memref<40x128xi32, #tpu.memory_space<vmem>>) target_semaphore(%run_scoped3A_88 : memref<!tpu.dma_semaphore, #tpu.memory_space<semaphore_mem>>)
      %dma_wait3A_97 = arith.constant 0 : i32
      %dma_wait3A_98 = arith.constant 0 : i32
      %dma_wait3A_99 = tpu.memref_slice %arg3[%run_scoped3A_1, %add3A, %dma_wait3A_97, %dma_wait3A_98] : memref<2x32x80x128xi32, #tpu.memory_space<hbm>> -> memref<1x1x40x128xi32, #tpu.memory_space<hbm>>
      %dma_wait3A_100 = tpu.memref_squeeze %dma_wait3A_99 : memref<1x1x40x128xi32, #tpu.memory_space<hbm>> -> memref<40x128xi32, #tpu.memory_space<hbm>>
      %dma_wait3A_101 = arith.constant 0 : i32
      %dma_wait3A_102 = arith.constant 0 : i32
      %dma_wait3A_103 = tpu.memref_slice %arg3[%run_scoped3A_1, %add3A, %dma_wait3A_101, %dma_wait3A_102] : memref<2x32x80x128xi32, #tpu.memory_space<hbm>> -> memref<1x1x40x128xi32, #tpu.memory_space<hbm>>
      %dma_wait3A_104 = tpu.memref_squeeze %dma_wait3A_103 : memref<1x1x40x128xi32, #tpu.memory_space<hbm>> -> memref<40x128xi32, #tpu.memory_space<hbm>>
      tpu.wait_dma2 semaphore(%run_scoped3A_88 : memref<!tpu.dma_semaphore, #tpu.memory_space<semaphore_mem>>) src(%dma_wait3A_104 : memref<40x128xi32, #tpu.memory_space<hbm>>) dst(%arg6 : memref<40x128xi32, #tpu.memory_space<vmem>>)
      tpu.yield
    }) : () -> ()
    %dma_start3A = arith.constant 0 : i32
    %dma_start3A_2 = arith.constant 0 : i32
    %dma_start3A_3 = arith.constant 0 : i32
    %dma_start3A_4 = tpu.memref_slice %arg7[%dma_start3A_2, %dma_start3A_3] : memref<128x128xf32, #tpu.memory_space<vmem>> -> memref<64x128xf32, #tpu.memory_space<vmem>>
    %dma_start3A_5 = arith.constant 0 : i32
    %dma_start3A_6 = tpu.memref_slice %arg5[%dma_start3A, %dma_start3A_5] : memref<40x128xi32, #tpu.memory_space<vmem>> -> memref<1x64xi32, #tpu.memory_space<vmem>>
    %dma_start3A_7 = tpu.memref_squeeze %dma_start3A_6 : memref<1x64xi32, #tpu.memory_space<vmem>> -> memref<64xi32, #tpu.memory_space<vmem>>
    %dma_start3A_8 = arith.constant 0 : i32
    %dma_start3A_9 = arith.constant 0 : i32
    %dma_start3A_10 = tpu.memref_slice %arg2[%dma_start3A_8, %dma_start3A_9] : memref<10112x128xf32, #tpu.memory_space<hbm>> -> memref<10112x128xf32, #tpu.memory_space<hbm>>
    tpu.enqueue_indirect_dma source(%dma_start3A_10 : memref<10112x128xf32, #tpu.memory_space<hbm>>) target(%dma_start3A_4 : memref<64x128xf32, #tpu.memory_space<vmem>>) offsets(%dma_start3A_7 : memref<64xi32, #tpu.memory_space<vmem>>) semaphore(%arg10 : memref<!tpu.dma_semaphore, #tpu.memory_space<semaphore_mem>>)
    %dma_start3A_11 = arith.constant 0 : i32
    %dma_start3A_12 = arith.constant 64 : i32
    %dma_start3A_13 = arith.constant 0 : i32
    %dma_start3A_14 = tpu.memref_slice %arg7[%dma_start3A_12, %dma_start3A_13] : memref<128x128xf32, #tpu.memory_space<vmem>> -> memref<64x128xf32, #tpu.memory_space<vmem>>
    %dma_start3A_15 = arith.constant 64 : i32
    %dma_start3A_16 = tpu.memref_slice %arg5[%dma_start3A_11, %dma_start3A_15] : memref<40x128xi32, #tpu.memory_space<vmem>> -> memref<1x64xi32, #tpu.memory_space<vmem>>
    %dma_start3A_17 = tpu.memref_squeeze %dma_start3A_16 : memref<1x64xi32, #tpu.memory_space<vmem>> -> memref<64xi32, #tpu.memory_space<vmem>>
    %dma_start3A_18 = arith.constant 0 : i32
    %dma_start3A_19 = arith.constant 0 : i32
    %dma_start3A_20 = tpu.memref_slice %arg2[%dma_start3A_18, %dma_start3A_19] : memref<10112x128xf32, #tpu.memory_space<hbm>> -> memref<10112x128xf32, #tpu.memory_space<hbm>>
    tpu.enqueue_indirect_dma source(%dma_start3A_20 : memref<10112x128xf32, #tpu.memory_space<hbm>>) target(%dma_start3A_14 : memref<64x128xf32, #tpu.memory_space<vmem>>) offsets(%dma_start3A_17 : memref<64xi32, #tpu.memory_space<vmem>>) semaphore(%arg10 : memref<!tpu.dma_semaphore, #tpu.memory_space<semaphore_mem>>)
    %scan3A = arith.constant 0 : i32
    %scan3A_21 = arith.constant 0 : i32
    %scan3A_22 = arith.constant 128 : i32
    %scan3A_23 = arith.addi %scan3A_21, %scan3A_22 : i32
    %scan3A_24 = arith.constant 1 : i32
    %scan3A_25 = scf.for %scan3A_88 = %scan3A_21 to %scan3A_23 step %scan3A_24 iter_args(%scan3A_89 = %scan3A) -> (i32)  : i32 {
      %broadcast_in_dim3A = arith.constant 0.000000e+00 : f32
      %broadcast_in_dim3A_90 = vector.broadcast %broadcast_in_dim3A : f32 to vector<16xf32>
      %swap3A = arith.index_cast %scan3A_88 : i32 to index
      %swap3A_91 = arith.constant 0 : index
      %swap3A_92 = tpu.vector_load %arg8[%swap3A, %swap3A_91] {strides = array<i32>} : memref<128x128xf32, #tpu.memory_space<vmem>>, vector<1x16xf32>,
      %swap3A_93 = vector.shape_cast %swap3A_92 : vector<1x16xf32> to vector<16xf32>
      %swap3A_94 = vector.shape_cast %broadcast_in_dim3A_90 : vector<16xf32> to vector<1x16xf32>
      tpu.vector_store %arg8[%swap3A, %swap3A_91], %swap3A_94 {strides = array<i32>} : memref<128x128xf32, #tpu.memory_space<vmem>>, vector<1x16xf32>,
      %broadcast_in_dim3A_95 = arith.constant 0.000000e+00 : f32
      %broadcast_in_dim3A_96 = vector.broadcast %broadcast_in_dim3A_95 : f32 to vector<16xf32>
      %swap3A_97 = arith.index_cast %scan3A_88 : i32 to index
      %swap3A_98 = arith.constant 16 : index
      %swap3A_99 = tpu.vector_load %arg8[%swap3A_97, %swap3A_98] {strides = array<i32>} : memref<128x128xf32, #tpu.memory_space<vmem>>, vector<1x16xf32>,
      %swap3A_100 = vector.shape_cast %swap3A_99 : vector<1x16xf32> to vector<16xf32>
      %swap3A_101 = vector.shape_cast %broadcast_in_dim3A_96 : vector<16xf32> to vector<1x16xf32>
      tpu.vector_store %arg8[%swap3A_97, %swap3A_98], %swap3A_101 {strides = array<i32>} : memref<128x128xf32, #tpu.memory_space<vmem>>, vector<1x16xf32>,
      %broadcast_in_dim3A_102 = arith.constant 0.000000e+00 : f32
      %broadcast_in_dim3A_103 = vector.broadcast %broadcast_in_dim3A_102 : f32 to vector<16xf32>
      %swap3A_104 = arith.index_cast %scan3A_88 : i32 to index
      %swap3A_105 = arith.constant 32 : index
      %swap3A_106 = tpu.vector_load %arg8[%swap3A_104, %swap3A_105] {strides = array<i32>} : memref<128x128xf32, #tpu.memory_space<vmem>>, vector<1x16xf32>,
      %swap3A_107 = vector.shape_cast %swap3A_106 : vector<1x16xf32> to vector<16xf32>
      %swap3A_108 = vector.shape_cast %broadcast_in_dim3A_103 : vector<16xf32> to vector<1x16xf32>
      tpu.vector_store %arg8[%swap3A_104, %swap3A_105], %swap3A_108 {strides = array<i32>} : memref<128x128xf32, #tpu.memory_space<vmem>>, vector<1x16xf32>,
      %broadcast_in_dim3A_109 = arith.constant 0.000000e+00 : f32
      %broadcast_in_dim3A_110 = vector.broadcast %broadcast_in_dim3A_109 : f32 to vector<16xf32>
      %swap3A_111 = arith.index_cast %scan3A_88 : i32 to index
      %swap3A_112 = arith.constant 48 : index
      %swap3A_113 = tpu.vector_load %arg8[%swap3A_111, %swap3A_112] {strides = array<i32>} : memref<128x128xf32, #tpu.memory_space<vmem>>, vector<1x16xf32>,
      %swap3A_114 = vector.shape_cast %swap3A_113 : vector<1x16xf32> to vector<16xf32>
      %swap3A_115 = vector.shape_cast %broadcast_in_dim3A_110 : vector<16xf32> to vector<1x16xf32>
      tpu.vector_store %arg8[%swap3A_111, %swap3A_112], %swap3A_115 {strides = array<i32>} : memref<128x128xf32, #tpu.memory_space<vmem>>, vector<1x16xf32>,
      %broadcast_in_dim3A_116 = arith.constant 0.000000e+00 : f32
      %broadcast_in_dim3A_117 = vector.broadcast %broadcast_in_dim3A_116 : f32 to vector<16xf32>
      %swap3A_118 = arith.index_cast %scan3A_88 : i32 to index
      %swap3A_119 = arith.constant 64 : index
      %swap3A_120 = tpu.vector_load %arg8[%swap3A_118, %swap3A_119] {strides = array<i32>} : memref<128x128xf32, #tpu.memory_space<vmem>>, vector<1x16xf32>,
      %swap3A_121 = vector.shape_cast %swap3A_120 : vector<1x16xf32> to vector<16xf32>
      %swap3A_122 = vector.shape_cast %broadcast_in_dim3A_117 : vector<16xf32> to vector<1x16xf32>
      tpu.vector_store %arg8[%swap3A_118, %swap3A_119], %swap3A_122 {strides = array<i32>} : memref<128x128xf32, #tpu.memory_space<vmem>>, vector<1x16xf32>,
      %broadcast_in_dim3A_123 = arith.constant 0.000000e+00 : f32
      %broadcast_in_dim3A_124 = vector.broadcast %broadcast_in_dim3A_123 : f32 to vector<16xf32>
      %swap3A_125 = arith.index_cast %scan3A_88 : i32 to index
      %swap3A_126 = arith.constant 80 : index
      %swap3A_127 = tpu.vector_load %arg8[%swap3A_125, %swap3A_126] {strides = array<i32>} : memref<128x128xf32, #tpu.memory_space<vmem>>, vector<1x16xf32>,
      %swap3A_128 = vector.shape_cast %swap3A_127 : vector<1x16xf32> to vector<16xf32>
      %swap3A_129 = vector.shape_cast %broadcast_in_dim3A_124 : vector<16xf32> to vector<1x16xf32>
      tpu.vector_store %arg8[%swap3A_125, %swap3A_126], %swap3A_129 {strides = array<i32>} : memref<128x128xf32, #tpu.memory_space<vmem>>, vector<1x16xf32>,
      %broadcast_in_dim3A_130 = arith.constant 0.000000e+00 : f32
      %broadcast_in_dim3A_131 = vector.broadcast %broadcast_in_dim3A_130 : f32 to vector<16xf32>
      %swap3A_132 = arith.index_cast %scan3A_88 : i32 to index
      %swap3A_133 = arith.constant 96 : index
      %swap3A_134 = tpu.vector_load %arg8[%swap3A_132, %swap3A_133] {strides = array<i32>} : memref<128x128xf32, #tpu.memory_space<vmem>>, vector<1x16xf32>,
      %swap3A_135 = vector.shape_cast %swap3A_134 : vector<1x16xf32> to vector<16xf32>
      %swap3A_136 = vector.shape_cast %broadcast_in_dim3A_131 : vector<16xf32> to vector<1x16xf32>
      tpu.vector_store %arg8[%swap3A_132, %swap3A_133], %swap3A_136 {strides = array<i32>} : memref<128x128xf32, #tpu.memory_space<vmem>>, vector<1x16xf32>,
      %broadcast_in_dim3A_137 = arith.constant 0.000000e+00 : f32
      %broadcast_in_dim3A_138 = vector.broadcast %broadcast_in_dim3A_137 : f32 to vector<16xf32>
      %swap3A_139 = arith.index_cast %scan3A_88 : i32 to index
      %swap3A_140 = arith.constant 112 : index
      %swap3A_141 = tpu.vector_load %arg8[%swap3A_139, %swap3A_140] {strides = array<i32>} : memref<128x128xf32, #tpu.memory_space<vmem>>, vector<1x16xf32>,
      %swap3A_142 = vector.shape_cast %swap3A_141 : vector<1x16xf32> to vector<16xf32>
      %swap3A_143 = vector.shape_cast %broadcast_in_dim3A_138 : vector<16xf32> to vector<1x16xf32>
      tpu.vector_store %arg8[%swap3A_139, %swap3A_140], %swap3A_143 {strides = array<i32>} : memref<128x128xf32, #tpu.memory_space<vmem>>, vector<1x16xf32>,
      %scan3A_144 = arith.constant 0 : i32
      scf.yield %scan3A_144 : i32
    }
    %scan3A_26 = arith.constant 128 : i32
    %scan3A_27 = arith.constant 0 : i32
    %scan3A_28 = arith.constant 0 : i32
    %scan3A_29 = arith.constant 5 : i32
    %scan3A_30 = arith.addi %scan3A_28, %scan3A_29 : i32
    %scan3A_31 = arith.constant 1 : i32
    %scan3A_32 = scf.for %scan3A_88 = %scan3A_28 to %scan3A_30 step %scan3A_31 iter_args(%scan3A_89 = %scan3A_27) -> (i32)  : i32 {
      %mul3A_90 = arith.constant 640 : i32
      %mul3A_91 = arith.muli %arg1, %mul3A_90 : i32
      %mul3A_92 = arith.constant 128 : i32
      %mul3A_93 = arith.muli %scan3A_88, %mul3A_92 : i32
      %add3A_94 = arith.addi %mul3A_91, %mul3A_93 : i32
      "tpu.region"() ({
        %run_scoped3A_96 = tpu.sem_alloc : memref<!tpu.dma_semaphore, #tpu.memory_space<semaphore_mem>>
        %dma_start3A_97 = arith.constant 0 : i32
        %dma_start3A_98 = tpu.memref_slice %arg9[%add3A_94, %dma_start3A_97] : memref<10240x128xf32, #tpu.memory_space<vmem_shared>> -> memref<128x128xf32, #tpu.memory_space<vmem_shared>>
        %dma_start3A_99 = arith.constant 0 : i32
        %dma_start3A_100 = tpu.memref_slice %arg9[%add3A_94, %dma_start3A_99] : memref<10240x128xf32, #tpu.memory_space<vmem_shared>> -> memref<128x128xf32, #tpu.memory_space<vmem_shared>>
        tpu.enqueue_dma source(%arg8 : memref<128x128xf32, #tpu.memory_space<vmem>>) target(%dma_start3A_100 : memref<128x128xf32, #tpu.memory_space<vmem_shared>>) target_semaphore(%run_scoped3A_96 : memref<!tpu.dma_semaphore, #tpu.memory_space<semaphore_mem>>)
        %dma_wait3A_101 = arith.constant 0 : i32
        %dma_wait3A_102 = tpu.memref_slice %arg9[%add3A_94, %dma_wait3A_101] : memref<10240x128xf32, #tpu.memory_space<vmem_shared>> -> memref<128x128xf32, #tpu.memory_space<vmem_shared>>
        %dma_wait3A_103 = arith.constant 0 : i32
        %dma_wait3A_104 = tpu.memref_slice %arg9[%add3A_94, %dma_wait3A_103] : memref<10240x128xf32, #tpu.memory_space<vmem_shared>> -> memref<128x128xf32, #tpu.memory_space<vmem_shared>>
        tpu.wait_dma2 semaphore(%run_scoped3A_96 : memref<!tpu.dma_semaphore, #tpu.memory_space<semaphore_mem>>) src(%arg8 : memref<128x128xf32, #tpu.memory_space<vmem>>) dst(%dma_wait3A_104 : memref<128x128xf32, #tpu.memory_space<vmem_shared>>)
        tpu.yield
      }) : () -> ()
      %scan3A_95 = arith.constant 0 : i32
      scf.yield %scan3A_95 : i32
    }
    %scan3A_33 = arith.constant 5 : i32
    %barrier3A = arith.constant 0 : index
    tpu.barrier barrier_id(%barrier3A)
    %scan3A_34 = arith.constant 0 : i32
    %scan3A_35 = arith.constant 0 : i32
    %scan3A_36 = arith.constant 20 : i32
    %scan3A_37 = arith.addi %scan3A_35, %scan3A_36 : i32
    %scan3A_38 = arith.constant 1 : i32
    %scan3A_39 = scf.for %scan3A_88 = %scan3A_35 to %scan3A_37 step %scan3A_38 iter_args(%scan3A_89 = %scan3A_34) -> (i32)  : i32 {
      %mul3A_90 = arith.constant 2 : i32
      %mul3A_91 = arith.muli %mul3A_90, %scan3A_88 : i32
      %dma_wait3A_92 = arith.constant 0 : i32
      %dma_wait3A_93 = arith.constant 0 : i32
      %dma_wait3A_94 = tpu.memref_slice %arg7[%dma_wait3A_92, %dma_wait3A_93] : memref<128x128xf32, #tpu.memory_space<vmem>> -> memref<64x128xf32, #tpu.memory_space<vmem>>
      %dma_wait3A_95 = arith.constant 0 : i32
      %dma_wait3A_96 = tpu.memref_slice %arg5[%mul3A_91, %dma_wait3A_95] : memref<40x128xi32, #tpu.memory_space<vmem>> -> memref<1x64xi32, #tpu.memory_space<vmem>>
      %dma_wait3A_97 = tpu.memref_squeeze %dma_wait3A_96 : memref<1x64xi32, #tpu.memory_space<vmem>> -> memref<64xi32, #tpu.memory_space<vmem>>
      %dma_wait3A_98 = arith.constant 0 : i32
      %dma_wait3A_99 = arith.constant 0 : i32
      %dma_wait3A_100 = tpu.memref_slice %arg2[%dma_wait3A_98, %dma_wait3A_99] : memref<10112x128xf32, #tpu.memory_space<hbm>> -> memref<10112x128xf32, #tpu.memory_space<hbm>>
      tpu.wait_indirect_dma semaphore(%arg10 : memref<!tpu.dma_semaphore, #tpu.memory_space<semaphore_mem>>) src(%dma_wait3A_100 : memref<10112x128xf32, #tpu.memory_space<hbm>>) dst(%dma_wait3A_94 : memref<64x128xf32, #tpu.memory_space<vmem>>)
      %dma_wait3A_101 = arith.constant 64 : i32
      %dma_wait3A_102 = arith.constant 0 : i32
      %dma_wait3A_103 = tpu.memref_slice %arg7[%dma_wait3A_101, %dma_wait3A_102] : memref<128x128xf32, #tpu.memory_space<vmem>> -> memref<64x128xf32, #tpu.memory_space<vmem>>
      %dma_wait3A_104 = arith.constant 64 : i32
      %dma_wait3A_105 = tpu.memref_slice %arg5[%mul3A_91, %dma_wait3A_104] : memref<40x128xi32, #tpu.memory_space<vmem>> -> memref<1x64xi32, #tpu.memory_space<vmem>>
      %dma_wait3A_106 = tpu.memref_squeeze %dma_wait3A_105 : memref<1x64xi32, #tpu.memory_space<vmem>> -> memref<64xi32, #tpu.memory_space<vmem>>
      %dma_wait3A_107 = arith.constant 0 : i32
      %dma_wait3A_108 = arith.constant 0 : i32
      %dma_wait3A_109 = tpu.memref_slice %arg2[%dma_wait3A_107, %dma_wait3A_108] : memref<10112x128xf32, #tpu.memory_space<hbm>> -> memref<10112x128xf32, #tpu.memory_space<hbm>>
      tpu.wait_indirect_dma semaphore(%arg10 : memref<!tpu.dma_semaphore, #tpu.memory_space<semaphore_mem>>) src(%dma_wait3A_109 : memref<10112x128xf32, #tpu.memory_space<hbm>>) dst(%dma_wait3A_103 : memref<64x128xf32, #tpu.memory_space<vmem>>)
      %dma_start3A_110 = arith.constant 0 : i32
      %dma_start3A_111 = tpu.memref_slice %arg6[%mul3A_91, %dma_start3A_110] : memref<40x128xi32, #tpu.memory_space<vmem>> -> memref<1x128xi32, #tpu.memory_space<vmem>>
      %dma_start3A_112 = tpu.memref_squeeze %dma_start3A_111 : memref<1x128xi32, #tpu.memory_space<vmem>> -> memref<128xi32, #tpu.memory_space<vmem>>
      %dma_start3A_113 = arith.constant 0 : i32
      %dma_start3A_114 = arith.constant 0 : i32
      %dma_start3A_115 = tpu.memref_slice %arg9[%dma_start3A_113, %dma_start3A_114] : memref<10240x128xf32, #tpu.memory_space<vmem_shared>> -> memref<10240x128xf32, #tpu.memory_space<vmem_shared>>
      tpu.enqueue_indirect_dma source(%arg7 : memref<128x128xf32, #tpu.memory_space<vmem>>) target(%dma_start3A_115 : memref<10240x128xf32, #tpu.memory_space<vmem_shared>>) offsets(%dma_start3A_112 : memref<128xi32, #tpu.memory_space<vmem>>) semaphore(%arg12 : memref<!tpu.dma_semaphore, #tpu.memory_space<semaphore_mem>>) {add = true}
      %gt3A = arith.constant 0 : i32
      %gt3A_116 = arith.cmpi sgt, %scan3A_88, %gt3A : i32
      %convert_element_type3A = arith.extui %gt3A_116 : i1 to i32
      %cond3A = arith.constant 0 : i32
      %cond3A_117 = arith.cmpi ne, %convert_element_type3A, %cond3A : i32
      scf.if %cond3A_117 {
        %sub3A = arith.constant 1 : i32
        %sub3A_177 = arith.subi %mul3A_91, %sub3A : i32
        %dma_wait3A_178 = arith.constant 0 : i32
        %dma_wait3A_179 = tpu.memref_slice %arg6[%sub3A_177, %dma_wait3A_178] : memref<40x128xi32, #tpu.memory_space<vmem>> -> memref<1x128xi32, #tpu.memory_space<vmem>>
        %dma_wait3A_180 = tpu.memref_squeeze %dma_wait3A_179 : memref<1x128xi32, #tpu.memory_space<vmem>> -> memref<128xi32, #tpu.memory_space<vmem>>
        %dma_wait3A_181 = arith.constant 0 : i32
        %dma_wait3A_182 = arith.constant 0 : i32
        %dma_wait3A_183 = tpu.memref_slice %arg9[%dma_wait3A_181, %dma_wait3A_182] : memref<10240x128xf32, #tpu.memory_space<vmem_shared>> -> memref<10240x128xf32, #tpu.memory_space<vmem_shared>>
        tpu.wait_indirect_dma semaphore(%arg13 : memref<!tpu.dma_semaphore, #tpu.memory_space<semaphore_mem>>) src(%arg8 : memref<128x128xf32, #tpu.memory_space<vmem>>) dst(%dma_wait3A_183 : memref<10240x128xf32, #tpu.memory_space<vmem_shared>>)
      } else {
      }
      %add3A_118 = arith.constant 1 : i32
      %add3A_119 = arith.addi %mul3A_91, %add3A_118 : i32
      %dma_start3A_120 = arith.constant 0 : i32
      %dma_start3A_121 = arith.constant 0 : i32
      %dma_start3A_122 = tpu.memref_slice %arg8[%dma_start3A_120, %dma_start3A_121] : memref<128x128xf32, #tpu.memory_space<vmem>> -> memref<64x128xf32, #tpu.memory_space<vmem>>
      %dma_start3A_123 = arith.constant 0 : i32
      %dma_start3A_124 = tpu.memref_slice %arg5[%add3A_119, %dma_start3A_123] : memref<40x128xi32, #tpu.memory_space<vmem>> -> memref<1x64xi32, #tpu.memory_space<vmem>>
      %dma_start3A_125 = tpu.memref_squeeze %dma_start3A_124 : memref<1x64xi32, #tpu.memory_space<vmem>> -> memref<64xi32, #tpu.memory_space<vmem>>
      %dma_start3A_126 = arith.constant 0 : i32
      %dma_start3A_127 = arith.constant 0 : i32
      %dma_start3A_128 = tpu.memref_slice %arg2[%dma_start3A_126, %dma_start3A_127] : memref<10112x128xf32, #tpu.memory_space<hbm>> -> memref<10112x128xf32, #tpu.memory_space<hbm>>
      tpu.enqueue_indirect_dma source(%dma_start3A_128 : memref<10112x128xf32, #tpu.memory_space<hbm>>) target(%dma_start3A_122 : memref<64x128xf32, #tpu.memory_space<vmem>>) offsets(%dma_start3A_125 : memref<64xi32, #tpu.memory_space<vmem>>) semaphore(%arg11 : memref<!tpu.dma_semaphore, #tpu.memory_space<semaphore_mem>>)
      %dma_start3A_129 = arith.constant 64 : i32
      %dma_start3A_130 = arith.constant 0 : i32
      %dma_start3A_131 = tpu.memref_slice %arg8[%dma_start3A_129, %dma_start3A_130] : memref<128x128xf32, #tpu.memory_space<vmem>> -> memref<64x128xf32, #tpu.memory_space<vmem>>
      %dma_start3A_132 = arith.constant 64 : i32
      %dma_start3A_133 = tpu.memref_slice %arg5[%add3A_119, %dma_start3A_132] : memref<40x128xi32, #tpu.memory_space<vmem>> -> memref<1x64xi32, #tpu.memory_space<vmem>>
      %dma_start3A_134 = tpu.memref_squeeze %dma_start3A_133 : memref<1x64xi32, #tpu.memory_space<vmem>> -> memref<64xi32, #tpu.memory_space<vmem>>
      %dma_start3A_135 = arith.constant 0 : i32
      %dma_start3A_136 = arith.constant 0 : i32
      %dma_start3A_137 = tpu.memref_slice %arg2[%dma_start3A_135, %dma_start3A_136] : memref<10112x128xf32, #tpu.memory_space<hbm>> -> memref<10112x128xf32, #tpu.memory_space<hbm>>
      tpu.enqueue_indirect_dma source(%dma_start3A_137 : memref<10112x128xf32, #tpu.memory_space<hbm>>) target(%dma_start3A_131 : memref<64x128xf32, #tpu.memory_space<vmem>>) offsets(%dma_start3A_134 : memref<64xi32, #tpu.memory_space<vmem>>) semaphore(%arg11 : memref<!tpu.dma_semaphore, #tpu.memory_space<semaphore_mem>>)
      %add3A_138 = arith.constant 1 : i32
      %add3A_139 = arith.addi %mul3A_91, %add3A_138 : i32
      %dma_wait3A_140 = arith.constant 0 : i32
      %dma_wait3A_141 = arith.constant 0 : i32
      %dma_wait3A_142 = tpu.memref_slice %arg8[%dma_wait3A_140, %dma_wait3A_141] : memref<128x128xf32, #tpu.memory_space<vmem>> -> memref<64x128xf32, #tpu.memory_space<vmem>>
      %dma_wait3A_143 = arith.constant 0 : i32
      %dma_wait3A_144 = tpu.memref_slice %arg5[%add3A_139, %dma_wait3A_143] : memref<40x128xi32, #tpu.memory_space<vmem>> -> memref<1x64xi32, #tpu.memory_space<vmem>>
      %dma_wait3A_145 = tpu.memref_squeeze %dma_wait3A_144 : memref<1x64xi32, #tpu.memory_space<vmem>> -> memref<64xi32, #tpu.memory_space<vmem>>
      %dma_wait3A_146 = arith.constant 0 : i32
      %dma_wait3A_147 = arith.constant 0 : i32
      %dma_wait3A_148 = tpu.memref_slice %arg2[%dma_wait3A_146, %dma_wait3A_147] : memref<10112x128xf32, #tpu.memory_space<hbm>> -> memref<10112x128xf32, #tpu.memory_space<hbm>>
      tpu.wait_indirect_dma semaphore(%arg11 : memref<!tpu.dma_semaphore, #tpu.memory_space<semaphore_mem>>) src(%dma_wait3A_148 : memref<10112x128xf32, #tpu.memory_space<hbm>>) dst(%dma_wait3A_142 : memref<64x128xf32, #tpu.memory_space<vmem>>)
      %dma_wait3A_149 = arith.constant 64 : i32
      %dma_wait3A_150 = arith.constant 0 : i32
      %dma_wait3A_151 = tpu.memref_slice %arg8[%dma_wait3A_149, %dma_wait3A_150] : memref<128x128xf32, #tpu.memory_space<vmem>> -> memref<64x128xf32, #tpu.memory_space<vmem>>
      %dma_wait3A_152 = arith.constant 64 : i32
      %dma_wait3A_153 = tpu.memref_slice %arg5[%add3A_139, %dma_wait3A_152] : memref<40x128xi32, #tpu.memory_space<vmem>> -> memref<1x64xi32, #tpu.memory_space<vmem>>
      %dma_wait3A_154 = tpu.memref_squeeze %dma_wait3A_153 : memref<1x64xi32, #tpu.memory_space<vmem>> -> memref<64xi32, #tpu.memory_space<vmem>>
      %dma_wait3A_155 = arith.constant 0 : i32
      %dma_wait3A_156 = arith.constant 0 : i32
      %dma_wait3A_157 = tpu.memref_slice %arg2[%dma_wait3A_155, %dma_wait3A_156] : memref<10112x128xf32, #tpu.memory_space<hbm>> -> memref<10112x128xf32, #tpu.memory_space<hbm>>
      tpu.wait_indirect_dma semaphore(%arg11 : memref<!tpu.dma_semaphore, #tpu.memory_space<semaphore_mem>>) src(%dma_wait3A_157 : memref<10112x128xf32, #tpu.memory_space<hbm>>) dst(%dma_wait3A_151 : memref<64x128xf32, #tpu.memory_space<vmem>>)
      %add3A_158 = arith.constant 1 : i32
      %add3A_159 = arith.addi %mul3A_91, %add3A_158 : i32
      %dma_start3A_160 = arith.constant 0 : i32
      %dma_start3A_161 = tpu.memref_slice %arg6[%add3A_159, %dma_start3A_160] : memref<40x128xi32, #tpu.memory_space<vmem>> -> memref<1x128xi32, #tpu.memory_space<vmem>>
      %dma_start3A_162 = tpu.memref_squeeze %dma_start3A_161 : memref<1x128xi32, #tpu.memory_space<vmem>> -> memref<128xi32, #tpu.memory_space<vmem>>
      %dma_start3A_163 = arith.constant 0 : i32
      %dma_start3A_164 = arith.constant 0 : i32
      %dma_start3A_165 = tpu.memref_slice %arg9[%dma_start3A_163, %dma_start3A_164] : memref<10240x128xf32, #tpu.memory_space<vmem_shared>> -> memref<10240x128xf32, #tpu.memory_space<vmem_shared>>
      tpu.enqueue_indirect_dma source(%arg8 : memref<128x128xf32, #tpu.memory_space<vmem>>) target(%dma_start3A_165 : memref<10240x128xf32, #tpu.memory_space<vmem_shared>>) offsets(%dma_start3A_162 : memref<128xi32, #tpu.memory_space<vmem>>) semaphore(%arg13 : memref<!tpu.dma_semaphore, #tpu.memory_space<semaphore_mem>>) {add = true}
      %dma_wait3A_166 = arith.constant 0 : i32
      %dma_wait3A_167 = tpu.memref_slice %arg6[%mul3A_91, %dma_wait3A_166] : memref<40x128xi32, #tpu.memory_space<vmem>> -> memref<1x128xi32, #tpu.memory_space<vmem>>
      %dma_wait3A_168 = tpu.memref_squeeze %dma_wait3A_167 : memref<1x128xi32, #tpu.memory_space<vmem>> -> memref<128xi32, #tpu.memory_space<vmem>>
      %dma_wait3A_169 = arith.constant 0 : i32
      %dma_wait3A_170 = arith.constant 0 : i32
      %dma_wait3A_171 = tpu.memref_slice %arg9[%dma_wait3A_169, %dma_wait3A_170] : memref<10240x128xf32, #tpu.memory_space<vmem_shared>> -> memref<10240x128xf32, #tpu.memory_space<vmem_shared>>
      tpu.wait_indirect_dma semaphore(%arg12 : memref<!tpu.dma_semaphore, #tpu.memory_space<semaphore_mem>>) src(%arg7 : memref<128x128xf32, #tpu.memory_space<vmem>>) dst(%dma_wait3A_171 : memref<10240x128xf32, #tpu.memory_space<vmem_shared>>)
      %lt3A = arith.constant 19 : i32
      %lt3A_172 = arith.cmpi slt, %scan3A_88, %lt3A : i32
      %convert_element_type3A_173 = arith.extui %lt3A_172 : i1 to i32
      %cond3A_174 = arith.constant 0 : i32
      %cond3A_175 = arith.cmpi ne, %convert_element_type3A_173, %cond3A_174 : i32
      scf.if %cond3A_175 {
        %add3A_177 = arith.constant 2 : i32
        %add3A_178 = arith.addi %mul3A_91, %add3A_177 : i32
        %dma_start3A_179 = arith.constant 0 : i32
        %dma_start3A_180 = arith.constant 0 : i32
        %dma_start3A_181 = tpu.memref_slice %arg7[%dma_start3A_179, %dma_start3A_180] : memref<128x128xf32, #tpu.memory_space<vmem>> -> memref<64x128xf32, #tpu.memory_space<vmem>>
        %dma_start3A_182 = arith.constant 0 : i32
        %dma_start3A_183 = tpu.memref_slice %arg5[%add3A_178, %dma_start3A_182] : memref<40x128xi32, #tpu.memory_space<vmem>> -> memref<1x64xi32, #tpu.memory_space<vmem>>
        %dma_start3A_184 = tpu.memref_squeeze %dma_start3A_183 : memref<1x64xi32, #tpu.memory_space<vmem>> -> memref<64xi32, #tpu.memory_space<vmem>>
        %dma_start3A_185 = arith.constant 0 : i32
        %dma_start3A_186 = arith.constant 0 : i32
        %dma_start3A_187 = tpu.memref_slice %arg2[%dma_start3A_185, %dma_start3A_186] : memref<10112x128xf32, #tpu.memory_space<hbm>> -> memref<10112x128xf32, #tpu.memory_space<hbm>>
        tpu.enqueue_indirect_dma source(%dma_start3A_187 : memref<10112x128xf32, #tpu.memory_space<hbm>>) target(%dma_start3A_181 : memref<64x128xf32, #tpu.memory_space<vmem>>) offsets(%dma_start3A_184 : memref<64xi32, #tpu.memory_space<vmem>>) semaphore(%arg10 : memref<!tpu.dma_semaphore, #tpu.memory_space<semaphore_mem>>)
        %dma_start3A_188 = arith.constant 64 : i32
        %dma_start3A_189 = arith.constant 0 : i32
        %dma_start3A_190 = tpu.memref_slice %arg7[%dma_start3A_188, %dma_start3A_189] : memref<128x128xf32, #tpu.memory_space<vmem>> -> memref<64x128xf32, #tpu.memory_space<vmem>>
        %dma_start3A_191 = arith.constant 64 : i32
        %dma_start3A_192 = tpu.memref_slice %arg5[%add3A_178, %dma_start3A_191] : memref<40x128xi32, #tpu.memory_space<vmem>> -> memref<1x64xi32, #tpu.memory_space<vmem>>
        %dma_start3A_193 = tpu.memref_squeeze %dma_start3A_192 : memref<1x64xi32, #tpu.memory_space<vmem>> -> memref<64xi32, #tpu.memory_space<vmem>>
        %dma_start3A_194 = arith.constant 0 : i32
        %dma_start3A_195 = arith.constant 0 : i32
        %dma_start3A_196 = tpu.memref_slice %arg2[%dma_start3A_194, %dma_start3A_195] : memref<10112x128xf32, #tpu.memory_space<hbm>> -> memref<10112x128xf32, #tpu.memory_space<hbm>>
        tpu.enqueue_indirect_dma source(%dma_start3A_196 : memref<10112x128xf32, #tpu.memory_space<hbm>>) target(%dma_start3A_190 : memref<64x128xf32, #tpu.memory_space<vmem>>) offsets(%dma_start3A_193 : memref<64xi32, #tpu.memory_space<vmem>>) semaphore(%arg10 : memref<!tpu.dma_semaphore, #tpu.memory_space<semaphore_mem>>)
      } else {
      }
      %scan3A_176 = arith.constant 0 : i32
      scf.yield %scan3A_176 : i32
    }
    %scan3A_40 = arith.constant 20 : i32
    %dma_wait3A = arith.constant 39 : i32
    %dma_wait3A_41 = arith.constant 0 : i32
    %dma_wait3A_42 = tpu.memref_slice %arg6[%dma_wait3A, %dma_wait3A_41] : memref<40x128xi32, #tpu.memory_space<vmem>> -> memref<1x128xi32, #tpu.memory_space<vmem>>
    %dma_wait3A_43 = tpu.memref_squeeze %dma_wait3A_42 : memref<1x128xi32, #tpu.memory_space<vmem>> -> memref<128xi32, #tpu.memory_space<vmem>>
    %dma_wait3A_44 = arith.constant 0 : i32
    %dma_wait3A_45 = arith.constant 0 : i32
    %dma_wait3A_46 = tpu.memref_slice %arg9[%dma_wait3A_44, %dma_wait3A_45] : memref<10240x128xf32, #tpu.memory_space<vmem_shared>> -> memref<10240x128xf32, #tpu.memory_space<vmem_shared>>
    tpu.wait_indirect_dma semaphore(%arg13 : memref<!tpu.dma_semaphore, #tpu.memory_space<semaphore_mem>>) src(%arg8 : memref<128x128xf32, #tpu.memory_space<vmem>>) dst(%dma_wait3A_46 : memref<10240x128xf32, #tpu.memory_space<vmem_shared>>)
    %run_scoped3A_47 = arith.constant 0 : i32
    "tpu.region"() ({
      %run_scoped3A_88 = tpu.sem_alloc : memref<!tpu.dma_semaphore, #tpu.memory_space<semaphore_mem>>
      %dma_start3A_89 = arith.constant 40 : i32
      %dma_start3A_90 = arith.constant 0 : i32
      %dma_start3A_91 = tpu.memref_slice %arg3[%run_scoped3A_47, %add3A, %dma_start3A_89, %dma_start3A_90] : memref<2x32x80x128xi32, #tpu.memory_space<hbm>> -> memref<1x1x40x128xi32, #tpu.memory_space<hbm>>
      %dma_start3A_92 = tpu.memref_squeeze %dma_start3A_91 : memref<1x1x40x128xi32, #tpu.memory_space<hbm>> -> memref<40x128xi32, #tpu.memory_space<hbm>>
      %dma_start3A_93 = arith.constant 40 : i32
      %dma_start3A_94 = arith.constant 0 : i32
      %dma_start3A_95 = tpu.memref_slice %arg3[%run_scoped3A_47, %add3A, %dma_start3A_93, %dma_start3A_94] : memref<2x32x80x128xi32, #tpu.memory_space<hbm>> -> memref<1x1x40x128xi32, #tpu.memory_space<hbm>>
      %dma_start3A_96 = tpu.memref_squeeze %dma_start3A_95 : memref<1x1x40x128xi32, #tpu.memory_space<hbm>> -> memref<40x128xi32, #tpu.memory_space<hbm>>
      tpu.enqueue_dma source(%dma_start3A_96 : memref<40x128xi32, #tpu.memory_space<hbm>>) target(%arg5 : memref<40x128xi32, #tpu.memory_space<vmem>>) target_semaphore(%run_scoped3A_88 : memref<!tpu.dma_semaphore, #tpu.memory_space<semaphore_mem>>)
      %dma_wait3A_97 = arith.constant 40 : i32
      %dma_wait3A_98 = arith.constant 0 : i32
      %dma_wait3A_99 = tpu.memref_slice %arg3[%run_scoped3A_47, %add3A, %dma_wait3A_97, %dma_wait3A_98] : memref<2x32x80x128xi32, #tpu.memory_space<hbm>> -> memref<1x1x40x128xi32, #tpu.memory_space<hbm>>
      %dma_wait3A_100 = tpu.memref_squeeze %dma_wait3A_99 : memref<1x1x40x128xi32, #tpu.memory_space<hbm>> -> memref<40x128xi32, #tpu.memory_space<hbm>>
      %dma_wait3A_101 = arith.constant 40 : i32
      %dma_wait3A_102 = arith.constant 0 : i32
      %dma_wait3A_103 = tpu.memref_slice %arg3[%run_scoped3A_47, %add3A, %dma_wait3A_101, %dma_wait3A_102] : memref<2x32x80x128xi32, #tpu.memory_space<hbm>> -> memref<1x1x40x128xi32, #tpu.memory_space<hbm>>
      %dma_wait3A_104 = tpu.memref_squeeze %dma_wait3A_103 : memref<1x1x40x128xi32, #tpu.memory_space<hbm>> -> memref<40x128xi32, #tpu.memory_space<hbm>>
      tpu.wait_dma2 semaphore(%run_scoped3A_88 : memref<!tpu.dma_semaphore, #tpu.memory_space<semaphore_mem>>) src(%dma_wait3A_104 : memref<40x128xi32, #tpu.memory_space<hbm>>) dst(%arg5 : memref<40x128xi32, #tpu.memory_space<vmem>>)
      tpu.yield
    }) : () -> ()
    %run_scoped3A_48 = arith.constant 1 : i32
    "tpu.region"() ({
      %run_scoped3A_88 = tpu.sem_alloc : memref<!tpu.dma_semaphore, #tpu.memory_space<semaphore_mem>>
      %dma_start3A_89 = arith.constant 40 : i32
      %dma_start3A_90 = arith.constant 0 : i32
      %dma_start3A_91 = tpu.memref_slice %arg3[%run_scoped3A_48, %add3A, %dma_start3A_89, %dma_start3A_90] : memref<2x32x80x128xi32, #tpu.memory_space<hbm>> -> memref<1x1x40x128xi32, #tpu.memory_space<hbm>>
      %dma_start3A_92 = tpu.memref_squeeze %dma_start3A_91 : memref<1x1x40x128xi32, #tpu.memory_space<hbm>> -> memref<40x128xi32, #tpu.memory_space<hbm>>
      %dma_start3A_93 = arith.constant 40 : i32
      %dma_start3A_94 = arith.constant 0 : i32
      %dma_start3A_95 = tpu.memref_slice %arg3[%run_scoped3A_48, %add3A, %dma_start3A_93, %dma_start3A_94] : memref<2x32x80x128xi32, #tpu.memory_space<hbm>> -> memref<1x1x40x128xi32, #tpu.memory_space<hbm>>
      %dma_start3A_96 = tpu.memref_squeeze %dma_start3A_95 : memref<1x1x40x128xi32, #tpu.memory_space<hbm>> -> memref<40x128xi32, #tpu.memory_space<hbm>>
      tpu.enqueue_dma source(%dma_start3A_96 : memref<40x128xi32, #tpu.memory_space<hbm>>) target(%arg6 : memref<40x128xi32, #tpu.memory_space<vmem>>) target_semaphore(%run_scoped3A_88 : memref<!tpu.dma_semaphore, #tpu.memory_space<semaphore_mem>>)
      %dma_wait3A_97 = arith.constant 40 : i32
      %dma_wait3A_98 = arith.constant 0 : i32
      %dma_wait3A_99 = tpu.memref_slice %arg3[%run_scoped3A_48, %add3A, %dma_wait3A_97, %dma_wait3A_98] : memref<2x32x80x128xi32, #tpu.memory_space<hbm>> -> memref<1x1x40x128xi32, #tpu.memory_space<hbm>>
      %dma_wait3A_100 = tpu.memref_squeeze %dma_wait3A_99 : memref<1x1x40x128xi32, #tpu.memory_space<hbm>> -> memref<40x128xi32, #tpu.memory_space<hbm>>
      %dma_wait3A_101 = arith.constant 40 : i32
      %dma_wait3A_102 = arith.constant 0 : i32
      %dma_wait3A_103 = tpu.memref_slice %arg3[%run_scoped3A_48, %add3A, %dma_wait3A_101, %dma_wait3A_102] : memref<2x32x80x128xi32, #tpu.memory_space<hbm>> -> memref<1x1x40x128xi32, #tpu.memory_space<hbm>>
      %dma_wait3A_104 = tpu.memref_squeeze %dma_wait3A_103 : memref<1x1x40x128xi32, #tpu.memory_space<hbm>> -> memref<40x128xi32, #tpu.memory_space<hbm>>
      tpu.wait_dma2 semaphore(%run_scoped3A_88 : memref<!tpu.dma_semaphore, #tpu.memory_space<semaphore_mem>>) src(%dma_wait3A_104 : memref<40x128xi32, #tpu.memory_space<hbm>>) dst(%arg6 : memref<40x128xi32, #tpu.memory_space<vmem>>)
      tpu.yield
    }) : () -> ()
    %dma_start3A_49 = arith.constant 0 : i32
    %dma_start3A_50 = arith.constant 0 : i32
    %dma_start3A_51 = arith.constant 0 : i32
    %dma_start3A_52 = tpu.memref_slice %arg7[%dma_start3A_50, %dma_start3A_51] : memref<128x128xf32, #tpu.memory_space<vmem>> -> memref<64x128xf32, #tpu.memory_space<vmem>>
    %dma_start3A_53 = arith.constant 0 : i32
    %dma_start3A_54 = tpu.memref_slice %arg5[%dma_start3A_49, %dma_start3A_53] : memref<40x128xi32, #tpu.memory_space<vmem>> -> memref<1x64xi32, #tpu.memory_space<vmem>>
    %dma_start3A_55 = tpu.memref_squeeze %dma_start3A_54 : memref<1x64xi32, #tpu.memory_space<vmem>> -> memref<64xi32, #tpu.memory_space<vmem>>
    %dma_start3A_56 = arith.constant 0 : i32
    %dma_start3A_57 = arith.constant 0 : i32
    %dma_start3A_58 = tpu.memref_slice %arg2[%dma_start3A_56, %dma_start3A_57] : memref<10112x128xf32, #tpu.memory_space<hbm>> -> memref<10112x128xf32, #tpu.memory_space<hbm>>
    tpu.enqueue_indirect_dma source(%dma_start3A_58 : memref<10112x128xf32, #tpu.memory_space<hbm>>) target(%dma_start3A_52 : memref<64x128xf32, #tpu.memory_space<vmem>>) offsets(%dma_start3A_55 : memref<64xi32, #tpu.memory_space<vmem>>) semaphore(%arg10 : memref<!tpu.dma_semaphore, #tpu.memory_space<semaphore_mem>>)
    %dma_start3A_59 = arith.constant 0 : i32
    %dma_start3A_60 = arith.constant 64 : i32
    %dma_start3A_61 = arith.constant 0 : i32
    %dma_start3A_62 = tpu.memref_slice %arg7[%dma_start3A_60, %dma_start3A_61] : memref<128x128xf32, #tpu.memory_space<vmem>> -> memref<64x128xf32, #tpu.memory_space<vmem>>
    %dma_start3A_63 = arith.constant 64 : i32
    %dma_start3A_64 = tpu.memref_slice %arg5[%dma_start3A_59, %dma_start3A_63] : memref<40x128xi32, #tpu.memory_space<vmem>> -> memref<1x64xi32, #tpu.memory_space<vmem>>
    %dma_start3A_65 = tpu.memref_squeeze %dma_start3A_64 : memref<1x64xi32, #tpu.memory_space<vmem>> -> memref<64xi32, #tpu.memory_space<vmem>>
    %dma_start3A_66 = arith.constant 0 : i32
    %dma_start3A_67 = arith.constant 0 : i32
    %dma_start3A_68 = tpu.memref_slice %arg2[%dma_start3A_66, %dma_start3A_67] : memref<10112x128xf32, #tpu.memory_space<hbm>> -> memref<10112x128xf32, #tpu.memory_space<hbm>>
    tpu.enqueue_indirect_dma source(%dma_start3A_68 : memref<10112x128xf32, #tpu.memory_space<hbm>>) target(%dma_start3A_62 : memref<64x128xf32, #tpu.memory_space<vmem>>) offsets(%dma_start3A_65 : memref<64xi32, #tpu.memory_space<vmem>>) semaphore(%arg10 : memref<!tpu.dma_semaphore, #tpu.memory_space<semaphore_mem>>)
    %scan3A_69 = arith.constant 0 : i32
    %scan3A_70 = arith.constant 0 : i32
    %scan3A_71 = arith.constant 20 : i32
    %scan3A_72 = arith.addi %scan3A_70, %scan3A_71 : i32
    %scan3A_73 = arith.constant 1 : i32
    %scan3A_74 = scf.for %scan3A_88 = %scan3A_70 to %scan3A_72 step %scan3A_73 iter_args(%scan3A_89 = %scan3A_69) -> (i32)  : i32 {
      %mul3A_90 = arith.constant 2 : i32
      %mul3A_91 = arith.muli %mul3A_90, %scan3A_88 : i32
      %dma_wait3A_92 = arith.constant 0 : i32
      %dma_wait3A_93 = arith.constant 0 : i32
      %dma_wait3A_94 = tpu.memref_slice %arg7[%dma_wait3A_92, %dma_wait3A_93] : memref<128x128xf32, #tpu.memory_space<vmem>> -> memref<64x128xf32, #tpu.memory_space<vmem>>
      %dma_wait3A_95 = arith.constant 0 : i32
      %dma_wait3A_96 = tpu.memref_slice %arg5[%mul3A_91, %dma_wait3A_95] : memref<40x128xi32, #tpu.memory_space<vmem>> -> memref<1x64xi32, #tpu.memory_space<vmem>>
      %dma_wait3A_97 = tpu.memref_squeeze %dma_wait3A_96 : memref<1x64xi32, #tpu.memory_space<vmem>> -> memref<64xi32, #tpu.memory_space<vmem>>
      %dma_wait3A_98 = arith.constant 0 : i32
      %dma_wait3A_99 = arith.constant 0 : i32
      %dma_wait3A_100 = tpu.memref_slice %arg2[%dma_wait3A_98, %dma_wait3A_99] : memref<10112x128xf32, #tpu.memory_space<hbm>> -> memref<10112x128xf32, #tpu.memory_space<hbm>>
      tpu.wait_indirect_dma semaphore(%arg10 : memref<!tpu.dma_semaphore, #tpu.memory_space<semaphore_mem>>) src(%dma_wait3A_100 : memref<10112x128xf32, #tpu.memory_space<hbm>>) dst(%dma_wait3A_94 : memref<64x128xf32, #tpu.memory_space<vmem>>)
      %dma_wait3A_101 = arith.constant 64 : i32
      %dma_wait3A_102 = arith.constant 0 : i32
      %dma_wait3A_103 = tpu.memref_slice %arg7[%dma_wait3A_101, %dma_wait3A_102] : memref<128x128xf32, #tpu.memory_space<vmem>> -> memref<64x128xf32, #tpu.memory_space<vmem>>
      %dma_wait3A_104 = arith.constant 64 : i32
      %dma_wait3A_105 = tpu.memref_slice %arg5[%mul3A_91, %dma_wait3A_104] : memref<40x128xi32, #tpu.memory_space<vmem>> -> memref<1x64xi32, #tpu.memory_space<vmem>>
      %dma_wait3A_106 = tpu.memref_squeeze %dma_wait3A_105 : memref<1x64xi32, #tpu.memory_space<vmem>> -> memref<64xi32, #tpu.memory_space<vmem>>
      %dma_wait3A_107 = arith.constant 0 : i32
      %dma_wait3A_108 = arith.constant 0 : i32
      %dma_wait3A_109 = tpu.memref_slice %arg2[%dma_wait3A_107, %dma_wait3A_108] : memref<10112x128xf32, #tpu.memory_space<hbm>> -> memref<10112x128xf32, #tpu.memory_space<hbm>>
      tpu.wait_indirect_dma semaphore(%arg10 : memref<!tpu.dma_semaphore, #tpu.memory_space<semaphore_mem>>) src(%dma_wait3A_109 : memref<10112x128xf32, #tpu.memory_space<hbm>>) dst(%dma_wait3A_103 : memref<64x128xf32, #tpu.memory_space<vmem>>)
      %dma_start3A_110 = arith.constant 0 : i32
      %dma_start3A_111 = tpu.memref_slice %arg6[%mul3A_91, %dma_start3A_110] : memref<40x128xi32, #tpu.memory_space<vmem>> -> memref<1x128xi32, #tpu.memory_space<vmem>>
      %dma_start3A_112 = tpu.memref_squeeze %dma_start3A_111 : memref<1x128xi32, #tpu.memory_space<vmem>> -> memref<128xi32, #tpu.memory_space<vmem>>
      %dma_start3A_113 = arith.constant 0 : i32
      %dma_start3A_114 = arith.constant 0 : i32
      %dma_start3A_115 = tpu.memref_slice %arg9[%dma_start3A_113, %dma_start3A_114] : memref<10240x128xf32, #tpu.memory_space<vmem_shared>> -> memref<10240x128xf32, #tpu.memory_space<vmem_shared>>
      tpu.enqueue_indirect_dma source(%arg7 : memref<128x128xf32, #tpu.memory_space<vmem>>) target(%dma_start3A_115 : memref<10240x128xf32, #tpu.memory_space<vmem_shared>>) offsets(%dma_start3A_112 : memref<128xi32, #tpu.memory_space<vmem>>) semaphore(%arg12 : memref<!tpu.dma_semaphore, #tpu.memory_space<semaphore_mem>>) {add = true}
      %gt3A = arith.constant 0 : i32
      %gt3A_116 = arith.cmpi sgt, %scan3A_88, %gt3A : i32
      %convert_element_type3A = arith.extui %gt3A_116 : i1 to i32
      %cond3A = arith.constant 0 : i32
      %cond3A_117 = arith.cmpi ne, %convert_element_type3A, %cond3A : i32
      scf.if %cond3A_117 {
        %sub3A = arith.constant 1 : i32
        %sub3A_177 = arith.subi %mul3A_91, %sub3A : i32
        %dma_wait3A_178 = arith.constant 0 : i32
        %dma_wait3A_179 = tpu.memref_slice %arg6[%sub3A_177, %dma_wait3A_178] : memref<40x128xi32, #tpu.memory_space<vmem>> -> memref<1x128xi32, #tpu.memory_space<vmem>>
        %dma_wait3A_180 = tpu.memref_squeeze %dma_wait3A_179 : memref<1x128xi32, #tpu.memory_space<vmem>> -> memref<128xi32, #tpu.memory_space<vmem>>
        %dma_wait3A_181 = arith.constant 0 : i32
        %dma_wait3A_182 = arith.constant 0 : i32
        %dma_wait3A_183 = tpu.memref_slice %arg9[%dma_wait3A_181, %dma_wait3A_182] : memref<10240x128xf32, #tpu.memory_space<vmem_shared>> -> memref<10240x128xf32, #tpu.memory_space<vmem_shared>>
        tpu.wait_indirect_dma semaphore(%arg13 : memref<!tpu.dma_semaphore, #tpu.memory_space<semaphore_mem>>) src(%arg8 : memref<128x128xf32, #tpu.memory_space<vmem>>) dst(%dma_wait3A_183 : memref<10240x128xf32, #tpu.memory_space<vmem_shared>>)
      } else {
      }
      %add3A_118 = arith.constant 1 : i32
      %add3A_119 = arith.addi %mul3A_91, %add3A_118 : i32
      %dma_start3A_120 = arith.constant 0 : i32
      %dma_start3A_121 = arith.constant 0 : i32
      %dma_start3A_122 = tpu.memref_slice %arg8[%dma_start3A_120, %dma_start3A_121] : memref<128x128xf32, #tpu.memory_space<vmem>> -> memref<64x128xf32, #tpu.memory_space<vmem>>
      %dma_start3A_123 = arith.constant 0 : i32
      %dma_start3A_124 = tpu.memref_slice %arg5[%add3A_119, %dma_start3A_123] : memref<40x128xi32, #tpu.memory_space<vmem>> -> memref<1x64xi32, #tpu.memory_space<vmem>>
      %dma_start3A_125 = tpu.memref_squeeze %dma_start3A_124 : memref<1x64xi32, #tpu.memory_space<vmem>> -> memref<64xi32, #tpu.memory_space<vmem>>
      %dma_start3A_126 = arith.constant 0 : i32
      %dma_start3A_127 = arith.constant 0 : i32
      %dma_start3A_128 = tpu.memref_slice %arg2[%dma_start3A_126, %dma_start3A_127] : memref<10112x128xf32, #tpu.memory_space<hbm>> -> memref<10112x128xf32, #tpu.memory_space<hbm>>
      tpu.enqueue_indirect_dma source(%dma_start3A_128 : memref<10112x128xf32, #tpu.memory_space<hbm>>) target(%dma_start3A_122 : memref<64x128xf32, #tpu.memory_space<vmem>>) offsets(%dma_start3A_125 : memref<64xi32, #tpu.memory_space<vmem>>) semaphore(%arg11 : memref<!tpu.dma_semaphore, #tpu.memory_space<semaphore_mem>>)
      %dma_start3A_129 = arith.constant 64 : i32
      %dma_start3A_130 = arith.constant 0 : i32
      %dma_start3A_131 = tpu.memref_slice %arg8[%dma_start3A_129, %dma_start3A_130] : memref<128x128xf32, #tpu.memory_space<vmem>> -> memref<64x128xf32, #tpu.memory_space<vmem>>
      %dma_start3A_132 = arith.constant 64 : i32
      %dma_start3A_133 = tpu.memref_slice %arg5[%add3A_119, %dma_start3A_132] : memref<40x128xi32, #tpu.memory_space<vmem>> -> memref<1x64xi32, #tpu.memory_space<vmem>>
      %dma_start3A_134 = tpu.memref_squeeze %dma_start3A_133 : memref<1x64xi32, #tpu.memory_space<vmem>> -> memref<64xi32, #tpu.memory_space<vmem>>
      %dma_start3A_135 = arith.constant 0 : i32
      %dma_start3A_136 = arith.constant 0 : i32
      %dma_start3A_137 = tpu.memref_slice %arg2[%dma_start3A_135, %dma_start3A_136] : memref<10112x128xf32, #tpu.memory_space<hbm>> -> memref<10112x128xf32, #tpu.memory_space<hbm>>
      tpu.enqueue_indirect_dma source(%dma_start3A_137 : memref<10112x128xf32, #tpu.memory_space<hbm>>) target(%dma_start3A_131 : memref<64x128xf32, #tpu.memory_space<vmem>>) offsets(%dma_start3A_134 : memref<64xi32, #tpu.memory_space<vmem>>) semaphore(%arg11 : memref<!tpu.dma_semaphore, #tpu.memory_space<semaphore_mem>>)
      %add3A_138 = arith.constant 1 : i32
      %add3A_139 = arith.addi %mul3A_91, %add3A_138 : i32
      %dma_wait3A_140 = arith.constant 0 : i32
      %dma_wait3A_141 = arith.constant 0 : i32
      %dma_wait3A_142 = tpu.memref_slice %arg8[%dma_wait3A_140, %dma_wait3A_141] : memref<128x128xf32, #tpu.memory_space<vmem>> -> memref<64x128xf32, #tpu.memory_space<vmem>>
      %dma_wait3A_143 = arith.constant 0 : i32
      %dma_wait3A_144 = tpu.memref_slice %arg5[%add3A_139, %dma_wait3A_143] : memref<40x128xi32, #tpu.memory_space<vmem>> -> memref<1x64xi32, #tpu.memory_space<vmem>>
      %dma_wait3A_145 = tpu.memref_squeeze %dma_wait3A_144 : memref<1x64xi32, #tpu.memory_space<vmem>> -> memref<64xi32, #tpu.memory_space<vmem>>
      %dma_wait3A_146 = arith.constant 0 : i32
      %dma_wait3A_147 = arith.constant 0 : i32
      %dma_wait3A_148 = tpu.memref_slice %arg2[%dma_wait3A_146, %dma_wait3A_147] : memref<10112x128xf32, #tpu.memory_space<hbm>> -> memref<10112x128xf32, #tpu.memory_space<hbm>>
      tpu.wait_indirect_dma semaphore(%arg11 : memref<!tpu.dma_semaphore, #tpu.memory_space<semaphore_mem>>) src(%dma_wait3A_148 : memref<10112x128xf32, #tpu.memory_space<hbm>>) dst(%dma_wait3A_142 : memref<64x128xf32, #tpu.memory_space<vmem>>)
      %dma_wait3A_149 = arith.constant 64 : i32
      %dma_wait3A_150 = arith.constant 0 : i32
      %dma_wait3A_151 = tpu.memref_slice %arg8[%dma_wait3A_149, %dma_wait3A_150] : memref<128x128xf32, #tpu.memory_space<vmem>> -> memref<64x128xf32, #tpu.memory_space<vmem>>
      %dma_wait3A_152 = arith.constant 64 : i32
      %dma_wait3A_153 = tpu.memref_slice %arg5[%add3A_139, %dma_wait3A_152] : memref<40x128xi32, #tpu.memory_space<vmem>> -> memref<1x64xi32, #tpu.memory_space<vmem>>
      %dma_wait3A_154 = tpu.memref_squeeze %dma_wait3A_153 : memref<1x64xi32, #tpu.memory_space<vmem>> -> memref<64xi32, #tpu.memory_space<vmem>>
      %dma_wait3A_155 = arith.constant 0 : i32
      %dma_wait3A_156 = arith.constant 0 : i32
      %dma_wait3A_157 = tpu.memref_slice %arg2[%dma_wait3A_155, %dma_wait3A_156] : memref<10112x128xf32, #tpu.memory_space<hbm>> -> memref<10112x128xf32, #tpu.memory_space<hbm>>
      tpu.wait_indirect_dma semaphore(%arg11 : memref<!tpu.dma_semaphore, #tpu.memory_space<semaphore_mem>>) src(%dma_wait3A_157 : memref<10112x128xf32, #tpu.memory_space<hbm>>) dst(%dma_wait3A_151 : memref<64x128xf32, #tpu.memory_space<vmem>>)
      %add3A_158 = arith.constant 1 : i32
      %add3A_159 = arith.addi %mul3A_91, %add3A_158 : i32
      %dma_start3A_160 = arith.constant 0 : i32
      %dma_start3A_161 = tpu.memref_slice %arg6[%add3A_159, %dma_start3A_160] : memref<40x128xi32, #tpu.memory_space<vmem>> -> memref<1x128xi32, #tpu.memory_space<vmem>>
      %dma_start3A_162 = tpu.memref_squeeze %dma_start3A_161 : memref<1x128xi32, #tpu.memory_space<vmem>> -> memref<128xi32, #tpu.memory_space<vmem>>
      %dma_start3A_163 = arith.constant 0 : i32
      %dma_start3A_164 = arith.constant 0 : i32
      %dma_start3A_165 = tpu.memref_slice %arg9[%dma_start3A_163, %dma_start3A_164] : memref<10240x128xf32, #tpu.memory_space<vmem_shared>> -> memref<10240x128xf32, #tpu.memory_space<vmem_shared>>
      tpu.enqueue_indirect_dma source(%arg8 : memref<128x128xf32, #tpu.memory_space<vmem>>) target(%dma_start3A_165 : memref<10240x128xf32, #tpu.memory_space<vmem_shared>>) offsets(%dma_start3A_162 : memref<128xi32, #tpu.memory_space<vmem>>) semaphore(%arg13 : memref<!tpu.dma_semaphore, #tpu.memory_space<semaphore_mem>>) {add = true}
      %dma_wait3A_166 = arith.constant 0 : i32
      %dma_wait3A_167 = tpu.memref_slice %arg6[%mul3A_91, %dma_wait3A_166] : memref<40x128xi32, #tpu.memory_space<vmem>> -> memref<1x128xi32, #tpu.memory_space<vmem>>
      %dma_wait3A_168 = tpu.memref_squeeze %dma_wait3A_167 : memref<1x128xi32, #tpu.memory_space<vmem>> -> memref<128xi32, #tpu.memory_space<vmem>>
      %dma_wait3A_169 = arith.constant 0 : i32
      %dma_wait3A_170 = arith.constant 0 : i32
      %dma_wait3A_171 = tpu.memref_slice %arg9[%dma_wait3A_169, %dma_wait3A_170] : memref<10240x128xf32, #tpu.memory_space<vmem_shared>> -> memref<10240x128xf32, #tpu.memory_space<vmem_shared>>
      tpu.wait_indirect_dma semaphore(%arg12 : memref<!tpu.dma_semaphore, #tpu.memory_space<semaphore_mem>>) src(%arg7 : memref<128x128xf32, #tpu.memory_space<vmem>>) dst(%dma_wait3A_171 : memref<10240x128xf32, #tpu.memory_space<vmem_shared>>)
      %lt3A = arith.constant 19 : i32
      %lt3A_172 = arith.cmpi slt, %scan3A_88, %lt3A : i32
      %convert_element_type3A_173 = arith.extui %lt3A_172 : i1 to i32
      %cond3A_174 = arith.constant 0 : i32
      %cond3A_175 = arith.cmpi ne, %convert_element_type3A_173, %cond3A_174 : i32
      scf.if %cond3A_175 {
        %add3A_177 = arith.constant 2 : i32
        %add3A_178 = arith.addi %mul3A_91, %add3A_177 : i32
        %dma_start3A_179 = arith.constant 0 : i32
        %dma_start3A_180 = arith.constant 0 : i32
        %dma_start3A_181 = tpu.memref_slice %arg7[%dma_start3A_179, %dma_start3A_180] : memref<128x128xf32, #tpu.memory_space<vmem>> -> memref<64x128xf32, #tpu.memory_space<vmem>>
        %dma_start3A_182 = arith.constant 0 : i32
        %dma_start3A_183 = tpu.memref_slice %arg5[%add3A_178, %dma_start3A_182] : memref<40x128xi32, #tpu.memory_space<vmem>> -> memref<1x64xi32, #tpu.memory_space<vmem>>
        %dma_start3A_184 = tpu.memref_squeeze %dma_start3A_183 : memref<1x64xi32, #tpu.memory_space<vmem>> -> memref<64xi32, #tpu.memory_space<vmem>>
        %dma_start3A_185 = arith.constant 0 : i32
        %dma_start3A_186 = arith.constant 0 : i32
        %dma_start3A_187 = tpu.memref_slice %arg2[%dma_start3A_185, %dma_start3A_186] : memref<10112x128xf32, #tpu.memory_space<hbm>> -> memref<10112x128xf32, #tpu.memory_space<hbm>>
        tpu.enqueue_indirect_dma source(%dma_start3A_187 : memref<10112x128xf32, #tpu.memory_space<hbm>>) target(%dma_start3A_181 : memref<64x128xf32, #tpu.memory_space<vmem>>) offsets(%dma_start3A_184 : memref<64xi32, #tpu.memory_space<vmem>>) semaphore(%arg10 : memref<!tpu.dma_semaphore, #tpu.memory_space<semaphore_mem>>)
        %dma_start3A_188 = arith.constant 64 : i32
        %dma_start3A_189 = arith.constant 0 : i32
        %dma_start3A_190 = tpu.memref_slice %arg7[%dma_start3A_188, %dma_start3A_189] : memref<128x128xf32, #tpu.memory_space<vmem>> -> memref<64x128xf32, #tpu.memory_space<vmem>>
        %dma_start3A_191 = arith.constant 64 : i32
        %dma_start3A_192 = tpu.memref_slice %arg5[%add3A_178, %dma_start3A_191] : memref<40x128xi32, #tpu.memory_space<vmem>> -> memref<1x64xi32, #tpu.memory_space<vmem>>
        %dma_start3A_193 = tpu.memref_squeeze %dma_start3A_192 : memref<1x64xi32, #tpu.memory_space<vmem>> -> memref<64xi32, #tpu.memory_space<vmem>>
        %dma_start3A_194 = arith.constant 0 : i32
        %dma_start3A_195 = arith.constant 0 : i32
        %dma_start3A_196 = tpu.memref_slice %arg2[%dma_start3A_194, %dma_start3A_195] : memref<10112x128xf32, #tpu.memory_space<hbm>> -> memref<10112x128xf32, #tpu.memory_space<hbm>>
        tpu.enqueue_indirect_dma source(%dma_start3A_196 : memref<10112x128xf32, #tpu.memory_space<hbm>>) target(%dma_start3A_190 : memref<64x128xf32, #tpu.memory_space<vmem>>) offsets(%dma_start3A_193 : memref<64xi32, #tpu.memory_space<vmem>>) semaphore(%arg10 : memref<!tpu.dma_semaphore, #tpu.memory_space<semaphore_mem>>)
      } else {
      }
      %scan3A_176 = arith.constant 0 : i32
      scf.yield %scan3A_176 : i32
    }
    %scan3A_75 = arith.constant 20 : i32
    %dma_wait3A_76 = arith.constant 39 : i32
    %dma_wait3A_77 = arith.constant 0 : i32
    %dma_wait3A_78 = tpu.memref_slice %arg6[%dma_wait3A_76, %dma_wait3A_77] : memref<40x128xi32, #tpu.memory_space<vmem>> -> memref<1x128xi32, #tpu.memory_space<vmem>>
    %dma_wait3A_79 = tpu.memref_squeeze %dma_wait3A_78 : memref<1x128xi32, #tpu.memory_space<vmem>> -> memref<128xi32, #tpu.memory_space<vmem>>
    %dma_wait3A_80 = arith.constant 0 : i32
    %dma_wait3A_81 = arith.constant 0 : i32
    %dma_wait3A_82 = tpu.memref_slice %arg9[%dma_wait3A_80, %dma_wait3A_81] : memref<10240x128xf32, #tpu.memory_space<vmem_shared>> -> memref<10240x128xf32, #tpu.memory_space<vmem_shared>>
    tpu.wait_indirect_dma semaphore(%arg13 : memref<!tpu.dma_semaphore, #tpu.memory_space<semaphore_mem>>) src(%arg8 : memref<128x128xf32, #tpu.memory_space<vmem>>) dst(%dma_wait3A_82 : memref<10240x128xf32, #tpu.memory_space<vmem_shared>>)
    %barrier3A_83 = arith.constant 0 : index
    tpu.barrier barrier_id(%barrier3A_83)
    %mul3A_84 = arith.constant 640 : i32
    %mul3A_85 = arith.muli %arg1, %mul3A_84 : i32
    %mul3A_86 = arith.constant 640 : i32
    %mul3A_87 = arith.muli %arg1, %mul3A_86 : i32
    "tpu.region"() ({
      %run_scoped3A_88 = tpu.sem_alloc : memref<!tpu.dma_semaphore, #tpu.memory_space<semaphore_mem>>
      %dma_start3A_89 = arith.constant 0 : i32
      %dma_start3A_90 = tpu.memref_slice %arg4[%arg0, %mul3A_87, %dma_start3A_89] : memref<2x10240x128xf32, #tpu.memory_space<hbm>> -> memref<1x640x128xf32, #tpu.memory_space<hbm>>
      %dma_start3A_91 = tpu.memref_squeeze %dma_start3A_90 : memref<1x640x128xf32, #tpu.memory_space<hbm>> -> memref<640x128xf32, #tpu.memory_space<hbm>>
      %dma_start3A_92 = arith.constant 0 : i32
      %dma_start3A_93 = tpu.memref_slice %arg9[%mul3A_85, %dma_start3A_92] : memref<10240x128xf32, #tpu.memory_space<vmem_shared>> -> memref<640x128xf32, #tpu.memory_space<vmem_shared>>
      tpu.enqueue_dma source(%dma_start3A_93 : memref<640x128xf32, #tpu.memory_space<vmem_shared>>) target(%dma_start3A_91 : memref<640x128xf32, #tpu.memory_space<hbm>>) target_semaphore(%run_scoped3A_88 : memref<!tpu.dma_semaphore, #tpu.memory_space<semaphore_mem>>)
      %dma_wait3A_94 = arith.constant 0 : i32
      %dma_wait3A_95 = tpu.memref_slice %arg4[%arg0, %mul3A_87, %dma_wait3A_94] : memref<2x10240x128xf32, #tpu.memory_space<hbm>> -> memref<1x640x128xf32, #tpu.memory_space<hbm>>
      %dma_wait3A_96 = tpu.memref_squeeze %dma_wait3A_95 : memref<1x640x128xf32, #tpu.memory_space<hbm>> -> memref<640x128xf32, #tpu.memory_space<hbm>>
      %dma_wait3A_97 = arith.constant 0 : i32
      %dma_wait3A_98 = tpu.memref_slice %arg9[%mul3A_85, %dma_wait3A_97] : memref<10240x128xf32, #tpu.memory_space<vmem_shared>> -> memref<640x128xf32, #tpu.memory_space<vmem_shared>>
      tpu.wait_dma2 semaphore(%run_scoped3A_88 : memref<!tpu.dma_semaphore, #tpu.memory_space<semaphore_mem>>) src(%dma_wait3A_98 : memref<640x128xf32, #tpu.memory_space<vmem_shared>>) dst(%dma_wait3A_96 : memref<640x128xf32, #tpu.memory_space<hbm>>)
      tpu.yield
    }) : () -> ()
    return
  }
}

module attributes {stable_mosaic.version = 14 : i64} {
  func.func @body(%arg0: i32, %arg1: memref<1264x128xf32, #tpu.memory_space<vmem>>, %arg2: memref<128x128xf32, #tpu.memory_space<vmem>>, %arg3: memref<1x1264x1xf32, #tpu.memory_space<vmem>>, %arg4: memref<1x1264x1xf32, #tpu.memory_space<vmem>>, %arg5: memref<1264x128xf32, #tpu.memory_space<vmem>>, %arg6: memref<1264x1xf32, #tpu.memory_space<vmem>>) attributes {dimension_semantics = [#tpu.dimension_semantics<arbitrary>], iteration_bounds = array<i64: 8>, scalar_prefetch = 0 : i64, scratch_operands = 0 : i64, tpu.core_type = #tpu.core_type<tc>, window_params = [{transform_indices = @transform_0, window_bounds = array<i64: 1264, 128>}, {pipeline_mode = #tpu.pipeline_mode<synchronous>, transform_indices = @transform_1, window_bounds = array<i64: 128, 128>}, {transform_indices = @transform_2, window_bounds = array<i64: 1, 1264, 1>}, {transform_indices = @transform_3, window_bounds = array<i64: 1, 1264, 1>}, {transform_indices = @transform_4, window_bounds = array<i64: 1264, 128>}, {transform_indices = @transform_5, window_bounds = array<i64: 1264, 1>}]} {
    %get3A = arith.constant 0 : index
    %get3A_0 = arith.constant 0 : index
    %get3A_1 = arith.constant 0 : index
    %get3A_2 = vector.load %arg3[%get3A, %get3A_0, %get3A_1] : memref<1x1264x1xf32, #tpu.memory_space<vmem>>, vector<1x1264x1xf32>
    %get3A_3 = vector.shape_cast %get3A_2 : vector<1x1264x1xf32> to vector<1264x1xf32>
    %get3A_4 = arith.constant 0 : index
    %get3A_5 = arith.constant 0 : index
    %get3A_6 = arith.constant 0 : index
    %get3A_7 = vector.load %arg4[%get3A_4, %get3A_5, %get3A_6] : memref<1x1264x1xf32, #tpu.memory_space<vmem>>, vector<1x1264x1xf32>
    %get3A_8 = vector.shape_cast %get3A_7 : vector<1x1264x1xf32> to vector<1264x1xf32>
    %add3A = arith.addf %get3A_3, %get3A_8 : vector<1264x1xf32>
    %add3A_9 = arith.constant 1.000000e+00 : f32
    %add3A_10 = vector.broadcast %add3A_9 : f32 to vector<1264x1xf32>
    %add3A_11 = arith.addf %add3A, %add3A_10 : vector<1264x1xf32>
    %iota3A = tpu.iota {dimensions = array<i32: 0>} : vector<1264x1xi32>
    %mul3A = arith.constant 1264 : i32
    %mul3A_12 = arith.muli %arg0, %mul3A : i32
    %add3A_13 = vector.broadcast %mul3A_12 : i32 to vector<1264x1xi32>
    %add3A_14 = arith.addi %iota3A, %add3A_13 : vector<1264x1xi32>
    %lt3A = arith.constant 10000 : i32
    %lt3A_15 = vector.broadcast %lt3A : i32 to vector<1264x1xi32>
    %lt3A_16 = arith.cmpi slt, %add3A_14, %lt3A_15 : vector<1264x1xi32>
    %rsqrt3A = math.rsqrt %add3A_11 : vector<1264x1xf32>
    %jit3A = arith.constant 0.000000e+00 : f32
    %broadcast_in_dim3A = vector.broadcast %jit3A : f32 to vector<1264x1xf32>
    %select_n3A = arith.select %lt3A_16, %rsqrt3A, %broadcast_in_dim3A : vector<1264x1xi1>, vector<1264x1xf32>
    %get3A_17 = arith.constant 0 : index
    %get3A_18 = arith.constant 0 : index
    %get3A_19 = vector.load %arg1[%get3A_17, %get3A_18] : memref<1264x128xf32, #tpu.memory_space<vmem>>, vector<1264x128xf32>
    %get3A_20 = arith.constant 0 : index
    %get3A_21 = arith.constant 0 : index
    %get3A_22 = vector.load %arg2[%get3A_20, %get3A_21] : memref<128x128xf32, #tpu.memory_space<vmem>>, vector<128x128xf32>
    %dot_general3A = arith.constant dense<0.000000e+00> : vector<1264x128xf32>
    %dot_general3A_23 = tpu.matmul %get3A_19, %get3A_22, %dot_general3A {dimension_numbers = #tpu.dot_dimension_numbers<[1], [0], [0], [1], [0, 0, 1, 1], [], []>, transpose_lhs_hint = false} : vector<1264x128xf32>, vector<128x128xf32>, vector<1264x128xf32> -> vector<1264x128xf32>
    %mul3A_24 = vector.broadcast %select_n3A : vector<1264x1xf32> to vector<1264x128xf32>
    %mul3A_25 = arith.mulf %dot_general3A_23, %mul3A_24 : vector<1264x128xf32>
    %jit3A_26 = arith.constant 0.000000e+00 : f32
    %broadcast_in_dim3A_27 = vector.shape_cast %lt3A_16 : vector<1264x1xi1> to vector<1264x1xi1>
    %broadcast_in_dim3A_28 = vector.broadcast %broadcast_in_dim3A_27 : vector<1264x1xi1> to vector<1264x128xi1>
    %broadcast_in_dim3A_29 = vector.broadcast %jit3A_26 : f32 to vector<1264x128xf32>
    %select_n3A_30 = arith.select %broadcast_in_dim3A_28, %mul3A_25, %broadcast_in_dim3A_29 : vector<1264x128xi1>, vector<1264x128xf32>
    %swap3A = arith.constant 0 : index
    %swap3A_31 = arith.constant 0 : index
    %swap3A_32 = vector.load %arg5[%swap3A, %swap3A_31] : memref<1264x128xf32, #tpu.memory_space<vmem>>, vector<1264x128xf32>
    tpu.vector_store %arg5[%swap3A, %swap3A_31], %select_n3A_30 {strides = array<i32>} : memref<1264x128xf32, #tpu.memory_space<vmem>>, vector<1264x128xf32>,
    %swap3A_33 = arith.constant 0 : index
    %swap3A_34 = arith.constant 0 : index
    %swap3A_35 = vector.load %arg6[%swap3A_33, %swap3A_34] : memref<1264x1xf32, #tpu.memory_space<vmem>>, vector<1264x1xf32>
    tpu.vector_store %arg6[%swap3A_33, %swap3A_34], %select_n3A {strides = array<i32>} : memref<1264x1xf32, #tpu.memory_space<vmem>>, vector<1264x1xf32>,
    return
  }
  func.func @transform_0(%arg0: i32) -> (i32, i32) {
    %c0_i32 = arith.constant 0 : i32
    %c0_i32_0 = arith.constant 0 : i32
    return %arg0, %c0_i32 : i32, i32
  }
  func.func @transform_1(%arg0: i32) -> (i32, i32) {
    %c0_i32 = arith.constant 0 : i32
    %c0_i32_0 = arith.constant 0 : i32
    %c0_i32_1 = arith.constant 0 : i32
    return %c0_i32, %c0_i32_0 : i32, i32
  }
  func.func @transform_2(%arg0: i32) -> (i32, i32, i32) {
    %c0_i32 = arith.constant 0 : i32
    %c0_i32_0 = arith.constant 0 : i32
    %c0_i32_1 = arith.constant 0 : i32
    return %c0_i32, %arg0, %c0_i32_0 : i32, i32, i32
  }
  func.func @transform_3(%arg0: i32) -> (i32, i32, i32) {
    %c1_i32 = arith.constant 1 : i32
    %c0_i32 = arith.constant 0 : i32
    %c0_i32_0 = arith.constant 0 : i32
    return %c1_i32, %arg0, %c0_i32 : i32, i32, i32
  }
  func.func @transform_4(%arg0: i32) -> (i32, i32) {
    %c0_i32 = arith.constant 0 : i32
    %c0_i32_0 = arith.constant 0 : i32
    return %arg0, %c0_i32 : i32, i32
  }
  func.func @transform_5(%arg0: i32) -> (i32, i32) {
    %c0_i32 = arith.constant 0 : i32
    %c0_i32_0 = arith.constant 0 : i32
    return %arg0, %c0_i32 : i32, i32
  }
}

module attributes {stable_mosaic.version = 14 : i64} {
  func.func @body(%arg0: i32, %arg1: memref<1x1264x128xf32, #tpu.memory_space<vmem>>, %arg2: memref<1x1264x128xf32, #tpu.memory_space<vmem>>, %arg3: memref<1264x128xf32, #tpu.memory_space<vmem>>, %arg4: memref<1264x1xf32, #tpu.memory_space<vmem>>, %arg5: memref<1x128xf32, #tpu.memory_space<vmem>>, %arg6: memref<128x128xf32, #tpu.memory_space<vmem>>, %arg7: memref<1264x128xf32, #tpu.memory_space<vmem>>) attributes {dimension_semantics = [#tpu.dimension_semantics<arbitrary>], iteration_bounds = array<i64: 8>, scalar_prefetch = 0 : i64, scratch_operands = 0 : i64, tpu.core_type = #tpu.core_type<tc>, window_params = [{transform_indices = @transform_0, window_bounds = array<i64: 1, 1264, 128>}, {transform_indices = @transform_1, window_bounds = array<i64: 1, 1264, 128>}, {transform_indices = @transform_2, window_bounds = array<i64: 1264, 128>}, {transform_indices = @transform_3, window_bounds = array<i64: 1264, 1>}, {pipeline_mode = #tpu.pipeline_mode<synchronous>, transform_indices = @transform_4, window_bounds = array<i64: 1, 128>}, {pipeline_mode = #tpu.pipeline_mode<synchronous>, transform_indices = @transform_5, window_bounds = array<i64: 128, 128>}, {transform_indices = @transform_6, window_bounds = array<i64: 1264, 128>}]} {
    %get3A = arith.constant 0 : index
    %get3A_0 = arith.constant 0 : index
    %get3A_1 = arith.constant 0 : index
    %get3A_2 = vector.load %arg1[%get3A, %get3A_0, %get3A_1] : memref<1x1264x128xf32, #tpu.memory_space<vmem>>, vector<1x1264x128xf32>
    %get3A_3 = vector.shape_cast %get3A_2 : vector<1x1264x128xf32> to vector<1264x128xf32>
    %get3A_4 = arith.constant 0 : index
    %get3A_5 = arith.constant 0 : index
    %get3A_6 = arith.constant 0 : index
    %get3A_7 = vector.load %arg2[%get3A_4, %get3A_5, %get3A_6] : memref<1x1264x128xf32, #tpu.memory_space<vmem>>, vector<1x1264x128xf32>
    %get3A_8 = vector.shape_cast %get3A_7 : vector<1x1264x128xf32> to vector<1264x128xf32>
    %add3A = arith.addf %get3A_3, %get3A_8 : vector<1264x128xf32>
    %get3A_9 = arith.constant 0 : index
    %get3A_10 = arith.constant 0 : index
    %get3A_11 = vector.load %arg4[%get3A_9, %get3A_10] : memref<1264x1xf32, #tpu.memory_space<vmem>>, vector<1264x1xf32>
    %get3A_12 = arith.constant 0 : index
    %get3A_13 = arith.constant 0 : index
    %get3A_14 = vector.load %arg3[%get3A_12, %get3A_13] : memref<1264x128xf32, #tpu.memory_space<vmem>>, vector<1264x128xf32>
    %add3A_15 = arith.addf %add3A, %get3A_14 : vector<1264x128xf32>
    %mul3A = vector.broadcast %get3A_11 : vector<1264x1xf32> to vector<1264x128xf32>
    %mul3A_16 = arith.mulf %mul3A, %add3A_15 : vector<1264x128xf32>
    %get3A_17 = arith.constant 0 : index
    %get3A_18 = arith.constant 0 : index
    %get3A_19 = vector.load %arg5[%get3A_17, %get3A_18] : memref<1x128xf32, #tpu.memory_space<vmem>>, vector<1x128xf32>
    %add3A_20 = vector.broadcast %get3A_19 : vector<1x128xf32> to vector<1264x128xf32>
    %add3A_21 = arith.addf %mul3A_16, %add3A_20 : vector<1264x128xf32>
    %max3A = arith.constant 0.000000e+00 : f32
    %max3A_22 = vector.broadcast %max3A : f32 to vector<1264x128xf32>
    %max3A_23 = arith.maximumf %add3A_21, %max3A_22 : vector<1264x128xf32>
    %get3A_24 = arith.constant 0 : index
    %get3A_25 = arith.constant 0 : index
    %get3A_26 = vector.load %arg6[%get3A_24, %get3A_25] : memref<128x128xf32, #tpu.memory_space<vmem>>, vector<128x128xf32>
    %dot_general3A = arith.constant dense<0.000000e+00> : vector<1264x128xf32>
    %dot_general3A_27 = tpu.matmul %max3A_23, %get3A_26, %dot_general3A {dimension_numbers = #tpu.dot_dimension_numbers<[1], [0], [0], [1], [0, 0, 1, 1], [], []>, transpose_lhs_hint = false} : vector<1264x128xf32>, vector<128x128xf32>, vector<1264x128xf32> -> vector<1264x128xf32>
    %get3A_28 = arith.constant 0 : index
    %get3A_29 = arith.constant 0 : index
    %get3A_30 = vector.load %arg4[%get3A_28, %get3A_29] : memref<1264x1xf32, #tpu.memory_space<vmem>>, vector<1264x1xf32>
    %mul3A_31 = vector.broadcast %get3A_30 : vector<1264x1xf32> to vector<1264x128xf32>
    %mul3A_32 = arith.mulf %dot_general3A_27, %mul3A_31 : vector<1264x128xf32>
    %swap3A = arith.constant 0 : index
    %swap3A_33 = arith.constant 0 : index
    %swap3A_34 = vector.load %arg7[%swap3A, %swap3A_33] : memref<1264x128xf32, #tpu.memory_space<vmem>>, vector<1264x128xf32>
    tpu.vector_store %arg7[%swap3A, %swap3A_33], %mul3A_32 {strides = array<i32>} : memref<1264x128xf32, #tpu.memory_space<vmem>>, vector<1264x128xf32>,
    return
  }
  func.func @transform_0(%arg0: i32) -> (i32, i32, i32) {
    %c0_i32 = arith.constant 0 : i32
    %c0_i32_0 = arith.constant 0 : i32
    %c0_i32_1 = arith.constant 0 : i32
    return %c0_i32, %arg0, %c0_i32_0 : i32, i32, i32
  }
  func.func @transform_1(%arg0: i32) -> (i32, i32, i32) {
    %c1_i32 = arith.constant 1 : i32
    %c0_i32 = arith.constant 0 : i32
    %c0_i32_0 = arith.constant 0 : i32
    return %c1_i32, %arg0, %c0_i32 : i32, i32, i32
  }
  func.func @transform_2(%arg0: i32) -> (i32, i32) {
    %c0_i32 = arith.constant 0 : i32
    %c0_i32_0 = arith.constant 0 : i32
    return %arg0, %c0_i32 : i32, i32
  }
  func.func @transform_3(%arg0: i32) -> (i32, i32) {
    %c0_i32 = arith.constant 0 : i32
    %c0_i32_0 = arith.constant 0 : i32
    return %arg0, %c0_i32 : i32, i32
  }
  func.func @transform_4(%arg0: i32) -> (i32, i32) {
    %c0_i32 = arith.constant 0 : i32
    %c0_i32_0 = arith.constant 0 : i32
    %c0_i32_1 = arith.constant 0 : i32
    return %c0_i32, %c0_i32_0 : i32, i32
  }
  func.func @transform_5(%arg0: i32) -> (i32, i32) {
    %c0_i32 = arith.constant 0 : i32
    %c0_i32_0 = arith.constant 0 : i32
    %c0_i32_1 = arith.constant 0 : i32
    return %c0_i32, %c0_i32_0 : i32, i32
  }
  func.func @transform_6(%arg0: i32) -> (i32, i32) {
    %c0_i32 = arith.constant 0 : i32
    %c0_i32_0 = arith.constant 0 : i32
    return %arg0, %c0_i32 : i32, i32
  }
}

module attributes {stable_mosaic.version = 14 : i64} {
  func.func @body(%arg0: i32, %arg1: memref<1x128x128xf32, #tpu.memory_space<vmem>>, %arg2: memref<1x128x128xf32, #tpu.memory_space<vmem>>, %arg3: memref<128x128xf32, #tpu.memory_space<vmem>>, %arg4: memref<128x1xf32, #tpu.memory_space<vmem>>, %arg5: memref<1x128xf32, #tpu.memory_space<vmem>>, %arg6: memref<1x1x128xi32, #tpu.memory_space<vmem>>, %arg7: memref<128x1xf32, #tpu.memory_space<vmem>>, %arg8: memref<1x1xf32, #tpu.memory_space<vmem>>, %arg9: memref<64x1xf32, #tpu.memory_space<vmem>>, %arg10: memref<64x128xf32, #tpu.memory_space<vmem>>, %arg11: memref<64x1xf32, #tpu.memory_space<vmem>>) attributes {dimension_semantics = [#tpu.dimension_semantics<arbitrary>], iteration_bounds = array<i64: 79>, scalar_prefetch = 0 : i64, scratch_operands = 2 : i64, tpu.core_type = #tpu.core_type<tc>, window_params = [{transform_indices = @transform_0, window_bounds = array<i64: 1, 128, 128>}, {transform_indices = @transform_1, window_bounds = array<i64: 1, 128, 128>}, {transform_indices = @transform_2, window_bounds = array<i64: 128, 128>}, {transform_indices = @transform_3, window_bounds = array<i64: 128, 1>}, {pipeline_mode = #tpu.pipeline_mode<synchronous>, transform_indices = @transform_4, window_bounds = array<i64: 1, 128>}, {transform_indices = @transform_5, window_bounds = array<i64: 1, 1, 128>}, {pipeline_mode = #tpu.pipeline_mode<synchronous>, transform_indices = @transform_6, window_bounds = array<i64: 128, 1>}, {pipeline_mode = #tpu.pipeline_mode<synchronous>, transform_indices = @transform_7, window_bounds = array<i64: 1, 1>}, {pipeline_mode = #tpu.pipeline_mode<synchronous>, transform_indices = @transform_8, window_bounds = array<i64: 64, 1>}]} {
    %eq3A = arith.constant 0 : i32
    %eq3A_0 = arith.cmpi eq, %arg0, %eq3A : i32
    %convert_element_type3A = arith.extui %eq3A_0 : i1 to i32
    %cond3A = arith.constant 0 : i32
    %cond3A_1 = arith.cmpi ne, %convert_element_type3A, %cond3A : i32
    scf.if %cond3A_1 {
      %broadcast_in_dim3A_56 = arith.constant 0.000000e+00 : f32
      %broadcast_in_dim3A_57 = vector.broadcast %broadcast_in_dim3A_56 : f32 to vector<64x128xf32>
      %swap3A_58 = arith.constant 0 : index
      %swap3A_59 = arith.constant 0 : index
      %swap3A_60 = vector.load %arg10[%swap3A_58, %swap3A_59] : memref<64x128xf32, #tpu.memory_space<vmem>>, vector<64x128xf32>
      tpu.vector_store %arg10[%swap3A_58, %swap3A_59], %broadcast_in_dim3A_57 {strides = array<i32>} : memref<64x128xf32, #tpu.memory_space<vmem>>, vector<64x128xf32>,
      %broadcast_in_dim3A_61 = arith.constant 0.000000e+00 : f32
      %broadcast_in_dim3A_62 = vector.broadcast %broadcast_in_dim3A_61 : f32 to vector<64x1xf32>
      %swap3A_63 = arith.constant 0 : index
      %swap3A_64 = arith.constant 0 : index
      %swap3A_65 = vector.load %arg11[%swap3A_63, %swap3A_64] : memref<64x1xf32, #tpu.memory_space<vmem>>, vector<64x1xf32>
      tpu.vector_store %arg11[%swap3A_63, %swap3A_64], %broadcast_in_dim3A_62 {strides = array<i32>} : memref<64x1xf32, #tpu.memory_space<vmem>>, vector<64x1xf32>,
    } else {
    }
    %get3A = arith.constant 0 : index
    %get3A_2 = arith.constant 0 : index
    %get3A_3 = arith.constant 0 : index
    %get3A_4 = vector.load %arg1[%get3A, %get3A_2, %get3A_3] : memref<1x128x128xf32, #tpu.memory_space<vmem>>, vector<1x128x128xf32>
    %get3A_5 = vector.shape_cast %get3A_4 : vector<1x128x128xf32> to vector<128x128xf32>
    %get3A_6 = arith.constant 0 : index
    %get3A_7 = arith.constant 0 : index
    %get3A_8 = arith.constant 0 : index
    %get3A_9 = vector.load %arg2[%get3A_6, %get3A_7, %get3A_8] : memref<1x128x128xf32, #tpu.memory_space<vmem>>, vector<1x128x128xf32>
    %get3A_10 = vector.shape_cast %get3A_9 : vector<1x128x128xf32> to vector<128x128xf32>
    %add3A = arith.addf %get3A_5, %get3A_10 : vector<128x128xf32>
    %get3A_11 = arith.constant 0 : index
    %get3A_12 = arith.constant 0 : index
    %get3A_13 = vector.load %arg4[%get3A_11, %get3A_12] : memref<128x1xf32, #tpu.memory_space<vmem>>, vector<128x1xf32>
    %get3A_14 = arith.constant 0 : index
    %get3A_15 = arith.constant 0 : index
    %get3A_16 = vector.load %arg3[%get3A_14, %get3A_15] : memref<128x128xf32, #tpu.memory_space<vmem>>, vector<128x128xf32>
    %add3A_17 = arith.addf %add3A, %get3A_16 : vector<128x128xf32>
    %mul3A = vector.broadcast %get3A_13 : vector<128x1xf32> to vector<128x128xf32>
    %mul3A_18 = arith.mulf %mul3A, %add3A_17 : vector<128x128xf32>
    %get3A_19 = arith.constant 0 : index
    %get3A_20 = arith.constant 0 : index
    %get3A_21 = vector.load %arg5[%get3A_19, %get3A_20] : memref<1x128xf32, #tpu.memory_space<vmem>>, vector<1x128xf32>
    %add3A_22 = vector.broadcast %get3A_21 : vector<1x128xf32> to vector<128x128xf32>
    %add3A_23 = arith.addf %mul3A_18, %add3A_22 : vector<128x128xf32>
    %max3A = arith.constant 0.000000e+00 : f32
    %max3A_24 = vector.broadcast %max3A : f32 to vector<128x128xf32>
    %max3A_25 = arith.maximumf %add3A_23, %max3A_24 : vector<128x128xf32>
    %iota3A = tpu.iota {dimensions = array<i32: 0>} : vector<64x128xi32>
    %get3A_26 = arith.constant 0 : index
    %get3A_27 = arith.constant 0 : index
    %get3A_28 = arith.constant 0 : index
    %get3A_29 = vector.load %arg6[%get3A_26, %get3A_27, %get3A_28] : memref<1x1x128xi32, #tpu.memory_space<vmem>>, vector<1x1x128xi32>
    %get3A_30 = vector.shape_cast %get3A_29 : vector<1x1x128xi32> to vector<1x128xi32>
    %eq3A_31 = vector.broadcast %get3A_30 : vector<1x128xi32> to vector<64x128xi32>
    %eq3A_32 = arith.cmpi eq, %iota3A, %eq3A_31 : vector<64x128xi32>
    %jit3A = arith.constant 1.000000e+00 : f32
    %jit3A_33 = arith.constant 0.000000e+00 : f32
    %broadcast_in_dim3A = vector.broadcast %jit3A : f32 to vector<64x128xf32>
    %broadcast_in_dim3A_34 = vector.broadcast %jit3A_33 : f32 to vector<64x128xf32>
    %select_n3A = arith.select %eq3A_32, %broadcast_in_dim3A, %broadcast_in_dim3A_34 : vector<64x128xi1>, vector<64x128xf32>
    %get3A_35 = arith.constant 0 : index
    %get3A_36 = arith.constant 0 : index
    %get3A_37 = vector.load %arg10[%get3A_35, %get3A_36] : memref<64x128xf32, #tpu.memory_space<vmem>>, vector<64x128xf32>
    %dot_general3A = arith.constant dense<0.000000e+00> : vector<64x128xf32>
    %dot_general3A_38 = tpu.matmul %select_n3A, %max3A_25, %dot_general3A {dimension_numbers = #tpu.dot_dimension_numbers<[1], [0], [0], [1], [0, 0, 1, 1], [], []>, transpose_lhs_hint = false} : vector<64x128xf32>, vector<128x128xf32>, vector<64x128xf32> -> vector<64x128xf32>
    %add3A_39 = arith.addf %get3A_37, %dot_general3A_38 : vector<64x128xf32>
    %swap3A = arith.constant 0 : index
    %swap3A_40 = arith.constant 0 : index
    %swap3A_41 = vector.load %arg10[%swap3A, %swap3A_40] : memref<64x128xf32, #tpu.memory_space<vmem>>, vector<64x128xf32>
    tpu.vector_store %arg10[%swap3A, %swap3A_40], %add3A_39 {strides = array<i32>} : memref<64x128xf32, #tpu.memory_space<vmem>>, vector<64x128xf32>,
    %get3A_42 = arith.constant 0 : index
    %get3A_43 = arith.constant 0 : index
    %get3A_44 = vector.load %arg11[%get3A_42, %get3A_43] : memref<64x1xf32, #tpu.memory_space<vmem>>, vector<64x1xf32>
    %reduce_sum3A = arith.constant dense<0.000000e+00> : vector<64xf32>
    %reduce_sum3A_45 = vector.multi_reduction <add>, %select_n3A, %reduce_sum3A [1] : vector<64x128xf32> to vector<64xf32>
    %broadcast_in_dim3A_46 = vector.shape_cast %reduce_sum3A_45 : vector<64xf32> to vector<64x1xf32>
    %add3A_47 = arith.addf %get3A_44, %broadcast_in_dim3A_46 : vector<64x1xf32>
    %swap3A_48 = arith.constant 0 : index
    %swap3A_49 = arith.constant 0 : index
    %swap3A_50 = vector.load %arg11[%swap3A_48, %swap3A_49] : memref<64x1xf32, #tpu.memory_space<vmem>>, vector<64x1xf32>
    tpu.vector_store %arg11[%swap3A_48, %swap3A_49], %add3A_47 {strides = array<i32>} : memref<64x1xf32, #tpu.memory_space<vmem>>, vector<64x1xf32>,
    %eq3A_51 = arith.constant 78 : i32
    %eq3A_52 = arith.cmpi eq, %arg0, %eq3A_51 : i32
    %convert_element_type3A_53 = arith.extui %eq3A_52 : i1 to i32
    %cond3A_54 = arith.constant 0 : i32
    %cond3A_55 = arith.cmpi ne, %convert_element_type3A_53, %cond3A_54 : i32
    scf.if %cond3A_55 {
      %get3A_56 = arith.constant 0 : index
      %get3A_57 = arith.constant 0 : index
      %get3A_58 = vector.load %arg10[%get3A_56, %get3A_57] : memref<64x128xf32, #tpu.memory_space<vmem>>, vector<64x128xf32>
      %get3A_59 = arith.constant 0 : index
      %get3A_60 = arith.constant 0 : index
      %get3A_61 = vector.load %arg11[%get3A_59, %get3A_60] : memref<64x1xf32, #tpu.memory_space<vmem>>, vector<64x1xf32>
      %max3A_62 = arith.constant 1.000000e+00 : f32
      %max3A_63 = vector.broadcast %max3A_62 : f32 to vector<64x1xf32>
      %max3A_64 = arith.maximumf %get3A_61, %max3A_63 : vector<64x1xf32>
      %div3A = vector.broadcast %max3A_64 : vector<64x1xf32> to vector<64x128xf32>
      %div3A_65 = arith.divf %get3A_58, %div3A : vector<64x128xf32>
      %get3A_66 = arith.constant 0 : index
      %get3A_67 = arith.constant 0 : index
      %get3A_68 = vector.load %arg7[%get3A_66, %get3A_67] : memref<128x1xf32, #tpu.memory_space<vmem>>, vector<128x1xf32>
      %dot_general3A_69 = arith.constant dense<0.000000e+00> : vector<64x1xf32>
      %dot_general3A_70 = tpu.matmul %div3A_65, %get3A_68, %dot_general3A_69 {dimension_numbers = #tpu.dot_dimension_numbers<[1], [0], [0], [1], [0, 0, 1, 1], [], []>, transpose_lhs_hint = false} : vector<64x128xf32>, vector<128x1xf32>, vector<64x1xf32> -> vector<64x1xf32>
      %get3A_71 = arith.constant 0 : index
      %get3A_72 = arith.constant 0 : index
      %get3A_73 = vector.load %arg8[%get3A_71, %get3A_72] : memref<1x1xf32, #tpu.memory_space<vmem>>, vector<1x1xf32>
      %add3A_74 = vector.broadcast %get3A_73 : vector<1x1xf32> to vector<64x1xf32>
      %add3A_75 = arith.addf %dot_general3A_70, %add3A_74 : vector<64x1xf32>
      %logistic3A = arith.negf %add3A_75 : vector<64x1xf32>
      %logistic3A_76 = math.exp %logistic3A : vector<64x1xf32>
      %logistic3A_77 = arith.constant 1.000000e+00 : f32
      %logistic3A_78 = vector.broadcast %logistic3A_77 : f32 to vector<64x1xf32>
      %logistic3A_79 = arith.addf %logistic3A_78, %logistic3A_76 : vector<64x1xf32>
      %logistic3A_80 = arith.divf %logistic3A_78, %logistic3A_79 : vector<64x1xf32>
      %swap3A_81 = arith.constant 0 : index
      %swap3A_82 = arith.constant 0 : index
      %swap3A_83 = vector.load %arg9[%swap3A_81, %swap3A_82] : memref<64x1xf32, #tpu.memory_space<vmem>>, vector<64x1xf32>
      tpu.vector_store %arg9[%swap3A_81, %swap3A_82], %logistic3A_80 {strides = array<i32>} : memref<64x1xf32, #tpu.memory_space<vmem>>, vector<64x1xf32>,
    } else {
    }
    return
  }
  func.func @transform_0(%arg0: i32) -> (i32, i32, i32) {
    %c0_i32 = arith.constant 0 : i32
    %c0_i32_0 = arith.constant 0 : i32
    %c0_i32_1 = arith.constant 0 : i32
    return %c0_i32, %arg0, %c0_i32_0 : i32, i32, i32
  }
  func.func @transform_1(%arg0: i32) -> (i32, i32, i32) {
    %c1_i32 = arith.constant 1 : i32
    %c0_i32 = arith.constant 0 : i32
    %c0_i32_0 = arith.constant 0 : i32
    return %c1_i32, %arg0, %c0_i32 : i32, i32, i32
  }
  func.func @transform_2(%arg0: i32) -> (i32, i32) {
    %c0_i32 = arith.constant 0 : i32
    %c0_i32_0 = arith.constant 0 : i32
    return %arg0, %c0_i32 : i32, i32
  }
  func.func @transform_3(%arg0: i32) -> (i32, i32) {
    %c0_i32 = arith.constant 0 : i32
    %c0_i32_0 = arith.constant 0 : i32
    return %arg0, %c0_i32 : i32, i32
  }
  func.func @transform_4(%arg0: i32) -> (i32, i32) {
    %c0_i32 = arith.constant 0 : i32
    %c0_i32_0 = arith.constant 0 : i32
    %c0_i32_1 = arith.constant 0 : i32
    return %c0_i32, %c0_i32_0 : i32, i32
  }
  func.func @transform_5(%arg0: i32) -> (i32, i32, i32) {
    %c0_i32 = arith.constant 0 : i32
    %c0_i32_0 = arith.constant 0 : i32
    %c0_i32_1 = arith.constant 0 : i32
    return %arg0, %c0_i32, %c0_i32_0 : i32, i32, i32
  }
  func.func @transform_6(%arg0: i32) -> (i32, i32) {
    %c0_i32 = arith.constant 0 : i32
    %c0_i32_0 = arith.constant 0 : i32
    %c0_i32_1 = arith.constant 0 : i32
    return %c0_i32, %c0_i32_0 : i32, i32
  }
  func.func @transform_7(%arg0: i32) -> (i32, i32) {
    %c0_i32 = arith.constant 0 : i32
    %c0_i32_0 = arith.constant 0 : i32
    %c0_i32_1 = arith.constant 0 : i32
    return %c0_i32, %c0_i32_0 : i32, i32
  }
  func.func @transform_8(%arg0: i32) -> (i32, i32) {
    %c0_i32 = arith.constant 0 : i32
    %c0_i32_0 = arith.constant 0 : i32
    %c0_i32_1 = arith.constant 0 : i32
    return %c0_i32, %c0_i32_0 : i32, i32
  }
}

</mosaic_0001>

<sc_bundles>
// kernel: kernel.10.cloned.1.call-start
scs
__scs_entry_jumppad:
0x0: {  	(pc) =	sbr.rel $0x88, $3  }
0x1: {  	(tag) =	ssettag $0x0;
	lr =	simm.s32 $0x1  }
0x2: {  	[smem:$0x3F96] =	sst lr;
	_ =	strace $0xD0000000  }
0x3: {  	_ = 	snop  }
0x4: {  	_ = 	snop  }
0x5: {  	_ = 	snop  }
0x6: {  	_ = 	snop  }
0x7: {  	_ = 	snop  }
__scs_overlays_trampoline_lowered:
0x8: {  	[smem:$0x3FA5] =	sst s0  }
0x9: {  	[smem:$0x3FA6] =	sst s1  }
0xa: {  	[smem:$0x3FA7] =	sst s2  }
0xb: {  	[smem:$0x3FA8] =	sst s3  }
0xc: {  	[smem:$0x3FA9] =	sst s4  }
0xd: {  	[smem:$0x3FAA] =	sst s5  }
0xe: {  	[smem:$0x3FAB] =	sst s6  }
0xf: {  	[smem:$0x3FAC] =	sst s7  }
0x10: {  	[smem:$0x3FAD] =	sst s8  }
0x11: {  	[smem:$0x3FAE] =	sst s9;
	s0 =	simm.s32 @!p0 $0x0  }
0x12: {  	s1 =	sld [smem:$0x3F94];
	s0 =	simm.s32 @p0 $0x1  }
0x13: {  	[smem:$0x3FAF] =	sst s0;
	s0 =	simm.s32 @!p1 $0x0  }
0x14: {  	s2 =	sld [smem:$0x3F93];
	s0 =	simm.s32 @p1 $0x1  }
0x15: {  	[smem:$0x3FB0] =	sst s0;
	s0 =	simm.s32 @!p2 $0x0  }
0x16: {  	s3 =	sld [smem:$0x3FDB];
	s0 =	simm.s32 @p2 $0x1  }
0x17: {  	s4 =	simm.s32 $0x1BF5;
	[smem:$0x3FB2] =	sst s0  }
0x18: {  	s0 =	sld [smem:$0x3F95];
	_ =	swait.ge [sflag:s4], $0x0  }
0x19: {  	s7 =	sld [smem:$0x3F96]  }
0x1a: {  	s8 =	sadd.s32 $0xFFFFE003, lr  }
0x1b: {  	s9 =	sadd.s32 $0xFFFFFEF7, lr;
	s5 =	simm.s32 $0xFFFFFFFF;
	p2 =	slt.u32 s8, $0xFFFFF086  }
0x1c: {  	p1 =	slt.u32 s9, $0xF7A;
	s5 =	simm.s32 @!p2 $0x0  }
0x1d: {  	s5 =	simm.s32 @p1 $0x1;
	p0 =	seq.s32 s7, s2  }
0x1e: {  	s7 =	smul.u32 @!p0 $0xF7A, s2;
	p2 =	seq.s32 @!p0 s5, $0x0  }
0x1f: {  	s9 =	smul.u32 $0xF7A, s1;
	s8 =	simm.s32 @!p0 $0x1BF5;
	p2 =	por !p2, p0  }
0x20: {  	[sflag:s8] =	ssyncset.s32 @!p0 $0xFFFFF086;
	s6 =	sadd.s32 @!p0 s3, s7;
	s7 =	simm.s32 @!p0 $0x108  }
0x21: {  	s3 =	sadd.s32 s3, s9;
	s6 =	sadd.s32 @!p0 $0x88, s6;
	s7 =	simm.s32 @p2 $0x1082  }
0x22: {  	[simem:s7], [sflag:s8] =	dma.local @!p0 [hbm:s6], $0xF7A  }
0x23: {  	s9 =	sor.u32 $0xD0000000, s2;
	s6 =	simm.s32 $0x108;
	_ =	swait.ge @!p0 [sflag:s8], $0x0  }
0x24: {  	s3 =	sadd.s32 $0x88, s3;
	s6 =	simm.s32 @!p1 $0x1082;
	[sflag:s4] =	ssyncset.s32 $0xFFFFF086  }
0x25: {  	[simem:s6], [sflag:s4] =	dma.local [hbm:s3], $0xF7A  }
0x26: {  	[smem:$0x3F96] =	sst s1;
	(tag) =	ssettag s2;
	_ =	strace s9  }
0x27: {  	s1 =	sld [smem:$0x3FA6]  }
0x28: {  	s2 =	sld [smem:$0x3FA7]  }
0x29: {  	s4 =	sld [smem:$0x3FA9]  }
0x2a: {  	p0 =	seq.s32 s5, $0x0;
	s5 =	sld [smem:$0x3FAA]  }
0x2b: {  	s6 =	sld [smem:$0x3FAB]  }
0x2c: {  	s7 =	sld [smem:$0x3FAC]  }
0x2d: {  	s3 =	simm.s32 $0x108;
	s8 =	sld [smem:$0x3FAD]  }
0x2e: {  	s3 =	simm.s32 @!p0 $0x1082;
	s9 =	sld [smem:$0x3FAE]  }
0x2f: {  	lr =	sadd.s32 s0, s3;
	s0 =	sld [smem:$0x3FA5]  }
0x30: {  	s3 =	sld [smem:$0x3FA8]  }
0x31: {  	[smem:$0x3FB1] =	sst s10  }
0x32: {  	s10 =	sld [smem:$0x3FAF];
	_ =	sdelay $0x3  }
0x33: {  	p0 =	seq.s32 s10, $0x1;
	s10 =	sld [smem:$0x3FB1];
	_ =	sdelay $0x3  }
0x34: {  	[smem:$0x3FB1] =	sst s10  }
0x35: {  	s10 =	sld [smem:$0x3FB0];
	_ =	sdelay $0x3  }
0x36: {  	p1 =	seq.s32 s10, $0x1;
	s10 =	sld [smem:$0x3FB1];
	_ =	sdelay $0x3  }
0x37: {  	[smem:$0x3FB1] =	sst s10  }
0x38: {  	s10 =	sld [smem:$0x3FB2]  }
0x39: {  	_ = 	snop;
	(pc) =	sbr.ind lr, $3  }
0x3a: {  	_ = 	snop  }
0x3b: {  	_ = 	snop  }
0x3c: {  	p2 =	seq.s32 s10, $0x1;
	s10 =	sld [smem:$0x3FB1]  }
0x3d: {  	_ =	shalt  }
0x3e: {  	_ =	shalt  }
0x3f: {  	_ =	shalt  }
0x40: {  	_ =	shalt  }
0x41: {  	_ =	shalt  }
0x42: {  	_ =	shalt  }
0x43: {  	_ =	shalt  }
0x44: {  	_ =	shalt  }
0x45: {  	_ =	shalt  }
0x46: {  	_ =	shalt  }
0x47: {  	_ =	shalt  }
0x48: {  	_ =	shalt  }
0x49: {  	_ =	shalt  }
0x4a: {  	_ =	shalt  }
0x4b: {  	_ =	shalt  }
0x4c: {  	_ =	shalt  }
0x4d: {  	_ =	shalt  }
0x4e: {  	_ =	shalt  }
0x4f: {  	_ =	shalt  }
0x50: {  	_ =	shalt  }
0x51: {  	_ =	shalt  }
0x52: {  	_ =	shalt  }
0x53: {  	_ =	shalt  }
0x54: {  	_ =	shalt  }
0x55: {  	_ =	shalt  }
0x56: {  	_ =	shalt  }
0x57: {  	_ =	shalt  }
0x58: {  	_ =	shalt  }
0x59: {  	_ =	shalt  }
0x5a: {  	_ =	shalt  }
0x5b: {  	_ =	shalt  }
0x5c: {  	_ =	shalt  }
0x5d: {  	_ =	shalt  }
0x5e: {  	_ =	shalt  }
0x5f: {  	_ =	shalt  }
0x60: {  	_ =	shalt  }
0x61: {  	_ =	shalt  }
0x62: {  	_ =	shalt  }
0x63: {  	_ =	shalt  }
0x64: {  	_ =	shalt  }
0x65: {  	_ =	shalt  }
0x66: {  	_ =	shalt  }
0x67: {  	_ =	shalt  }
0x68: {  	_ =	shalt  }
0x69: {  	_ =	shalt  }
0x6a: {  	_ =	shalt  }
0x6b: {  	_ =	shalt  }
0x6c: {  	_ =	shalt  }
0x6d: {  	_ =	shalt  }
0x6e: {  	_ =	shalt  }
0x6f: {  	_ =	shalt  }
0x70: {  	_ =	shalt  }
0x71: {  	_ =	shalt  }
0x72: {  	_ =	shalt  }
0x73: {  	_ =	shalt  }
0x74: {  	_ =	shalt  }
0x75: {  	_ =	shalt  }
0x76: {  	_ =	shalt  }
0x77: {  	_ =	shalt  }
0x78: {  	_ =	shalt  }
0x79: {  	_ =	shalt  }
0x7a: {  	_ =	shalt  }
0x7b: {  	_ =	shalt  }
0x7c: {  	_ =	shalt  }
0x7d: {  	_ =	shalt  }
0x7e: {  	_ =	shalt  }
0x7f: {  	_ =	shalt  }
0x80: {  	_ =	shalt  }
0x81: {  	_ =	shalt  }
0x82: {  	_ =	shalt  }
0x83: {  	_ =	shalt  }
0x84: {  	_ =	shalt  }
0x85: {  	_ =	shalt  }
0x86: {  	_ =	shalt  }
0x87: {  	_ =	shalt  }
.Lfunc_end0:
.L_simem_size_0:
called_computation_lowered:
.L_overlay_start_0:
0x88: {  	s2 =	sld [smem:$0x3FD9]  }
0x89: {  	s3 =	sld [smem:$0x3FFE];
	_ =	sdelay $0x1  }
0x8a: {  	s1 =	srdreg.scid  }
0x8b: {  	s0 =	sand.u32 $0x1, s1  }
0x8c: {  	s16 =	sshll.u32 s0, $0xA;
	s2 =	sadd.s32 s3, s2  }
0x8d: {  	s2 =	sadd.s32 s2, s16  }
0x8e: {  	[smem:$0x3FBD] =	sst s2  }
0x8f: {  	_ = 	snop  }
0x90: {  	(tm) =	ssettm $0x1  }
0x91: {  	s17 =	sld [smem:$0x3FFB];
	_ =	sdelay $0x3  }
0x92: {  	_ =	strace s17  }
0x93: {  	s2 =	sld [smem:$0x3FFC];
	_ =	sdelay $0x3  }
0x94: {  	_ =	strace s2  }
0x95: {  	s2 =	sld [smem:$0x3FFD];
	_ =	sdelay $0x3  }
0x96: {  	_ =	strace s2  }
0x97: {  	_ =	strace $0x8FFFFFFF  }
0x98: {  	s18 =	sld [smem:$0x3FDB];
	_ =	sdelay $0x1  }
0x99: {  	s19 =	simm.s32 $_scs_section_size  }
0x9a: {  	s4 =	simm.s32 $_size__tile_overlayer_lowered;
	s5 =	simm.s32 $_tile_overlayer_lowered  }
0x9b: {  	s22 =	simm.s32 $0x1BFF;
	s21 =	sshll.u32 s5, $0x1;
	s2 =	sadd.s32 s19, s18  }
0x9c: {  	s6 =	simm.s32 $0x0;
	s20 =	sshll.u32 s4, $0x1;
	s4 =	sadd.s32 s21, s2  }
0x9d: {  	[timem:s6], [sflag:s22] =	dma.local [hbm:s4], s20  }
0x9e: {  	_ =	swait.ge [sflag:s22], s20  }
0x9f: {  	s3 =	ssub.s32 $0x0, s20;
	[sflag:s22] =	ssyncset.done $0x0  }
0xa0: {  	[sflag:s22] =	ssyncadd.s32 s3;
	_ =	sdelay $0x1  }
0xa1: {  	s23 =	simm.s32 $0x1B8B  }
0xa2: {  	_ =	swait.ge [sflag:s23], $0x1  }
0xa3: {  	[sflag:s23] =	ssyncset.done $0x0  }
0xa4: {  	s25 =	simm.s32 $0x1B8E;
	s24 =	sld [smem:$0x3FFE];
	[sflag:s23] =	ssyncadd.s32 $0xFFFFFFFF  }
0xa5: {  	s26 =	simm.s32 $execute0_lowered;
	[smem:$0x3FD2] =	sst s25  }
0xa6: {  	s4 =	sshll.u32 s26, $0x1;
	_ =	strace $0x80000046;
	[dreg:$0x1] =	wrdreg $0xFFFFFFFF  }
0xa7: {  	s28 =	simm.s32 $_size_execute0_lowered;
	s2 =	sadd.s32 s2, s4;
	[dreg:$0x0] =	wrdreg $0x0  }
0xa8: {  	s4 =	sshll.u32 s28, $0x1;
	[dreg:$0x2] =	wrdreg s2  }
0xa9: {  	[dreg:$0x3] =	wrdreg s4  }
0xaa: {  	[dreg:$0x4] =	wrdreg $0xC0  }
0xab: {  	_ =	task [dreg:s6], $0x5FFFF  }
0xac: {  	[dreg:$0x1] =	wrdreg $0xFFFFFFFF  }
0xad: {  	[dreg:$0x0] =	wrdreg $0x60  }
0xae: {  	[dreg:$0x2] =	wrdreg s24  }
0xaf: {  	[dreg:$0x3] =	wrdreg $0x2B000  }
0xb0: {  	[dreg:$0x4] =	wrdreg $0x9  }
0xb1: {  	_ =	task.clear_ibuf [dreg:s6], $0x5FFFF;
	_ =	strace $0x90000046  }
0xb2: {  	s29 =	simm.s32 $0x9;
	_ =	strace $0x80000048  }
0xb3: {  	_ =	swait.ge [sflag:s29], $0x1  }
0xb4: {  	[sflag:s29] =	ssyncadd.s32 $0xFFFFFFFF  }
0xb5: {  	_ =	strace $0x90000048  }
0xb6: {  	_ =	sfence  }
0xb7: {  	s30 =	sld [smem:$0x0];
	_ =	sdelay $0x2  }
0xb8: {  	s31 =	sshll.u32 s1, $0xD;
	s1 =	sshrl.u32 s1, $0x2  }
0xb9: {  	s3 =	sand.u32 $0x4000, s31;
	s1 =	sadd.s32 s1, s30  }
0xba: {  	s0 =	sor.u32 s3, s0;
	s1 =	sshll.u32 s1, $0x11  }
0xbb: {  	s0 =	sor.u32 s1, s0  }
0xbc: {  	s0 =	sadd.s32 $0x8F2B, s0  }
0xbd: {  	[sflag:s0] =	ssyncadd.remote.s32 $0x1  }
0xbe: {  	_ =	sfence.sel $0xFFFF  }
0xbf: {  	[dreg:$0x0] =	wrdreg $0xFFFFFFFF;
	(pc) =	sbr.abs _section_cstart, $3  }
0xc0: {  	[dreg:$0x1] =	wrdreg $0xFFFFFFFF  }
0xc1: {  	_ =	task.clear_ibuf [dreg:s6], $0x2FFFF;
	_ =	strace $0x9FFFFFFF  }
0xc2: {  	(tm) =	ssettm $0x7FFFFFFF  }
0xc3: {  	_ =	shalt  }
tec
execute0_lowered:
.L_overlay_start_1:
0x0: {  	(tag) =	ssettag $0x1  }
0x1: {  	s6 =	rddreg [dreg:$0x0]  }
0x2: {  	s2 =	rddreg [dreg:$0x1]  }
0x3: {  	s3 =	srdreg.scid;
	s1 =	stileid.u32  }
0x4: {  	s0 =	rddreg [dreg:$0x2];
	s11 =	simm.s32 $0x2;
	s12 =	simm.s32 $0x80  }
0x5: {  	s13 =	simm.s32 $0x2800;
	s14 =	simm.s32 $0x1;
	s17 =	simm.s32 $0x20  }
0x6: {  	s18 =	simm.s32 $0x10;
	s19 =	simm.s32 $0x0;
	s4 =	sand.u32 $0x1, s3  }
0x7: {  	s5 =	smul.u32 $0x500, s1;
	s3 =	simm.s32 $0x0;
	s8 =	sshll.u32 s1, $0x1  }
0x8: {  	s30 =	smul.u32 $0xA00, s1;
	s15 =	sshll.u32 s1, $0x6;
	s7 =	sshll.u32 s4, $0x7  }
0x9: {  	[smem:$0x7FF] =	sst s3;
	s26 =	sor.u32 s4, s8;
	s4 =	ssub.s32 $0x2, s4  }
0xa: {  	s15 =	sor.u32 $0x1C02, s15;
	s5 =	sor.u32 s7, s5;
	s8 =	smul.u32 $0x2800, s26  }
0xb: {  	_ =	strace $0x80000047;
	s28 =	sshrl.u32 s4, $0x1;
	p0 =	seq.s32 s26, $0x1F  }
0xc: {  	s31 =	sshrl.u32 s30, $0x2;
	s5 =	sshrl.u32 s5, $0x3;
	s10 =	ssub.s32 s4, s28  }
0xd: {  	s4 =	simm.s32 $0x14;
	s7 =	sadd.s32 s31, s2;
	s9 =	sadd.s32 s5, s6  }
0xe: {  	s29 =	sshrl.u32 s8, $0x3;
	s4 =	simm.s32 @!p0 $0x50;
	s16 =	sshrl.u32 s7, $0x3  }
0xf: {  	s5 =	sadd.s32 s6, s29;
	s6 =	sadd.s32 $0x17780, s6;
	s8 =	sadd.s32 $0x17A00, s9  }
0x10: {  	v0 =	vimm.f32 $1.000000000e+00;
	v1 =	vimm.f32 $0.0e+00;
	s9 =	smax.u32 s10, $0x1;
	s10 =	simm.s32 $0x2880;
	s5 =	sadd.s32 $0xDC80, s5  }
.LBB2_1:
0x11: {  	s20 =	simm.s32 @p0 $0x0  }
0x12: {  	[tilespmem:s20], [sflag:$0x2] =	stream.linear.gather @p0 [hbm4b:s6+s20], $0xA00, $0x38;
	[tilespmem:$0x2D80] =	vst v63  }
0x13: {  	s20 =	simm.s32 @p0 $0x2  }
0x14: {  	_ =	swait.ge @p0 [sflag:s20], $0xA00  }
0x15: {  	[sflag:s20] =	ssyncset.done @p0 $0x0  }
0x16: {  	[sflag:s20] =	ssyncadd.s32 @p0 $0xFFFFF600;
	s20 =	simm.s32 @!p0 $0x0  }
0x17: {  	[tilespmem:s20], [sflag:$0x2] =	stream.linear.gather @!p0 [hbm4b:s5+s20], $0x2800, $0x38;
	[tilespmem:$0x2D80] =	vst v63  }
0x18: {  	s20 =	simm.s32 @!p0 $0x2  }
0x19: {  	_ =	swait.ge @!p0 [sflag:s20], $0x2800  }
0x1a: {  	[sflag:s20] =	ssyncset.done @!p0 $0x0  }
0x1b: {  	[sflag:s20] =	ssyncadd.s32 @!p0 $0xFFFFD800  }
0x1c: {  	[tilespmem:$0x2800] =	vst v0  }
0x1d: {  	[tilespmem:$0x2810] =	vst v0  }
0x1e: {  	[tilespmem:$0x2820] =	vst v0  }
0x1f: {  	[tilespmem:$0x2830] =	vst v0  }
0x20: {  	[tilespmem:$0x2840] =	vst v0  }
0x21: {  	[tilespmem:$0x2850] =	vst v0  }
0x22: {  	[tilespmem:$0x2860] =	vst v0  }
0x23: {  	[tilespmem:$0x2870] =	vst v0  }
0x24: {  	[tilespmem:$0x2880] =	vst v1  }
0x25: {  	[tilespmem:$0x2890] =	vst v1  }
0x26: {  	[tilespmem:$0x28A0] =	vst v1  }
0x27: {  	[tilespmem:$0x28B0] =	vst v1  }
0x28: {  	[tilespmem:$0x28C0] =	vst v1  }
0x29: {  	[tilespmem:$0x28D0] =	vst v1  }
0x2a: {  	[tilespmem:$0x28E0] =	vst v1  }
0x2b: {  	[tilespmem:$0x28F0] =	vst v1  }
0x2c: {  	[tilespmem:$0x2900] =	vst v1  }
0x2d: {  	[tilespmem:$0x2910] =	vst v1  }
0x2e: {  	[tilespmem:$0x2920] =	vst v1  }
0x2f: {  	[tilespmem:$0x2930] =	vst v1  }
0x30: {  	[tilespmem:$0x2940] =	vst v1  }
0x31: {  	[tilespmem:$0x2950] =	vst v1  }
0x32: {  	[tilespmem:$0x2960] =	vst v1  }
0x33: {  	[tilespmem:$0x2970] =	vst v1  }
0x34: {  	[tilespmem:$0x2980] =	vst v1  }
0x35: {  	[tilespmem:$0x2990] =	vst v1  }
0x36: {  	[tilespmem:$0x29A0] =	vst v1  }
0x37: {  	[tilespmem:$0x29B0] =	vst v1  }
0x38: {  	[tilespmem:$0x29C0] =	vst v1  }
0x39: {  	[tilespmem:$0x29D0] =	vst v1  }
0x3a: {  	[tilespmem:$0x29E0] =	vst v1  }
0x3b: {  	[tilespmem:$0x29F0] =	vst v1  }
0x3c: {  	[tilespmem:$0x2A00] =	vst v1  }
0x3d: {  	[tilespmem:$0x2A10] =	vst v1  }
0x3e: {  	[tilespmem:$0x2A20] =	vst v1  }
0x3f: {  	[tilespmem:$0x2A30] =	vst v1  }
0x40: {  	[tilespmem:$0x2A40] =	vst v1  }
0x41: {  	[tilespmem:$0x2A50] =	vst v1  }
0x42: {  	[tilespmem:$0x2A60] =	vst v1  }
0x43: {  	[tilespmem:$0x2A70] =	vst v1  }
0x44: {  	[tilespmem:$0x2A80] =	vst v1  }
0x45: {  	[tilespmem:$0x2A90] =	vst v1  }
0x46: {  	[tilespmem:$0x2AA0] =	vst v1  }
0x47: {  	[tilespmem:$0x2AB0] =	vst v1  }
0x48: {  	[tilespmem:$0x2AC0] =	vst v1  }
0x49: {  	[tilespmem:$0x2AD0] =	vst v1  }
0x4a: {  	[tilespmem:$0x2AE0] =	vst v1  }
0x4b: {  	[tilespmem:$0x2AF0] =	vst v1  }
0x4c: {  	[spmem:s7] =	stream.linear.scatter [tilespmem:s10], [sflag:$0x2], $0x280, $0x38;
	[tilespmem:$0x2D80] =	vst v63  }
0x4d: {  	_ =	swait.ge [sflag:s11], $0x280  }
0x4e: {  	p2 =	sne.s32 s4, $0x1;
	[sflag:s11] =	ssyncset.done $0x0  }
.Ltmp0:
0x4f: {  	p1 =	por $0x1, $0x1;
	[sflag:s11] =	ssyncadd.s32 $0xFFFFFD80;
	(pc) =	sbr.rel @!p2 .LBB2_3-.Ltmp0, $4  }
0x50: {  	s22 =	simm.s32 @!p1 $0x1;
	[bflag:$0x0] =	sbarrier.arrive $0xFFFF  }
0x51: {  	[spmem:s2] =	stream.indirect.scatter.add.f32 [tilespmem:s13], [sflag:$0x1], $0x1, s3, s12, $0xb8;
	[tilespmem:$0x2D80] =	vst v63  }
0x52: {  	_ =	swait.ge @!p1 [sflag:s22], $0x80  }
0x53: {  	s21 =	simm.s32 $0x0;
	s20 =	simm.s32 $0x1;
	[sflag:s22] =	ssyncset.done @!p1 $0x0  }
.LBB2_2:
0x54: {  	[sflag:s22] =	ssyncadd.s32 @!p1 $0xFFFFFF80  }
0x55: {  	s21 =	sadd.s32 $0x80, s21;
	s22 =	smov.u32 s20;
	s20 =	sadd.s32 $0x1, s20  }
0x56: {  	p2 =	sne.s32 s4, s20  }
0x57: {  	[spmem:s2] =	stream.indirect.scatter.add.f32 [tilespmem:s13], [sflag:$0x1], $0x1, s21, s12, $0xb8;
	[tilespmem:$0x2D80] =	vst v63  }
.Ltmp1:
0x58: {  	_ = 	snop;
	(pc) =	sbr.rel @p2 .LBB2_2-.Ltmp1, $4  }
0x59: {  	p1 =	slt.u32 s22, $0x8  }
0x5a: {  	s22 =	simm.s32 @!p1 $0x1  }
0x5b: {  	_ =	swait.ge @!p1 [sflag:s22], $0x80  }
0x5c: {  	[sflag:s22] =	ssyncset.done @!p1 $0x0  }
.LBB2_3:
0x5d: {  	[sflag:s22] =	ssyncadd.s32 @!p1 $0xFFFFFF80  }
0x5e: {  	_ =	swait.ge [sflag:s14], $0x80  }
0x5f: {  	[sflag:s14] =	ssyncset.done $0x0  }
0x60: {  	[sflag:s14] =	ssyncadd.s32 $0xFFFFFF80  }
0x61: {  	_ =	swait.ge [sflag:s14], $0x80  }
0x62: {  	[sflag:s14] =	ssyncset.done $0x0  }
0x63: {  	[sflag:s14] =	ssyncadd.s32 $0xFFFFFF80  }
0x64: {  	_ =	swait.ge [sflag:s14], $0x80  }
0x65: {  	[sflag:s14] =	ssyncset.done $0x0  }
0x66: {  	[sflag:s14] =	ssyncadd.s32 $0xFFFFFF80  }
0x67: {  	_ =	swait.ge [sflag:s14], $0x80  }
0x68: {  	[sflag:s14] =	ssyncset.done $0x0  }
0x69: {  	[sflag:s14] =	ssyncadd.s32 $0xFFFFFF80  }
0x6a: {  	_ =	swait.ge [sflag:s14], $0x80  }
0x6b: {  	[sflag:s14] =	ssyncset.done $0x0  }
0x6c: {  	[sflag:s14] =	ssyncadd.s32 $0xFFFFFF80  }
0x6d: {  	_ =	swait.ge [sflag:s14], $0x80  }
0x6e: {  	[sflag:s14] =	ssyncset.done $0x0  }
0x6f: {  	[sflag:s14] =	ssyncadd.s32 $0xFFFFFF80  }
0x70: {  	_ =	swait.ge [sflag:s14], $0x80  }
0x71: {  	[sflag:s14] =	ssyncset.done $0x0  }
0x72: {  	[sflag:s14] =	ssyncadd.s32 $0xFFFFFF80  }
0x73: {  	_ =	swait.ge [sflag:s14], $0x80  }
0x74: {  	s19 =	sadd.s32 $0x1, s19;
	[sflag:s14] =	ssyncset.done $0x0  }
0x75: {  	p1 =	sne.s32 s19, s9;
	[sflag:s14] =	ssyncadd.s32 $0xFFFFFF80  }
.Ltmp2:
0x76: {  	[bflag:$0x0] =	sbarrier.arrive $0xFFFF;
	(pc) =	sbr.rel @p1 .LBB2_1-.Ltmp2, $4  }
0x77: {  	[hbm:s8@s17], [sflag:s15] =	dma.strided [spmem:s16@s18], $0x50, s14, $0x10   }
0x78: {  	_ =	swait.ge [sflag:s11], $0x50  }
0x79: {  	[sflag:s11] =	ssyncset.done $0x0  }
0x7a: {  	[sflag:s11] =	ssyncadd.s32 $0xFFFFFFB0  }
0x7b: {  	_ =	sfence.sel $0x180000  }
0x7c: {  	[bflag:$0x0] =	sbarrier.arrive $0xFFFF  }
0x7d: {  	p0 =	sne.s32 s1, $0x0;
	_ =	strace $0x90000047  }
0x7e: {  	s0 =	sadd.s32 @!p0 $0x100000, s0;
	[bflag:$0x2] =	sbarrier.arrive $0xFFFF  }
0x7f: {  	[sflag:s0] =	ssyncadd.tile.s32 @!p0 $0x1;
	_ =	shalt  }
.Lfunc_end2:
_tile_overlayer_lowered:
.L_overlay_start_2:
0x80: {  	(tag) =	ssettag $0x2  }
0x81: {  	s0 =	rddreg [dreg:$0x0];
	s2 =	stileid.u32  }
0x82: {  	s1 =	rddreg [dreg:$0x1];
	p0 =	sne.s32 s2, $0x0  }
0x83: {  	s3 =	rddreg [dreg:$0x2];
	[bflag:$0x3] =	sbarrier.arrive $0xFFFF;
	s2 =	simm.s32 @!p0 $0x1C02  }
0x84: {  	[timem:s3], [sflag:s2] =	dma.local @!p0 [hbm:s0], s1  }
0x85: {  	s0 =	simm.s32 @!p0 $0x2  }
0x86: {  	_ =	swait.ge @!p0 [sflag:s0], s1  }
0x87: {  	s1 =	ssub.s32 @!p0 $0x0, s1;
	[sflag:s0] =	ssyncset.done @!p0 $0x0  }
0x88: {  	[sflag:s0] =	ssyncadd.s32 @!p0 s1  }
0x89: {  	[bflag:$0x3] =	sbarrier.arrive $0xFFFF  }
0x8a: {  	_ =	shalt  }

// kernel: kernel.13.cloned.1.call-start
scs
__scs_entry_jumppad:
0x0: {  	(pc) =	sbr.rel $0x88, $3  }
0x1: {  	(tag) =	ssettag $0x0;
	lr =	simm.s32 $0x1  }
0x2: {  	[smem:$0x3F96] =	sst lr;
	_ =	strace $0xD0000000  }
0x3: {  	_ = 	snop  }
0x4: {  	_ = 	snop  }
0x5: {  	_ = 	snop  }
0x6: {  	_ = 	snop  }
0x7: {  	_ = 	snop  }
__scs_overlays_trampoline_lowered:
0x8: {  	[smem:$0x3FA5] =	sst s0  }
0x9: {  	[smem:$0x3FA6] =	sst s1  }
0xa: {  	[smem:$0x3FA7] =	sst s2  }
0xb: {  	[smem:$0x3FA8] =	sst s3  }
0xc: {  	[smem:$0x3FA9] =	sst s4  }
0xd: {  	[smem:$0x3FAA] =	sst s5  }
0xe: {  	[smem:$0x3FAB] =	sst s6  }
0xf: {  	[smem:$0x3FAC] =	sst s7  }
0x10: {  	[smem:$0x3FAD] =	sst s8  }
0x11: {  	[smem:$0x3FAE] =	sst s9;
	s0 =	simm.s32 @!p0 $0x0  }
0x12: {  	s1 =	sld [smem:$0x3F94];
	s0 =	simm.s32 @p0 $0x1  }
0x13: {  	[smem:$0x3FAF] =	sst s0;
	s0 =	simm.s32 @!p1 $0x0  }
0x14: {  	s2 =	sld [smem:$0x3F93];
	s0 =	simm.s32 @p1 $0x1  }
0x15: {  	[smem:$0x3FB0] =	sst s0;
	s0 =	simm.s32 @!p2 $0x0  }
0x16: {  	s3 =	sld [smem:$0x3FDB];
	s0 =	simm.s32 @p2 $0x1  }
0x17: {  	s4 =	simm.s32 $0x1BF5;
	[smem:$0x3FB2] =	sst s0  }
0x18: {  	s0 =	sld [smem:$0x3F95];
	_ =	swait.ge [sflag:s4], $0x0  }
0x19: {  	s7 =	sld [smem:$0x3F96]  }
0x1a: {  	s8 =	sadd.s32 $0xFFFFE003, lr  }
0x1b: {  	s9 =	sadd.s32 $0xFFFFFEF7, lr;
	s5 =	simm.s32 $0xFFFFFFFF;
	p2 =	slt.u32 s8, $0xFFFFF086  }
0x1c: {  	p1 =	slt.u32 s9, $0xF7A;
	s5 =	simm.s32 @!p2 $0x0  }
0x1d: {  	s5 =	simm.s32 @p1 $0x1;
	p0 =	seq.s32 s7, s2  }
0x1e: {  	s7 =	smul.u32 @!p0 $0xF7A, s2;
	p2 =	seq.s32 @!p0 s5, $0x0  }
0x1f: {  	s9 =	smul.u32 $0xF7A, s1;
	s8 =	simm.s32 @!p0 $0x1BF5;
	p2 =	por !p2, p0  }
0x20: {  	[sflag:s8] =	ssyncset.s32 @!p0 $0xFFFFF086;
	s6 =	sadd.s32 @!p0 s3, s7;
	s7 =	simm.s32 @!p0 $0x108  }
0x21: {  	s3 =	sadd.s32 s3, s9;
	s6 =	sadd.s32 @!p0 $0x88, s6;
	s7 =	simm.s32 @p2 $0x1082  }
0x22: {  	[simem:s7], [sflag:s8] =	dma.local @!p0 [hbm:s6], $0xF7A  }
0x23: {  	s9 =	sor.u32 $0xD0000000, s2;
	s6 =	simm.s32 $0x108;
	_ =	swait.ge @!p0 [sflag:s8], $0x0  }
0x24: {  	s3 =	sadd.s32 $0x88, s3;
	s6 =	simm.s32 @!p1 $0x1082;
	[sflag:s4] =	ssyncset.s32 $0xFFFFF086  }
0x25: {  	[simem:s6], [sflag:s4] =	dma.local [hbm:s3], $0xF7A  }
0x26: {  	[smem:$0x3F96] =	sst s1;
	(tag) =	ssettag s2;
	_ =	strace s9  }
0x27: {  	s1 =	sld [smem:$0x3FA6]  }
0x28: {  	s2 =	sld [smem:$0x3FA7]  }
0x29: {  	s4 =	sld [smem:$0x3FA9]  }
0x2a: {  	p0 =	seq.s32 s5, $0x0;
	s5 =	sld [smem:$0x3FAA]  }
0x2b: {  	s6 =	sld [smem:$0x3FAB]  }
0x2c: {  	s7 =	sld [smem:$0x3FAC]  }
0x2d: {  	s3 =	simm.s32 $0x108;
	s8 =	sld [smem:$0x3FAD]  }
0x2e: {  	s3 =	simm.s32 @!p0 $0x1082;
	s9 =	sld [smem:$0x3FAE]  }
0x2f: {  	lr =	sadd.s32 s0, s3;
	s0 =	sld [smem:$0x3FA5]  }
0x30: {  	s3 =	sld [smem:$0x3FA8]  }
0x31: {  	[smem:$0x3FB1] =	sst s10  }
0x32: {  	s10 =	sld [smem:$0x3FAF];
	_ =	sdelay $0x3  }
0x33: {  	p0 =	seq.s32 s10, $0x1;
	s10 =	sld [smem:$0x3FB1];
	_ =	sdelay $0x3  }
0x34: {  	[smem:$0x3FB1] =	sst s10  }
0x35: {  	s10 =	sld [smem:$0x3FB0];
	_ =	sdelay $0x3  }
0x36: {  	p1 =	seq.s32 s10, $0x1;
	s10 =	sld [smem:$0x3FB1];
	_ =	sdelay $0x3  }
0x37: {  	[smem:$0x3FB1] =	sst s10  }
0x38: {  	s10 =	sld [smem:$0x3FB2]  }
0x39: {  	_ = 	snop;
	(pc) =	sbr.ind lr, $3  }
0x3a: {  	_ = 	snop  }
0x3b: {  	_ = 	snop  }
0x3c: {  	p2 =	seq.s32 s10, $0x1;
	s10 =	sld [smem:$0x3FB1]  }
0x3d: {  	_ =	shalt  }
0x3e: {  	_ =	shalt  }
0x3f: {  	_ =	shalt  }
0x40: {  	_ =	shalt  }
0x41: {  	_ =	shalt  }
0x42: {  	_ =	shalt  }
0x43: {  	_ =	shalt  }
0x44: {  	_ =	shalt  }
0x45: {  	_ =	shalt  }
0x46: {  	_ =	shalt  }
0x47: {  	_ =	shalt  }
0x48: {  	_ =	shalt  }
0x49: {  	_ =	shalt  }
0x4a: {  	_ =	shalt  }
0x4b: {  	_ =	shalt  }
0x4c: {  	_ =	shalt  }
0x4d: {  	_ =	shalt  }
0x4e: {  	_ =	shalt  }
0x4f: {  	_ =	shalt  }
0x50: {  	_ =	shalt  }
0x51: {  	_ =	shalt  }
0x52: {  	_ =	shalt  }
0x53: {  	_ =	shalt  }
0x54: {  	_ =	shalt  }
0x55: {  	_ =	shalt  }
0x56: {  	_ =	shalt  }
0x57: {  	_ =	shalt  }
0x58: {  	_ =	shalt  }
0x59: {  	_ =	shalt  }
0x5a: {  	_ =	shalt  }
0x5b: {  	_ =	shalt  }
0x5c: {  	_ =	shalt  }
0x5d: {  	_ =	shalt  }
0x5e: {  	_ =	shalt  }
0x5f: {  	_ =	shalt  }
0x60: {  	_ =	shalt  }
0x61: {  	_ =	shalt  }
0x62: {  	_ =	shalt  }
0x63: {  	_ =	shalt  }
0x64: {  	_ =	shalt  }
0x65: {  	_ =	shalt  }
0x66: {  	_ =	shalt  }
0x67: {  	_ =	shalt  }
0x68: {  	_ =	shalt  }
0x69: {  	_ =	shalt  }
0x6a: {  	_ =	shalt  }
0x6b: {  	_ =	shalt  }
0x6c: {  	_ =	shalt  }
0x6d: {  	_ =	shalt  }
0x6e: {  	_ =	shalt  }
0x6f: {  	_ =	shalt  }
0x70: {  	_ =	shalt  }
0x71: {  	_ =	shalt  }
0x72: {  	_ =	shalt  }
0x73: {  	_ =	shalt  }
0x74: {  	_ =	shalt  }
0x75: {  	_ =	shalt  }
0x76: {  	_ =	shalt  }
0x77: {  	_ =	shalt  }
0x78: {  	_ =	shalt  }
0x79: {  	_ =	shalt  }
0x7a: {  	_ =	shalt  }
0x7b: {  	_ =	shalt  }
0x7c: {  	_ =	shalt  }
0x7d: {  	_ =	shalt  }
0x7e: {  	_ =	shalt  }
0x7f: {  	_ =	shalt  }
0x80: {  	_ =	shalt  }
0x81: {  	_ =	shalt  }
0x82: {  	_ =	shalt  }
0x83: {  	_ =	shalt  }
0x84: {  	_ =	shalt  }
0x85: {  	_ =	shalt  }
0x86: {  	_ =	shalt  }
0x87: {  	_ =	shalt  }
.Lfunc_end0:
.L_simem_size_0:
called_computation.1_lowered:
.L_overlay_start_0:
0x88: {  	s2 =	sld [smem:$0x3FD9]  }
0x89: {  	s3 =	sld [smem:$0x3FFE];
	_ =	sdelay $0x1  }
0x8a: {  	s1 =	srdreg.scid  }
0x8b: {  	s0 =	sand.u32 $0x1, s1  }
0x8c: {  	s16 =	sshll.u32 s0, $0xA;
	s2 =	sadd.s32 s3, s2  }
0x8d: {  	s2 =	sadd.s32 s2, s16  }
0x8e: {  	[smem:$0x3FBD] =	sst s2  }
0x8f: {  	_ = 	snop  }
0x90: {  	(tm) =	ssettm $0x1  }
0x91: {  	s17 =	sld [smem:$0x3FFB];
	_ =	sdelay $0x3  }
0x92: {  	_ =	strace s17  }
0x93: {  	s2 =	sld [smem:$0x3FFC];
	_ =	sdelay $0x3  }
0x94: {  	_ =	strace s2  }
0x95: {  	s2 =	sld [smem:$0x3FFD];
	_ =	sdelay $0x3  }
0x96: {  	_ =	strace s2  }
0x97: {  	_ =	strace $0x8FFFFFFF  }
0x98: {  	s18 =	sld [smem:$0x3FDB];
	_ =	sdelay $0x1  }
0x99: {  	s19 =	simm.s32 $_scs_section_size  }
0x9a: {  	s4 =	simm.s32 $_size__tile_overlayer_lowered;
	s5 =	simm.s32 $_tile_overlayer_lowered  }
0x9b: {  	s22 =	simm.s32 $0x1BFF;
	s21 =	sshll.u32 s5, $0x1;
	s2 =	sadd.s32 s19, s18  }
0x9c: {  	s6 =	simm.s32 $0x0;
	s20 =	sshll.u32 s4, $0x1;
	s4 =	sadd.s32 s21, s2  }
0x9d: {  	[timem:s6], [sflag:s22] =	dma.local [hbm:s4], s20  }
0x9e: {  	_ =	swait.ge [sflag:s22], s20  }
0x9f: {  	s3 =	ssub.s32 $0x0, s20;
	[sflag:s22] =	ssyncset.done $0x0  }
0xa0: {  	[sflag:s22] =	ssyncadd.s32 s3;
	_ =	sdelay $0x1  }
0xa1: {  	s23 =	simm.s32 $0x1B8B  }
0xa2: {  	_ =	swait.ge [sflag:s23], $0x1  }
0xa3: {  	[sflag:s23] =	ssyncset.done $0x0  }
0xa4: {  	s25 =	simm.s32 $0x1B8E;
	s24 =	sld [smem:$0x3FFE];
	[sflag:s23] =	ssyncadd.s32 $0xFFFFFFFF  }
0xa5: {  	s26 =	simm.s32 $execute0_lowered;
	[smem:$0x3FD2] =	sst s25  }
0xa6: {  	s4 =	sshll.u32 s26, $0x1;
	_ =	strace $0x80000049;
	[dreg:$0x1] =	wrdreg $0xFFFFFFFF  }
0xa7: {  	s28 =	simm.s32 $_size_execute0_lowered;
	s2 =	sadd.s32 s2, s4;
	[dreg:$0x0] =	wrdreg $0x0  }
0xa8: {  	s4 =	sshll.u32 s28, $0x1;
	[dreg:$0x2] =	wrdreg s2  }
0xa9: {  	[dreg:$0x3] =	wrdreg s4  }
0xaa: {  	[dreg:$0x4] =	wrdreg $0xC0  }
0xab: {  	_ =	task [dreg:s6], $0x5FFFF  }
0xac: {  	[dreg:$0x1] =	wrdreg $0xFFFFFFFF  }
0xad: {  	[dreg:$0x0] =	wrdreg $0x60  }
0xae: {  	[dreg:$0x2] =	wrdreg s24  }
0xaf: {  	[dreg:$0x3] =	wrdreg $0xA8000  }
0xb0: {  	[dreg:$0x4] =	wrdreg $0x9  }
0xb1: {  	_ =	task.clear_ibuf [dreg:s6], $0x5FFFF;
	_ =	strace $0x90000049  }
0xb2: {  	s29 =	simm.s32 $0x9;
	_ =	strace $0x8000004B  }
0xb3: {  	_ =	swait.ge [sflag:s29], $0x1  }
0xb4: {  	[sflag:s29] =	ssyncadd.s32 $0xFFFFFFFF  }
0xb5: {  	_ =	strace $0x9000004B  }
0xb6: {  	_ =	sfence  }
0xb7: {  	s30 =	sld [smem:$0x0];
	_ =	sdelay $0x2  }
0xb8: {  	s31 =	sshll.u32 s1, $0xD;
	s1 =	sshrl.u32 s1, $0x2  }
0xb9: {  	s3 =	sand.u32 $0x4000, s31;
	s1 =	sadd.s32 s1, s30  }
0xba: {  	s0 =	sor.u32 s3, s0;
	s1 =	sshll.u32 s1, $0x11  }
0xbb: {  	s0 =	sor.u32 s1, s0  }
0xbc: {  	s0 =	sadd.s32 $0x8F2B, s0  }
0xbd: {  	[sflag:s0] =	ssyncadd.remote.s32 $0x1  }
0xbe: {  	_ =	sfence.sel $0xFFFF  }
0xbf: {  	[dreg:$0x0] =	wrdreg $0xFFFFFFFF;
	(pc) =	sbr.abs _section_cstart, $3  }
0xc0: {  	[dreg:$0x1] =	wrdreg $0xFFFFFFFF  }
0xc1: {  	_ =	task.clear_ibuf [dreg:s6], $0x2FFFF;
	_ =	strace $0x9FFFFFFF  }
0xc2: {  	(tm) =	ssettm $0x7FFFFFFF  }
0xc3: {  	_ =	shalt  }
tec
execute0_lowered:
.L_overlay_start_1:
0x0: {  	(tag) =	ssettag $0x1  }
0x1: {  	s0 =	srdreg.scid;
	s5 =	rddreg [dreg:$0x0]  }
0x2: {  	s8 =	stileid.u32;
	s2 =	rddreg [dreg:$0x1];
	s3 =	simm.s32 $0x0  }
0x3: {  	s16 =	simm.s32 $0x5;
	s17 =	simm.s32 $0x1400;
	s18 =	simm.s32 $0x40  }
0x4: {  	s19 =	simm.s32 $0x2800;
	s20 =	simm.s32 $0x4800;
	s28 =	simm.s32 $0x1480  }
0x5: {  	s29 =	simm.s32 $0x3;
	s30 =	simm.s32 $0x100;
	s31 =	simm.s32 $0x140  }
0x6: {  	s0 =	sand.u32 $0x1, s0;
	s1 =	sshll.u32 s8, $0x1;
	s7 =	smul.u32 $0x14000, s8  }
0x7: {  	[smem:$0x7FF] =	sst s3;
	s4 =	sadd.s32 $0x2C400, s5;
	s21 =	smul.u32 $0x50000, s8  }
0x8: {  	s1 =	sor.u32 s0, s1;
	s6 =	smul.u32 $0x140000, s0;
	s0 =	ssub.s32 $0x2, s0  }
0x9: {  	_ =	strace $0x8000004A;
	s1 =	smul.u32 $0x2800, s1;
	s22 =	sshrl.u32 s0, $0x1  }
0xa: {  	s24 =	sshrl.u32 s21, $0x2;
	s21 =	simm.s32 $0x6800;
	s6 =	sadd.s32 s7, s6  }
0xb: {  	s0 =	ssub.s32 s0, s22;
	s7 =	sadd.s32 s24, s2;
	s22 =	simm.s32 $0x1  }
0xc: {  	s24 =	simm.s32 $0xC0;
	s1 =	sshrl.u32 s1, $0x3;
	s6 =	sshrl.u32 s6, $0x3  }
0xd: {  	s11 =	smax.u32 s0, $0x1;
	s12 =	sadd.s32 $0x4000, s7;
	s13 =	sadd.s32 $0x8000, s7  }
0xe: {  	s14 =	sadd.s32 $0xC000, s7;
	s15 =	sadd.s32 $0x10000, s7;
	s1 =	sadd.s32 s1, s5  }
.Ltmp0:
0xf: {  	s0 =	simm.s32 $0x0;
	s23 =	sadd.s32 $0x18400, s1;
	(pc) =	sbr.rel .LBB2_1-.Ltmp0, $4  }
0x10: {  	s5 =	sadd.s32 s6, s5;
	s25 =	sadd.s32 $0x22400, s1;
	[dreg:$0x3] =	wrdreg s23  }
0x11: {  	s26 =	sadd.s32 $0x18680, s1;
	s9 =	sadd.s32 $0x22680, s1;
	[dreg:$0x4] =	wrdreg s25  }
0x12: {  	s10 =	sadd.s32 $0x53C00, s5;
	s1 =	simm.s32 $0x4;
	[dreg:$0x5] =	wrdreg s26  }
0x13: {  	v0 =	vimm.f32 $0.0e+00;
	s23 =	simm.s32 $0x80;
	s25 =	simm.s32 $0x8800;
	s26 =	simm.s32 $0x2  }
.LBB2_9:
0x14: {  	_ =	swait.ge [sflag:s1], $0x4000;
	s5 =	stileid.u32  }
0x15: {  	s6 =	sshrl.u32 s7, $0x3;
	s0 =	sadd.s32 $0x1, s0;
	[sflag:s1] =	ssyncset.done $0x0  }
0x16: {  	s5 =	sshll.u32 s5, $0x6;
	p0 =	sne.s32 s0, s11;
	[sflag:s1] =	ssyncadd.s32 $0xFFFFC000  }
.Ltmp1:
0x17: {  	s5 =	sor.u32 $0x1C05, s5;
	[bflag:$0x0] =	sbarrier.arrive $0xFFFF;
	(pc) =	sbr.rel @!p0 .LBB2_10-.Ltmp1, $4  }
0x18: {  	[hbm:s10], [sflag:s5] =	dma.local [spmem:s6], $0x2800  }
0x19: {  	_ =	swait.ge [sflag:s16], $0x2800  }
0x1a: {  	[sflag:s16] =	ssyncset.done $0x0  }
0x1b: {  	[sflag:s16] =	ssyncadd.s32 $0xFFFFD800  }
.LBB2_1:
0x1c: {  	s5 =	rddreg [dreg:$0x3]  }
0x1d: {  	[tilespmem:s3], [sflag:$0x5] =	stream.linear.gather [hbm4b:s5+s3], $0x1400, $0x38;
	[tilespmem:$0x1E800] =	vst v63  }
0x1e: {  	_ =	swait.ge [sflag:s16], $0x1400  }
0x1f: {  	[sflag:s16] =	ssyncset.done $0x0  }
0x20: {  	s8 =	rddreg [dreg:$0x4];
	[sflag:s16] =	ssyncadd.s32 $0xFFFFEC00  }
0x21: {  	[tilespmem:s17], [sflag:$0x5] =	stream.linear.gather [hbm4b:s8+s3], $0x1400, $0x38;
	[tilespmem:$0x1E800] =	vst v63  }
0x22: {  	_ =	swait.ge [sflag:s16], $0x1400  }
0x23: {  	[sflag:s16] =	ssyncset.done $0x0  }
0x24: {  	[sflag:s16] =	ssyncadd.s32 $0xFFFFEC00  }
0x25: {  	[tilespmem:s19], [sflag:$0x1] =	stream.indirect.gather [hbm4b:s4+s18], $0x80, s3, s18, $0xb8;
	[tilespmem:$0x1E800] =	vst v63  }
0x26: {  	s6 =	simm.s32 $0x200;
	s5 =	simm.s32 $0x0  }
0x27: {  	[tilespmem:s20], [sflag:$0x1] =	stream.indirect.gather [hbm4b:s4+s18], $0x80, s18, s18, $0xb8;
	[tilespmem:$0x1E800] =	vst v63  }
.LBB2_2:
0x28: {  	p0 =	sne.s32 s6, $0xFE00;
	[tilespmem:s5+$0x6870] =	vst v0  }
0x29: {  	[tilespmem:s5+$0x6800] =	vst v0  }
0x2a: {  	[tilespmem:s5+$0x6810] =	vst v0  }
.Ltmp2:
0x2b: {  	[tilespmem:s5+$0x6820] =	vst v0;
	(pc) =	sbr.rel @p0 .LBB2_2-.Ltmp2, $4  }
0x2c: {  	[tilespmem:s5+$0x6830] =	vst v0  }
0x2d: {  	[tilespmem:s5+$0x6840] =	vst v0  }
0x2e: {  	[tilespmem:s5+$0x6850] =	vst v0  }
0x2f: {  	[tilespmem:s5+$0x6860] =	vst v0;
	s5 =	sshra.s32 s6, $0x2;
	s6 =	sadd.s32 $0x200, s6  }
0x30: {  	[tilespmem:s5+$0x6870] =	vst v0  }
0x31: {  	[tilespmem:s5+$0x6800] =	vst v0  }
0x32: {  	[tilespmem:s5+$0x6810] =	vst v0  }
0x33: {  	[tilespmem:s5+$0x6820] =	vst v0  }
0x34: {  	[tilespmem:s5+$0x6830] =	vst v0  }
0x35: {  	[tilespmem:s5+$0x6840] =	vst v0  }
0x36: {  	[tilespmem:s5+$0x6850] =	vst v0  }
0x37: {  	[tilespmem:s5+$0x6860] =	vst v0  }
0x38: {  	[spmem:s7] =	stream.linear.scatter [tilespmem:s21], [sflag:$0x5], $0x4000, $0x38;
	[tilespmem:$0x1E800] =	vst v63  }
0x39: {  	_ =	swait.ge [sflag:s16], $0x4000  }
0x3a: {  	[sflag:s16] =	ssyncset.done $0x0  }
0x3b: {  	[sflag:s16] =	ssyncadd.s32 $0xFFFFC000  }
0x3c: {  	[spmem:s12] =	stream.linear.scatter [tilespmem:s21], [sflag:$0x5], $0x4000, $0x38;
	[tilespmem:$0x1E800] =	vst v63  }
0x3d: {  	_ =	swait.ge [sflag:s16], $0x4000  }
0x3e: {  	[sflag:s16] =	ssyncset.done $0x0  }
0x3f: {  	[sflag:s16] =	ssyncadd.s32 $0xFFFFC000  }
0x40: {  	[spmem:s13] =	stream.linear.scatter [tilespmem:s21], [sflag:$0x5], $0x4000, $0x38;
	[tilespmem:$0x1E800] =	vst v63  }
0x41: {  	_ =	swait.ge [sflag:s16], $0x4000  }
0x42: {  	[sflag:s16] =	ssyncset.done $0x0  }
0x43: {  	[sflag:s16] =	ssyncadd.s32 $0xFFFFC000  }
0x44: {  	[spmem:s14] =	stream.linear.scatter [tilespmem:s21], [sflag:$0x5], $0x4000, $0x38;
	[tilespmem:$0x1E800] =	vst v63  }
0x45: {  	_ =	swait.ge [sflag:s16], $0x4000  }
0x46: {  	[sflag:s16] =	ssyncset.done $0x0  }
0x47: {  	[sflag:s16] =	ssyncadd.s32 $0xFFFFC000  }
0x48: {  	[spmem:s15] =	stream.linear.scatter [tilespmem:s21], [sflag:$0x5], $0x4000, $0x38;
	[tilespmem:$0x1E800] =	vst v63  }
0x49: {  	_ =	swait.ge [sflag:s16], $0x4000  }
0x4a: {  	[sflag:s16] =	ssyncset.done $0x0  }
0x4b: {  	[sflag:s16] =	ssyncadd.s32 $0xFFFFC000  }
0x4c: {  	[bflag:$0x0] =	sbarrier.arrive $0xFFFF  }
0x4d: {  	_ =	swait.ge [sflag:s22], $0x2000  }
0x4e: {  	[sflag:s22] =	ssyncset.done $0x0  }
0x4f: {  	[sflag:s22] =	ssyncadd.s32 $0xFFFFE000  }
0x50: {  	_ =	swait.ge [sflag:s22], $0x2000  }
0x51: {  	[sflag:s22] =	ssyncset.done $0x0  }
0x52: {  	[sflag:s22] =	ssyncadd.s32 $0xFFFFE000  }
0x53: {  	[spmem:s2] =	stream.indirect.scatter.add.f32 [tilespmem:s19], [sflag:$0x3], $0x80, s17, s23, $0xb8;
	[tilespmem:$0x1E800] =	vst v63  }
0x54: {  	_ = 	snop  }
0x55: {  	[tilespmem:s21], [sflag:$0x2] =	stream.indirect.gather [hbm4b:s4+s18], $0x80, s23, s18, $0xb8;
	[tilespmem:$0x1E800] =	vst v63  }
0x56: {  	_ = 	snop  }
0x57: {  	[tilespmem:s25], [sflag:$0x2] =	stream.indirect.gather [hbm4b:s4+s18], $0x80, s24, s18, $0xb8;
	[tilespmem:$0x1E800] =	vst v63  }
0x58: {  	_ =	swait.ge [sflag:s26], $0x2000  }
0x59: {  	[sflag:s26] =	ssyncset.done $0x0  }
0x5a: {  	[sflag:s26] =	ssyncadd.s32 $0xFFFFE000  }
0x5b: {  	_ =	swait.ge [sflag:s26], $0x2000  }
0x5c: {  	[sflag:s26] =	ssyncset.done $0x0  }
0x5d: {  	[sflag:s26] =	ssyncadd.s32 $0xFFFFE000  }
0x5e: {  	[spmem:s2] =	stream.indirect.scatter.add.f32 [tilespmem:s21], [sflag:$0x4], $0x80, s28, s23, $0xb8;
	[tilespmem:$0x1E800] =	vst v63  }
0x5f: {  	_ =	swait.ge [sflag:s29], $0x4000  }
0x60: {  	[sflag:s29] =	ssyncset.done $0x0  }
0x61: {  	[sflag:s29] =	ssyncadd.s32 $0xFFFFC000  }
0x62: {  	[tilespmem:s19], [sflag:$0x1] =	stream.indirect.gather [hbm4b:s4+s18], $0x80, s30, s18, $0xb8;
	[tilespmem:$0x1E800] =	vst v63  }
0x63: {  	s5 =	simm.s32 $0x0  }
0x64: {  	[tilespmem:s20], [sflag:$0x1] =	stream.indirect.gather [hbm4b:s4+s18], $0x80, s31, s18, $0xb8;
	[tilespmem:$0x1E800] =	vst v63  }
.LBB2_4:
0x65: {  	_ =	swait.ge [sflag:s22], $0x2000  }
0x66: {  	[sflag:s22] =	ssyncset.done $0x0  }
0x67: {  	[sflag:s22] =	ssyncadd.s32 $0xFFFFE000  }
0x68: {  	_ =	swait.ge [sflag:s22], $0x2000  }
0x69: {  	s6 =	sshra.s32 s5, $0x2;
	[sflag:s22] =	ssyncset.done $0x0  }
0x6a: {  	s8 =	sadd.s32 $0x1500, s6;
	[sflag:s22] =	ssyncadd.s32 $0xFFFFE000  }
0x6b: {  	[spmem:s2] =	stream.indirect.scatter.add.f32 [tilespmem:s19], [sflag:$0x3], $0x80, s8, s23, $0xb8;
	[tilespmem:$0x1E800] =	vst v63  }
0x6c: {  	_ =	swait.ge [sflag:s1], $0x4000  }
0x6d: {  	[sflag:s1] =	ssyncset.done $0x0  }
0x6e: {  	s8 =	sadd.s32 $0x180, s6;
	[sflag:s1] =	ssyncadd.s32 $0xFFFFC000  }
0x6f: {  	[tilespmem:s21], [sflag:$0x2] =	stream.indirect.gather [hbm4b:s4+s18], $0x80, s8, s18, $0xb8;
	[tilespmem:$0x1E800] =	vst v63  }
0x70: {  	s8 =	sadd.s32 $0x1C0, s6  }
0x71: {  	[tilespmem:s25], [sflag:$0x2] =	stream.indirect.gather [hbm4b:s4+s18], $0x80, s8, s18, $0xb8;
	[tilespmem:$0x1E800] =	vst v63  }
0x72: {  	_ =	swait.ge [sflag:s26], $0x2000  }
0x73: {  	[sflag:s26] =	ssyncset.done $0x0  }
0x74: {  	[sflag:s26] =	ssyncadd.s32 $0xFFFFE000  }
0x75: {  	_ =	swait.ge [sflag:s26], $0x2000  }
0x76: {  	p0 =	seq.s32 s5, $0x4800;
	[sflag:s26] =	ssyncset.done $0x0  }
.Ltmp3:
0x77: {  	s8 =	sadd.s32 $0x1580, s6;
	[sflag:s26] =	ssyncadd.s32 $0xFFFFE000;
	(pc) =	sbr.rel @p0 .LBB2_6-.Ltmp3, $4  }
0x78: {  	[spmem:s2] =	stream.indirect.scatter.add.f32 [tilespmem:s21], [sflag:$0x4], $0x80, s8, s23, $0xb8;
	[tilespmem:$0x1E800] =	vst v63  }
0x79: {  	_ =	swait.ge [sflag:s29], $0x4000  }
0x7a: {  	[sflag:s29] =	ssyncset.done $0x0  }
0x7b: {  	[sflag:s29] =	ssyncadd.s32 $0xFFFFC000  }
.Ltmp4:
0x7c: {  	(pc) =	sbr.rel .LBB2_4-.Ltmp4, $4  }
0x7d: {  	s8 =	sadd.s32 $0x200, s6  }
0x7e: {  	[tilespmem:s19], [sflag:$0x1] =	stream.indirect.gather [hbm4b:s4+s18], $0x80, s8, s18, $0xb8;
	[tilespmem:$0x1E800] =	vst v63  }
0x7f: {  	s5 =	sadd.s32 $0x400, s5;
	s8 =	sadd.s32 $0x240, s6  }
0x80: {  	[tilespmem:s20], [sflag:$0x1] =	stream.indirect.gather [hbm4b:s4+s18], $0x80, s8, s18, $0xb8;
	[tilespmem:$0x1E800] =	vst v63  }
.LBB2_6:
0x81: {  	_ =	swait.ge [sflag:s1], $0x4000  }
0x82: {  	[sflag:s1] =	ssyncset.done $0x0  }
0x83: {  	s5 =	simm.s32 $0x0;
	s6 =	rddreg [dreg:$0x5];
	[sflag:s1] =	ssyncadd.s32 $0xFFFFC000  }
0x84: {  	[tilespmem:s5], [sflag:$0x5] =	stream.linear.gather [hbm4b:s6+s5], $0x1400, $0x38;
	[tilespmem:$0x1E800] =	vst v63  }
0x85: {  	_ =	swait.ge [sflag:s16], $0x1400  }
0x86: {  	[sflag:s16] =	ssyncset.done $0x0  }
0x87: {  	[sflag:s16] =	ssyncadd.s32 $0xFFFFEC00  }
0x88: {  	[tilespmem:s17], [sflag:$0x5] =	stream.linear.gather [hbm4b:s9+s5], $0x1400, $0x38;
	[tilespmem:$0x1E800] =	vst v63  }
0x89: {  	_ =	swait.ge [sflag:s16], $0x1400  }
0x8a: {  	[sflag:s16] =	ssyncset.done $0x0  }
0x8b: {  	[sflag:s16] =	ssyncadd.s32 $0xFFFFEC00  }
0x8c: {  	[tilespmem:s19], [sflag:$0x1] =	stream.indirect.gather [hbm4b:s4+s18], $0x80, s5, s18, $0xb8;
	[tilespmem:$0x1E800] =	vst v63  }
0x8d: {  	_ = 	snop  }
0x8e: {  	[tilespmem:s20], [sflag:$0x1] =	stream.indirect.gather [hbm4b:s4+s18], $0x80, s18, s18, $0xb8;
	[tilespmem:$0x1E800] =	vst v63  }
0x8f: {  	_ =	swait.ge [sflag:s22], $0x2000  }
0x90: {  	[sflag:s22] =	ssyncset.done $0x0  }
0x91: {  	[sflag:s22] =	ssyncadd.s32 $0xFFFFE000  }
0x92: {  	_ =	swait.ge [sflag:s22], $0x2000  }
0x93: {  	[sflag:s22] =	ssyncset.done $0x0  }
0x94: {  	[sflag:s22] =	ssyncadd.s32 $0xFFFFE000  }
0x95: {  	[spmem:s2] =	stream.indirect.scatter.add.f32 [tilespmem:s19], [sflag:$0x3], $0x80, s17, s23, $0xb8;
	[tilespmem:$0x1E800] =	vst v63  }
0x96: {  	_ = 	snop  }
0x97: {  	[tilespmem:s21], [sflag:$0x2] =	stream.indirect.gather [hbm4b:s4+s18], $0x80, s23, s18, $0xb8;
	[tilespmem:$0x1E800] =	vst v63  }
0x98: {  	_ = 	snop  }
0x99: {  	[tilespmem:s25], [sflag:$0x2] =	stream.indirect.gather [hbm4b:s4+s18], $0x80, s24, s18, $0xb8;
	[tilespmem:$0x1E800] =	vst v63  }
0x9a: {  	_ =	swait.ge [sflag:s26], $0x2000  }
0x9b: {  	[sflag:s26] =	ssyncset.done $0x0  }
0x9c: {  	[sflag:s26] =	ssyncadd.s32 $0xFFFFE000  }
0x9d: {  	_ =	swait.ge [sflag:s26], $0x2000  }
0x9e: {  	[sflag:s26] =	ssyncset.done $0x0  }
0x9f: {  	[sflag:s26] =	ssyncadd.s32 $0xFFFFE000  }
0xa0: {  	[spmem:s2] =	stream.indirect.scatter.add.f32 [tilespmem:s21], [sflag:$0x4], $0x80, s28, s23, $0xb8;
	[tilespmem:$0x1E800] =	vst v63  }
0xa1: {  	_ =	swait.ge [sflag:s29], $0x4000  }
0xa2: {  	[sflag:s29] =	ssyncset.done $0x0  }
0xa3: {  	[sflag:s29] =	ssyncadd.s32 $0xFFFFC000  }
0xa4: {  	[tilespmem:s19], [sflag:$0x1] =	stream.indirect.gather [hbm4b:s4+s18], $0x80, s30, s18, $0xb8;
	[tilespmem:$0x1E800] =	vst v63  }
0xa5: {  	_ = 	snop  }
0xa6: {  	[tilespmem:s20], [sflag:$0x1] =	stream.indirect.gather [hbm4b:s4+s18], $0x80, s31, s18, $0xb8;
	[tilespmem:$0x1E800] =	vst v63  }
.LBB2_7:
0xa7: {  	_ =	swait.ge [sflag:s22], $0x2000  }
0xa8: {  	[sflag:s22] =	ssyncset.done $0x0  }
0xa9: {  	[sflag:s22] =	ssyncadd.s32 $0xFFFFE000  }
0xaa: {  	_ =	swait.ge [sflag:s22], $0x2000  }
0xab: {  	s6 =	sshra.s32 s5, $0x2;
	[sflag:s22] =	ssyncset.done $0x0  }
0xac: {  	s8 =	sadd.s32 $0x1500, s6;
	[sflag:s22] =	ssyncadd.s32 $0xFFFFE000  }
0xad: {  	[spmem:s2] =	stream.indirect.scatter.add.f32 [tilespmem:s19], [sflag:$0x3], $0x80, s8, s23, $0xb8;
	[tilespmem:$0x1E800] =	vst v63  }
0xae: {  	_ =	swait.ge [sflag:s1], $0x4000  }
0xaf: {  	[sflag:s1] =	ssyncset.done $0x0  }
0xb0: {  	s8 =	sadd.s32 $0x180, s6;
	[sflag:s1] =	ssyncadd.s32 $0xFFFFC000  }
0xb1: {  	[tilespmem:s21], [sflag:$0x2] =	stream.indirect.gather [hbm4b:s4+s18], $0x80, s8, s18, $0xb8;
	[tilespmem:$0x1E800] =	vst v63  }
0xb2: {  	s8 =	sadd.s32 $0x1C0, s6  }
0xb3: {  	[tilespmem:s25], [sflag:$0x2] =	stream.indirect.gather [hbm4b:s4+s18], $0x80, s8, s18, $0xb8;
	[tilespmem:$0x1E800] =	vst v63  }
0xb4: {  	_ =	swait.ge [sflag:s26], $0x2000  }
0xb5: {  	[sflag:s26] =	ssyncset.done $0x0  }
0xb6: {  	[sflag:s26] =	ssyncadd.s32 $0xFFFFE000  }
0xb7: {  	_ =	swait.ge [sflag:s26], $0x2000  }
0xb8: {  	p0 =	seq.s32 s5, $0x4800;
	[sflag:s26] =	ssyncset.done $0x0  }
.Ltmp5:
0xb9: {  	s8 =	sadd.s32 $0x1580, s6;
	[sflag:s26] =	ssyncadd.s32 $0xFFFFE000;
	(pc) =	sbr.rel @p0 .LBB2_9-.Ltmp5, $4  }
0xba: {  	[spmem:s2] =	stream.indirect.scatter.add.f32 [tilespmem:s21], [sflag:$0x4], $0x80, s8, s23, $0xb8;
	[tilespmem:$0x1E800] =	vst v63  }
0xbb: {  	_ =	swait.ge [sflag:s29], $0x4000  }
0xbc: {  	[sflag:s29] =	ssyncset.done $0x0  }
0xbd: {  	[sflag:s29] =	ssyncadd.s32 $0xFFFFC000  }
.Ltmp6:
0xbe: {  	(pc) =	sbr.rel .LBB2_7-.Ltmp6, $4  }
0xbf: {  	s8 =	sadd.s32 $0x200, s6  }
0xc0: {  	[tilespmem:s19], [sflag:$0x1] =	stream.indirect.gather [hbm4b:s4+s18], $0x80, s8, s18, $0xb8;
	[tilespmem:$0x1E800] =	vst v63  }
0xc1: {  	s5 =	sadd.s32 $0x400, s5;
	s8 =	sadd.s32 $0x240, s6  }
0xc2: {  	[tilespmem:s20], [sflag:$0x1] =	stream.indirect.gather [hbm4b:s4+s18], $0x80, s8, s18, $0xb8;
	[tilespmem:$0x1E800] =	vst v63  }
.LBB2_10:
0xc3: {  	_ =	sfence.sel $0x180000  }
0xc4: {  	[bflag:$0x0] =	sbarrier.arrive $0xFFFF  }
0xc5: {  	_ =	strace $0x9000004A  }
0xc6: {  	s0 =	stileid.u32;
	[bflag:$0x2] =	sbarrier.arrive $0xFFFF  }
0xc7: {  	p0 =	sne.s32 s0, $0x0;
	s0 =	rddreg [dreg:$0x2]  }
0xc8: {  	s0 =	sadd.s32 @!p0 $0x100000, s0  }
0xc9: {  	[sflag:s0] =	ssyncadd.tile.s32 @!p0 $0x1;
	_ =	shalt  }
.Lfunc_end2:
_tile_overlayer_lowered:
.L_overlay_start_2:
0xca: {  	(tag) =	ssettag $0x2  }
0xcb: {  	s0 =	rddreg [dreg:$0x0];
	s2 =	stileid.u32  }
0xcc: {  	s1 =	rddreg [dreg:$0x1];
	p0 =	sne.s32 s2, $0x0  }
0xcd: {  	s3 =	rddreg [dreg:$0x2];
	[bflag:$0x3] =	sbarrier.arrive $0xFFFF;
	s2 =	simm.s32 @!p0 $0x1C05  }
0xce: {  	[timem:s3], [sflag:s2] =	dma.local @!p0 [hbm:s0], s1  }
0xcf: {  	s0 =	simm.s32 @!p0 $0x5  }
0xd0: {  	_ =	swait.ge @!p0 [sflag:s0], s1  }
0xd1: {  	s1 =	ssub.s32 @!p0 $0x0, s1;
	[sflag:s0] =	ssyncset.done @!p0 $0x0  }
0xd2: {  	[sflag:s0] =	ssyncadd.s32 @!p0 s1  }
0xd3: {  	[bflag:$0x3] =	sbarrier.arrive $0xFFFF  }
0xd4: {  	_ =	shalt  }

// kernel: kernel.16.cloned.1.call-start
scs
__scs_entry_jumppad:
0x0: {  	(pc) =	sbr.rel $0x88, $3  }
0x1: {  	(tag) =	ssettag $0x0;
	lr =	simm.s32 $0x1  }
0x2: {  	[smem:$0x3F96] =	sst lr;
	_ =	strace $0xD0000000  }
0x3: {  	_ = 	snop  }
0x4: {  	_ = 	snop  }
0x5: {  	_ = 	snop  }
0x6: {  	_ = 	snop  }
0x7: {  	_ = 	snop  }
__scs_overlays_trampoline_lowered:
0x8: {  	[smem:$0x3FA5] =	sst s0  }
0x9: {  	[smem:$0x3FA6] =	sst s1  }
0xa: {  	[smem:$0x3FA7] =	sst s2  }
0xb: {  	[smem:$0x3FA8] =	sst s3  }
0xc: {  	[smem:$0x3FA9] =	sst s4  }
0xd: {  	[smem:$0x3FAA] =	sst s5  }
0xe: {  	[smem:$0x3FAB] =	sst s6  }
0xf: {  	[smem:$0x3FAC] =	sst s7  }
0x10: {  	[smem:$0x3FAD] =	sst s8  }
0x11: {  	[smem:$0x3FAE] =	sst s9;
	s0 =	simm.s32 @!p0 $0x0  }
0x12: {  	s1 =	sld [smem:$0x3F94];
	s0 =	simm.s32 @p0 $0x1  }
0x13: {  	[smem:$0x3FAF] =	sst s0;
	s0 =	simm.s32 @!p1 $0x0  }
0x14: {  	s2 =	sld [smem:$0x3F93];
	s0 =	simm.s32 @p1 $0x1  }
0x15: {  	[smem:$0x3FB0] =	sst s0;
	s0 =	simm.s32 @!p2 $0x0  }
0x16: {  	s3 =	sld [smem:$0x3FDB];
	s0 =	simm.s32 @p2 $0x1  }
0x17: {  	s4 =	simm.s32 $0x1BF5;
	[smem:$0x3FB2] =	sst s0  }
0x18: {  	s0 =	sld [smem:$0x3F95];
	_ =	swait.ge [sflag:s4], $0x0  }
0x19: {  	s7 =	sld [smem:$0x3F96]  }
0x1a: {  	s8 =	sadd.s32 $0xFFFFE003, lr  }
0x1b: {  	s9 =	sadd.s32 $0xFFFFFEF7, lr;
	s5 =	simm.s32 $0xFFFFFFFF;
	p2 =	slt.u32 s8, $0xFFFFF086  }
0x1c: {  	p1 =	slt.u32 s9, $0xF7A;
	s5 =	simm.s32 @!p2 $0x0  }
0x1d: {  	s5 =	simm.s32 @p1 $0x1;
	p0 =	seq.s32 s7, s2  }
0x1e: {  	s7 =	smul.u32 @!p0 $0xF7A, s2;
	p2 =	seq.s32 @!p0 s5, $0x0  }
0x1f: {  	s9 =	smul.u32 $0xF7A, s1;
	s8 =	simm.s32 @!p0 $0x1BF5;
	p2 =	por !p2, p0  }
0x20: {  	[sflag:s8] =	ssyncset.s32 @!p0 $0xFFFFF086;
	s6 =	sadd.s32 @!p0 s3, s7;
	s7 =	simm.s32 @!p0 $0x108  }
0x21: {  	s3 =	sadd.s32 s3, s9;
	s6 =	sadd.s32 @!p0 $0x88, s6;
	s7 =	simm.s32 @p2 $0x1082  }
0x22: {  	[simem:s7], [sflag:s8] =	dma.local @!p0 [hbm:s6], $0xF7A  }
0x23: {  	s9 =	sor.u32 $0xD0000000, s2;
	s6 =	simm.s32 $0x108;
	_ =	swait.ge @!p0 [sflag:s8], $0x0  }
0x24: {  	s3 =	sadd.s32 $0x88, s3;
	s6 =	simm.s32 @!p1 $0x1082;
	[sflag:s4] =	ssyncset.s32 $0xFFFFF086  }
0x25: {  	[simem:s6], [sflag:s4] =	dma.local [hbm:s3], $0xF7A  }
0x26: {  	[smem:$0x3F96] =	sst s1;
	(tag) =	ssettag s2;
	_ =	strace s9  }
0x27: {  	s1 =	sld [smem:$0x3FA6]  }
0x28: {  	s2 =	sld [smem:$0x3FA7]  }
0x29: {  	s4 =	sld [smem:$0x3FA9]  }
0x2a: {  	p0 =	seq.s32 s5, $0x0;
	s5 =	sld [smem:$0x3FAA]  }
0x2b: {  	s6 =	sld [smem:$0x3FAB]  }
0x2c: {  	s7 =	sld [smem:$0x3FAC]  }
0x2d: {  	s3 =	simm.s32 $0x108;
	s8 =	sld [smem:$0x3FAD]  }
0x2e: {  	s3 =	simm.s32 @!p0 $0x1082;
	s9 =	sld [smem:$0x3FAE]  }
0x2f: {  	lr =	sadd.s32 s0, s3;
	s0 =	sld [smem:$0x3FA5]  }
0x30: {  	s3 =	sld [smem:$0x3FA8]  }
0x31: {  	[smem:$0x3FB1] =	sst s10  }
0x32: {  	s10 =	sld [smem:$0x3FAF];
	_ =	sdelay $0x3  }
0x33: {  	p0 =	seq.s32 s10, $0x1;
	s10 =	sld [smem:$0x3FB1];
	_ =	sdelay $0x3  }
0x34: {  	[smem:$0x3FB1] =	sst s10  }
0x35: {  	s10 =	sld [smem:$0x3FB0];
	_ =	sdelay $0x3  }
0x36: {  	p1 =	seq.s32 s10, $0x1;
	s10 =	sld [smem:$0x3FB1];
	_ =	sdelay $0x3  }
0x37: {  	[smem:$0x3FB1] =	sst s10  }
0x38: {  	s10 =	sld [smem:$0x3FB2]  }
0x39: {  	_ = 	snop;
	(pc) =	sbr.ind lr, $3  }
0x3a: {  	_ = 	snop  }
0x3b: {  	_ = 	snop  }
0x3c: {  	p2 =	seq.s32 s10, $0x1;
	s10 =	sld [smem:$0x3FB1]  }
0x3d: {  	_ =	shalt  }
0x3e: {  	_ =	shalt  }
0x3f: {  	_ =	shalt  }
0x40: {  	_ =	shalt  }
0x41: {  	_ =	shalt  }
0x42: {  	_ =	shalt  }
0x43: {  	_ =	shalt  }
0x44: {  	_ =	shalt  }
0x45: {  	_ =	shalt  }
0x46: {  	_ =	shalt  }
0x47: {  	_ =	shalt  }
0x48: {  	_ =	shalt  }
0x49: {  	_ =	shalt  }
0x4a: {  	_ =	shalt  }
0x4b: {  	_ =	shalt  }
0x4c: {  	_ =	shalt  }
0x4d: {  	_ =	shalt  }
0x4e: {  	_ =	shalt  }
0x4f: {  	_ =	shalt  }
0x50: {  	_ =	shalt  }
0x51: {  	_ =	shalt  }
0x52: {  	_ =	shalt  }
0x53: {  	_ =	shalt  }
0x54: {  	_ =	shalt  }
0x55: {  	_ =	shalt  }
0x56: {  	_ =	shalt  }
0x57: {  	_ =	shalt  }
0x58: {  	_ =	shalt  }
0x59: {  	_ =	shalt  }
0x5a: {  	_ =	shalt  }
0x5b: {  	_ =	shalt  }
0x5c: {  	_ =	shalt  }
0x5d: {  	_ =	shalt  }
0x5e: {  	_ =	shalt  }
0x5f: {  	_ =	shalt  }
0x60: {  	_ =	shalt  }
0x61: {  	_ =	shalt  }
0x62: {  	_ =	shalt  }
0x63: {  	_ =	shalt  }
0x64: {  	_ =	shalt  }
0x65: {  	_ =	shalt  }
0x66: {  	_ =	shalt  }
0x67: {  	_ =	shalt  }
0x68: {  	_ =	shalt  }
0x69: {  	_ =	shalt  }
0x6a: {  	_ =	shalt  }
0x6b: {  	_ =	shalt  }
0x6c: {  	_ =	shalt  }
0x6d: {  	_ =	shalt  }
0x6e: {  	_ =	shalt  }
0x6f: {  	_ =	shalt  }
0x70: {  	_ =	shalt  }
0x71: {  	_ =	shalt  }
0x72: {  	_ =	shalt  }
0x73: {  	_ =	shalt  }
0x74: {  	_ =	shalt  }
0x75: {  	_ =	shalt  }
0x76: {  	_ =	shalt  }
0x77: {  	_ =	shalt  }
0x78: {  	_ =	shalt  }
0x79: {  	_ =	shalt  }
0x7a: {  	_ =	shalt  }
0x7b: {  	_ =	shalt  }
0x7c: {  	_ =	shalt  }
0x7d: {  	_ =	shalt  }
0x7e: {  	_ =	shalt  }
0x7f: {  	_ =	shalt  }
0x80: {  	_ =	shalt  }
0x81: {  	_ =	shalt  }
0x82: {  	_ =	shalt  }
0x83: {  	_ =	shalt  }
0x84: {  	_ =	shalt  }
0x85: {  	_ =	shalt  }
0x86: {  	_ =	shalt  }
0x87: {  	_ =	shalt  }
.Lfunc_end0:
.L_simem_size_0:
called_computation.2_lowered:
.L_overlay_start_0:
0x88: {  	s2 =	sld [smem:$0x3FD9]  }
0x89: {  	s3 =	sld [smem:$0x3FFE];
	_ =	sdelay $0x1  }
0x8a: {  	s1 =	srdreg.scid  }
0x8b: {  	s0 =	sand.u32 $0x1, s1  }
0x8c: {  	s16 =	sshll.u32 s0, $0xA;
	s2 =	sadd.s32 s3, s2  }
0x8d: {  	s2 =	sadd.s32 s2, s16  }
0x8e: {  	[smem:$0x3FBD] =	sst s2  }
0x8f: {  	_ = 	snop  }
0x90: {  	(tm) =	ssettm $0x1  }
0x91: {  	s17 =	sld [smem:$0x3FFB];
	_ =	sdelay $0x3  }
0x92: {  	_ =	strace s17  }
0x93: {  	s2 =	sld [smem:$0x3FFC];
	_ =	sdelay $0x3  }
0x94: {  	_ =	strace s2  }
0x95: {  	s2 =	sld [smem:$0x3FFD];
	_ =	sdelay $0x3  }
0x96: {  	_ =	strace s2  }
0x97: {  	_ =	strace $0x8FFFFFFF  }
0x98: {  	s18 =	sld [smem:$0x3FDB];
	_ =	sdelay $0x1  }
0x99: {  	s19 =	simm.s32 $_scs_section_size  }
0x9a: {  	s4 =	simm.s32 $_size__tile_overlayer_lowered;
	s5 =	simm.s32 $_tile_overlayer_lowered  }
0x9b: {  	s22 =	simm.s32 $0x1BFF;
	s21 =	sshll.u32 s5, $0x1;
	s2 =	sadd.s32 s19, s18  }
0x9c: {  	s6 =	simm.s32 $0x0;
	s20 =	sshll.u32 s4, $0x1;
	s4 =	sadd.s32 s21, s2  }
0x9d: {  	[timem:s6], [sflag:s22] =	dma.local [hbm:s4], s20  }
0x9e: {  	_ =	swait.ge [sflag:s22], s20  }
0x9f: {  	s3 =	ssub.s32 $0x0, s20;
	[sflag:s22] =	ssyncset.done $0x0  }
0xa0: {  	[sflag:s22] =	ssyncadd.s32 s3;
	_ =	sdelay $0x1  }
0xa1: {  	s23 =	simm.s32 $0x1B8B  }
0xa2: {  	_ =	swait.ge [sflag:s23], $0x1  }
0xa3: {  	[sflag:s23] =	ssyncset.done $0x0  }
0xa4: {  	s25 =	simm.s32 $0x1B8E;
	s24 =	sld [smem:$0x3FFE];
	[sflag:s23] =	ssyncadd.s32 $0xFFFFFFFF  }
0xa5: {  	s26 =	simm.s32 $execute0_lowered;
	[smem:$0x3FD2] =	sst s25  }
0xa6: {  	s4 =	sshll.u32 s26, $0x1;
	_ =	strace $0x8000004C;
	[dreg:$0x1] =	wrdreg $0xFFFFFFFF  }
0xa7: {  	s28 =	simm.s32 $_size_execute0_lowered;
	s2 =	sadd.s32 s2, s4;
	[dreg:$0x0] =	wrdreg $0x0  }
0xa8: {  	s4 =	sshll.u32 s28, $0x1;
	[dreg:$0x2] =	wrdreg s2  }
0xa9: {  	[dreg:$0x3] =	wrdreg s4  }
0xaa: {  	[dreg:$0x4] =	wrdreg $0xC0  }
0xab: {  	_ =	task [dreg:s6], $0x5FFFF  }
0xac: {  	[dreg:$0x1] =	wrdreg $0xFFFFFFFF  }
0xad: {  	[dreg:$0x0] =	wrdreg $0x60  }
0xae: {  	[dreg:$0x2] =	wrdreg s24  }
0xaf: {  	[dreg:$0x3] =	wrdreg $0xA8000  }
0xb0: {  	[dreg:$0x4] =	wrdreg $0x9  }
0xb1: {  	_ =	task.clear_ibuf [dreg:s6], $0x5FFFF;
	_ =	strace $0x9000004C  }
0xb2: {  	s29 =	simm.s32 $0x9;
	_ =	strace $0x8000004E  }
0xb3: {  	_ =	swait.ge [sflag:s29], $0x1  }
0xb4: {  	[sflag:s29] =	ssyncadd.s32 $0xFFFFFFFF  }
0xb5: {  	_ =	strace $0x9000004E  }
0xb6: {  	_ =	sfence  }
0xb7: {  	s30 =	sld [smem:$0x0];
	_ =	sdelay $0x2  }
0xb8: {  	s31 =	sshll.u32 s1, $0xD;
	s1 =	sshrl.u32 s1, $0x2  }
0xb9: {  	s3 =	sand.u32 $0x4000, s31;
	s1 =	sadd.s32 s1, s30  }
0xba: {  	s0 =	sor.u32 s3, s0;
	s1 =	sshll.u32 s1, $0x11  }
0xbb: {  	s0 =	sor.u32 s1, s0  }
0xbc: {  	s0 =	sadd.s32 $0x8F2B, s0  }
0xbd: {  	[sflag:s0] =	ssyncadd.remote.s32 $0x1  }
0xbe: {  	_ =	sfence.sel $0xFFFF  }
0xbf: {  	[dreg:$0x0] =	wrdreg $0xFFFFFFFF;
	(pc) =	sbr.abs _section_cstart, $3  }
0xc0: {  	[dreg:$0x1] =	wrdreg $0xFFFFFFFF  }
0xc1: {  	_ =	task.clear_ibuf [dreg:s6], $0x2FFFF;
	_ =	strace $0x9FFFFFFF  }
0xc2: {  	(tm) =	ssettm $0x7FFFFFFF  }
0xc3: {  	_ =	shalt  }
tec
execute0_lowered:
.L_overlay_start_1:
0x0: {  	(tag) =	ssettag $0x1  }
0x1: {  	s0 =	srdreg.scid;
	s5 =	rddreg [dreg:$0x0]  }
0x2: {  	s8 =	stileid.u32;
	s2 =	rddreg [dreg:$0x1];
	s3 =	simm.s32 $0x0  }
0x3: {  	s16 =	simm.s32 $0x5;
	s17 =	simm.s32 $0x1400;
	s18 =	simm.s32 $0x40  }
0x4: {  	s19 =	simm.s32 $0x2800;
	s20 =	simm.s32 $0x4800;
	s28 =	simm.s32 $0x1480  }
0x5: {  	s29 =	simm.s32 $0x3;
	s30 =	simm.s32 $0x100;
	s31 =	simm.s32 $0x140  }
0x6: {  	s0 =	sand.u32 $0x1, s0;
	s1 =	sshll.u32 s8, $0x1;
	s7 =	smul.u32 $0x14000, s8  }
0x7: {  	[smem:$0x7FF] =	sst s3;
	s4 =	sadd.s32 $0x2C400, s5;
	s21 =	smul.u32 $0x50000, s8  }
0x8: {  	s1 =	sor.u32 s0, s1;
	s6 =	smul.u32 $0x140000, s0;
	s0 =	ssub.s32 $0x2, s0  }
0x9: {  	_ =	strace $0x8000004D;
	s1 =	smul.u32 $0x2800, s1;
	s22 =	sshrl.u32 s0, $0x1  }
0xa: {  	s24 =	sshrl.u32 s21, $0x2;
	s21 =	simm.s32 $0x6800;
	s6 =	sadd.s32 s7, s6  }
0xb: {  	s0 =	ssub.s32 s0, s22;
	s7 =	sadd.s32 s24, s2;
	s22 =	simm.s32 $0x1  }
0xc: {  	s24 =	simm.s32 $0xC0;
	s1 =	sshrl.u32 s1, $0x3;
	s6 =	sshrl.u32 s6, $0x3  }
0xd: {  	s11 =	smax.u32 s0, $0x1;
	s12 =	sadd.s32 $0x4000, s7;
	s13 =	sadd.s32 $0x8000, s7  }
0xe: {  	s14 =	sadd.s32 $0xC000, s7;
	s15 =	sadd.s32 $0x10000, s7;
	s1 =	sadd.s32 s1, s5  }
.Ltmp0:
0xf: {  	s0 =	simm.s32 $0x0;
	s23 =	sadd.s32 $0x18400, s1;
	(pc) =	sbr.rel .LBB2_1-.Ltmp0, $4  }
0x10: {  	s5 =	sadd.s32 s6, s5;
	s25 =	sadd.s32 $0x22400, s1;
	[dreg:$0x3] =	wrdreg s23  }
0x11: {  	s26 =	sadd.s32 $0x18680, s1;
	s9 =	sadd.s32 $0x22680, s1;
	[dreg:$0x4] =	wrdreg s25  }
0x12: {  	s10 =	sadd.s32 $0x53C00, s5;
	s1 =	simm.s32 $0x4;
	[dreg:$0x5] =	wrdreg s26  }
0x13: {  	v0 =	vimm.f32 $0.0e+00;
	s23 =	simm.s32 $0x80;
	s25 =	simm.s32 $0x8800;
	s26 =	simm.s32 $0x2  }
.LBB2_9:
0x14: {  	_ =	swait.ge [sflag:s1], $0x4000;
	s5 =	stileid.u32  }
0x15: {  	s6 =	sshrl.u32 s7, $0x3;
	s0 =	sadd.s32 $0x1, s0;
	[sflag:s1] =	ssyncset.done $0x0  }
0x16: {  	s5 =	sshll.u32 s5, $0x6;
	p0 =	sne.s32 s0, s11;
	[sflag:s1] =	ssyncadd.s32 $0xFFFFC000  }
.Ltmp1:
0x17: {  	s5 =	sor.u32 $0x1C05, s5;
	[bflag:$0x0] =	sbarrier.arrive $0xFFFF;
	(pc) =	sbr.rel @!p0 .LBB2_10-.Ltmp1, $4  }
0x18: {  	[hbm:s10], [sflag:s5] =	dma.local [spmem:s6], $0x2800  }
0x19: {  	_ =	swait.ge [sflag:s16], $0x2800  }
0x1a: {  	[sflag:s16] =	ssyncset.done $0x0  }
0x1b: {  	[sflag:s16] =	ssyncadd.s32 $0xFFFFD800  }
.LBB2_1:
0x1c: {  	s5 =	rddreg [dreg:$0x3]  }
0x1d: {  	[tilespmem:s3], [sflag:$0x5] =	stream.linear.gather [hbm4b:s5+s3], $0x1400, $0x38;
	[tilespmem:$0x1E800] =	vst v63  }
0x1e: {  	_ =	swait.ge [sflag:s16], $0x1400  }
0x1f: {  	[sflag:s16] =	ssyncset.done $0x0  }
0x20: {  	s8 =	rddreg [dreg:$0x4];
	[sflag:s16] =	ssyncadd.s32 $0xFFFFEC00  }
0x21: {  	[tilespmem:s17], [sflag:$0x5] =	stream.linear.gather [hbm4b:s8+s3], $0x1400, $0x38;
	[tilespmem:$0x1E800] =	vst v63  }
0x22: {  	_ =	swait.ge [sflag:s16], $0x1400  }
0x23: {  	[sflag:s16] =	ssyncset.done $0x0  }
0x24: {  	[sflag:s16] =	ssyncadd.s32 $0xFFFFEC00  }
0x25: {  	[tilespmem:s19], [sflag:$0x1] =	stream.indirect.gather [hbm4b:s4+s18], $0x80, s3, s18, $0xb8;
	[tilespmem:$0x1E800] =	vst v63  }
0x26: {  	s6 =	simm.s32 $0x200;
	s5 =	simm.s32 $0x0  }
0x27: {  	[tilespmem:s20], [sflag:$0x1] =	stream.indirect.gather [hbm4b:s4+s18], $0x80, s18, s18, $0xb8;
	[tilespmem:$0x1E800] =	vst v63  }
.LBB2_2:
0x28: {  	p0 =	sne.s32 s6, $0xFE00;
	[tilespmem:s5+$0x6870] =	vst v0  }
0x29: {  	[tilespmem:s5+$0x6800] =	vst v0  }
0x2a: {  	[tilespmem:s5+$0x6810] =	vst v0  }
.Ltmp2:
0x2b: {  	[tilespmem:s5+$0x6820] =	vst v0;
	(pc) =	sbr.rel @p0 .LBB2_2-.Ltmp2, $4  }
0x2c: {  	[tilespmem:s5+$0x6830] =	vst v0  }
0x2d: {  	[tilespmem:s5+$0x6840] =	vst v0  }
0x2e: {  	[tilespmem:s5+$0x6850] =	vst v0  }
0x2f: {  	[tilespmem:s5+$0x6860] =	vst v0;
	s5 =	sshra.s32 s6, $0x2;
	s6 =	sadd.s32 $0x200, s6  }
0x30: {  	[tilespmem:s5+$0x6870] =	vst v0  }
0x31: {  	[tilespmem:s5+$0x6800] =	vst v0  }
0x32: {  	[tilespmem:s5+$0x6810] =	vst v0  }
0x33: {  	[tilespmem:s5+$0x6820] =	vst v0  }
0x34: {  	[tilespmem:s5+$0x6830] =	vst v0  }
0x35: {  	[tilespmem:s5+$0x6840] =	vst v0  }
0x36: {  	[tilespmem:s5+$0x6850] =	vst v0  }
0x37: {  	[tilespmem:s5+$0x6860] =	vst v0  }
0x38: {  	[spmem:s7] =	stream.linear.scatter [tilespmem:s21], [sflag:$0x5], $0x4000, $0x38;
	[tilespmem:$0x1E800] =	vst v63  }
0x39: {  	_ =	swait.ge [sflag:s16], $0x4000  }
0x3a: {  	[sflag:s16] =	ssyncset.done $0x0  }
0x3b: {  	[sflag:s16] =	ssyncadd.s32 $0xFFFFC000  }
0x3c: {  	[spmem:s12] =	stream.linear.scatter [tilespmem:s21], [sflag:$0x5], $0x4000, $0x38;
	[tilespmem:$0x1E800] =	vst v63  }
0x3d: {  	_ =	swait.ge [sflag:s16], $0x4000  }
0x3e: {  	[sflag:s16] =	ssyncset.done $0x0  }
0x3f: {  	[sflag:s16] =	ssyncadd.s32 $0xFFFFC000  }
0x40: {  	[spmem:s13] =	stream.linear.scatter [tilespmem:s21], [sflag:$0x5], $0x4000, $0x38;
	[tilespmem:$0x1E800] =	vst v63  }
0x41: {  	_ =	swait.ge [sflag:s16], $0x4000  }
0x42: {  	[sflag:s16] =	ssyncset.done $0x0  }
0x43: {  	[sflag:s16] =	ssyncadd.s32 $0xFFFFC000  }
0x44: {  	[spmem:s14] =	stream.linear.scatter [tilespmem:s21], [sflag:$0x5], $0x4000, $0x38;
	[tilespmem:$0x1E800] =	vst v63  }
0x45: {  	_ =	swait.ge [sflag:s16], $0x4000  }
0x46: {  	[sflag:s16] =	ssyncset.done $0x0  }
0x47: {  	[sflag:s16] =	ssyncadd.s32 $0xFFFFC000  }
0x48: {  	[spmem:s15] =	stream.linear.scatter [tilespmem:s21], [sflag:$0x5], $0x4000, $0x38;
	[tilespmem:$0x1E800] =	vst v63  }
0x49: {  	_ =	swait.ge [sflag:s16], $0x4000  }
0x4a: {  	[sflag:s16] =	ssyncset.done $0x0  }
0x4b: {  	[sflag:s16] =	ssyncadd.s32 $0xFFFFC000  }
0x4c: {  	[bflag:$0x0] =	sbarrier.arrive $0xFFFF  }
0x4d: {  	_ =	swait.ge [sflag:s22], $0x2000  }
0x4e: {  	[sflag:s22] =	ssyncset.done $0x0  }
0x4f: {  	[sflag:s22] =	ssyncadd.s32 $0xFFFFE000  }
0x50: {  	_ =	swait.ge [sflag:s22], $0x2000  }
0x51: {  	[sflag:s22] =	ssyncset.done $0x0  }
0x52: {  	[sflag:s22] =	ssyncadd.s32 $0xFFFFE000  }
0x53: {  	[spmem:s2] =	stream.indirect.scatter.add.f32 [tilespmem:s19], [sflag:$0x3], $0x80, s17, s23, $0xb8;
	[tilespmem:$0x1E800] =	vst v63  }
0x54: {  	_ = 	snop  }
0x55: {  	[tilespmem:s21], [sflag:$0x2] =	stream.indirect.gather [hbm4b:s4+s18], $0x80, s23, s18, $0xb8;
	[tilespmem:$0x1E800] =	vst v63  }
0x56: {  	_ = 	snop  }
0x57: {  	[tilespmem:s25], [sflag:$0x2] =	stream.indirect.gather [hbm4b:s4+s18], $0x80, s24, s18, $0xb8;
	[tilespmem:$0x1E800] =	vst v63  }
0x58: {  	_ =	swait.ge [sflag:s26], $0x2000  }
0x59: {  	[sflag:s26] =	ssyncset.done $0x0  }
0x5a: {  	[sflag:s26] =	ssyncadd.s32 $0xFFFFE000  }
0x5b: {  	_ =	swait.ge [sflag:s26], $0x2000  }
0x5c: {  	[sflag:s26] =	ssyncset.done $0x0  }
0x5d: {  	[sflag:s26] =	ssyncadd.s32 $0xFFFFE000  }
0x5e: {  	[spmem:s2] =	stream.indirect.scatter.add.f32 [tilespmem:s21], [sflag:$0x4], $0x80, s28, s23, $0xb8;
	[tilespmem:$0x1E800] =	vst v63  }
0x5f: {  	_ =	swait.ge [sflag:s29], $0x4000  }
0x60: {  	[sflag:s29] =	ssyncset.done $0x0  }
0x61: {  	[sflag:s29] =	ssyncadd.s32 $0xFFFFC000  }
0x62: {  	[tilespmem:s19], [sflag:$0x1] =	stream.indirect.gather [hbm4b:s4+s18], $0x80, s30, s18, $0xb8;
	[tilespmem:$0x1E800] =	vst v63  }
0x63: {  	s5 =	simm.s32 $0x0  }
0x64: {  	[tilespmem:s20], [sflag:$0x1] =	stream.indirect.gather [hbm4b:s4+s18], $0x80, s31, s18, $0xb8;
	[tilespmem:$0x1E800] =	vst v63  }
.LBB2_4:
0x65: {  	_ =	swait.ge [sflag:s22], $0x2000  }
0x66: {  	[sflag:s22] =	ssyncset.done $0x0  }
0x67: {  	[sflag:s22] =	ssyncadd.s32 $0xFFFFE000  }
0x68: {  	_ =	swait.ge [sflag:s22], $0x2000  }
0x69: {  	s6 =	sshra.s32 s5, $0x2;
	[sflag:s22] =	ssyncset.done $0x0  }
0x6a: {  	s8 =	sadd.s32 $0x1500, s6;
	[sflag:s22] =	ssyncadd.s32 $0xFFFFE000  }
0x6b: {  	[spmem:s2] =	stream.indirect.scatter.add.f32 [tilespmem:s19], [sflag:$0x3], $0x80, s8, s23, $0xb8;
	[tilespmem:$0x1E800] =	vst v63  }
0x6c: {  	_ =	swait.ge [sflag:s1], $0x4000  }
0x6d: {  	[sflag:s1] =	ssyncset.done $0x0  }
0x6e: {  	s8 =	sadd.s32 $0x180, s6;
	[sflag:s1] =	ssyncadd.s32 $0xFFFFC000  }
0x6f: {  	[tilespmem:s21], [sflag:$0x2] =	stream.indirect.gather [hbm4b:s4+s18], $0x80, s8, s18, $0xb8;
	[tilespmem:$0x1E800] =	vst v63  }
0x70: {  	s8 =	sadd.s32 $0x1C0, s6  }
0x71: {  	[tilespmem:s25], [sflag:$0x2] =	stream.indirect.gather [hbm4b:s4+s18], $0x80, s8, s18, $0xb8;
	[tilespmem:$0x1E800] =	vst v63  }
0x72: {  	_ =	swait.ge [sflag:s26], $0x2000  }
0x73: {  	[sflag:s26] =	ssyncset.done $0x0  }
0x74: {  	[sflag:s26] =	ssyncadd.s32 $0xFFFFE000  }
0x75: {  	_ =	swait.ge [sflag:s26], $0x2000  }
0x76: {  	p0 =	seq.s32 s5, $0x4800;
	[sflag:s26] =	ssyncset.done $0x0  }
.Ltmp3:
0x77: {  	s8 =	sadd.s32 $0x1580, s6;
	[sflag:s26] =	ssyncadd.s32 $0xFFFFE000;
	(pc) =	sbr.rel @p0 .LBB2_6-.Ltmp3, $4  }
0x78: {  	[spmem:s2] =	stream.indirect.scatter.add.f32 [tilespmem:s21], [sflag:$0x4], $0x80, s8, s23, $0xb8;
	[tilespmem:$0x1E800] =	vst v63  }
0x79: {  	_ =	swait.ge [sflag:s29], $0x4000  }
0x7a: {  	[sflag:s29] =	ssyncset.done $0x0  }
0x7b: {  	[sflag:s29] =	ssyncadd.s32 $0xFFFFC000  }
.Ltmp4:
0x7c: {  	(pc) =	sbr.rel .LBB2_4-.Ltmp4, $4  }
0x7d: {  	s8 =	sadd.s32 $0x200, s6  }
0x7e: {  	[tilespmem:s19], [sflag:$0x1] =	stream.indirect.gather [hbm4b:s4+s18], $0x80, s8, s18, $0xb8;
	[tilespmem:$0x1E800] =	vst v63  }
0x7f: {  	s5 =	sadd.s32 $0x400, s5;
	s8 =	sadd.s32 $0x240, s6  }
0x80: {  	[tilespmem:s20], [sflag:$0x1] =	stream.indirect.gather [hbm4b:s4+s18], $0x80, s8, s18, $0xb8;
	[tilespmem:$0x1E800] =	vst v63  }
.LBB2_6:
0x81: {  	_ =	swait.ge [sflag:s1], $0x4000  }
0x82: {  	[sflag:s1] =	ssyncset.done $0x0  }
0x83: {  	s5 =	simm.s32 $0x0;
	s6 =	rddreg [dreg:$0x5];
	[sflag:s1] =	ssyncadd.s32 $0xFFFFC000  }
0x84: {  	[tilespmem:s5], [sflag:$0x5] =	stream.linear.gather [hbm4b:s6+s5], $0x1400, $0x38;
	[tilespmem:$0x1E800] =	vst v63  }
0x85: {  	_ =	swait.ge [sflag:s16], $0x1400  }
0x86: {  	[sflag:s16] =	ssyncset.done $0x0  }
0x87: {  	[sflag:s16] =	ssyncadd.s32 $0xFFFFEC00  }
0x88: {  	[tilespmem:s17], [sflag:$0x5] =	stream.linear.gather [hbm4b:s9+s5], $0x1400, $0x38;
	[tilespmem:$0x1E800] =	vst v63  }
0x89: {  	_ =	swait.ge [sflag:s16], $0x1400  }
0x8a: {  	[sflag:s16] =	ssyncset.done $0x0  }
0x8b: {  	[sflag:s16] =	ssyncadd.s32 $0xFFFFEC00  }
0x8c: {  	[tilespmem:s19], [sflag:$0x1] =	stream.indirect.gather [hbm4b:s4+s18], $0x80, s5, s18, $0xb8;
	[tilespmem:$0x1E800] =	vst v63  }
0x8d: {  	_ = 	snop  }
0x8e: {  	[tilespmem:s20], [sflag:$0x1] =	stream.indirect.gather [hbm4b:s4+s18], $0x80, s18, s18, $0xb8;
	[tilespmem:$0x1E800] =	vst v63  }
0x8f: {  	_ =	swait.ge [sflag:s22], $0x2000  }
0x90: {  	[sflag:s22] =	ssyncset.done $0x0  }
0x91: {  	[sflag:s22] =	ssyncadd.s32 $0xFFFFE000  }
0x92: {  	_ =	swait.ge [sflag:s22], $0x2000  }
0x93: {  	[sflag:s22] =	ssyncset.done $0x0  }
0x94: {  	[sflag:s22] =	ssyncadd.s32 $0xFFFFE000  }
0x95: {  	[spmem:s2] =	stream.indirect.scatter.add.f32 [tilespmem:s19], [sflag:$0x3], $0x80, s17, s23, $0xb8;
	[tilespmem:$0x1E800] =	vst v63  }
0x96: {  	_ = 	snop  }
0x97: {  	[tilespmem:s21], [sflag:$0x2] =	stream.indirect.gather [hbm4b:s4+s18], $0x80, s23, s18, $0xb8;
	[tilespmem:$0x1E800] =	vst v63  }
0x98: {  	_ = 	snop  }
0x99: {  	[tilespmem:s25], [sflag:$0x2] =	stream.indirect.gather [hbm4b:s4+s18], $0x80, s24, s18, $0xb8;
	[tilespmem:$0x1E800] =	vst v63  }
0x9a: {  	_ =	swait.ge [sflag:s26], $0x2000  }
0x9b: {  	[sflag:s26] =	ssyncset.done $0x0  }
0x9c: {  	[sflag:s26] =	ssyncadd.s32 $0xFFFFE000  }
0x9d: {  	_ =	swait.ge [sflag:s26], $0x2000  }
0x9e: {  	[sflag:s26] =	ssyncset.done $0x0  }
0x9f: {  	[sflag:s26] =	ssyncadd.s32 $0xFFFFE000  }
0xa0: {  	[spmem:s2] =	stream.indirect.scatter.add.f32 [tilespmem:s21], [sflag:$0x4], $0x80, s28, s23, $0xb8;
	[tilespmem:$0x1E800] =	vst v63  }
0xa1: {  	_ =	swait.ge [sflag:s29], $0x4000  }
0xa2: {  	[sflag:s29] =	ssyncset.done $0x0  }
0xa3: {  	[sflag:s29] =	ssyncadd.s32 $0xFFFFC000  }
0xa4: {  	[tilespmem:s19], [sflag:$0x1] =	stream.indirect.gather [hbm4b:s4+s18], $0x80, s30, s18, $0xb8;
	[tilespmem:$0x1E800] =	vst v63  }
0xa5: {  	_ = 	snop  }
0xa6: {  	[tilespmem:s20], [sflag:$0x1] =	stream.indirect.gather [hbm4b:s4+s18], $0x80, s31, s18, $0xb8;
	[tilespmem:$0x1E800] =	vst v63  }
.LBB2_7:
0xa7: {  	_ =	swait.ge [sflag:s22], $0x2000  }
0xa8: {  	[sflag:s22] =	ssyncset.done $0x0  }
0xa9: {  	[sflag:s22] =	ssyncadd.s32 $0xFFFFE000  }
0xaa: {  	_ =	swait.ge [sflag:s22], $0x2000  }
0xab: {  	s6 =	sshra.s32 s5, $0x2;
	[sflag:s22] =	ssyncset.done $0x0  }
0xac: {  	s8 =	sadd.s32 $0x1500, s6;
	[sflag:s22] =	ssyncadd.s32 $0xFFFFE000  }
0xad: {  	[spmem:s2] =	stream.indirect.scatter.add.f32 [tilespmem:s19], [sflag:$0x3], $0x80, s8, s23, $0xb8;
	[tilespmem:$0x1E800] =	vst v63  }
0xae: {  	_ =	swait.ge [sflag:s1], $0x4000  }
0xaf: {  	[sflag:s1] =	ssyncset.done $0x0  }
0xb0: {  	s8 =	sadd.s32 $0x180, s6;
	[sflag:s1] =	ssyncadd.s32 $0xFFFFC000  }
0xb1: {  	[tilespmem:s21], [sflag:$0x2] =	stream.indirect.gather [hbm4b:s4+s18], $0x80, s8, s18, $0xb8;
	[tilespmem:$0x1E800] =	vst v63  }
0xb2: {  	s8 =	sadd.s32 $0x1C0, s6  }
0xb3: {  	[tilespmem:s25], [sflag:$0x2] =	stream.indirect.gather [hbm4b:s4+s18], $0x80, s8, s18, $0xb8;
	[tilespmem:$0x1E800] =	vst v63  }
0xb4: {  	_ =	swait.ge [sflag:s26], $0x2000  }
0xb5: {  	[sflag:s26] =	ssyncset.done $0x0  }
0xb6: {  	[sflag:s26] =	ssyncadd.s32 $0xFFFFE000  }
0xb7: {  	_ =	swait.ge [sflag:s26], $0x2000  }
0xb8: {  	p0 =	seq.s32 s5, $0x4800;
	[sflag:s26] =	ssyncset.done $0x0  }
.Ltmp5:
0xb9: {  	s8 =	sadd.s32 $0x1580, s6;
	[sflag:s26] =	ssyncadd.s32 $0xFFFFE000;
	(pc) =	sbr.rel @p0 .LBB2_9-.Ltmp5, $4  }
0xba: {  	[spmem:s2] =	stream.indirect.scatter.add.f32 [tilespmem:s21], [sflag:$0x4], $0x80, s8, s23, $0xb8;
	[tilespmem:$0x1E800] =	vst v63  }
0xbb: {  	_ =	swait.ge [sflag:s29], $0x4000  }
0xbc: {  	[sflag:s29] =	ssyncset.done $0x0  }
0xbd: {  	[sflag:s29] =	ssyncadd.s32 $0xFFFFC000  }
.Ltmp6:
0xbe: {  	(pc) =	sbr.rel .LBB2_7-.Ltmp6, $4  }
0xbf: {  	s8 =	sadd.s32 $0x200, s6  }
0xc0: {  	[tilespmem:s19], [sflag:$0x1] =	stream.indirect.gather [hbm4b:s4+s18], $0x80, s8, s18, $0xb8;
	[tilespmem:$0x1E800] =	vst v63  }
0xc1: {  	s5 =	sadd.s32 $0x400, s5;
	s8 =	sadd.s32 $0x240, s6  }
0xc2: {  	[tilespmem:s20], [sflag:$0x1] =	stream.indirect.gather [hbm4b:s4+s18], $0x80, s8, s18, $0xb8;
	[tilespmem:$0x1E800] =	vst v63  }
.LBB2_10:
0xc3: {  	_ =	sfence.sel $0x180000  }
0xc4: {  	[bflag:$0x0] =	sbarrier.arrive $0xFFFF  }
0xc5: {  	_ =	strace $0x9000004D  }
0xc6: {  	s0 =	stileid.u32;
	[bflag:$0x2] =	sbarrier.arrive $0xFFFF  }
0xc7: {  	p0 =	sne.s32 s0, $0x0;
	s0 =	rddreg [dreg:$0x2]  }
0xc8: {  	s0 =	sadd.s32 @!p0 $0x100000, s0  }
0xc9: {  	[sflag:s0] =	ssyncadd.tile.s32 @!p0 $0x1;
	_ =	shalt  }
.Lfunc_end2:
_tile_overlayer_lowered:
.L_overlay_start_2:
0xca: {  	(tag) =	ssettag $0x2  }
0xcb: {  	s0 =	rddreg [dreg:$0x0];
	s2 =	stileid.u32  }
0xcc: {  	s1 =	rddreg [dreg:$0x1];
	p0 =	sne.s32 s2, $0x0  }
0xcd: {  	s3 =	rddreg [dreg:$0x2];
	[bflag:$0x3] =	sbarrier.arrive $0xFFFF;
	s2 =	simm.s32 @!p0 $0x1C05  }
0xce: {  	[timem:s3], [sflag:s2] =	dma.local @!p0 [hbm:s0], s1  }
0xcf: {  	s0 =	simm.s32 @!p0 $0x5  }
0xd0: {  	_ =	swait.ge @!p0 [sflag:s0], s1  }
0xd1: {  	s1 =	ssub.s32 @!p0 $0x0, s1;
	[sflag:s0] =	ssyncset.done @!p0 $0x0  }
0xd2: {  	[sflag:s0] =	ssyncadd.s32 @!p0 s1  }
0xd3: {  	[bflag:$0x3] =	sbarrier.arrive $0xFFFF  }
0xd4: {  	_ =	shalt  }

// kernel: kernel.19.cloned.1.call-start
scs
__scs_entry_jumppad:
0x0: {  	(pc) =	sbr.rel $0x88, $3  }
0x1: {  	(tag) =	ssettag $0x0;
	lr =	simm.s32 $0x1  }
0x2: {  	[smem:$0x3F96] =	sst lr;
	_ =	strace $0xD0000000  }
0x3: {  	_ = 	snop  }
0x4: {  	_ = 	snop  }
0x5: {  	_ = 	snop  }
0x6: {  	_ = 	snop  }
0x7: {  	_ = 	snop  }
__scs_overlays_trampoline_lowered:
0x8: {  	[smem:$0x3FA5] =	sst s0  }
0x9: {  	[smem:$0x3FA6] =	sst s1  }
0xa: {  	[smem:$0x3FA7] =	sst s2  }
0xb: {  	[smem:$0x3FA8] =	sst s3  }
0xc: {  	[smem:$0x3FA9] =	sst s4  }
0xd: {  	[smem:$0x3FAA] =	sst s5  }
0xe: {  	[smem:$0x3FAB] =	sst s6  }
0xf: {  	[smem:$0x3FAC] =	sst s7  }
0x10: {  	[smem:$0x3FAD] =	sst s8  }
0x11: {  	[smem:$0x3FAE] =	sst s9;
	s0 =	simm.s32 @!p0 $0x0  }
0x12: {  	s1 =	sld [smem:$0x3F94];
	s0 =	simm.s32 @p0 $0x1  }
0x13: {  	[smem:$0x3FAF] =	sst s0;
	s0 =	simm.s32 @!p1 $0x0  }
0x14: {  	s2 =	sld [smem:$0x3F93];
	s0 =	simm.s32 @p1 $0x1  }
0x15: {  	[smem:$0x3FB0] =	sst s0;
	s0 =	simm.s32 @!p2 $0x0  }
0x16: {  	s3 =	sld [smem:$0x3FDB];
	s0 =	simm.s32 @p2 $0x1  }
0x17: {  	s4 =	simm.s32 $0x1BF5;
	[smem:$0x3FB2] =	sst s0  }
0x18: {  	s0 =	sld [smem:$0x3F95];
	_ =	swait.ge [sflag:s4], $0x0  }
0x19: {  	s7 =	sld [smem:$0x3F96]  }
0x1a: {  	s8 =	sadd.s32 $0xFFFFE003, lr  }
0x1b: {  	s9 =	sadd.s32 $0xFFFFFEF7, lr;
	s5 =	simm.s32 $0xFFFFFFFF;
	p2 =	slt.u32 s8, $0xFFFFF086  }
0x1c: {  	p1 =	slt.u32 s9, $0xF7A;
	s5 =	simm.s32 @!p2 $0x0  }
0x1d: {  	s5 =	simm.s32 @p1 $0x1;
	p0 =	seq.s32 s7, s2  }
0x1e: {  	s7 =	smul.u32 @!p0 $0xF7A, s2;
	p2 =	seq.s32 @!p0 s5, $0x0  }
0x1f: {  	s9 =	smul.u32 $0xF7A, s1;
	s8 =	simm.s32 @!p0 $0x1BF5;
	p2 =	por !p2, p0  }
0x20: {  	[sflag:s8] =	ssyncset.s32 @!p0 $0xFFFFF086;
	s6 =	sadd.s32 @!p0 s3, s7;
	s7 =	simm.s32 @!p0 $0x108  }
0x21: {  	s3 =	sadd.s32 s3, s9;
	s6 =	sadd.s32 @!p0 $0x88, s6;
	s7 =	simm.s32 @p2 $0x1082  }
0x22: {  	[simem:s7], [sflag:s8] =	dma.local @!p0 [hbm:s6], $0xF7A  }
0x23: {  	s9 =	sor.u32 $0xD0000000, s2;
	s6 =	simm.s32 $0x108;
	_ =	swait.ge @!p0 [sflag:s8], $0x0  }
0x24: {  	s3 =	sadd.s32 $0x88, s3;
	s6 =	simm.s32 @!p1 $0x1082;
	[sflag:s4] =	ssyncset.s32 $0xFFFFF086  }
0x25: {  	[simem:s6], [sflag:s4] =	dma.local [hbm:s3], $0xF7A  }
0x26: {  	[smem:$0x3F96] =	sst s1;
	(tag) =	ssettag s2;
	_ =	strace s9  }
0x27: {  	s1 =	sld [smem:$0x3FA6]  }
0x28: {  	s2 =	sld [smem:$0x3FA7]  }
0x29: {  	s4 =	sld [smem:$0x3FA9]  }
0x2a: {  	p0 =	seq.s32 s5, $0x0;
	s5 =	sld [smem:$0x3FAA]  }
0x2b: {  	s6 =	sld [smem:$0x3FAB]  }
0x2c: {  	s7 =	sld [smem:$0x3FAC]  }
0x2d: {  	s3 =	simm.s32 $0x108;
	s8 =	sld [smem:$0x3FAD]  }
0x2e: {  	s3 =	simm.s32 @!p0 $0x1082;
	s9 =	sld [smem:$0x3FAE]  }
0x2f: {  	lr =	sadd.s32 s0, s3;
	s0 =	sld [smem:$0x3FA5]  }
0x30: {  	s3 =	sld [smem:$0x3FA8]  }
0x31: {  	[smem:$0x3FB1] =	sst s10  }
0x32: {  	s10 =	sld [smem:$0x3FAF];
	_ =	sdelay $0x3  }
0x33: {  	p0 =	seq.s32 s10, $0x1;
	s10 =	sld [smem:$0x3FB1];
	_ =	sdelay $0x3  }
0x34: {  	[smem:$0x3FB1] =	sst s10  }
0x35: {  	s10 =	sld [smem:$0x3FB0];
	_ =	sdelay $0x3  }
0x36: {  	p1 =	seq.s32 s10, $0x1;
	s10 =	sld [smem:$0x3FB1];
	_ =	sdelay $0x3  }
0x37: {  	[smem:$0x3FB1] =	sst s10  }
0x38: {  	s10 =	sld [smem:$0x3FB2]  }
0x39: {  	_ = 	snop;
	(pc) =	sbr.ind lr, $3  }
0x3a: {  	_ = 	snop  }
0x3b: {  	_ = 	snop  }
0x3c: {  	p2 =	seq.s32 s10, $0x1;
	s10 =	sld [smem:$0x3FB1]  }
0x3d: {  	_ =	shalt  }
0x3e: {  	_ =	shalt  }
0x3f: {  	_ =	shalt  }
0x40: {  	_ =	shalt  }
0x41: {  	_ =	shalt  }
0x42: {  	_ =	shalt  }
0x43: {  	_ =	shalt  }
0x44: {  	_ =	shalt  }
0x45: {  	_ =	shalt  }
0x46: {  	_ =	shalt  }
0x47: {  	_ =	shalt  }
0x48: {  	_ =	shalt  }
0x49: {  	_ =	shalt  }
0x4a: {  	_ =	shalt  }
0x4b: {  	_ =	shalt  }
0x4c: {  	_ =	shalt  }
0x4d: {  	_ =	shalt  }
0x4e: {  	_ =	shalt  }
0x4f: {  	_ =	shalt  }
0x50: {  	_ =	shalt  }
0x51: {  	_ =	shalt  }
0x52: {  	_ =	shalt  }
0x53: {  	_ =	shalt  }
0x54: {  	_ =	shalt  }
0x55: {  	_ =	shalt  }
0x56: {  	_ =	shalt  }
0x57: {  	_ =	shalt  }
0x58: {  	_ =	shalt  }
0x59: {  	_ =	shalt  }
0x5a: {  	_ =	shalt  }
0x5b: {  	_ =	shalt  }
0x5c: {  	_ =	shalt  }
0x5d: {  	_ =	shalt  }
0x5e: {  	_ =	shalt  }
0x5f: {  	_ =	shalt  }
0x60: {  	_ =	shalt  }
0x61: {  	_ =	shalt  }
0x62: {  	_ =	shalt  }
0x63: {  	_ =	shalt  }
0x64: {  	_ =	shalt  }
0x65: {  	_ =	shalt  }
0x66: {  	_ =	shalt  }
0x67: {  	_ =	shalt  }
0x68: {  	_ =	shalt  }
0x69: {  	_ =	shalt  }
0x6a: {  	_ =	shalt  }
0x6b: {  	_ =	shalt  }
0x6c: {  	_ =	shalt  }
0x6d: {  	_ =	shalt  }
0x6e: {  	_ =	shalt  }
0x6f: {  	_ =	shalt  }
0x70: {  	_ =	shalt  }
0x71: {  	_ =	shalt  }
0x72: {  	_ =	shalt  }
0x73: {  	_ =	shalt  }
0x74: {  	_ =	shalt  }
0x75: {  	_ =	shalt  }
0x76: {  	_ =	shalt  }
0x77: {  	_ =	shalt  }
0x78: {  	_ =	shalt  }
0x79: {  	_ =	shalt  }
0x7a: {  	_ =	shalt  }
0x7b: {  	_ =	shalt  }
0x7c: {  	_ =	shalt  }
0x7d: {  	_ =	shalt  }
0x7e: {  	_ =	shalt  }
0x7f: {  	_ =	shalt  }
0x80: {  	_ =	shalt  }
0x81: {  	_ =	shalt  }
0x82: {  	_ =	shalt  }
0x83: {  	_ =	shalt  }
0x84: {  	_ =	shalt  }
0x85: {  	_ =	shalt  }
0x86: {  	_ =	shalt  }
0x87: {  	_ =	shalt  }
.Lfunc_end0:
.L_simem_size_0:
called_computation.3_lowered:
.L_overlay_start_0:
0x88: {  	s2 =	sld [smem:$0x3FD9]  }
0x89: {  	s3 =	sld [smem:$0x3FFE];
	_ =	sdelay $0x1  }
0x8a: {  	s1 =	srdreg.scid  }
0x8b: {  	s0 =	sand.u32 $0x1, s1  }
0x8c: {  	s16 =	sshll.u32 s0, $0xA;
	s2 =	sadd.s32 s3, s2  }
0x8d: {  	s2 =	sadd.s32 s2, s16  }
0x8e: {  	[smem:$0x3FBD] =	sst s2  }
0x8f: {  	_ = 	snop  }
0x90: {  	(tm) =	ssettm $0x1  }
0x91: {  	s17 =	sld [smem:$0x3FFB];
	_ =	sdelay $0x3  }
0x92: {  	_ =	strace s17  }
0x93: {  	s2 =	sld [smem:$0x3FFC];
	_ =	sdelay $0x3  }
0x94: {  	_ =	strace s2  }
0x95: {  	s2 =	sld [smem:$0x3FFD];
	_ =	sdelay $0x3  }
0x96: {  	_ =	strace s2  }
0x97: {  	_ =	strace $0x8FFFFFFF  }
0x98: {  	s18 =	sld [smem:$0x3FDB];
	_ =	sdelay $0x1  }
0x99: {  	s19 =	simm.s32 $_scs_section_size  }
0x9a: {  	s4 =	simm.s32 $_size__tile_overlayer_lowered;
	s5 =	simm.s32 $_tile_overlayer_lowered  }
0x9b: {  	s22 =	simm.s32 $0x1BFF;
	s21 =	sshll.u32 s5, $0x1;
	s2 =	sadd.s32 s19, s18  }
0x9c: {  	s6 =	simm.s32 $0x0;
	s20 =	sshll.u32 s4, $0x1;
	s4 =	sadd.s32 s21, s2  }
0x9d: {  	[timem:s6], [sflag:s22] =	dma.local [hbm:s4], s20  }
0x9e: {  	_ =	swait.ge [sflag:s22], s20  }
0x9f: {  	s3 =	ssub.s32 $0x0, s20;
	[sflag:s22] =	ssyncset.done $0x0  }
0xa0: {  	[sflag:s22] =	ssyncadd.s32 s3;
	_ =	sdelay $0x1  }
0xa1: {  	s23 =	simm.s32 $0x1B8B  }
0xa2: {  	_ =	swait.ge [sflag:s23], $0x1  }
0xa3: {  	[sflag:s23] =	ssyncset.done $0x0  }
0xa4: {  	s25 =	simm.s32 $0x1B8E;
	s24 =	sld [smem:$0x3FFE];
	[sflag:s23] =	ssyncadd.s32 $0xFFFFFFFF  }
0xa5: {  	s26 =	simm.s32 $execute0_lowered;
	[smem:$0x3FD2] =	sst s25  }
0xa6: {  	s4 =	sshll.u32 s26, $0x1;
	_ =	strace $0x8000004F;
	[dreg:$0x1] =	wrdreg $0xFFFFFFFF  }
0xa7: {  	s28 =	simm.s32 $_size_execute0_lowered;
	s2 =	sadd.s32 s2, s4;
	[dreg:$0x0] =	wrdreg $0x0  }
0xa8: {  	s4 =	sshll.u32 s28, $0x1;
	[dreg:$0x2] =	wrdreg s2  }
0xa9: {  	[dreg:$0x3] =	wrdreg s4  }
0xaa: {  	[dreg:$0x4] =	wrdreg $0xC0  }
0xab: {  	_ =	task [dreg:s6], $0x5FFFF  }
0xac: {  	[dreg:$0x1] =	wrdreg $0xFFFFFFFF  }
0xad: {  	[dreg:$0x0] =	wrdreg $0x60  }
0xae: {  	[dreg:$0x2] =	wrdreg s24  }
0xaf: {  	[dreg:$0x3] =	wrdreg $0xA8000  }
0xb0: {  	[dreg:$0x4] =	wrdreg $0x9  }
0xb1: {  	_ =	task.clear_ibuf [dreg:s6], $0x5FFFF;
	_ =	strace $0x9000004F  }
0xb2: {  	s29 =	simm.s32 $0x9;
	_ =	strace $0x80000051  }
0xb3: {  	_ =	swait.ge [sflag:s29], $0x1  }
0xb4: {  	[sflag:s29] =	ssyncadd.s32 $0xFFFFFFFF  }
0xb5: {  	_ =	strace $0x90000051  }
0xb6: {  	_ =	sfence  }
0xb7: {  	s30 =	sld [smem:$0x0];
	_ =	sdelay $0x2  }
0xb8: {  	s31 =	sshll.u32 s1, $0xD;
	s1 =	sshrl.u32 s1, $0x2  }
0xb9: {  	s3 =	sand.u32 $0x4000, s31;
	s1 =	sadd.s32 s1, s30  }
0xba: {  	s0 =	sor.u32 s3, s0;
	s1 =	sshll.u32 s1, $0x11  }
0xbb: {  	s0 =	sor.u32 s1, s0  }
0xbc: {  	s0 =	sadd.s32 $0x8F2B, s0  }
0xbd: {  	[sflag:s0] =	ssyncadd.remote.s32 $0x1  }
0xbe: {  	_ =	sfence.sel $0xFFFF  }
0xbf: {  	[dreg:$0x0] =	wrdreg $0xFFFFFFFF;
	(pc) =	sbr.abs _section_cstart, $3  }
0xc0: {  	[dreg:$0x1] =	wrdreg $0xFFFFFFFF  }
0xc1: {  	_ =	task.clear_ibuf [dreg:s6], $0x2FFFF;
	_ =	strace $0x9FFFFFFF  }
0xc2: {  	(tm) =	ssettm $0x7FFFFFFF  }
0xc3: {  	_ =	shalt  }
tec
execute0_lowered:
.L_overlay_start_1:
0x0: {  	(tag) =	ssettag $0x1  }
0x1: {  	s0 =	srdreg.scid;
	s5 =	rddreg [dreg:$0x0]  }
0x2: {  	s8 =	stileid.u32;
	s2 =	rddreg [dreg:$0x1];
	s3 =	simm.s32 $0x0  }
0x3: {  	s16 =	simm.s32 $0x5;
	s17 =	simm.s32 $0x1400;
	s18 =	simm.s32 $0x40  }
0x4: {  	s19 =	simm.s32 $0x2800;
	s20 =	simm.s32 $0x4800;
	s28 =	simm.s32 $0x1480  }
0x5: {  	s29 =	simm.s32 $0x3;
	s30 =	simm.s32 $0x100;
	s31 =	simm.s32 $0x140  }
0x6: {  	s0 =	sand.u32 $0x1, s0;
	s1 =	sshll.u32 s8, $0x1;
	s7 =	smul.u32 $0x14000, s8  }
0x7: {  	[smem:$0x7FF] =	sst s3;
	s4 =	sadd.s32 $0x2C400, s5;
	s21 =	smul.u32 $0x50000, s8  }
0x8: {  	s1 =	sor.u32 s0, s1;
	s6 =	smul.u32 $0x140000, s0;
	s0 =	ssub.s32 $0x2, s0  }
0x9: {  	_ =	strace $0x80000050;
	s1 =	smul.u32 $0x2800, s1;
	s22 =	sshrl.u32 s0, $0x1  }
0xa: {  	s24 =	sshrl.u32 s21, $0x2;
	s21 =	simm.s32 $0x6800;
	s6 =	sadd.s32 s7, s6  }
0xb: {  	s0 =	ssub.s32 s0, s22;
	s7 =	sadd.s32 s24, s2;
	s22 =	simm.s32 $0x1  }
0xc: {  	s24 =	simm.s32 $0xC0;
	s1 =	sshrl.u32 s1, $0x3;
	s6 =	sshrl.u32 s6, $0x3  }
0xd: {  	s11 =	smax.u32 s0, $0x1;
	s12 =	sadd.s32 $0x4000, s7;
	s13 =	sadd.s32 $0x8000, s7  }
0xe: {  	s14 =	sadd.s32 $0xC000, s7;
	s15 =	sadd.s32 $0x10000, s7;
	s1 =	sadd.s32 s1, s5  }
.Ltmp0:
0xf: {  	s0 =	simm.s32 $0x0;
	s23 =	sadd.s32 $0x18400, s1;
	(pc) =	sbr.rel .LBB2_1-.Ltmp0, $4  }
0x10: {  	s5 =	sadd.s32 s6, s5;
	s25 =	sadd.s32 $0x22400, s1;
	[dreg:$0x3] =	wrdreg s23  }
0x11: {  	s26 =	sadd.s32 $0x18680, s1;
	s9 =	sadd.s32 $0x22680, s1;
	[dreg:$0x4] =	wrdreg s25  }
0x12: {  	s10 =	sadd.s32 $0x53C00, s5;
	s1 =	simm.s32 $0x4;
	[dreg:$0x5] =	wrdreg s26  }
0x13: {  	v0 =	vimm.f32 $0.0e+00;
	s23 =	simm.s32 $0x80;
	s25 =	simm.s32 $0x8800;
	s26 =	simm.s32 $0x2  }
.LBB2_9:
0x14: {  	_ =	swait.ge [sflag:s1], $0x4000;
	s5 =	stileid.u32  }
0x15: {  	s6 =	sshrl.u32 s7, $0x3;
	s0 =	sadd.s32 $0x1, s0;
	[sflag:s1] =	ssyncset.done $0x0  }
0x16: {  	s5 =	sshll.u32 s5, $0x6;
	p0 =	sne.s32 s0, s11;
	[sflag:s1] =	ssyncadd.s32 $0xFFFFC000  }
.Ltmp1:
0x17: {  	s5 =	sor.u32 $0x1C05, s5;
	[bflag:$0x0] =	sbarrier.arrive $0xFFFF;
	(pc) =	sbr.rel @!p0 .LBB2_10-.Ltmp1, $4  }
0x18: {  	[hbm:s10], [sflag:s5] =	dma.local [spmem:s6], $0x2800  }
0x19: {  	_ =	swait.ge [sflag:s16], $0x2800  }
0x1a: {  	[sflag:s16] =	ssyncset.done $0x0  }
0x1b: {  	[sflag:s16] =	ssyncadd.s32 $0xFFFFD800  }
.LBB2_1:
0x1c: {  	s5 =	rddreg [dreg:$0x3]  }
0x1d: {  	[tilespmem:s3], [sflag:$0x5] =	stream.linear.gather [hbm4b:s5+s3], $0x1400, $0x38;
	[tilespmem:$0x1E800] =	vst v63  }
0x1e: {  	_ =	swait.ge [sflag:s16], $0x1400  }
0x1f: {  	[sflag:s16] =	ssyncset.done $0x0  }
0x20: {  	s8 =	rddreg [dreg:$0x4];
	[sflag:s16] =	ssyncadd.s32 $0xFFFFEC00  }
0x21: {  	[tilespmem:s17], [sflag:$0x5] =	stream.linear.gather [hbm4b:s8+s3], $0x1400, $0x38;
	[tilespmem:$0x1E800] =	vst v63  }
0x22: {  	_ =	swait.ge [sflag:s16], $0x1400  }
0x23: {  	[sflag:s16] =	ssyncset.done $0x0  }
0x24: {  	[sflag:s16] =	ssyncadd.s32 $0xFFFFEC00  }
0x25: {  	[tilespmem:s19], [sflag:$0x1] =	stream.indirect.gather [hbm4b:s4+s18], $0x80, s3, s18, $0xb8;
	[tilespmem:$0x1E800] =	vst v63  }
0x26: {  	s6 =	simm.s32 $0x200;
	s5 =	simm.s32 $0x0  }
0x27: {  	[tilespmem:s20], [sflag:$0x1] =	stream.indirect.gather [hbm4b:s4+s18], $0x80, s18, s18, $0xb8;
	[tilespmem:$0x1E800] =	vst v63  }
.LBB2_2:
0x28: {  	p0 =	sne.s32 s6, $0xFE00;
	[tilespmem:s5+$0x6870] =	vst v0  }
0x29: {  	[tilespmem:s5+$0x6800] =	vst v0  }
0x2a: {  	[tilespmem:s5+$0x6810] =	vst v0  }
.Ltmp2:
0x2b: {  	[tilespmem:s5+$0x6820] =	vst v0;
	(pc) =	sbr.rel @p0 .LBB2_2-.Ltmp2, $4  }
0x2c: {  	[tilespmem:s5+$0x6830] =	vst v0  }
0x2d: {  	[tilespmem:s5+$0x6840] =	vst v0  }
0x2e: {  	[tilespmem:s5+$0x6850] =	vst v0  }
0x2f: {  	[tilespmem:s5+$0x6860] =	vst v0;
	s5 =	sshra.s32 s6, $0x2;
	s6 =	sadd.s32 $0x200, s6  }
0x30: {  	[tilespmem:s5+$0x6870] =	vst v0  }
0x31: {  	[tilespmem:s5+$0x6800] =	vst v0  }
0x32: {  	[tilespmem:s5+$0x6810] =	vst v0  }
0x33: {  	[tilespmem:s5+$0x6820] =	vst v0  }
0x34: {  	[tilespmem:s5+$0x6830] =	vst v0  }
0x35: {  	[tilespmem:s5+$0x6840] =	vst v0  }
0x36: {  	[tilespmem:s5+$0x6850] =	vst v0  }
0x37: {  	[tilespmem:s5+$0x6860] =	vst v0  }
0x38: {  	[spmem:s7] =	stream.linear.scatter [tilespmem:s21], [sflag:$0x5], $0x4000, $0x38;
	[tilespmem:$0x1E800] =	vst v63  }
0x39: {  	_ =	swait.ge [sflag:s16], $0x4000  }
0x3a: {  	[sflag:s16] =	ssyncset.done $0x0  }
0x3b: {  	[sflag:s16] =	ssyncadd.s32 $0xFFFFC000  }
0x3c: {  	[spmem:s12] =	stream.linear.scatter [tilespmem:s21], [sflag:$0x5], $0x4000, $0x38;
	[tilespmem:$0x1E800] =	vst v63  }
0x3d: {  	_ =	swait.ge [sflag:s16], $0x4000  }
0x3e: {  	[sflag:s16] =	ssyncset.done $0x0  }
0x3f: {  	[sflag:s16] =	ssyncadd.s32 $0xFFFFC000  }
0x40: {  	[spmem:s13] =	stream.linear.scatter [tilespmem:s21], [sflag:$0x5], $0x4000, $0x38;
	[tilespmem:$0x1E800] =	vst v63  }
0x41: {  	_ =	swait.ge [sflag:s16], $0x4000  }
0x42: {  	[sflag:s16] =	ssyncset.done $0x0  }
0x43: {  	[sflag:s16] =	ssyncadd.s32 $0xFFFFC000  }
0x44: {  	[spmem:s14] =	stream.linear.scatter [tilespmem:s21], [sflag:$0x5], $0x4000, $0x38;
	[tilespmem:$0x1E800] =	vst v63  }
0x45: {  	_ =	swait.ge [sflag:s16], $0x4000  }
0x46: {  	[sflag:s16] =	ssyncset.done $0x0  }
0x47: {  	[sflag:s16] =	ssyncadd.s32 $0xFFFFC000  }
0x48: {  	[spmem:s15] =	stream.linear.scatter [tilespmem:s21], [sflag:$0x5], $0x4000, $0x38;
	[tilespmem:$0x1E800] =	vst v63  }
0x49: {  	_ =	swait.ge [sflag:s16], $0x4000  }
0x4a: {  	[sflag:s16] =	ssyncset.done $0x0  }
0x4b: {  	[sflag:s16] =	ssyncadd.s32 $0xFFFFC000  }
0x4c: {  	[bflag:$0x0] =	sbarrier.arrive $0xFFFF  }
0x4d: {  	_ =	swait.ge [sflag:s22], $0x2000  }
0x4e: {  	[sflag:s22] =	ssyncset.done $0x0  }
0x4f: {  	[sflag:s22] =	ssyncadd.s32 $0xFFFFE000  }
0x50: {  	_ =	swait.ge [sflag:s22], $0x2000  }
0x51: {  	[sflag:s22] =	ssyncset.done $0x0  }
0x52: {  	[sflag:s22] =	ssyncadd.s32 $0xFFFFE000  }
0x53: {  	[spmem:s2] =	stream.indirect.scatter.add.f32 [tilespmem:s19], [sflag:$0x3], $0x80, s17, s23, $0xb8;
	[tilespmem:$0x1E800] =	vst v63  }
0x54: {  	_ = 	snop  }
0x55: {  	[tilespmem:s21], [sflag:$0x2] =	stream.indirect.gather [hbm4b:s4+s18], $0x80, s23, s18, $0xb8;
	[tilespmem:$0x1E800] =	vst v63  }
0x56: {  	_ = 	snop  }
0x57: {  	[tilespmem:s25], [sflag:$0x2] =	stream.indirect.gather [hbm4b:s4+s18], $0x80, s24, s18, $0xb8;
	[tilespmem:$0x1E800] =	vst v63  }
0x58: {  	_ =	swait.ge [sflag:s26], $0x2000  }
0x59: {  	[sflag:s26] =	ssyncset.done $0x0  }
0x5a: {  	[sflag:s26] =	ssyncadd.s32 $0xFFFFE000  }
0x5b: {  	_ =	swait.ge [sflag:s26], $0x2000  }
0x5c: {  	[sflag:s26] =	ssyncset.done $0x0  }
0x5d: {  	[sflag:s26] =	ssyncadd.s32 $0xFFFFE000  }
0x5e: {  	[spmem:s2] =	stream.indirect.scatter.add.f32 [tilespmem:s21], [sflag:$0x4], $0x80, s28, s23, $0xb8;
	[tilespmem:$0x1E800] =	vst v63  }
0x5f: {  	_ =	swait.ge [sflag:s29], $0x4000  }
0x60: {  	[sflag:s29] =	ssyncset.done $0x0  }
0x61: {  	[sflag:s29] =	ssyncadd.s32 $0xFFFFC000  }
0x62: {  	[tilespmem:s19], [sflag:$0x1] =	stream.indirect.gather [hbm4b:s4+s18], $0x80, s30, s18, $0xb8;
	[tilespmem:$0x1E800] =	vst v63  }
0x63: {  	s5 =	simm.s32 $0x0  }
0x64: {  	[tilespmem:s20], [sflag:$0x1] =	stream.indirect.gather [hbm4b:s4+s18], $0x80, s31, s18, $0xb8;
	[tilespmem:$0x1E800] =	vst v63  }
.LBB2_4:
0x65: {  	_ =	swait.ge [sflag:s22], $0x2000  }
0x66: {  	[sflag:s22] =	ssyncset.done $0x0  }
0x67: {  	[sflag:s22] =	ssyncadd.s32 $0xFFFFE000  }
0x68: {  	_ =	swait.ge [sflag:s22], $0x2000  }
0x69: {  	s6 =	sshra.s32 s5, $0x2;
	[sflag:s22] =	ssyncset.done $0x0  }
0x6a: {  	s8 =	sadd.s32 $0x1500, s6;
	[sflag:s22] =	ssyncadd.s32 $0xFFFFE000  }
0x6b: {  	[spmem:s2] =	stream.indirect.scatter.add.f32 [tilespmem:s19], [sflag:$0x3], $0x80, s8, s23, $0xb8;
	[tilespmem:$0x1E800] =	vst v63  }
0x6c: {  	_ =	swait.ge [sflag:s1], $0x4000  }
0x6d: {  	[sflag:s1] =	ssyncset.done $0x0  }
0x6e: {  	s8 =	sadd.s32 $0x180, s6;
	[sflag:s1] =	ssyncadd.s32 $0xFFFFC000  }
0x6f: {  	[tilespmem:s21], [sflag:$0x2] =	stream.indirect.gather [hbm4b:s4+s18], $0x80, s8, s18, $0xb8;
	[tilespmem:$0x1E800] =	vst v63  }
0x70: {  	s8 =	sadd.s32 $0x1C0, s6  }
0x71: {  	[tilespmem:s25], [sflag:$0x2] =	stream.indirect.gather [hbm4b:s4+s18], $0x80, s8, s18, $0xb8;
	[tilespmem:$0x1E800] =	vst v63  }
0x72: {  	_ =	swait.ge [sflag:s26], $0x2000  }
0x73: {  	[sflag:s26] =	ssyncset.done $0x0  }
0x74: {  	[sflag:s26] =	ssyncadd.s32 $0xFFFFE000  }
0x75: {  	_ =	swait.ge [sflag:s26], $0x2000  }
0x76: {  	p0 =	seq.s32 s5, $0x4800;
	[sflag:s26] =	ssyncset.done $0x0  }
.Ltmp3:
0x77: {  	s8 =	sadd.s32 $0x1580, s6;
	[sflag:s26] =	ssyncadd.s32 $0xFFFFE000;
	(pc) =	sbr.rel @p0 .LBB2_6-.Ltmp3, $4  }
0x78: {  	[spmem:s2] =	stream.indirect.scatter.add.f32 [tilespmem:s21], [sflag:$0x4], $0x80, s8, s23, $0xb8;
	[tilespmem:$0x1E800] =	vst v63  }
0x79: {  	_ =	swait.ge [sflag:s29], $0x4000  }
0x7a: {  	[sflag:s29] =	ssyncset.done $0x0  }
0x7b: {  	[sflag:s29] =	ssyncadd.s32 $0xFFFFC000  }
.Ltmp4:
0x7c: {  	(pc) =	sbr.rel .LBB2_4-.Ltmp4, $4  }
0x7d: {  	s8 =	sadd.s32 $0x200, s6  }
0x7e: {  	[tilespmem:s19], [sflag:$0x1] =	stream.indirect.gather [hbm4b:s4+s18], $0x80, s8, s18, $0xb8;
	[tilespmem:$0x1E800] =	vst v63  }
0x7f: {  	s5 =	sadd.s32 $0x400, s5;
	s8 =	sadd.s32 $0x240, s6  }
0x80: {  	[tilespmem:s20], [sflag:$0x1] =	stream.indirect.gather [hbm4b:s4+s18], $0x80, s8, s18, $0xb8;
	[tilespmem:$0x1E800] =	vst v63  }
.LBB2_6:
0x81: {  	_ =	swait.ge [sflag:s1], $0x4000  }
0x82: {  	[sflag:s1] =	ssyncset.done $0x0  }
0x83: {  	s5 =	simm.s32 $0x0;
	s6 =	rddreg [dreg:$0x5];
	[sflag:s1] =	ssyncadd.s32 $0xFFFFC000  }
0x84: {  	[tilespmem:s5], [sflag:$0x5] =	stream.linear.gather [hbm4b:s6+s5], $0x1400, $0x38;
	[tilespmem:$0x1E800] =	vst v63  }
0x85: {  	_ =	swait.ge [sflag:s16], $0x1400  }
0x86: {  	[sflag:s16] =	ssyncset.done $0x0  }
0x87: {  	[sflag:s16] =	ssyncadd.s32 $0xFFFFEC00  }
0x88: {  	[tilespmem:s17], [sflag:$0x5] =	stream.linear.gather [hbm4b:s9+s5], $0x1400, $0x38;
	[tilespmem:$0x1E800] =	vst v63  }
0x89: {  	_ =	swait.ge [sflag:s16], $0x1400  }
0x8a: {  	[sflag:s16] =	ssyncset.done $0x0  }
0x8b: {  	[sflag:s16] =	ssyncadd.s32 $0xFFFFEC00  }
0x8c: {  	[tilespmem:s19], [sflag:$0x1] =	stream.indirect.gather [hbm4b:s4+s18], $0x80, s5, s18, $0xb8;
	[tilespmem:$0x1E800] =	vst v63  }
0x8d: {  	_ = 	snop  }
0x8e: {  	[tilespmem:s20], [sflag:$0x1] =	stream.indirect.gather [hbm4b:s4+s18], $0x80, s18, s18, $0xb8;
	[tilespmem:$0x1E800] =	vst v63  }
0x8f: {  	_ =	swait.ge [sflag:s22], $0x2000  }
0x90: {  	[sflag:s22] =	ssyncset.done $0x0  }
0x91: {  	[sflag:s22] =	ssyncadd.s32 $0xFFFFE000  }
0x92: {  	_ =	swait.ge [sflag:s22], $0x2000  }
0x93: {  	[sflag:s22] =	ssyncset.done $0x0  }
0x94: {  	[sflag:s22] =	ssyncadd.s32 $0xFFFFE000  }
0x95: {  	[spmem:s2] =	stream.indirect.scatter.add.f32 [tilespmem:s19], [sflag:$0x3], $0x80, s17, s23, $0xb8;
	[tilespmem:$0x1E800] =	vst v63  }
0x96: {  	_ = 	snop  }
0x97: {  	[tilespmem:s21], [sflag:$0x2] =	stream.indirect.gather [hbm4b:s4+s18], $0x80, s23, s18, $0xb8;
	[tilespmem:$0x1E800] =	vst v63  }
0x98: {  	_ = 	snop  }
0x99: {  	[tilespmem:s25], [sflag:$0x2] =	stream.indirect.gather [hbm4b:s4+s18], $0x80, s24, s18, $0xb8;
	[tilespmem:$0x1E800] =	vst v63  }
0x9a: {  	_ =	swait.ge [sflag:s26], $0x2000  }
0x9b: {  	[sflag:s26] =	ssyncset.done $0x0  }
0x9c: {  	[sflag:s26] =	ssyncadd.s32 $0xFFFFE000  }
0x9d: {  	_ =	swait.ge [sflag:s26], $0x2000  }
0x9e: {  	[sflag:s26] =	ssyncset.done $0x0  }
0x9f: {  	[sflag:s26] =	ssyncadd.s32 $0xFFFFE000  }
0xa0: {  	[spmem:s2] =	stream.indirect.scatter.add.f32 [tilespmem:s21], [sflag:$0x4], $0x80, s28, s23, $0xb8;
	[tilespmem:$0x1E800] =	vst v63  }
0xa1: {  	_ =	swait.ge [sflag:s29], $0x4000  }
0xa2: {  	[sflag:s29] =	ssyncset.done $0x0  }
0xa3: {  	[sflag:s29] =	ssyncadd.s32 $0xFFFFC000  }
0xa4: {  	[tilespmem:s19], [sflag:$0x1] =	stream.indirect.gather [hbm4b:s4+s18], $0x80, s30, s18, $0xb8;
	[tilespmem:$0x1E800] =	vst v63  }
0xa5: {  	_ = 	snop  }
0xa6: {  	[tilespmem:s20], [sflag:$0x1] =	stream.indirect.gather [hbm4b:s4+s18], $0x80, s31, s18, $0xb8;
	[tilespmem:$0x1E800] =	vst v63  }
.LBB2_7:
0xa7: {  	_ =	swait.ge [sflag:s22], $0x2000  }
0xa8: {  	[sflag:s22] =	ssyncset.done $0x0  }
0xa9: {  	[sflag:s22] =	ssyncadd.s32 $0xFFFFE000  }
0xaa: {  	_ =	swait.ge [sflag:s22], $0x2000  }
0xab: {  	s6 =	sshra.s32 s5, $0x2;
	[sflag:s22] =	ssyncset.done $0x0  }
0xac: {  	s8 =	sadd.s32 $0x1500, s6;
	[sflag:s22] =	ssyncadd.s32 $0xFFFFE000  }
0xad: {  	[spmem:s2] =	stream.indirect.scatter.add.f32 [tilespmem:s19], [sflag:$0x3], $0x80, s8, s23, $0xb8;
	[tilespmem:$0x1E800] =	vst v63  }
0xae: {  	_ =	swait.ge [sflag:s1], $0x4000  }
0xaf: {  	[sflag:s1] =	ssyncset.done $0x0  }
0xb0: {  	s8 =	sadd.s32 $0x180, s6;
	[sflag:s1] =	ssyncadd.s32 $0xFFFFC000  }
0xb1: {  	[tilespmem:s21], [sflag:$0x2] =	stream.indirect.gather [hbm4b:s4+s18], $0x80, s8, s18, $0xb8;
	[tilespmem:$0x1E800] =	vst v63  }
0xb2: {  	s8 =	sadd.s32 $0x1C0, s6  }
0xb3: {  	[tilespmem:s25], [sflag:$0x2] =	stream.indirect.gather [hbm4b:s4+s18], $0x80, s8, s18, $0xb8;
	[tilespmem:$0x1E800] =	vst v63  }
0xb4: {  	_ =	swait.ge [sflag:s26], $0x2000  }
0xb5: {  	[sflag:s26] =	ssyncset.done $0x0  }
0xb6: {  	[sflag:s26] =	ssyncadd.s32 $0xFFFFE000  }
0xb7: {  	_ =	swait.ge [sflag:s26], $0x2000  }
0xb8: {  	p0 =	seq.s32 s5, $0x4800;
	[sflag:s26] =	ssyncset.done $0x0  }
.Ltmp5:
0xb9: {  	s8 =	sadd.s32 $0x1580, s6;
	[sflag:s26] =	ssyncadd.s32 $0xFFFFE000;
	(pc) =	sbr.rel @p0 .LBB2_9-.Ltmp5, $4  }
0xba: {  	[spmem:s2] =	stream.indirect.scatter.add.f32 [tilespmem:s21], [sflag:$0x4], $0x80, s8, s23, $0xb8;
	[tilespmem:$0x1E800] =	vst v63  }
0xbb: {  	_ =	swait.ge [sflag:s29], $0x4000  }
0xbc: {  	[sflag:s29] =	ssyncset.done $0x0  }
0xbd: {  	[sflag:s29] =	ssyncadd.s32 $0xFFFFC000  }
.Ltmp6:
0xbe: {  	(pc) =	sbr.rel .LBB2_7-.Ltmp6, $4  }
0xbf: {  	s8 =	sadd.s32 $0x200, s6  }
0xc0: {  	[tilespmem:s19], [sflag:$0x1] =	stream.indirect.gather [hbm4b:s4+s18], $0x80, s8, s18, $0xb8;
	[tilespmem:$0x1E800] =	vst v63  }
0xc1: {  	s5 =	sadd.s32 $0x400, s5;
	s8 =	sadd.s32 $0x240, s6  }
0xc2: {  	[tilespmem:s20], [sflag:$0x1] =	stream.indirect.gather [hbm4b:s4+s18], $0x80, s8, s18, $0xb8;
	[tilespmem:$0x1E800] =	vst v63  }
.LBB2_10:
0xc3: {  	_ =	sfence.sel $0x180000  }
0xc4: {  	[bflag:$0x0] =	sbarrier.arrive $0xFFFF  }
0xc5: {  	_ =	strace $0x90000050  }
0xc6: {  	s0 =	stileid.u32;
	[bflag:$0x2] =	sbarrier.arrive $0xFFFF  }
0xc7: {  	p0 =	sne.s32 s0, $0x0;
	s0 =	rddreg [dreg:$0x2]  }
0xc8: {  	s0 =	sadd.s32 @!p0 $0x100000, s0  }
0xc9: {  	[sflag:s0] =	ssyncadd.tile.s32 @!p0 $0x1;
	_ =	shalt  }
.Lfunc_end2:
_tile_overlayer_lowered:
.L_overlay_start_2:
0xca: {  	(tag) =	ssettag $0x2  }
0xcb: {  	s0 =	rddreg [dreg:$0x0];
	s2 =	stileid.u32  }
0xcc: {  	s1 =	rddreg [dreg:$0x1];
	p0 =	sne.s32 s2, $0x0  }
0xcd: {  	s3 =	rddreg [dreg:$0x2];
	[bflag:$0x3] =	sbarrier.arrive $0xFFFF;
	s2 =	simm.s32 @!p0 $0x1C05  }
0xce: {  	[timem:s3], [sflag:s2] =	dma.local @!p0 [hbm:s0], s1  }
0xcf: {  	s0 =	simm.s32 @!p0 $0x5  }
0xd0: {  	_ =	swait.ge @!p0 [sflag:s0], s1  }
0xd1: {  	s1 =	ssub.s32 @!p0 $0x0, s1;
	[sflag:s0] =	ssyncset.done @!p0 $0x0  }
0xd2: {  	[sflag:s0] =	ssyncadd.s32 @!p0 s1  }
0xd3: {  	[bflag:$0x3] =	sbarrier.arrive $0xFFFF  }
0xd4: {  	_ =	shalt  }

</sc_bundles>
